<compile_context>
chip_gen: v7x
topology: tpu7x:2x2x1
jax: 0.10.2.dev20260603
libtpu: 0.0.44.dev20260713+nightly
codegen_flags: <defaults>
</compile_context>

<pallas_src>
import functools
import math

import jax
import jax.numpy as jnp
from jax import lax
from jax.experimental import pallas as pl
from jax.experimental.pallas import tpu as pltpu
from jax.experimental.pallas import tpu_sc as plsc

NW = 32
LANES = 16


def _splat(x, dtype=jnp.int32):
    return jnp.full((LANES,), x, dtype=dtype)


def _iota16():
    return lax.iota(jnp.int32, LANES)


def _make_repack_kernel(V, D, scale):
    W = 128
    main_rows = (V // W) * W
    nchunks = main_rows // W
    tail = V - main_rows
    niter = (nchunks + NW - 1) // NW
    mesh = plsc.VectorSubcoreMesh(core_axis_name="c", subcore_axis_name="s")

    @functools.partial(
        pl.kernel,
        mesh=mesh,
        compiler_params=pltpu.CompilerParams(
            use_tc_tiling_on_sc=True, needs_layout_passes=False),
        out_type=jax.ShapeDtypeStruct((V, 2 * D), jnp.float32),
        scratch_types=[
            pltpu.VMEM((D, W), jnp.float32),
            pltpu.VMEM((D, W), jnp.float32),
            pltpu.VMEM((W, 2 * D), jnp.float32),
            pltpu.VMEM((W, 2 * D), jnp.float32),
            pltpu.VMEM((tail, D), jnp.float32),
            pltpu.SemaphoreType.DMA,
            pltpu.SemaphoreType.DMA,
            pltpu.SemaphoreType.DMA,
            pltpu.SemaphoreType.DMA,
        ],
    )
    def k1(tableT_hbm, tail_hbm, out_hbm,
           blk0, blk1, dst0, dst1, tail_v, gs0, gs1, os0, os1):
        blk = (blk0, blk1)
        dst = (dst0, dst1)
        gs = (gs0, gs1)
        os = (os0, os1)
        wid = lax.axis_index("s") * 2 + lax.axis_index("c")

        def issue_read(ci, b):
            pltpu.async_copy(tableT_hbm.at[:, pl.ds(ci * W, W)], blk[b], gs[b])

        def wait_read(ci, b):
            pltpu.make_async_copy(
                tableT_hbm.at[:, pl.ds(ci * W, W)], blk[b], gs[b]
            ).wait()

        def drain_write(b):
            pltpu.make_async_copy(dst[b], out_hbm.at[pl.ds(0, W)], os[b]).wait()

        def compute(b):
            rows = tuple(_iota16() + LANES * g for g in range(D // LANES))

            def t_body(t, _):
                colv = _splat(t)
                for g in range(D // LANES):
                    val = plsc.load_gather(blk[b], [rows[g], colv])
                    dst[b][t, pl.ds(LANES * g, LANES)] = val * scale
                return 0

            lax.fori_loop(0, W, t_body, 0)

        issue_read(wid, 0)

        def pair_body(i2, _):
            for b in range(2):
                i = i2 * 2 + b
                ci = wid + NW * i

                @pl.when(ci < nchunks)
                def _():
                    @pl.when(ci + NW < nchunks)
                    def _():
                        issue_read(ci + NW, 1 - b)

                    wait_read(ci, b)

                    @pl.when(i >= 2)
                    def _():
                        drain_write(b)

                    compute(b)
                    pltpu.async_copy(dst[b], out_hbm.at[pl.ds(ci * W, W)], os[b])
            return 0

        lax.fori_loop(0, (niter + 1) // 2, pair_body, 0)

        for b in range(2):
            drain_write(b)

        @pl.when(wid == NW - 1)
        def _():
            pltpu.sync_copy(tail_hbm, tail_v)
            for r in range(tail):
                for g in range(D // LANES):
                    sl = pl.ds(LANES * g, LANES)
                    dst0[r, sl] = tail_v[r, sl] * scale
            pltpu.sync_copy(dst0.at[pl.ds(0, tail)],
                            out_hbm.at[pl.ds(main_rows, tail)])

    return k1


def _make_lookup_kernel(V, D, S, B, scale):
    BB = B // NW
    mesh = plsc.VectorSubcoreMesh(core_axis_name="c", subcore_axis_name="s")

    @functools.partial(
        pl.kernel,
        mesh=mesh,
        compiler_params=pltpu.CompilerParams(
            use_tc_tiling_on_sc=True, needs_layout_passes=False),
        out_type=jax.ShapeDtypeStruct((S, D, B), jnp.float32),
        scratch_types=[
            pltpu.VMEM((S, BB), jnp.int32),
            pltpu.VMEM((BB, 2 * D), jnp.float32),
            pltpu.VMEM((BB, 2 * D), jnp.float32),
            pltpu.VMEM((D, BB), jnp.float32),
            pltpu.VMEM((D, BB), jnp.float32),
            pltpu.VMEM((S, D), jnp.float32),
            pltpu.SemaphoreType.DMA,
            pltpu.SemaphoreType.DMA,
            pltpu.SemaphoreType.DMA,
            pltpu.SemaphoreType.DMA,
        ],
    )
    def k2(idxT_hbm, table8_hbm, pos_hbm, out_hbm,
           idxw, g0, g1, t0, t1, pos_v, gs0, gs1, os0, os1):
        g = (g0, g1)
        t = (t0, t1)
        gs = (gs0, gs1)
        os = (os0, os1)
        wid = lax.axis_index("s") * 2 + lax.axis_index("c")
        b0 = wid * BB

        pltpu.sync_copy(pos_hbm, pos_v)
        pltpu.sync_copy(idxT_hbm.at[:, pl.ds(b0, BB)], idxw)

        def issue_gather(s, b):
            pltpu.async_copy(table8_hbm.at[idxw.at[s]], g[b], gs[b])

        def wait_gather(s, b):
            pltpu.make_async_copy(table8_hbm.at[idxw.at[s]], g[b], gs[b]).wait()

        def drain_write(b):
            pltpu.make_async_copy(
                t[b], out_hbm.at[0, :, pl.ds(b0, BB)], os[b]
            ).wait()

        def compute(s, b):
            rows = tuple(_iota16() + LANES * j for j in range(BB // LANES))
            splat_s = _splat(s)

            def h_body(h, _):
                colv = _splat(h)
                ps = plsc.load_gather(pos_v, [splat_s, colv])
                for j in range(BB // LANES):
                    val = plsc.load_gather(g[b], [rows[j], colv])
                    t[b][h, pl.ds(LANES * j, LANES)] = val + ps
                return 0

            lax.fori_loop(0, D, h_body, 0)

        issue_gather(0, 0)

        def pair_body(s2, _):
            for b in range(2):
                s = s2 * 2 + b

                @pl.when(s + 1 < S)
                def _():
                    issue_gather(s + 1, 1 - b)

                wait_gather(s, b)

                @pl.when(s >= 2)
                def _():
                    drain_write(b)

                compute(s, b)
                pltpu.async_copy(t[b], out_hbm.at[s, :, pl.ds(b0, BB)], os[b])
            return 0

        lax.fori_loop(0, S // 2, pair_body, 0)

        for b in range(2):
            drain_write(b)

    return k2


def kernel(inputs, token_table, pos_table):
    B, S = inputs.shape
    V, D = token_table.shape
    scale = float(math.sqrt(D))
    main_rows = (V // 128) * 128

    k1 = _make_repack_kernel(V, D, scale)
    k2 = _make_lookup_kernel(V, D, S, B, scale)

    tableT = token_table.T
    tail = token_table[main_rows:]
    table8 = k1(tableT, tail)
    idxT = inputs.T.astype(jnp.int32)
    outT = k2(idxT, table8, pos_table)
    return outT.transpose(2, 0, 1)

# --- scband reference (transcript-rebuilt; emitter-appended) ---
"""Pipeline reference for scband-sequence-embedding-30494267802060 (READ-ONLY COPY).

The authoritative reference and input builder live on the scoring server;
editing this copy changes nothing except your own understanding.
"""

import jax, jax.numpy as jnp
import numpy as np

VOCAB = 1000000
HIDDEN = 64
MAX_LEN = 200
BATCH = 4096
SEQ = 200
PADDING_IDX = 0

def setup_inputs(seed: int = 0) -> dict:
    key = jax.random.key(seed)
    k1, k2, k3 = jax.random.split(key, 3)
    inputs = jax.random.randint(k1, (BATCH, SEQ), 0, VOCAB, dtype=jnp.int64 if jax.config.jax_enable_x64 else jnp.int32)
    token_table = jax.random.normal(k2, (VOCAB, HIDDEN), dtype=jnp.float32) * 0.02
    # padding_idx row is zero in nn.Embedding
    token_table = token_table.at[PADDING_IDX].set(0.0)
    pos_table = jax.random.normal(k3, (MAX_LEN, HIDDEN), dtype=jnp.float32) * 0.02
    return {"inputs": inputs, "token_table": token_table, "pos_table": pos_table}

def reference(inputs, token_table, pos_table):
    batch_size, inputs_len = inputs.shape
    scale = jnp.sqrt(jnp.asarray([float(HIDDEN)], dtype=jnp.float32))
    pos = jnp.broadcast_to(jnp.arange(inputs_len)[None, :], (batch_size, inputs_len))
    tok_emb = jnp.take(token_table, inputs, axis=0)
    pos_emb = jnp.take(pos_table, pos, axis=0)
    embedded = tok_emb * scale + pos_emb
    # dropout is identity at inference
    return embedded

if __name__ == "__main__":
    import jax
    _d = setup_inputs()
    print(jax.jit(kernel)(*tuple(_d.values())))

</pallas_src>

<mosaic_0001>
#map = affine_map<(d0, d1) -> (0, 0)>
module attributes {stable_mosaic.version = 14 : i64} {
  func.func @k1(%arg0: i32, %arg1: i32, %arg2: memref<64x1000000xf32, #tpu.memory_space<hbm>>, %arg3: memref<64x64xf32, #tpu.memory_space<hbm>>, %arg4: memref<1000000x128xf32, #tpu.memory_space<hbm>>, %arg5: memref<64x128xf32, #tpu.memory_space<vmem>>, %arg6: memref<64x128xf32, #tpu.memory_space<vmem>>, %arg7: memref<128x128xf32, #tpu.memory_space<vmem>>, %arg8: memref<128x128xf32, #tpu.memory_space<vmem>>, %arg9: memref<64x64xf32, #tpu.memory_space<vmem>>, %arg10: memref<!tpu.dma_semaphore, #tpu.memory_space<semaphore_mem>>, %arg11: memref<!tpu.dma_semaphore, #tpu.memory_space<semaphore_mem>>, %arg12: memref<!tpu.dma_semaphore, #tpu.memory_space<semaphore_mem>>, %arg13: memref<!tpu.dma_semaphore, #tpu.memory_space<semaphore_mem>>) attributes {dimension_semantics = [#tpu.dimension_semantics<core_parallel>, #tpu.dimension_semantics<subcore_parallel>], iteration_bounds = array<i64: 2, 16>, scalar_prefetch = 0 : i64, scratch_operands = 9 : i64, tpu.core_type = #tpu.core_type<sc_vector_subcore>, window_params = [{transform_indices = #map}, {transform_indices = #map}, {transform_indices = #map}]} {
    %mul3A = arith.constant 2 : i32
    %mul3A_0 = arith.muli %arg1, %mul3A : i32
    %add3A = arith.addi %mul3A_0, %arg0 : i32
    %mul3A_1 = arith.constant 128 : i32
    %mul3A_2 = arith.muli %add3A, %mul3A_1 : i32
    %dma_start3A = arith.constant 0 : i32
    %dma_start3A_3 = tpu.memref_slice %arg2[%dma_start3A, %mul3A_2] : memref<64x1000000xf32, #tpu.memory_space<hbm>> -> memref<64x128xf32, #tpu.memory_space<hbm>>
    %dma_start3A_4 = arith.constant 0 : i32
    %dma_start3A_5 = tpu.memref_slice %arg2[%dma_start3A_4, %mul3A_2] : memref<64x1000000xf32, #tpu.memory_space<hbm>> -> memref<64x128xf32, #tpu.memory_space<hbm>>
    tpu.enqueue_dma source(%dma_start3A_5 : memref<64x128xf32, #tpu.memory_space<hbm>>) target(%arg5 : memref<64x128xf32, #tpu.memory_space<vmem>>) target_semaphore(%arg10 : memref<!tpu.dma_semaphore, #tpu.memory_space<semaphore_mem>>)
    %scan3A = arith.constant 0 : i32
    %scan3A_6 = arith.constant 0 : i32
    %scan3A_7 = arith.constant 123 : i32
    %scan3A_8 = arith.addi %scan3A_6, %scan3A_7 : i32
    %scan3A_9 = arith.constant 1 : i32
    %scan3A_10 = scf.for %scan3A_25 = %scan3A_6 to %scan3A_8 step %scan3A_9 iter_args(%scan3A_26 = %scan3A) -> (i32)  : i32 {
      %mul3A_27 = arith.constant 2 : i32
      %mul3A_28 = arith.muli %scan3A_25, %mul3A_27 : i32
      %add3A_29 = arith.constant 0 : i32
      %add3A_30 = arith.addi %mul3A_28, %add3A_29 : i32
      %mul3A_31 = arith.constant 32 : i32
      %mul3A_32 = arith.muli %mul3A_31, %add3A_30 : i32
      %add3A_33 = arith.addi %add3A, %mul3A_32 : i32
      %lt3A = arith.constant 7812 : i32
      %lt3A_34 = arith.cmpi slt, %add3A_33, %lt3A : i32
      %convert_element_type3A_35 = arith.extui %lt3A_34 : i1 to i32
      %cond3A_36 = arith.constant 0 : i32
      %cond3A_37 = arith.cmpi ne, %convert_element_type3A_35, %cond3A_36 : i32
      scf.if %cond3A_37 {
        %add3A_51 = arith.constant 32 : i32
        %add3A_52 = arith.addi %add3A_33, %add3A_51 : i32
        %lt3A_53 = arith.constant 7812 : i32
        %lt3A_54 = arith.cmpi slt, %add3A_52, %lt3A_53 : i32
        %convert_element_type3A_55 = arith.extui %lt3A_54 : i1 to i32
        %cond3A_56 = arith.constant 0 : i32
        %cond3A_57 = arith.cmpi ne, %convert_element_type3A_55, %cond3A_56 : i32
        scf.if %cond3A_57 {
          %add3A_96 = arith.constant 32 : i32
          %add3A_97 = arith.addi %add3A_33, %add3A_96 : i32
          %mul3A_98 = arith.constant 128 : i32
          %mul3A_99 = arith.muli %add3A_97, %mul3A_98 : i32
          %dma_start3A_100 = arith.constant 0 : i32
          %dma_start3A_101 = tpu.memref_slice %arg2[%dma_start3A_100, %mul3A_99] : memref<64x1000000xf32, #tpu.memory_space<hbm>> -> memref<64x128xf32, #tpu.memory_space<hbm>>
          %dma_start3A_102 = arith.constant 0 : i32
          %dma_start3A_103 = tpu.memref_slice %arg2[%dma_start3A_102, %mul3A_99] : memref<64x1000000xf32, #tpu.memory_space<hbm>> -> memref<64x128xf32, #tpu.memory_space<hbm>>
          tpu.enqueue_dma source(%dma_start3A_103 : memref<64x128xf32, #tpu.memory_space<hbm>>) target(%arg6 : memref<64x128xf32, #tpu.memory_space<vmem>>) target_semaphore(%arg11 : memref<!tpu.dma_semaphore, #tpu.memory_space<semaphore_mem>>)
        } else {
        }
        %mul3A_58 = arith.constant 128 : i32
        %mul3A_59 = arith.muli %add3A_33, %mul3A_58 : i32
        %dma_wait3A_60 = arith.constant 0 : i32
        %dma_wait3A_61 = tpu.memref_slice %arg2[%dma_wait3A_60, %mul3A_59] : memref<64x1000000xf32, #tpu.memory_space<hbm>> -> memref<64x128xf32, #tpu.memory_space<hbm>>
        %dma_wait3A_62 = arith.constant 0 : i32
        %dma_wait3A_63 = tpu.memref_slice %arg2[%dma_wait3A_62, %mul3A_59] : memref<64x1000000xf32, #tpu.memory_space<hbm>> -> memref<64x128xf32, #tpu.memory_space<hbm>>
        tpu.wait_dma2 semaphore(%arg10 : memref<!tpu.dma_semaphore, #tpu.memory_space<semaphore_mem>>) src(%dma_wait3A_63 : memref<64x128xf32, #tpu.memory_space<hbm>>) dst(%arg5 : memref<64x128xf32, #tpu.memory_space<vmem>>)
        %ge3A = arith.constant 2 : i32
        %ge3A_64 = arith.cmpi sge, %add3A_30, %ge3A : i32
        %convert_element_type3A_65 = arith.extui %ge3A_64 : i1 to i32
        %cond3A_66 = arith.constant 0 : i32
        %cond3A_67 = arith.cmpi ne, %convert_element_type3A_65, %cond3A_66 : i32
        scf.if %cond3A_67 {
          %dma_wait3A_96 = arith.constant 0 : i32
          %dma_wait3A_97 = arith.constant 0 : i32
          %dma_wait3A_98 = tpu.memref_slice %arg4[%dma_wait3A_96, %dma_wait3A_97] : memref<1000000x128xf32, #tpu.memory_space<hbm>> -> memref<128x128xf32, #tpu.memory_space<hbm>>
          %dma_wait3A_99 = arith.constant 0 : i32
          %dma_wait3A_100 = arith.constant 0 : i32
          %dma_wait3A_101 = tpu.memref_slice %arg4[%dma_wait3A_99, %dma_wait3A_100] : memref<1000000x128xf32, #tpu.memory_space<hbm>> -> memref<128x128xf32, #tpu.memory_space<hbm>>
          tpu.wait_dma2 semaphore(%arg12 : memref<!tpu.dma_semaphore, #tpu.memory_space<semaphore_mem>>) src(%arg7 : memref<128x128xf32, #tpu.memory_space<vmem>>) dst(%dma_wait3A_101 : memref<128x128xf32, #tpu.memory_space<hbm>>)
        } else {
        }
        %iota3A = tpu.iota {dimensions = array<i32: 0>} : vector<16xi32>
        %add3A_68 = arith.constant 0 : i32
        %add3A_69 = vector.broadcast %add3A_68 : i32 to vector<16xi32>
        %add3A_70 = arith.addi %iota3A, %add3A_69 : vector<16xi32>
        %iota3A_71 = tpu.iota {dimensions = array<i32: 0>} : vector<16xi32>
        %add3A_72 = arith.constant 16 : i32
        %add3A_73 = vector.broadcast %add3A_72 : i32 to vector<16xi32>
        %add3A_74 = arith.addi %iota3A_71, %add3A_73 : vector<16xi32>
        %iota3A_75 = tpu.iota {dimensions = array<i32: 0>} : vector<16xi32>
        %add3A_76 = arith.constant 32 : i32
        %add3A_77 = vector.broadcast %add3A_76 : i32 to vector<16xi32>
        %add3A_78 = arith.addi %iota3A_75, %add3A_77 : vector<16xi32>
        %iota3A_79 = tpu.iota {dimensions = array<i32: 0>} : vector<16xi32>
        %add3A_80 = arith.constant 48 : i32
        %add3A_81 = vector.broadcast %add3A_80 : i32 to vector<16xi32>
        %add3A_82 = arith.addi %iota3A_79, %add3A_81 : vector<16xi32>
        %scan3A_83 = arith.constant 0 : i32
        %scan3A_84 = arith.constant 0 : i32
        %scan3A_85 = arith.constant 128 : i32
        %scan3A_86 = arith.addi %scan3A_84, %scan3A_85 : i32
        %scan3A_87 = arith.constant 1 : i32
        %scan3A_88 = scf.for %scan3A_96 = %scan3A_84 to %scan3A_86 step %scan3A_87 iter_args(%scan3A_97 = %scan3A_83) -> (i32)  : i32 {
          %broadcast_in_dim3A = vector.broadcast %scan3A_96 : i32 to vector<16xi32>
          %gather3A = tpu.vector_load_idx %arg5[%add3A_70, %broadcast_in_dim3A] : memref<64x128xf32, #tpu.memory_space<vmem>>[vector<16xi32>, vector<16xi32>], vector<16xf32>,
          %mul3A_98 = arith.constant 8.000000e+00 : f32
          %mul3A_99 = vector.broadcast %mul3A_98 : f32 to vector<16xf32>
          %mul3A_100 = arith.mulf %gather3A, %mul3A_99 : vector<16xf32>
          %swap3A = arith.index_cast %scan3A_96 : i32 to index
          %swap3A_101 = arith.constant 0 : index
          %swap3A_102 = tpu.vector_load %arg7[%swap3A, %swap3A_101] {strides = array<i32>} : memref<128x128xf32, #tpu.memory_space<vmem>>, vector<16xf32>,
          tpu.vector_store %arg7[%swap3A, %swap3A_101], %mul3A_100 {strides = array<i32>} : memref<128x128xf32, #tpu.memory_space<vmem>>, vector<16xf32>,
          %gather3A_103 = tpu.vector_load_idx %arg5[%add3A_74, %broadcast_in_dim3A] : memref<64x128xf32, #tpu.memory_space<vmem>>[vector<16xi32>, vector<16xi32>], vector<16xf32>,
          %mul3A_104 = arith.constant 8.000000e+00 : f32
          %mul3A_105 = vector.broadcast %mul3A_104 : f32 to vector<16xf32>
          %mul3A_106 = arith.mulf %gather3A_103, %mul3A_105 : vector<16xf32>
          %swap3A_107 = arith.index_cast %scan3A_96 : i32 to index
          %swap3A_108 = arith.constant 16 : index
          %swap3A_109 = tpu.vector_load %arg7[%swap3A_107, %swap3A_108] {strides = array<i32>} : memref<128x128xf32, #tpu.memory_space<vmem>>, vector<16xf32>,
          tpu.vector_store %arg7[%swap3A_107, %swap3A_108], %mul3A_106 {strides = array<i32>} : memref<128x128xf32, #tpu.memory_space<vmem>>, vector<16xf32>,
          %gather3A_110 = tpu.vector_load_idx %arg5[%add3A_78, %broadcast_in_dim3A] : memref<64x128xf32, #tpu.memory_space<vmem>>[vector<16xi32>, vector<16xi32>], vector<16xf32>,
          %mul3A_111 = arith.constant 8.000000e+00 : f32
          %mul3A_112 = vector.broadcast %mul3A_111 : f32 to vector<16xf32>
          %mul3A_113 = arith.mulf %gather3A_110, %mul3A_112 : vector<16xf32>
          %swap3A_114 = arith.index_cast %scan3A_96 : i32 to index
          %swap3A_115 = arith.constant 32 : index
          %swap3A_116 = tpu.vector_load %arg7[%swap3A_114, %swap3A_115] {strides = array<i32>} : memref<128x128xf32, #tpu.memory_space<vmem>>, vector<16xf32>,
          tpu.vector_store %arg7[%swap3A_114, %swap3A_115], %mul3A_113 {strides = array<i32>} : memref<128x128xf32, #tpu.memory_space<vmem>>, vector<16xf32>,
          %gather3A_117 = tpu.vector_load_idx %arg5[%add3A_82, %broadcast_in_dim3A] : memref<64x128xf32, #tpu.memory_space<vmem>>[vector<16xi32>, vector<16xi32>], vector<16xf32>,
          %mul3A_118 = arith.constant 8.000000e+00 : f32
          %mul3A_119 = vector.broadcast %mul3A_118 : f32 to vector<16xf32>
          %mul3A_120 = arith.mulf %gather3A_117, %mul3A_119 : vector<16xf32>
          %swap3A_121 = arith.index_cast %scan3A_96 : i32 to index
          %swap3A_122 = arith.constant 48 : index
          %swap3A_123 = tpu.vector_load %arg7[%swap3A_121, %swap3A_122] {strides = array<i32>} : memref<128x128xf32, #tpu.memory_space<vmem>>, vector<16xf32>,
          tpu.vector_store %arg7[%swap3A_121, %swap3A_122], %mul3A_120 {strides = array<i32>} : memref<128x128xf32, #tpu.memory_space<vmem>>, vector<16xf32>,
          %scan3A_124 = arith.constant 0 : i32
          scf.yield %scan3A_124 : i32
        }
        %scan3A_89 = arith.constant 128 : i32
        %mul3A_90 = arith.constant 128 : i32
        %mul3A_91 = arith.muli %add3A_33, %mul3A_90 : i32
        %dma_start3A_92 = arith.constant 0 : i32
        %dma_start3A_93 = tpu.memref_slice %arg4[%mul3A_91, %dma_start3A_92] : memref<1000000x128xf32, #tpu.memory_space<hbm>> -> memref<128x128xf32, #tpu.memory_space<hbm>>
        %dma_start3A_94 = arith.constant 0 : i32
        %dma_start3A_95 = tpu.memref_slice %arg4[%mul3A_91, %dma_start3A_94] : memref<1000000x128xf32, #tpu.memory_space<hbm>> -> memref<128x128xf32, #tpu.memory_space<hbm>>
        tpu.enqueue_dma source(%arg7 : memref<128x128xf32, #tpu.memory_space<vmem>>) target(%dma_start3A_95 : memref<128x128xf32, #tpu.memory_space<hbm>>) target_semaphore(%arg12 : memref<!tpu.dma_semaphore, #tpu.memory_space<semaphore_mem>>)
      } else {
      }
      %mul3A_38 = arith.constant 2 : i32
      %mul3A_39 = arith.muli %scan3A_25, %mul3A_38 : i32
      %add3A_40 = arith.constant 1 : i32
      %add3A_41 = arith.addi %mul3A_39, %add3A_40 : i32
      %mul3A_42 = arith.constant 32 : i32
      %mul3A_43 = arith.muli %mul3A_42, %add3A_41 : i32
      %add3A_44 = arith.addi %add3A, %mul3A_43 : i32
      %lt3A_45 = arith.constant 7812 : i32
      %lt3A_46 = arith.cmpi slt, %add3A_44, %lt3A_45 : i32
      %convert_element_type3A_47 = arith.extui %lt3A_46 : i1 to i32
      %cond3A_48 = arith.constant 0 : i32
      %cond3A_49 = arith.cmpi ne, %convert_element_type3A_47, %cond3A_48 : i32
      scf.if %cond3A_49 {
        %add3A_51 = arith.constant 32 : i32
        %add3A_52 = arith.addi %add3A_44, %add3A_51 : i32
        %lt3A_53 = arith.constant 7812 : i32
        %lt3A_54 = arith.cmpi slt, %add3A_52, %lt3A_53 : i32
        %convert_element_type3A_55 = arith.extui %lt3A_54 : i1 to i32
        %cond3A_56 = arith.constant 0 : i32
        %cond3A_57 = arith.cmpi ne, %convert_element_type3A_55, %cond3A_56 : i32
        scf.if %cond3A_57 {
          %add3A_96 = arith.constant 32 : i32
          %add3A_97 = arith.addi %add3A_44, %add3A_96 : i32
          %mul3A_98 = arith.constant 128 : i32
          %mul3A_99 = arith.muli %add3A_97, %mul3A_98 : i32
          %dma_start3A_100 = arith.constant 0 : i32
          %dma_start3A_101 = tpu.memref_slice %arg2[%dma_start3A_100, %mul3A_99] : memref<64x1000000xf32, #tpu.memory_space<hbm>> -> memref<64x128xf32, #tpu.memory_space<hbm>>
          %dma_start3A_102 = arith.constant 0 : i32
          %dma_start3A_103 = tpu.memref_slice %arg2[%dma_start3A_102, %mul3A_99] : memref<64x1000000xf32, #tpu.memory_space<hbm>> -> memref<64x128xf32, #tpu.memory_space<hbm>>
          tpu.enqueue_dma source(%dma_start3A_103 : memref<64x128xf32, #tpu.memory_space<hbm>>) target(%arg5 : memref<64x128xf32, #tpu.memory_space<vmem>>) target_semaphore(%arg10 : memref<!tpu.dma_semaphore, #tpu.memory_space<semaphore_mem>>)
        } else {
        }
        %mul3A_58 = arith.constant 128 : i32
        %mul3A_59 = arith.muli %add3A_44, %mul3A_58 : i32
        %dma_wait3A_60 = arith.constant 0 : i32
        %dma_wait3A_61 = tpu.memref_slice %arg2[%dma_wait3A_60, %mul3A_59] : memref<64x1000000xf32, #tpu.memory_space<hbm>> -> memref<64x128xf32, #tpu.memory_space<hbm>>
        %dma_wait3A_62 = arith.constant 0 : i32
        %dma_wait3A_63 = tpu.memref_slice %arg2[%dma_wait3A_62, %mul3A_59] : memref<64x1000000xf32, #tpu.memory_space<hbm>> -> memref<64x128xf32, #tpu.memory_space<hbm>>
        tpu.wait_dma2 semaphore(%arg11 : memref<!tpu.dma_semaphore, #tpu.memory_space<semaphore_mem>>) src(%dma_wait3A_63 : memref<64x128xf32, #tpu.memory_space<hbm>>) dst(%arg6 : memref<64x128xf32, #tpu.memory_space<vmem>>)
        %ge3A = arith.constant 2 : i32
        %ge3A_64 = arith.cmpi sge, %add3A_41, %ge3A : i32
        %convert_element_type3A_65 = arith.extui %ge3A_64 : i1 to i32
        %cond3A_66 = arith.constant 0 : i32
        %cond3A_67 = arith.cmpi ne, %convert_element_type3A_65, %cond3A_66 : i32
        scf.if %cond3A_67 {
          %dma_wait3A_96 = arith.constant 0 : i32
          %dma_wait3A_97 = arith.constant 0 : i32
          %dma_wait3A_98 = tpu.memref_slice %arg4[%dma_wait3A_96, %dma_wait3A_97] : memref<1000000x128xf32, #tpu.memory_space<hbm>> -> memref<128x128xf32, #tpu.memory_space<hbm>>
          %dma_wait3A_99 = arith.constant 0 : i32
          %dma_wait3A_100 = arith.constant 0 : i32
          %dma_wait3A_101 = tpu.memref_slice %arg4[%dma_wait3A_99, %dma_wait3A_100] : memref<1000000x128xf32, #tpu.memory_space<hbm>> -> memref<128x128xf32, #tpu.memory_space<hbm>>
          tpu.wait_dma2 semaphore(%arg13 : memref<!tpu.dma_semaphore, #tpu.memory_space<semaphore_mem>>) src(%arg8 : memref<128x128xf32, #tpu.memory_space<vmem>>) dst(%dma_wait3A_101 : memref<128x128xf32, #tpu.memory_space<hbm>>)
        } else {
        }
        %iota3A = tpu.iota {dimensions = array<i32: 0>} : vector<16xi32>
        %add3A_68 = arith.constant 0 : i32
        %add3A_69 = vector.broadcast %add3A_68 : i32 to vector<16xi32>
        %add3A_70 = arith.addi %iota3A, %add3A_69 : vector<16xi32>
        %iota3A_71 = tpu.iota {dimensions = array<i32: 0>} : vector<16xi32>
        %add3A_72 = arith.constant 16 : i32
        %add3A_73 = vector.broadcast %add3A_72 : i32 to vector<16xi32>
        %add3A_74 = arith.addi %iota3A_71, %add3A_73 : vector<16xi32>
        %iota3A_75 = tpu.iota {dimensions = array<i32: 0>} : vector<16xi32>
        %add3A_76 = arith.constant 32 : i32
        %add3A_77 = vector.broadcast %add3A_76 : i32 to vector<16xi32>
        %add3A_78 = arith.addi %iota3A_75, %add3A_77 : vector<16xi32>
        %iota3A_79 = tpu.iota {dimensions = array<i32: 0>} : vector<16xi32>
        %add3A_80 = arith.constant 48 : i32
        %add3A_81 = vector.broadcast %add3A_80 : i32 to vector<16xi32>
        %add3A_82 = arith.addi %iota3A_79, %add3A_81 : vector<16xi32>
        %scan3A_83 = arith.constant 0 : i32
        %scan3A_84 = arith.constant 0 : i32
        %scan3A_85 = arith.constant 128 : i32
        %scan3A_86 = arith.addi %scan3A_84, %scan3A_85 : i32
        %scan3A_87 = arith.constant 1 : i32
        %scan3A_88 = scf.for %scan3A_96 = %scan3A_84 to %scan3A_86 step %scan3A_87 iter_args(%scan3A_97 = %scan3A_83) -> (i32)  : i32 {
          %broadcast_in_dim3A = vector.broadcast %scan3A_96 : i32 to vector<16xi32>
          %gather3A = tpu.vector_load_idx %arg6[%add3A_70, %broadcast_in_dim3A] : memref<64x128xf32, #tpu.memory_space<vmem>>[vector<16xi32>, vector<16xi32>], vector<16xf32>,
          %mul3A_98 = arith.constant 8.000000e+00 : f32
          %mul3A_99 = vector.broadcast %mul3A_98 : f32 to vector<16xf32>
          %mul3A_100 = arith.mulf %gather3A, %mul3A_99 : vector<16xf32>
          %swap3A = arith.index_cast %scan3A_96 : i32 to index
          %swap3A_101 = arith.constant 0 : index
          %swap3A_102 = tpu.vector_load %arg8[%swap3A, %swap3A_101] {strides = array<i32>} : memref<128x128xf32, #tpu.memory_space<vmem>>, vector<16xf32>,
          tpu.vector_store %arg8[%swap3A, %swap3A_101], %mul3A_100 {strides = array<i32>} : memref<128x128xf32, #tpu.memory_space<vmem>>, vector<16xf32>,
          %gather3A_103 = tpu.vector_load_idx %arg6[%add3A_74, %broadcast_in_dim3A] : memref<64x128xf32, #tpu.memory_space<vmem>>[vector<16xi32>, vector<16xi32>], vector<16xf32>,
          %mul3A_104 = arith.constant 8.000000e+00 : f32
          %mul3A_105 = vector.broadcast %mul3A_104 : f32 to vector<16xf32>
          %mul3A_106 = arith.mulf %gather3A_103, %mul3A_105 : vector<16xf32>
          %swap3A_107 = arith.index_cast %scan3A_96 : i32 to index
          %swap3A_108 = arith.constant 16 : index
          %swap3A_109 = tpu.vector_load %arg8[%swap3A_107, %swap3A_108] {strides = array<i32>} : memref<128x128xf32, #tpu.memory_space<vmem>>, vector<16xf32>,
          tpu.vector_store %arg8[%swap3A_107, %swap3A_108], %mul3A_106 {strides = array<i32>} : memref<128x128xf32, #tpu.memory_space<vmem>>, vector<16xf32>,
          %gather3A_110 = tpu.vector_load_idx %arg6[%add3A_78, %broadcast_in_dim3A] : memref<64x128xf32, #tpu.memory_space<vmem>>[vector<16xi32>, vector<16xi32>], vector<16xf32>,
          %mul3A_111 = arith.constant 8.000000e+00 : f32
          %mul3A_112 = vector.broadcast %mul3A_111 : f32 to vector<16xf32>
          %mul3A_113 = arith.mulf %gather3A_110, %mul3A_112 : vector<16xf32>
          %swap3A_114 = arith.index_cast %scan3A_96 : i32 to index
          %swap3A_115 = arith.constant 32 : index
          %swap3A_116 = tpu.vector_load %arg8[%swap3A_114, %swap3A_115] {strides = array<i32>} : memref<128x128xf32, #tpu.memory_space<vmem>>, vector<16xf32>,
          tpu.vector_store %arg8[%swap3A_114, %swap3A_115], %mul3A_113 {strides = array<i32>} : memref<128x128xf32, #tpu.memory_space<vmem>>, vector<16xf32>,
          %gather3A_117 = tpu.vector_load_idx %arg6[%add3A_82, %broadcast_in_dim3A] : memref<64x128xf32, #tpu.memory_space<vmem>>[vector<16xi32>, vector<16xi32>], vector<16xf32>,
          %mul3A_118 = arith.constant 8.000000e+00 : f32
          %mul3A_119 = vector.broadcast %mul3A_118 : f32 to vector<16xf32>
          %mul3A_120 = arith.mulf %gather3A_117, %mul3A_119 : vector<16xf32>
          %swap3A_121 = arith.index_cast %scan3A_96 : i32 to index
          %swap3A_122 = arith.constant 48 : index
          %swap3A_123 = tpu.vector_load %arg8[%swap3A_121, %swap3A_122] {strides = array<i32>} : memref<128x128xf32, #tpu.memory_space<vmem>>, vector<16xf32>,
          tpu.vector_store %arg8[%swap3A_121, %swap3A_122], %mul3A_120 {strides = array<i32>} : memref<128x128xf32, #tpu.memory_space<vmem>>, vector<16xf32>,
          %scan3A_124 = arith.constant 0 : i32
          scf.yield %scan3A_124 : i32
        }
        %scan3A_89 = arith.constant 128 : i32
        %mul3A_90 = arith.constant 128 : i32
        %mul3A_91 = arith.muli %add3A_44, %mul3A_90 : i32
        %dma_start3A_92 = arith.constant 0 : i32
        %dma_start3A_93 = tpu.memref_slice %arg4[%mul3A_91, %dma_start3A_92] : memref<1000000x128xf32, #tpu.memory_space<hbm>> -> memref<128x128xf32, #tpu.memory_space<hbm>>
        %dma_start3A_94 = arith.constant 0 : i32
        %dma_start3A_95 = tpu.memref_slice %arg4[%mul3A_91, %dma_start3A_94] : memref<1000000x128xf32, #tpu.memory_space<hbm>> -> memref<128x128xf32, #tpu.memory_space<hbm>>
        tpu.enqueue_dma source(%arg8 : memref<128x128xf32, #tpu.memory_space<vmem>>) target(%dma_start3A_95 : memref<128x128xf32, #tpu.memory_space<hbm>>) target_semaphore(%arg13 : memref<!tpu.dma_semaphore, #tpu.memory_space<semaphore_mem>>)
      } else {
      }
      %scan3A_50 = arith.constant 0 : i32
      scf.yield %scan3A_50 : i32
    }
    %scan3A_11 = arith.constant 123 : i32
    %dma_wait3A = arith.constant 0 : i32
    %dma_wait3A_12 = arith.constant 0 : i32
    %dma_wait3A_13 = tpu.memref_slice %arg4[%dma_wait3A, %dma_wait3A_12] : memref<1000000x128xf32, #tpu.memory_space<hbm>> -> memref<128x128xf32, #tpu.memory_space<hbm>>
    %dma_wait3A_14 = arith.constant 0 : i32
    %dma_wait3A_15 = arith.constant 0 : i32
    %dma_wait3A_16 = tpu.memref_slice %arg4[%dma_wait3A_14, %dma_wait3A_15] : memref<1000000x128xf32, #tpu.memory_space<hbm>> -> memref<128x128xf32, #tpu.memory_space<hbm>>
    tpu.wait_dma2 semaphore(%arg12 : memref<!tpu.dma_semaphore, #tpu.memory_space<semaphore_mem>>) src(%arg7 : memref<128x128xf32, #tpu.memory_space<vmem>>) dst(%dma_wait3A_16 : memref<128x128xf32, #tpu.memory_space<hbm>>)
    %dma_wait3A_17 = arith.constant 0 : i32
    %dma_wait3A_18 = arith.constant 0 : i32
    %dma_wait3A_19 = tpu.memref_slice %arg4[%dma_wait3A_17, %dma_wait3A_18] : memref<1000000x128xf32, #tpu.memory_space<hbm>> -> memref<128x128xf32, #tpu.memory_space<hbm>>
    %dma_wait3A_20 = arith.constant 0 : i32
    %dma_wait3A_21 = arith.constant 0 : i32
    %dma_wait3A_22 = tpu.memref_slice %arg4[%dma_wait3A_20, %dma_wait3A_21] : memref<1000000x128xf32, #tpu.memory_space<hbm>> -> memref<128x128xf32, #tpu.memory_space<hbm>>
    tpu.wait_dma2 semaphore(%arg13 : memref<!tpu.dma_semaphore, #tpu.memory_space<semaphore_mem>>) src(%arg8 : memref<128x128xf32, #tpu.memory_space<vmem>>) dst(%dma_wait3A_22 : memref<128x128xf32, #tpu.memory_space<hbm>>)
    %eq3A = arith.constant 31 : i32
    %eq3A_23 = arith.cmpi eq, %add3A, %eq3A : i32
    %convert_element_type3A = arith.extui %eq3A_23 : i1 to i32
    %cond3A = arith.constant 0 : i32
    %cond3A_24 = arith.cmpi ne, %convert_element_type3A, %cond3A : i32
    scf.if %cond3A_24 {
      "tpu.region"() ({
        %run_scoped3A = tpu.sem_alloc : memref<!tpu.dma_semaphore, #tpu.memory_space<semaphore_mem>>
        tpu.enqueue_dma source(%arg3 : memref<64x64xf32, #tpu.memory_space<hbm>>) target(%arg9 : memref<64x64xf32, #tpu.memory_space<vmem>>) target_semaphore(%run_scoped3A : memref<!tpu.dma_semaphore, #tpu.memory_space<semaphore_mem>>)
        tpu.wait_dma2 semaphore(%run_scoped3A : memref<!tpu.dma_semaphore, #tpu.memory_space<semaphore_mem>>) src(%arg3 : memref<64x64xf32, #tpu.memory_space<hbm>>) dst(%arg9 : memref<64x64xf32, #tpu.memory_space<vmem>>)
        tpu.yield
      }) : () -> ()
      %get3A = arith.constant 0 : i32
      %get3A_25 = arith.index_cast %get3A : i32 to index
      %get3A_26 = arith.constant 0 : index
      %get3A_27 = tpu.vector_load %arg9[%get3A_25, %get3A_26] {strides = array<i32>} : memref<64x64xf32, #tpu.memory_space<vmem>>, vector<16xf32>,
      %mul3A_28 = arith.constant 8.000000e+00 : f32
      %mul3A_29 = vector.broadcast %mul3A_28 : f32 to vector<16xf32>
      %mul3A_30 = arith.mulf %get3A_27, %mul3A_29 : vector<16xf32>
      %swap3A = arith.constant 0 : i32
      %swap3A_31 = arith.index_cast %swap3A : i32 to index
      %swap3A_32 = arith.constant 0 : index
      %swap3A_33 = tpu.vector_load %arg7[%swap3A_31, %swap3A_32] {strides = array<i32>} : memref<128x128xf32, #tpu.memory_space<vmem>>, vector<16xf32>,
      tpu.vector_store %arg7[%swap3A_31, %swap3A_32], %mul3A_30 {strides = array<i32>} : memref<128x128xf32, #tpu.memory_space<vmem>>, vector<16xf32>,
      %get3A_34 = arith.constant 0 : i32
      %get3A_35 = arith.index_cast %get3A_34 : i32 to index
      %get3A_36 = arith.constant 16 : index
      %get3A_37 = tpu.vector_load %arg9[%get3A_35, %get3A_36] {strides = array<i32>} : memref<64x64xf32, #tpu.memory_space<vmem>>, vector<16xf32>,
      %mul3A_38 = arith.constant 8.000000e+00 : f32
      %mul3A_39 = vector.broadcast %mul3A_38 : f32 to vector<16xf32>
      %mul3A_40 = arith.mulf %get3A_37, %mul3A_39 : vector<16xf32>
      %swap3A_41 = arith.constant 0 : i32
      %swap3A_42 = arith.index_cast %swap3A_41 : i32 to index
      %swap3A_43 = arith.constant 16 : index
      %swap3A_44 = tpu.vector_load %arg7[%swap3A_42, %swap3A_43] {strides = array<i32>} : memref<128x128xf32, #tpu.memory_space<vmem>>, vector<16xf32>,
      tpu.vector_store %arg7[%swap3A_42, %swap3A_43], %mul3A_40 {strides = array<i32>} : memref<128x128xf32, #tpu.memory_space<vmem>>, vector<16xf32>,
      %get3A_45 = arith.constant 0 : i32
      %get3A_46 = arith.index_cast %get3A_45 : i32 to index
      %get3A_47 = arith.constant 32 : index
      %get3A_48 = tpu.vector_load %arg9[%get3A_46, %get3A_47] {strides = array<i32>} : memref<64x64xf32, #tpu.memory_space<vmem>>, vector<16xf32>,
      %mul3A_49 = arith.constant 8.000000e+00 : f32
      %mul3A_50 = vector.broadcast %mul3A_49 : f32 to vector<16xf32>
      %mul3A_51 = arith.mulf %get3A_48, %mul3A_50 : vector<16xf32>
      %swap3A_52 = arith.constant 0 : i32
      %swap3A_53 = arith.index_cast %swap3A_52 : i32 to index
      %swap3A_54 = arith.constant 32 : index
      %swap3A_55 = tpu.vector_load %arg7[%swap3A_53, %swap3A_54] {strides = array<i32>} : memref<128x128xf32, #tpu.memory_space<vmem>>, vector<16xf32>,
      tpu.vector_store %arg7[%swap3A_53, %swap3A_54], %mul3A_51 {strides = array<i32>} : memref<128x128xf32, #tpu.memory_space<vmem>>, vector<16xf32>,
      %get3A_56 = arith.constant 0 : i32
      %get3A_57 = arith.index_cast %get3A_56 : i32 to index
      %get3A_58 = arith.constant 48 : index
      %get3A_59 = tpu.vector_load %arg9[%get3A_57, %get3A_58] {strides = array<i32>} : memref<64x64xf32, #tpu.memory_space<vmem>>, vector<16xf32>,
      %mul3A_60 = arith.constant 8.000000e+00 : f32
      %mul3A_61 = vector.broadcast %mul3A_60 : f32 to vector<16xf32>
      %mul3A_62 = arith.mulf %get3A_59, %mul3A_61 : vector<16xf32>
      %swap3A_63 = arith.constant 0 : i32
      %swap3A_64 = arith.index_cast %swap3A_63 : i32 to index
      %swap3A_65 = arith.constant 48 : index
      %swap3A_66 = tpu.vector_load %arg7[%swap3A_64, %swap3A_65] {strides = array<i32>} : memref<128x128xf32, #tpu.memory_space<vmem>>, vector<16xf32>,
      tpu.vector_store %arg7[%swap3A_64, %swap3A_65], %mul3A_62 {strides = array<i32>} : memref<128x128xf32, #tpu.memory_space<vmem>>, vector<16xf32>,
      %get3A_67 = arith.constant 1 : i32
      %get3A_68 = arith.index_cast %get3A_67 : i32 to index
      %get3A_69 = arith.constant 0 : index
      %get3A_70 = tpu.vector_load %arg9[%get3A_68, %get3A_69] {strides = array<i32>} : memref<64x64xf32, #tpu.memory_space<vmem>>, vector<16xf32>,
      %mul3A_71 = arith.constant 8.000000e+00 : f32
      %mul3A_72 = vector.broadcast %mul3A_71 : f32 to vector<16xf32>
      %mul3A_73 = arith.mulf %get3A_70, %mul3A_72 : vector<16xf32>
      %swap3A_74 = arith.constant 1 : i32
      %swap3A_75 = arith.index_cast %swap3A_74 : i32 to index
      %swap3A_76 = arith.constant 0 : index
      %swap3A_77 = tpu.vector_load %arg7[%swap3A_75, %swap3A_76] {strides = array<i32>} : memref<128x128xf32, #tpu.memory_space<vmem>>, vector<16xf32>,
      tpu.vector_store %arg7[%swap3A_75, %swap3A_76], %mul3A_73 {strides = array<i32>} : memref<128x128xf32, #tpu.memory_space<vmem>>, vector<16xf32>,
      %get3A_78 = arith.constant 1 : i32
      %get3A_79 = arith.index_cast %get3A_78 : i32 to index
      %get3A_80 = arith.constant 16 : index
      %get3A_81 = tpu.vector_load %arg9[%get3A_79, %get3A_80] {strides = array<i32>} : memref<64x64xf32, #tpu.memory_space<vmem>>, vector<16xf32>,
      %mul3A_82 = arith.constant 8.000000e+00 : f32
      %mul3A_83 = vector.broadcast %mul3A_82 : f32 to vector<16xf32>
      %mul3A_84 = arith.mulf %get3A_81, %mul3A_83 : vector<16xf32>
      %swap3A_85 = arith.constant 1 : i32
      %swap3A_86 = arith.index_cast %swap3A_85 : i32 to index
      %swap3A_87 = arith.constant 16 : index
      %swap3A_88 = tpu.vector_load %arg7[%swap3A_86, %swap3A_87] {strides = array<i32>} : memref<128x128xf32, #tpu.memory_space<vmem>>, vector<16xf32>,
      tpu.vector_store %arg7[%swap3A_86, %swap3A_87], %mul3A_84 {strides = array<i32>} : memref<128x128xf32, #tpu.memory_space<vmem>>, vector<16xf32>,
      %get3A_89 = arith.constant 1 : i32
      %get3A_90 = arith.index_cast %get3A_89 : i32 to index
      %get3A_91 = arith.constant 32 : index
      %get3A_92 = tpu.vector_load %arg9[%get3A_90, %get3A_91] {strides = array<i32>} : memref<64x64xf32, #tpu.memory_space<vmem>>, vector<16xf32>,
      %mul3A_93 = arith.constant 8.000000e+00 : f32
      %mul3A_94 = vector.broadcast %mul3A_93 : f32 to vector<16xf32>
      %mul3A_95 = arith.mulf %get3A_92, %mul3A_94 : vector<16xf32>
      %swap3A_96 = arith.constant 1 : i32
      %swap3A_97 = arith.index_cast %swap3A_96 : i32 to index
      %swap3A_98 = arith.constant 32 : index
      %swap3A_99 = tpu.vector_load %arg7[%swap3A_97, %swap3A_98] {strides = array<i32>} : memref<128x128xf32, #tpu.memory_space<vmem>>, vector<16xf32>,
      tpu.vector_store %arg7[%swap3A_97, %swap3A_98], %mul3A_95 {strides = array<i32>} : memref<128x128xf32, #tpu.memory_space<vmem>>, vector<16xf32>,
      %get3A_100 = arith.constant 1 : i32
      %get3A_101 = arith.index_cast %get3A_100 : i32 to index
      %get3A_102 = arith.constant 48 : index
      %get3A_103 = tpu.vector_load %arg9[%get3A_101, %get3A_102] {strides = array<i32>} : memref<64x64xf32, #tpu.memory_space<vmem>>, vector<16xf32>,
      %mul3A_104 = arith.constant 8.000000e+00 : f32
      %mul3A_105 = vector.broadcast %mul3A_104 : f32 to vector<16xf32>
      %mul3A_106 = arith.mulf %get3A_103, %mul3A_105 : vector<16xf32>
      %swap3A_107 = arith.constant 1 : i32
      %swap3A_108 = arith.index_cast %swap3A_107 : i32 to index
      %swap3A_109 = arith.constant 48 : index
      %swap3A_110 = tpu.vector_load %arg7[%swap3A_108, %swap3A_109] {strides = array<i32>} : memref<128x128xf32, #tpu.memory_space<vmem>>, vector<16xf32>,
      tpu.vector_store %arg7[%swap3A_108, %swap3A_109], %mul3A_106 {strides = array<i32>} : memref<128x128xf32, #tpu.memory_space<vmem>>, vector<16xf32>,
      %get3A_111 = arith.constant 2 : i32
      %get3A_112 = arith.index_cast %get3A_111 : i32 to index
      %get3A_113 = arith.constant 0 : index
      %get3A_114 = tpu.vector_load %arg9[%get3A_112, %get3A_113] {strides = array<i32>} : memref<64x64xf32, #tpu.memory_space<vmem>>, vector<16xf32>,
      %mul3A_115 = arith.constant 8.000000e+00 : f32
      %mul3A_116 = vector.broadcast %mul3A_115 : f32 to vector<16xf32>
      %mul3A_117 = arith.mulf %get3A_114, %mul3A_116 : vector<16xf32>
      %swap3A_118 = arith.constant 2 : i32
      %swap3A_119 = arith.index_cast %swap3A_118 : i32 to index
      %swap3A_120 = arith.constant 0 : index
      %swap3A_121 = tpu.vector_load %arg7[%swap3A_119, %swap3A_120] {strides = array<i32>} : memref<128x128xf32, #tpu.memory_space<vmem>>, vector<16xf32>,
      tpu.vector_store %arg7[%swap3A_119, %swap3A_120], %mul3A_117 {strides = array<i32>} : memref<128x128xf32, #tpu.memory_space<vmem>>, vector<16xf32>,
      %get3A_122 = arith.constant 2 : i32
      %get3A_123 = arith.index_cast %get3A_122 : i32 to index
      %get3A_124 = arith.constant 16 : index
      %get3A_125 = tpu.vector_load %arg9[%get3A_123, %get3A_124] {strides = array<i32>} : memref<64x64xf32, #tpu.memory_space<vmem>>, vector<16xf32>,
      %mul3A_126 = arith.constant 8.000000e+00 : f32
      %mul3A_127 = vector.broadcast %mul3A_126 : f32 to vector<16xf32>
      %mul3A_128 = arith.mulf %get3A_125, %mul3A_127 : vector<16xf32>
      %swap3A_129 = arith.constant 2 : i32
      %swap3A_130 = arith.index_cast %swap3A_129 : i32 to index
      %swap3A_131 = arith.constant 16 : index
      %swap3A_132 = tpu.vector_load %arg7[%swap3A_130, %swap3A_131] {strides = array<i32>} : memref<128x128xf32, #tpu.memory_space<vmem>>, vector<16xf32>,
      tpu.vector_store %arg7[%swap3A_130, %swap3A_131], %mul3A_128 {strides = array<i32>} : memref<128x128xf32, #tpu.memory_space<vmem>>, vector<16xf32>,
      %get3A_133 = arith.constant 2 : i32
      %get3A_134 = arith.index_cast %get3A_133 : i32 to index
      %get3A_135 = arith.constant 32 : index
      %get3A_136 = tpu.vector_load %arg9[%get3A_134, %get3A_135] {strides = array<i32>} : memref<64x64xf32, #tpu.memory_space<vmem>>, vector<16xf32>,
      %mul3A_137 = arith.constant 8.000000e+00 : f32
      %mul3A_138 = vector.broadcast %mul3A_137 : f32 to vector<16xf32>
      %mul3A_139 = arith.mulf %get3A_136, %mul3A_138 : vector<16xf32>
      %swap3A_140 = arith.constant 2 : i32
      %swap3A_141 = arith.index_cast %swap3A_140 : i32 to index
      %swap3A_142 = arith.constant 32 : index
      %swap3A_143 = tpu.vector_load %arg7[%swap3A_141, %swap3A_142] {strides = array<i32>} : memref<128x128xf32, #tpu.memory_space<vmem>>, vector<16xf32>,
      tpu.vector_store %arg7[%swap3A_141, %swap3A_142], %mul3A_139 {strides = array<i32>} : memref<128x128xf32, #tpu.memory_space<vmem>>, vector<16xf32>,
      %get3A_144 = arith.constant 2 : i32
      %get3A_145 = arith.index_cast %get3A_144 : i32 to index
      %get3A_146 = arith.constant 48 : index
      %get3A_147 = tpu.vector_load %arg9[%get3A_145, %get3A_146] {strides = array<i32>} : memref<64x64xf32, #tpu.memory_space<vmem>>, vector<16xf32>,
      %mul3A_148 = arith.constant 8.000000e+00 : f32
      %mul3A_149 = vector.broadcast %mul3A_148 : f32 to vector<16xf32>
      %mul3A_150 = arith.mulf %get3A_147, %mul3A_149 : vector<16xf32>
      %swap3A_151 = arith.constant 2 : i32
      %swap3A_152 = arith.index_cast %swap3A_151 : i32 to index
      %swap3A_153 = arith.constant 48 : index
      %swap3A_154 = tpu.vector_load %arg7[%swap3A_152, %swap3A_153] {strides = array<i32>} : memref<128x128xf32, #tpu.memory_space<vmem>>, vector<16xf32>,
      tpu.vector_store %arg7[%swap3A_152, %swap3A_153], %mul3A_150 {strides = array<i32>} : memref<128x128xf32, #tpu.memory_space<vmem>>, vector<16xf32>,
      %get3A_155 = arith.constant 3 : i32
      %get3A_156 = arith.index_cast %get3A_155 : i32 to index
      %get3A_157 = arith.constant 0 : index
      %get3A_158 = tpu.vector_load %arg9[%get3A_156, %get3A_157] {strides = array<i32>} : memref<64x64xf32, #tpu.memory_space<vmem>>, vector<16xf32>,
      %mul3A_159 = arith.constant 8.000000e+00 : f32
      %mul3A_160 = vector.broadcast %mul3A_159 : f32 to vector<16xf32>
      %mul3A_161 = arith.mulf %get3A_158, %mul3A_160 : vector<16xf32>
      %swap3A_162 = arith.constant 3 : i32
      %swap3A_163 = arith.index_cast %swap3A_162 : i32 to index
      %swap3A_164 = arith.constant 0 : index
      %swap3A_165 = tpu.vector_load %arg7[%swap3A_163, %swap3A_164] {strides = array<i32>} : memref<128x128xf32, #tpu.memory_space<vmem>>, vector<16xf32>,
      tpu.vector_store %arg7[%swap3A_163, %swap3A_164], %mul3A_161 {strides = array<i32>} : memref<128x128xf32, #tpu.memory_space<vmem>>, vector<16xf32>,
      %get3A_166 = arith.constant 3 : i32
      %get3A_167 = arith.index_cast %get3A_166 : i32 to index
      %get3A_168 = arith.constant 16 : index
      %get3A_169 = tpu.vector_load %arg9[%get3A_167, %get3A_168] {strides = array<i32>} : memref<64x64xf32, #tpu.memory_space<vmem>>, vector<16xf32>,
      %mul3A_170 = arith.constant 8.000000e+00 : f32
      %mul3A_171 = vector.broadcast %mul3A_170 : f32 to vector<16xf32>
      %mul3A_172 = arith.mulf %get3A_169, %mul3A_171 : vector<16xf32>
      %swap3A_173 = arith.constant 3 : i32
      %swap3A_174 = arith.index_cast %swap3A_173 : i32 to index
      %swap3A_175 = arith.constant 16 : index
      %swap3A_176 = tpu.vector_load %arg7[%swap3A_174, %swap3A_175] {strides = array<i32>} : memref<128x128xf32, #tpu.memory_space<vmem>>, vector<16xf32>,
      tpu.vector_store %arg7[%swap3A_174, %swap3A_175], %mul3A_172 {strides = array<i32>} : memref<128x128xf32, #tpu.memory_space<vmem>>, vector<16xf32>,
      %get3A_177 = arith.constant 3 : i32
      %get3A_178 = arith.index_cast %get3A_177 : i32 to index
      %get3A_179 = arith.constant 32 : index
      %get3A_180 = tpu.vector_load %arg9[%get3A_178, %get3A_179] {strides = array<i32>} : memref<64x64xf32, #tpu.memory_space<vmem>>, vector<16xf32>,
      %mul3A_181 = arith.constant 8.000000e+00 : f32
      %mul3A_182 = vector.broadcast %mul3A_181 : f32 to vector<16xf32>
      %mul3A_183 = arith.mulf %get3A_180, %mul3A_182 : vector<16xf32>
      %swap3A_184 = arith.constant 3 : i32
      %swap3A_185 = arith.index_cast %swap3A_184 : i32 to index
      %swap3A_186 = arith.constant 32 : index
      %swap3A_187 = tpu.vector_load %arg7[%swap3A_185, %swap3A_186] {strides = array<i32>} : memref<128x128xf32, #tpu.memory_space<vmem>>, vector<16xf32>,
      tpu.vector_store %arg7[%swap3A_185, %swap3A_186], %mul3A_183 {strides = array<i32>} : memref<128x128xf32, #tpu.memory_space<vmem>>, vector<16xf32>,
      %get3A_188 = arith.constant 3 : i32
      %get3A_189 = arith.index_cast %get3A_188 : i32 to index
      %get3A_190 = arith.constant 48 : index
      %get3A_191 = tpu.vector_load %arg9[%get3A_189, %get3A_190] {strides = array<i32>} : memref<64x64xf32, #tpu.memory_space<vmem>>, vector<16xf32>,
      %mul3A_192 = arith.constant 8.000000e+00 : f32
      %mul3A_193 = vector.broadcast %mul3A_192 : f32 to vector<16xf32>
      %mul3A_194 = arith.mulf %get3A_191, %mul3A_193 : vector<16xf32>
      %swap3A_195 = arith.constant 3 : i32
      %swap3A_196 = arith.index_cast %swap3A_195 : i32 to index
      %swap3A_197 = arith.constant 48 : index
      %swap3A_198 = tpu.vector_load %arg7[%swap3A_196, %swap3A_197] {strides = array<i32>} : memref<128x128xf32, #tpu.memory_space<vmem>>, vector<16xf32>,
      tpu.vector_store %arg7[%swap3A_196, %swap3A_197], %mul3A_194 {strides = array<i32>} : memref<128x128xf32, #tpu.memory_space<vmem>>, vector<16xf32>,
      %get3A_199 = arith.constant 4 : i32
      %get3A_200 = arith.index_cast %get3A_199 : i32 to index
      %get3A_201 = arith.constant 0 : index
      %get3A_202 = tpu.vector_load %arg9[%get3A_200, %get3A_201] {strides = array<i32>} : memref<64x64xf32, #tpu.memory_space<vmem>>, vector<16xf32>,
      %mul3A_203 = arith.constant 8.000000e+00 : f32
      %mul3A_204 = vector.broadcast %mul3A_203 : f32 to vector<16xf32>
      %mul3A_205 = arith.mulf %get3A_202, %mul3A_204 : vector<16xf32>
      %swap3A_206 = arith.constant 4 : i32
      %swap3A_207 = arith.index_cast %swap3A_206 : i32 to index
      %swap3A_208 = arith.constant 0 : index
      %swap3A_209 = tpu.vector_load %arg7[%swap3A_207, %swap3A_208] {strides = array<i32>} : memref<128x128xf32, #tpu.memory_space<vmem>>, vector<16xf32>,
      tpu.vector_store %arg7[%swap3A_207, %swap3A_208], %mul3A_205 {strides = array<i32>} : memref<128x128xf32, #tpu.memory_space<vmem>>, vector<16xf32>,
      %get3A_210 = arith.constant 4 : i32
      %get3A_211 = arith.index_cast %get3A_210 : i32 to index
      %get3A_212 = arith.constant 16 : index
      %get3A_213 = tpu.vector_load %arg9[%get3A_211, %get3A_212] {strides = array<i32>} : memref<64x64xf32, #tpu.memory_space<vmem>>, vector<16xf32>,
      %mul3A_214 = arith.constant 8.000000e+00 : f32
      %mul3A_215 = vector.broadcast %mul3A_214 : f32 to vector<16xf32>
      %mul3A_216 = arith.mulf %get3A_213, %mul3A_215 : vector<16xf32>
      %swap3A_217 = arith.constant 4 : i32
      %swap3A_218 = arith.index_cast %swap3A_217 : i32 to index
      %swap3A_219 = arith.constant 16 : index
      %swap3A_220 = tpu.vector_load %arg7[%swap3A_218, %swap3A_219] {strides = array<i32>} : memref<128x128xf32, #tpu.memory_space<vmem>>, vector<16xf32>,
      tpu.vector_store %arg7[%swap3A_218, %swap3A_219], %mul3A_216 {strides = array<i32>} : memref<128x128xf32, #tpu.memory_space<vmem>>, vector<16xf32>,
      %get3A_221 = arith.constant 4 : i32
      %get3A_222 = arith.index_cast %get3A_221 : i32 to index
      %get3A_223 = arith.constant 32 : index
      %get3A_224 = tpu.vector_load %arg9[%get3A_222, %get3A_223] {strides = array<i32>} : memref<64x64xf32, #tpu.memory_space<vmem>>, vector<16xf32>,
      %mul3A_225 = arith.constant 8.000000e+00 : f32
      %mul3A_226 = vector.broadcast %mul3A_225 : f32 to vector<16xf32>
      %mul3A_227 = arith.mulf %get3A_224, %mul3A_226 : vector<16xf32>
      %swap3A_228 = arith.constant 4 : i32
      %swap3A_229 = arith.index_cast %swap3A_228 : i32 to index
      %swap3A_230 = arith.constant 32 : index
      %swap3A_231 = tpu.vector_load %arg7[%swap3A_229, %swap3A_230] {strides = array<i32>} : memref<128x128xf32, #tpu.memory_space<vmem>>, vector<16xf32>,
      tpu.vector_store %arg7[%swap3A_229, %swap3A_230], %mul3A_227 {strides = array<i32>} : memref<128x128xf32, #tpu.memory_space<vmem>>, vector<16xf32>,
      %get3A_232 = arith.constant 4 : i32
      %get3A_233 = arith.index_cast %get3A_232 : i32 to index
      %get3A_234 = arith.constant 48 : index
      %get3A_235 = tpu.vector_load %arg9[%get3A_233, %get3A_234] {strides = array<i32>} : memref<64x64xf32, #tpu.memory_space<vmem>>, vector<16xf32>,
      %mul3A_236 = arith.constant 8.000000e+00 : f32
      %mul3A_237 = vector.broadcast %mul3A_236 : f32 to vector<16xf32>
      %mul3A_238 = arith.mulf %get3A_235, %mul3A_237 : vector<16xf32>
      %swap3A_239 = arith.constant 4 : i32
      %swap3A_240 = arith.index_cast %swap3A_239 : i32 to index
      %swap3A_241 = arith.constant 48 : index
      %swap3A_242 = tpu.vector_load %arg7[%swap3A_240, %swap3A_241] {strides = array<i32>} : memref<128x128xf32, #tpu.memory_space<vmem>>, vector<16xf32>,
      tpu.vector_store %arg7[%swap3A_240, %swap3A_241], %mul3A_238 {strides = array<i32>} : memref<128x128xf32, #tpu.memory_space<vmem>>, vector<16xf32>,
      %get3A_243 = arith.constant 5 : i32
      %get3A_244 = arith.index_cast %get3A_243 : i32 to index
      %get3A_245 = arith.constant 0 : index
      %get3A_246 = tpu.vector_load %arg9[%get3A_244, %get3A_245] {strides = array<i32>} : memref<64x64xf32, #tpu.memory_space<vmem>>, vector<16xf32>,
      %mul3A_247 = arith.constant 8.000000e+00 : f32
      %mul3A_248 = vector.broadcast %mul3A_247 : f32 to vector<16xf32>
      %mul3A_249 = arith.mulf %get3A_246, %mul3A_248 : vector<16xf32>
      %swap3A_250 = arith.constant 5 : i32
      %swap3A_251 = arith.index_cast %swap3A_250 : i32 to index
      %swap3A_252 = arith.constant 0 : index
      %swap3A_253 = tpu.vector_load %arg7[%swap3A_251, %swap3A_252] {strides = array<i32>} : memref<128x128xf32, #tpu.memory_space<vmem>>, vector<16xf32>,
      tpu.vector_store %arg7[%swap3A_251, %swap3A_252], %mul3A_249 {strides = array<i32>} : memref<128x128xf32, #tpu.memory_space<vmem>>, vector<16xf32>,
      %get3A_254 = arith.constant 5 : i32
      %get3A_255 = arith.index_cast %get3A_254 : i32 to index
      %get3A_256 = arith.constant 16 : index
      %get3A_257 = tpu.vector_load %arg9[%get3A_255, %get3A_256] {strides = array<i32>} : memref<64x64xf32, #tpu.memory_space<vmem>>, vector<16xf32>,
      %mul3A_258 = arith.constant 8.000000e+00 : f32
      %mul3A_259 = vector.broadcast %mul3A_258 : f32 to vector<16xf32>
      %mul3A_260 = arith.mulf %get3A_257, %mul3A_259 : vector<16xf32>
      %swap3A_261 = arith.constant 5 : i32
      %swap3A_262 = arith.index_cast %swap3A_261 : i32 to index
      %swap3A_263 = arith.constant 16 : index
      %swap3A_264 = tpu.vector_load %arg7[%swap3A_262, %swap3A_263] {strides = array<i32>} : memref<128x128xf32, #tpu.memory_space<vmem>>, vector<16xf32>,
      tpu.vector_store %arg7[%swap3A_262, %swap3A_263], %mul3A_260 {strides = array<i32>} : memref<128x128xf32, #tpu.memory_space<vmem>>, vector<16xf32>,
      %get3A_265 = arith.constant 5 : i32
      %get3A_266 = arith.index_cast %get3A_265 : i32 to index
      %get3A_267 = arith.constant 32 : index
      %get3A_268 = tpu.vector_load %arg9[%get3A_266, %get3A_267] {strides = array<i32>} : memref<64x64xf32, #tpu.memory_space<vmem>>, vector<16xf32>,
      %mul3A_269 = arith.constant 8.000000e+00 : f32
      %mul3A_270 = vector.broadcast %mul3A_269 : f32 to vector<16xf32>
      %mul3A_271 = arith.mulf %get3A_268, %mul3A_270 : vector<16xf32>
      %swap3A_272 = arith.constant 5 : i32
      %swap3A_273 = arith.index_cast %swap3A_272 : i32 to index
      %swap3A_274 = arith.constant 32 : index
      %swap3A_275 = tpu.vector_load %arg7[%swap3A_273, %swap3A_274] {strides = array<i32>} : memref<128x128xf32, #tpu.memory_space<vmem>>, vector<16xf32>,
      tpu.vector_store %arg7[%swap3A_273, %swap3A_274], %mul3A_271 {strides = array<i32>} : memref<128x128xf32, #tpu.memory_space<vmem>>, vector<16xf32>,
      %get3A_276 = arith.constant 5 : i32
      %get3A_277 = arith.index_cast %get3A_276 : i32 to index
      %get3A_278 = arith.constant 48 : index
      %get3A_279 = tpu.vector_load %arg9[%get3A_277, %get3A_278] {strides = array<i32>} : memref<64x64xf32, #tpu.memory_space<vmem>>, vector<16xf32>,
      %mul3A_280 = arith.constant 8.000000e+00 : f32
      %mul3A_281 = vector.broadcast %mul3A_280 : f32 to vector<16xf32>
      %mul3A_282 = arith.mulf %get3A_279, %mul3A_281 : vector<16xf32>
      %swap3A_283 = arith.constant 5 : i32
      %swap3A_284 = arith.index_cast %swap3A_283 : i32 to index
      %swap3A_285 = arith.constant 48 : index
      %swap3A_286 = tpu.vector_load %arg7[%swap3A_284, %swap3A_285] {strides = array<i32>} : memref<128x128xf32, #tpu.memory_space<vmem>>, vector<16xf32>,
      tpu.vector_store %arg7[%swap3A_284, %swap3A_285], %mul3A_282 {strides = array<i32>} : memref<128x128xf32, #tpu.memory_space<vmem>>, vector<16xf32>,
      %get3A_287 = arith.constant 6 : i32
      %get3A_288 = arith.index_cast %get3A_287 : i32 to index
      %get3A_289 = arith.constant 0 : index
      %get3A_290 = tpu.vector_load %arg9[%get3A_288, %get3A_289] {strides = array<i32>} : memref<64x64xf32, #tpu.memory_space<vmem>>, vector<16xf32>,
      %mul3A_291 = arith.constant 8.000000e+00 : f32
      %mul3A_292 = vector.broadcast %mul3A_291 : f32 to vector<16xf32>
      %mul3A_293 = arith.mulf %get3A_290, %mul3A_292 : vector<16xf32>
      %swap3A_294 = arith.constant 6 : i32
      %swap3A_295 = arith.index_cast %swap3A_294 : i32 to index
      %swap3A_296 = arith.constant 0 : index
      %swap3A_297 = tpu.vector_load %arg7[%swap3A_295, %swap3A_296] {strides = array<i32>} : memref<128x128xf32, #tpu.memory_space<vmem>>, vector<16xf32>,
      tpu.vector_store %arg7[%swap3A_295, %swap3A_296], %mul3A_293 {strides = array<i32>} : memref<128x128xf32, #tpu.memory_space<vmem>>, vector<16xf32>,
      %get3A_298 = arith.constant 6 : i32
      %get3A_299 = arith.index_cast %get3A_298 : i32 to index
      %get3A_300 = arith.constant 16 : index
      %get3A_301 = tpu.vector_load %arg9[%get3A_299, %get3A_300] {strides = array<i32>} : memref<64x64xf32, #tpu.memory_space<vmem>>, vector<16xf32>,
      %mul3A_302 = arith.constant 8.000000e+00 : f32
      %mul3A_303 = vector.broadcast %mul3A_302 : f32 to vector<16xf32>
      %mul3A_304 = arith.mulf %get3A_301, %mul3A_303 : vector<16xf32>
      %swap3A_305 = arith.constant 6 : i32
      %swap3A_306 = arith.index_cast %swap3A_305 : i32 to index
      %swap3A_307 = arith.constant 16 : index
      %swap3A_308 = tpu.vector_load %arg7[%swap3A_306, %swap3A_307] {strides = array<i32>} : memref<128x128xf32, #tpu.memory_space<vmem>>, vector<16xf32>,
      tpu.vector_store %arg7[%swap3A_306, %swap3A_307], %mul3A_304 {strides = array<i32>} : memref<128x128xf32, #tpu.memory_space<vmem>>, vector<16xf32>,
      %get3A_309 = arith.constant 6 : i32
      %get3A_310 = arith.index_cast %get3A_309 : i32 to index
      %get3A_311 = arith.constant 32 : index
      %get3A_312 = tpu.vector_load %arg9[%get3A_310, %get3A_311] {strides = array<i32>} : memref<64x64xf32, #tpu.memory_space<vmem>>, vector<16xf32>,
      %mul3A_313 = arith.constant 8.000000e+00 : f32
      %mul3A_314 = vector.broadcast %mul3A_313 : f32 to vector<16xf32>
      %mul3A_315 = arith.mulf %get3A_312, %mul3A_314 : vector<16xf32>
      %swap3A_316 = arith.constant 6 : i32
      %swap3A_317 = arith.index_cast %swap3A_316 : i32 to index
      %swap3A_318 = arith.constant 32 : index
      %swap3A_319 = tpu.vector_load %arg7[%swap3A_317, %swap3A_318] {strides = array<i32>} : memref<128x128xf32, #tpu.memory_space<vmem>>, vector<16xf32>,
      tpu.vector_store %arg7[%swap3A_317, %swap3A_318], %mul3A_315 {strides = array<i32>} : memref<128x128xf32, #tpu.memory_space<vmem>>, vector<16xf32>,
      %get3A_320 = arith.constant 6 : i32
      %get3A_321 = arith.index_cast %get3A_320 : i32 to index
      %get3A_322 = arith.constant 48 : index
      %get3A_323 = tpu.vector_load %arg9[%get3A_321, %get3A_322] {strides = array<i32>} : memref<64x64xf32, #tpu.memory_space<vmem>>, vector<16xf32>,
      %mul3A_324 = arith.constant 8.000000e+00 : f32
      %mul3A_325 = vector.broadcast %mul3A_324 : f32 to vector<16xf32>
      %mul3A_326 = arith.mulf %get3A_323, %mul3A_325 : vector<16xf32>
      %swap3A_327 = arith.constant 6 : i32
      %swap3A_328 = arith.index_cast %swap3A_327 : i32 to index
      %swap3A_329 = arith.constant 48 : index
      %swap3A_330 = tpu.vector_load %arg7[%swap3A_328, %swap3A_329] {strides = array<i32>} : memref<128x128xf32, #tpu.memory_space<vmem>>, vector<16xf32>,
      tpu.vector_store %arg7[%swap3A_328, %swap3A_329], %mul3A_326 {strides = array<i32>} : memref<128x128xf32, #tpu.memory_space<vmem>>, vector<16xf32>,
      %get3A_331 = arith.constant 7 : i32
      %get3A_332 = arith.index_cast %get3A_331 : i32 to index
      %get3A_333 = arith.constant 0 : index
      %get3A_334 = tpu.vector_load %arg9[%get3A_332, %get3A_333] {strides = array<i32>} : memref<64x64xf32, #tpu.memory_space<vmem>>, vector<16xf32>,
      %mul3A_335 = arith.constant 8.000000e+00 : f32
      %mul3A_336 = vector.broadcast %mul3A_335 : f32 to vector<16xf32>
      %mul3A_337 = arith.mulf %get3A_334, %mul3A_336 : vector<16xf32>
      %swap3A_338 = arith.constant 7 : i32
      %swap3A_339 = arith.index_cast %swap3A_338 : i32 to index
      %swap3A_340 = arith.constant 0 : index
      %swap3A_341 = tpu.vector_load %arg7[%swap3A_339, %swap3A_340] {strides = array<i32>} : memref<128x128xf32, #tpu.memory_space<vmem>>, vector<16xf32>,
      tpu.vector_store %arg7[%swap3A_339, %swap3A_340], %mul3A_337 {strides = array<i32>} : memref<128x128xf32, #tpu.memory_space<vmem>>, vector<16xf32>,
      %get3A_342 = arith.constant 7 : i32
      %get3A_343 = arith.index_cast %get3A_342 : i32 to index
      %get3A_344 = arith.constant 16 : index
      %get3A_345 = tpu.vector_load %arg9[%get3A_343, %get3A_344] {strides = array<i32>} : memref<64x64xf32, #tpu.memory_space<vmem>>, vector<16xf32>,
      %mul3A_346 = arith.constant 8.000000e+00 : f32
      %mul3A_347 = vector.broadcast %mul3A_346 : f32 to vector<16xf32>
      %mul3A_348 = arith.mulf %get3A_345, %mul3A_347 : vector<16xf32>
      %swap3A_349 = arith.constant 7 : i32
      %swap3A_350 = arith.index_cast %swap3A_349 : i32 to index
      %swap3A_351 = arith.constant 16 : index
      %swap3A_352 = tpu.vector_load %arg7[%swap3A_350, %swap3A_351] {strides = array<i32>} : memref<128x128xf32, #tpu.memory_space<vmem>>, vector<16xf32>,
      tpu.vector_store %arg7[%swap3A_350, %swap3A_351], %mul3A_348 {strides = array<i32>} : memref<128x128xf32, #tpu.memory_space<vmem>>, vector<16xf32>,
      %get3A_353 = arith.constant 7 : i32
      %get3A_354 = arith.index_cast %get3A_353 : i32 to index
      %get3A_355 = arith.constant 32 : index
      %get3A_356 = tpu.vector_load %arg9[%get3A_354, %get3A_355] {strides = array<i32>} : memref<64x64xf32, #tpu.memory_space<vmem>>, vector<16xf32>,
      %mul3A_357 = arith.constant 8.000000e+00 : f32
      %mul3A_358 = vector.broadcast %mul3A_357 : f32 to vector<16xf32>
      %mul3A_359 = arith.mulf %get3A_356, %mul3A_358 : vector<16xf32>
      %swap3A_360 = arith.constant 7 : i32
      %swap3A_361 = arith.index_cast %swap3A_360 : i32 to index
      %swap3A_362 = arith.constant 32 : index
      %swap3A_363 = tpu.vector_load %arg7[%swap3A_361, %swap3A_362] {strides = array<i32>} : memref<128x128xf32, #tpu.memory_space<vmem>>, vector<16xf32>,
      tpu.vector_store %arg7[%swap3A_361, %swap3A_362], %mul3A_359 {strides = array<i32>} : memref<128x128xf32, #tpu.memory_space<vmem>>, vector<16xf32>,
      %get3A_364 = arith.constant 7 : i32
      %get3A_365 = arith.index_cast %get3A_364 : i32 to index
      %get3A_366 = arith.constant 48 : index
      %get3A_367 = tpu.vector_load %arg9[%get3A_365, %get3A_366] {strides = array<i32>} : memref<64x64xf32, #tpu.memory_space<vmem>>, vector<16xf32>,
      %mul3A_368 = arith.constant 8.000000e+00 : f32
      %mul3A_369 = vector.broadcast %mul3A_368 : f32 to vector<16xf32>
      %mul3A_370 = arith.mulf %get3A_367, %mul3A_369 : vector<16xf32>
      %swap3A_371 = arith.constant 7 : i32
      %swap3A_372 = arith.index_cast %swap3A_371 : i32 to index
      %swap3A_373 = arith.constant 48 : index
      %swap3A_374 = tpu.vector_load %arg7[%swap3A_372, %swap3A_373] {strides = array<i32>} : memref<128x128xf32, #tpu.memory_space<vmem>>, vector<16xf32>,
      tpu.vector_store %arg7[%swap3A_372, %swap3A_373], %mul3A_370 {strides = array<i32>} : memref<128x128xf32, #tpu.memory_space<vmem>>, vector<16xf32>,
      %get3A_375 = arith.constant 8 : i32
      %get3A_376 = arith.index_cast %get3A_375 : i32 to index
      %get3A_377 = arith.constant 0 : index
      %get3A_378 = tpu.vector_load %arg9[%get3A_376, %get3A_377] {strides = array<i32>} : memref<64x64xf32, #tpu.memory_space<vmem>>, vector<16xf32>,
      %mul3A_379 = arith.constant 8.000000e+00 : f32
      %mul3A_380 = vector.broadcast %mul3A_379 : f32 to vector<16xf32>
      %mul3A_381 = arith.mulf %get3A_378, %mul3A_380 : vector<16xf32>
      %swap3A_382 = arith.constant 8 : i32
      %swap3A_383 = arith.index_cast %swap3A_382 : i32 to index
      %swap3A_384 = arith.constant 0 : index
      %swap3A_385 = tpu.vector_load %arg7[%swap3A_383, %swap3A_384] {strides = array<i32>} : memref<128x128xf32, #tpu.memory_space<vmem>>, vector<16xf32>,
      tpu.vector_store %arg7[%swap3A_383, %swap3A_384], %mul3A_381 {strides = array<i32>} : memref<128x128xf32, #tpu.memory_space<vmem>>, vector<16xf32>,
      %get3A_386 = arith.constant 8 : i32
      %get3A_387 = arith.index_cast %get3A_386 : i32 to index
      %get3A_388 = arith.constant 16 : index
      %get3A_389 = tpu.vector_load %arg9[%get3A_387, %get3A_388] {strides = array<i32>} : memref<64x64xf32, #tpu.memory_space<vmem>>, vector<16xf32>,
      %mul3A_390 = arith.constant 8.000000e+00 : f32
      %mul3A_391 = vector.broadcast %mul3A_390 : f32 to vector<16xf32>
      %mul3A_392 = arith.mulf %get3A_389, %mul3A_391 : vector<16xf32>
      %swap3A_393 = arith.constant 8 : i32
      %swap3A_394 = arith.index_cast %swap3A_393 : i32 to index
      %swap3A_395 = arith.constant 16 : index
      %swap3A_396 = tpu.vector_load %arg7[%swap3A_394, %swap3A_395] {strides = array<i32>} : memref<128x128xf32, #tpu.memory_space<vmem>>, vector<16xf32>,
      tpu.vector_store %arg7[%swap3A_394, %swap3A_395], %mul3A_392 {strides = array<i32>} : memref<128x128xf32, #tpu.memory_space<vmem>>, vector<16xf32>,
      %get3A_397 = arith.constant 8 : i32
      %get3A_398 = arith.index_cast %get3A_397 : i32 to index
      %get3A_399 = arith.constant 32 : index
      %get3A_400 = tpu.vector_load %arg9[%get3A_398, %get3A_399] {strides = array<i32>} : memref<64x64xf32, #tpu.memory_space<vmem>>, vector<16xf32>,
      %mul3A_401 = arith.constant 8.000000e+00 : f32
      %mul3A_402 = vector.broadcast %mul3A_401 : f32 to vector<16xf32>
      %mul3A_403 = arith.mulf %get3A_400, %mul3A_402 : vector<16xf32>
      %swap3A_404 = arith.constant 8 : i32
      %swap3A_405 = arith.index_cast %swap3A_404 : i32 to index
      %swap3A_406 = arith.constant 32 : index
      %swap3A_407 = tpu.vector_load %arg7[%swap3A_405, %swap3A_406] {strides = array<i32>} : memref<128x128xf32, #tpu.memory_space<vmem>>, vector<16xf32>,
      tpu.vector_store %arg7[%swap3A_405, %swap3A_406], %mul3A_403 {strides = array<i32>} : memref<128x128xf32, #tpu.memory_space<vmem>>, vector<16xf32>,
      %get3A_408 = arith.constant 8 : i32
      %get3A_409 = arith.index_cast %get3A_408 : i32 to index
      %get3A_410 = arith.constant 48 : index
      %get3A_411 = tpu.vector_load %arg9[%get3A_409, %get3A_410] {strides = array<i32>} : memref<64x64xf32, #tpu.memory_space<vmem>>, vector<16xf32>,
      %mul3A_412 = arith.constant 8.000000e+00 : f32
      %mul3A_413 = vector.broadcast %mul3A_412 : f32 to vector<16xf32>
      %mul3A_414 = arith.mulf %get3A_411, %mul3A_413 : vector<16xf32>
      %swap3A_415 = arith.constant 8 : i32
      %swap3A_416 = arith.index_cast %swap3A_415 : i32 to index
      %swap3A_417 = arith.constant 48 : index
      %swap3A_418 = tpu.vector_load %arg7[%swap3A_416, %swap3A_417] {strides = array<i32>} : memref<128x128xf32, #tpu.memory_space<vmem>>, vector<16xf32>,
      tpu.vector_store %arg7[%swap3A_416, %swap3A_417], %mul3A_414 {strides = array<i32>} : memref<128x128xf32, #tpu.memory_space<vmem>>, vector<16xf32>,
      %get3A_419 = arith.constant 9 : i32
      %get3A_420 = arith.index_cast %get3A_419 : i32 to index
      %get3A_421 = arith.constant 0 : index
      %get3A_422 = tpu.vector_load %arg9[%get3A_420, %get3A_421] {strides = array<i32>} : memref<64x64xf32, #tpu.memory_space<vmem>>, vector<16xf32>,
      %mul3A_423 = arith.constant 8.000000e+00 : f32
      %mul3A_424 = vector.broadcast %mul3A_423 : f32 to vector<16xf32>
      %mul3A_425 = arith.mulf %get3A_422, %mul3A_424 : vector<16xf32>
      %swap3A_426 = arith.constant 9 : i32
      %swap3A_427 = arith.index_cast %swap3A_426 : i32 to index
      %swap3A_428 = arith.constant 0 : index
      %swap3A_429 = tpu.vector_load %arg7[%swap3A_427, %swap3A_428] {strides = array<i32>} : memref<128x128xf32, #tpu.memory_space<vmem>>, vector<16xf32>,
      tpu.vector_store %arg7[%swap3A_427, %swap3A_428], %mul3A_425 {strides = array<i32>} : memref<128x128xf32, #tpu.memory_space<vmem>>, vector<16xf32>,
      %get3A_430 = arith.constant 9 : i32
      %get3A_431 = arith.index_cast %get3A_430 : i32 to index
      %get3A_432 = arith.constant 16 : index
      %get3A_433 = tpu.vector_load %arg9[%get3A_431, %get3A_432] {strides = array<i32>} : memref<64x64xf32, #tpu.memory_space<vmem>>, vector<16xf32>,
      %mul3A_434 = arith.constant 8.000000e+00 : f32
      %mul3A_435 = vector.broadcast %mul3A_434 : f32 to vector<16xf32>
      %mul3A_436 = arith.mulf %get3A_433, %mul3A_435 : vector<16xf32>
      %swap3A_437 = arith.constant 9 : i32
      %swap3A_438 = arith.index_cast %swap3A_437 : i32 to index
      %swap3A_439 = arith.constant 16 : index
      %swap3A_440 = tpu.vector_load %arg7[%swap3A_438, %swap3A_439] {strides = array<i32>} : memref<128x128xf32, #tpu.memory_space<vmem>>, vector<16xf32>,
      tpu.vector_store %arg7[%swap3A_438, %swap3A_439], %mul3A_436 {strides = array<i32>} : memref<128x128xf32, #tpu.memory_space<vmem>>, vector<16xf32>,
      %get3A_441 = arith.constant 9 : i32
      %get3A_442 = arith.index_cast %get3A_441 : i32 to index
      %get3A_443 = arith.constant 32 : index
      %get3A_444 = tpu.vector_load %arg9[%get3A_442, %get3A_443] {strides = array<i32>} : memref<64x64xf32, #tpu.memory_space<vmem>>, vector<16xf32>,
      %mul3A_445 = arith.constant 8.000000e+00 : f32
      %mul3A_446 = vector.broadcast %mul3A_445 : f32 to vector<16xf32>
      %mul3A_447 = arith.mulf %get3A_444, %mul3A_446 : vector<16xf32>
      %swap3A_448 = arith.constant 9 : i32
      %swap3A_449 = arith.index_cast %swap3A_448 : i32 to index
      %swap3A_450 = arith.constant 32 : index
      %swap3A_451 = tpu.vector_load %arg7[%swap3A_449, %swap3A_450] {strides = array<i32>} : memref<128x128xf32, #tpu.memory_space<vmem>>, vector<16xf32>,
      tpu.vector_store %arg7[%swap3A_449, %swap3A_450], %mul3A_447 {strides = array<i32>} : memref<128x128xf32, #tpu.memory_space<vmem>>, vector<16xf32>,
      %get3A_452 = arith.constant 9 : i32
      %get3A_453 = arith.index_cast %get3A_452 : i32 to index
      %get3A_454 = arith.constant 48 : index
      %get3A_455 = tpu.vector_load %arg9[%get3A_453, %get3A_454] {strides = array<i32>} : memref<64x64xf32, #tpu.memory_space<vmem>>, vector<16xf32>,
      %mul3A_456 = arith.constant 8.000000e+00 : f32
      %mul3A_457 = vector.broadcast %mul3A_456 : f32 to vector<16xf32>
      %mul3A_458 = arith.mulf %get3A_455, %mul3A_457 : vector<16xf32>
      %swap3A_459 = arith.constant 9 : i32
      %swap3A_460 = arith.index_cast %swap3A_459 : i32 to index
      %swap3A_461 = arith.constant 48 : index
      %swap3A_462 = tpu.vector_load %arg7[%swap3A_460, %swap3A_461] {strides = array<i32>} : memref<128x128xf32, #tpu.memory_space<vmem>>, vector<16xf32>,
      tpu.vector_store %arg7[%swap3A_460, %swap3A_461], %mul3A_458 {strides = array<i32>} : memref<128x128xf32, #tpu.memory_space<vmem>>, vector<16xf32>,
      %get3A_463 = arith.constant 10 : i32
      %get3A_464 = arith.index_cast %get3A_463 : i32 to index
      %get3A_465 = arith.constant 0 : index
      %get3A_466 = tpu.vector_load %arg9[%get3A_464, %get3A_465] {strides = array<i32>} : memref<64x64xf32, #tpu.memory_space<vmem>>, vector<16xf32>,
      %mul3A_467 = arith.constant 8.000000e+00 : f32
      %mul3A_468 = vector.broadcast %mul3A_467 : f32 to vector<16xf32>
      %mul3A_469 = arith.mulf %get3A_466, %mul3A_468 : vector<16xf32>
      %swap3A_470 = arith.constant 10 : i32
      %swap3A_471 = arith.index_cast %swap3A_470 : i32 to index
      %swap3A_472 = arith.constant 0 : index
      %swap3A_473 = tpu.vector_load %arg7[%swap3A_471, %swap3A_472] {strides = array<i32>} : memref<128x128xf32, #tpu.memory_space<vmem>>, vector<16xf32>,
      tpu.vector_store %arg7[%swap3A_471, %swap3A_472], %mul3A_469 {strides = array<i32>} : memref<128x128xf32, #tpu.memory_space<vmem>>, vector<16xf32>,
      %get3A_474 = arith.constant 10 : i32
      %get3A_475 = arith.index_cast %get3A_474 : i32 to index
      %get3A_476 = arith.constant 16 : index
      %get3A_477 = tpu.vector_load %arg9[%get3A_475, %get3A_476] {strides = array<i32>} : memref<64x64xf32, #tpu.memory_space<vmem>>, vector<16xf32>,
      %mul3A_478 = arith.constant 8.000000e+00 : f32
      %mul3A_479 = vector.broadcast %mul3A_478 : f32 to vector<16xf32>
      %mul3A_480 = arith.mulf %get3A_477, %mul3A_479 : vector<16xf32>
      %swap3A_481 = arith.constant 10 : i32
      %swap3A_482 = arith.index_cast %swap3A_481 : i32 to index
      %swap3A_483 = arith.constant 16 : index
      %swap3A_484 = tpu.vector_load %arg7[%swap3A_482, %swap3A_483] {strides = array<i32>} : memref<128x128xf32, #tpu.memory_space<vmem>>, vector<16xf32>,
      tpu.vector_store %arg7[%swap3A_482, %swap3A_483], %mul3A_480 {strides = array<i32>} : memref<128x128xf32, #tpu.memory_space<vmem>>, vector<16xf32>,
      %get3A_485 = arith.constant 10 : i32
      %get3A_486 = arith.index_cast %get3A_485 : i32 to index
      %get3A_487 = arith.constant 32 : index
      %get3A_488 = tpu.vector_load %arg9[%get3A_486, %get3A_487] {strides = array<i32>} : memref<64x64xf32, #tpu.memory_space<vmem>>, vector<16xf32>,
      %mul3A_489 = arith.constant 8.000000e+00 : f32
      %mul3A_490 = vector.broadcast %mul3A_489 : f32 to vector<16xf32>
      %mul3A_491 = arith.mulf %get3A_488, %mul3A_490 : vector<16xf32>
      %swap3A_492 = arith.constant 10 : i32
      %swap3A_493 = arith.index_cast %swap3A_492 : i32 to index
      %swap3A_494 = arith.constant 32 : index
      %swap3A_495 = tpu.vector_load %arg7[%swap3A_493, %swap3A_494] {strides = array<i32>} : memref<128x128xf32, #tpu.memory_space<vmem>>, vector<16xf32>,
      tpu.vector_store %arg7[%swap3A_493, %swap3A_494], %mul3A_491 {strides = array<i32>} : memref<128x128xf32, #tpu.memory_space<vmem>>, vector<16xf32>,
      %get3A_496 = arith.constant 10 : i32
      %get3A_497 = arith.index_cast %get3A_496 : i32 to index
      %get3A_498 = arith.constant 48 : index
      %get3A_499 = tpu.vector_load %arg9[%get3A_497, %get3A_498] {strides = array<i32>} : memref<64x64xf32, #tpu.memory_space<vmem>>, vector<16xf32>,
      %mul3A_500 = arith.constant 8.000000e+00 : f32
      %mul3A_501 = vector.broadcast %mul3A_500 : f32 to vector<16xf32>
      %mul3A_502 = arith.mulf %get3A_499, %mul3A_501 : vector<16xf32>
      %swap3A_503 = arith.constant 10 : i32
      %swap3A_504 = arith.index_cast %swap3A_503 : i32 to index
      %swap3A_505 = arith.constant 48 : index
      %swap3A_506 = tpu.vector_load %arg7[%swap3A_504, %swap3A_505] {strides = array<i32>} : memref<128x128xf32, #tpu.memory_space<vmem>>, vector<16xf32>,
      tpu.vector_store %arg7[%swap3A_504, %swap3A_505], %mul3A_502 {strides = array<i32>} : memref<128x128xf32, #tpu.memory_space<vmem>>, vector<16xf32>,
      %get3A_507 = arith.constant 11 : i32
      %get3A_508 = arith.index_cast %get3A_507 : i32 to index
      %get3A_509 = arith.constant 0 : index
      %get3A_510 = tpu.vector_load %arg9[%get3A_508, %get3A_509] {strides = array<i32>} : memref<64x64xf32, #tpu.memory_space<vmem>>, vector<16xf32>,
      %mul3A_511 = arith.constant 8.000000e+00 : f32
      %mul3A_512 = vector.broadcast %mul3A_511 : f32 to vector<16xf32>
      %mul3A_513 = arith.mulf %get3A_510, %mul3A_512 : vector<16xf32>
      %swap3A_514 = arith.constant 11 : i32
      %swap3A_515 = arith.index_cast %swap3A_514 : i32 to index
      %swap3A_516 = arith.constant 0 : index
      %swap3A_517 = tpu.vector_load %arg7[%swap3A_515, %swap3A_516] {strides = array<i32>} : memref<128x128xf32, #tpu.memory_space<vmem>>, vector<16xf32>,
      tpu.vector_store %arg7[%swap3A_515, %swap3A_516], %mul3A_513 {strides = array<i32>} : memref<128x128xf32, #tpu.memory_space<vmem>>, vector<16xf32>,
      %get3A_518 = arith.constant 11 : i32
      %get3A_519 = arith.index_cast %get3A_518 : i32 to index
      %get3A_520 = arith.constant 16 : index
      %get3A_521 = tpu.vector_load %arg9[%get3A_519, %get3A_520] {strides = array<i32>} : memref<64x64xf32, #tpu.memory_space<vmem>>, vector<16xf32>,
      %mul3A_522 = arith.constant 8.000000e+00 : f32
      %mul3A_523 = vector.broadcast %mul3A_522 : f32 to vector<16xf32>
      %mul3A_524 = arith.mulf %get3A_521, %mul3A_523 : vector<16xf32>
      %swap3A_525 = arith.constant 11 : i32
      %swap3A_526 = arith.index_cast %swap3A_525 : i32 to index
      %swap3A_527 = arith.constant 16 : index
      %swap3A_528 = tpu.vector_load %arg7[%swap3A_526, %swap3A_527] {strides = array<i32>} : memref<128x128xf32, #tpu.memory_space<vmem>>, vector<16xf32>,
      tpu.vector_store %arg7[%swap3A_526, %swap3A_527], %mul3A_524 {strides = array<i32>} : memref<128x128xf32, #tpu.memory_space<vmem>>, vector<16xf32>,
      %get3A_529 = arith.constant 11 : i32
      %get3A_530 = arith.index_cast %get3A_529 : i32 to index
      %get3A_531 = arith.constant 32 : index
      %get3A_532 = tpu.vector_load %arg9[%get3A_530, %get3A_531] {strides = array<i32>} : memref<64x64xf32, #tpu.memory_space<vmem>>, vector<16xf32>,
      %mul3A_533 = arith.constant 8.000000e+00 : f32
      %mul3A_534 = vector.broadcast %mul3A_533 : f32 to vector<16xf32>
      %mul3A_535 = arith.mulf %get3A_532, %mul3A_534 : vector<16xf32>
      %swap3A_536 = arith.constant 11 : i32
      %swap3A_537 = arith.index_cast %swap3A_536 : i32 to index
      %swap3A_538 = arith.constant 32 : index
      %swap3A_539 = tpu.vector_load %arg7[%swap3A_537, %swap3A_538] {strides = array<i32>} : memref<128x128xf32, #tpu.memory_space<vmem>>, vector<16xf32>,
      tpu.vector_store %arg7[%swap3A_537, %swap3A_538], %mul3A_535 {strides = array<i32>} : memref<128x128xf32, #tpu.memory_space<vmem>>, vector<16xf32>,
      %get3A_540 = arith.constant 11 : i32
      %get3A_541 = arith.index_cast %get3A_540 : i32 to index
      %get3A_542 = arith.constant 48 : index
      %get3A_543 = tpu.vector_load %arg9[%get3A_541, %get3A_542] {strides = array<i32>} : memref<64x64xf32, #tpu.memory_space<vmem>>, vector<16xf32>,
      %mul3A_544 = arith.constant 8.000000e+00 : f32
      %mul3A_545 = vector.broadcast %mul3A_544 : f32 to vector<16xf32>
      %mul3A_546 = arith.mulf %get3A_543, %mul3A_545 : vector<16xf32>
      %swap3A_547 = arith.constant 11 : i32
      %swap3A_548 = arith.index_cast %swap3A_547 : i32 to index
      %swap3A_549 = arith.constant 48 : index
      %swap3A_550 = tpu.vector_load %arg7[%swap3A_548, %swap3A_549] {strides = array<i32>} : memref<128x128xf32, #tpu.memory_space<vmem>>, vector<16xf32>,
      tpu.vector_store %arg7[%swap3A_548, %swap3A_549], %mul3A_546 {strides = array<i32>} : memref<128x128xf32, #tpu.memory_space<vmem>>, vector<16xf32>,
      %get3A_551 = arith.constant 12 : i32
      %get3A_552 = arith.index_cast %get3A_551 : i32 to index
      %get3A_553 = arith.constant 0 : index
      %get3A_554 = tpu.vector_load %arg9[%get3A_552, %get3A_553] {strides = array<i32>} : memref<64x64xf32, #tpu.memory_space<vmem>>, vector<16xf32>,
      %mul3A_555 = arith.constant 8.000000e+00 : f32
      %mul3A_556 = vector.broadcast %mul3A_555 : f32 to vector<16xf32>
      %mul3A_557 = arith.mulf %get3A_554, %mul3A_556 : vector<16xf32>
      %swap3A_558 = arith.constant 12 : i32
      %swap3A_559 = arith.index_cast %swap3A_558 : i32 to index
      %swap3A_560 = arith.constant 0 : index
      %swap3A_561 = tpu.vector_load %arg7[%swap3A_559, %swap3A_560] {strides = array<i32>} : memref<128x128xf32, #tpu.memory_space<vmem>>, vector<16xf32>,
      tpu.vector_store %arg7[%swap3A_559, %swap3A_560], %mul3A_557 {strides = array<i32>} : memref<128x128xf32, #tpu.memory_space<vmem>>, vector<16xf32>,
      %get3A_562 = arith.constant 12 : i32
      %get3A_563 = arith.index_cast %get3A_562 : i32 to index
      %get3A_564 = arith.constant 16 : index
      %get3A_565 = tpu.vector_load %arg9[%get3A_563, %get3A_564] {strides = array<i32>} : memref<64x64xf32, #tpu.memory_space<vmem>>, vector<16xf32>,
      %mul3A_566 = arith.constant 8.000000e+00 : f32
      %mul3A_567 = vector.broadcast %mul3A_566 : f32 to vector<16xf32>
      %mul3A_568 = arith.mulf %get3A_565, %mul3A_567 : vector<16xf32>
      %swap3A_569 = arith.constant 12 : i32
      %swap3A_570 = arith.index_cast %swap3A_569 : i32 to index
      %swap3A_571 = arith.constant 16 : index
      %swap3A_572 = tpu.vector_load %arg7[%swap3A_570, %swap3A_571] {strides = array<i32>} : memref<128x128xf32, #tpu.memory_space<vmem>>, vector<16xf32>,
      tpu.vector_store %arg7[%swap3A_570, %swap3A_571], %mul3A_568 {strides = array<i32>} : memref<128x128xf32, #tpu.memory_space<vmem>>, vector<16xf32>,
      %get3A_573 = arith.constant 12 : i32
      %get3A_574 = arith.index_cast %get3A_573 : i32 to index
      %get3A_575 = arith.constant 32 : index
      %get3A_576 = tpu.vector_load %arg9[%get3A_574, %get3A_575] {strides = array<i32>} : memref<64x64xf32, #tpu.memory_space<vmem>>, vector<16xf32>,
      %mul3A_577 = arith.constant 8.000000e+00 : f32
      %mul3A_578 = vector.broadcast %mul3A_577 : f32 to vector<16xf32>
      %mul3A_579 = arith.mulf %get3A_576, %mul3A_578 : vector<16xf32>
      %swap3A_580 = arith.constant 12 : i32
      %swap3A_581 = arith.index_cast %swap3A_580 : i32 to index
      %swap3A_582 = arith.constant 32 : index
      %swap3A_583 = tpu.vector_load %arg7[%swap3A_581, %swap3A_582] {strides = array<i32>} : memref<128x128xf32, #tpu.memory_space<vmem>>, vector<16xf32>,
      tpu.vector_store %arg7[%swap3A_581, %swap3A_582], %mul3A_579 {strides = array<i32>} : memref<128x128xf32, #tpu.memory_space<vmem>>, vector<16xf32>,
      %get3A_584 = arith.constant 12 : i32
      %get3A_585 = arith.index_cast %get3A_584 : i32 to index
      %get3A_586 = arith.constant 48 : index
      %get3A_587 = tpu.vector_load %arg9[%get3A_585, %get3A_586] {strides = array<i32>} : memref<64x64xf32, #tpu.memory_space<vmem>>, vector<16xf32>,
      %mul3A_588 = arith.constant 8.000000e+00 : f32
      %mul3A_589 = vector.broadcast %mul3A_588 : f32 to vector<16xf32>
      %mul3A_590 = arith.mulf %get3A_587, %mul3A_589 : vector<16xf32>
      %swap3A_591 = arith.constant 12 : i32
      %swap3A_592 = arith.index_cast %swap3A_591 : i32 to index
      %swap3A_593 = arith.constant 48 : index
      %swap3A_594 = tpu.vector_load %arg7[%swap3A_592, %swap3A_593] {strides = array<i32>} : memref<128x128xf32, #tpu.memory_space<vmem>>, vector<16xf32>,
      tpu.vector_store %arg7[%swap3A_592, %swap3A_593], %mul3A_590 {strides = array<i32>} : memref<128x128xf32, #tpu.memory_space<vmem>>, vector<16xf32>,
      %get3A_595 = arith.constant 13 : i32
      %get3A_596 = arith.index_cast %get3A_595 : i32 to index
      %get3A_597 = arith.constant 0 : index
      %get3A_598 = tpu.vector_load %arg9[%get3A_596, %get3A_597] {strides = array<i32>} : memref<64x64xf32, #tpu.memory_space<vmem>>, vector<16xf32>,
      %mul3A_599 = arith.constant 8.000000e+00 : f32
      %mul3A_600 = vector.broadcast %mul3A_599 : f32 to vector<16xf32>
      %mul3A_601 = arith.mulf %get3A_598, %mul3A_600 : vector<16xf32>
      %swap3A_602 = arith.constant 13 : i32
      %swap3A_603 = arith.index_cast %swap3A_602 : i32 to index
      %swap3A_604 = arith.constant 0 : index
      %swap3A_605 = tpu.vector_load %arg7[%swap3A_603, %swap3A_604] {strides = array<i32>} : memref<128x128xf32, #tpu.memory_space<vmem>>, vector<16xf32>,
      tpu.vector_store %arg7[%swap3A_603, %swap3A_604], %mul3A_601 {strides = array<i32>} : memref<128x128xf32, #tpu.memory_space<vmem>>, vector<16xf32>,
      %get3A_606 = arith.constant 13 : i32
      %get3A_607 = arith.index_cast %get3A_606 : i32 to index
      %get3A_608 = arith.constant 16 : index
      %get3A_609 = tpu.vector_load %arg9[%get3A_607, %get3A_608] {strides = array<i32>} : memref<64x64xf32, #tpu.memory_space<vmem>>, vector<16xf32>,
      %mul3A_610 = arith.constant 8.000000e+00 : f32
      %mul3A_611 = vector.broadcast %mul3A_610 : f32 to vector<16xf32>
      %mul3A_612 = arith.mulf %get3A_609, %mul3A_611 : vector<16xf32>
      %swap3A_613 = arith.constant 13 : i32
      %swap3A_614 = arith.index_cast %swap3A_613 : i32 to index
      %swap3A_615 = arith.constant 16 : index
      %swap3A_616 = tpu.vector_load %arg7[%swap3A_614, %swap3A_615] {strides = array<i32>} : memref<128x128xf32, #tpu.memory_space<vmem>>, vector<16xf32>,
      tpu.vector_store %arg7[%swap3A_614, %swap3A_615], %mul3A_612 {strides = array<i32>} : memref<128x128xf32, #tpu.memory_space<vmem>>, vector<16xf32>,
      %get3A_617 = arith.constant 13 : i32
      %get3A_618 = arith.index_cast %get3A_617 : i32 to index
      %get3A_619 = arith.constant 32 : index
      %get3A_620 = tpu.vector_load %arg9[%get3A_618, %get3A_619] {strides = array<i32>} : memref<64x64xf32, #tpu.memory_space<vmem>>, vector<16xf32>,
      %mul3A_621 = arith.constant 8.000000e+00 : f32
      %mul3A_622 = vector.broadcast %mul3A_621 : f32 to vector<16xf32>
      %mul3A_623 = arith.mulf %get3A_620, %mul3A_622 : vector<16xf32>
      %swap3A_624 = arith.constant 13 : i32
      %swap3A_625 = arith.index_cast %swap3A_624 : i32 to index
      %swap3A_626 = arith.constant 32 : index
      %swap3A_627 = tpu.vector_load %arg7[%swap3A_625, %swap3A_626] {strides = array<i32>} : memref<128x128xf32, #tpu.memory_space<vmem>>, vector<16xf32>,
      tpu.vector_store %arg7[%swap3A_625, %swap3A_626], %mul3A_623 {strides = array<i32>} : memref<128x128xf32, #tpu.memory_space<vmem>>, vector<16xf32>,
      %get3A_628 = arith.constant 13 : i32
      %get3A_629 = arith.index_cast %get3A_628 : i32 to index
      %get3A_630 = arith.constant 48 : index
      %get3A_631 = tpu.vector_load %arg9[%get3A_629, %get3A_630] {strides = array<i32>} : memref<64x64xf32, #tpu.memory_space<vmem>>, vector<16xf32>,
      %mul3A_632 = arith.constant 8.000000e+00 : f32
      %mul3A_633 = vector.broadcast %mul3A_632 : f32 to vector<16xf32>
      %mul3A_634 = arith.mulf %get3A_631, %mul3A_633 : vector<16xf32>
      %swap3A_635 = arith.constant 13 : i32
      %swap3A_636 = arith.index_cast %swap3A_635 : i32 to index
      %swap3A_637 = arith.constant 48 : index
      %swap3A_638 = tpu.vector_load %arg7[%swap3A_636, %swap3A_637] {strides = array<i32>} : memref<128x128xf32, #tpu.memory_space<vmem>>, vector<16xf32>,
      tpu.vector_store %arg7[%swap3A_636, %swap3A_637], %mul3A_634 {strides = array<i32>} : memref<128x128xf32, #tpu.memory_space<vmem>>, vector<16xf32>,
      %get3A_639 = arith.constant 14 : i32
      %get3A_640 = arith.index_cast %get3A_639 : i32 to index
      %get3A_641 = arith.constant 0 : index
      %get3A_642 = tpu.vector_load %arg9[%get3A_640, %get3A_641] {strides = array<i32>} : memref<64x64xf32, #tpu.memory_space<vmem>>, vector<16xf32>,
      %mul3A_643 = arith.constant 8.000000e+00 : f32
      %mul3A_644 = vector.broadcast %mul3A_643 : f32 to vector<16xf32>
      %mul3A_645 = arith.mulf %get3A_642, %mul3A_644 : vector<16xf32>
      %swap3A_646 = arith.constant 14 : i32
      %swap3A_647 = arith.index_cast %swap3A_646 : i32 to index
      %swap3A_648 = arith.constant 0 : index
      %swap3A_649 = tpu.vector_load %arg7[%swap3A_647, %swap3A_648] {strides = array<i32>} : memref<128x128xf32, #tpu.memory_space<vmem>>, vector<16xf32>,
      tpu.vector_store %arg7[%swap3A_647, %swap3A_648], %mul3A_645 {strides = array<i32>} : memref<128x128xf32, #tpu.memory_space<vmem>>, vector<16xf32>,
      %get3A_650 = arith.constant 14 : i32
      %get3A_651 = arith.index_cast %get3A_650 : i32 to index
      %get3A_652 = arith.constant 16 : index
      %get3A_653 = tpu.vector_load %arg9[%get3A_651, %get3A_652] {strides = array<i32>} : memref<64x64xf32, #tpu.memory_space<vmem>>, vector<16xf32>,
      %mul3A_654 = arith.constant 8.000000e+00 : f32
      %mul3A_655 = vector.broadcast %mul3A_654 : f32 to vector<16xf32>
      %mul3A_656 = arith.mulf %get3A_653, %mul3A_655 : vector<16xf32>
      %swap3A_657 = arith.constant 14 : i32
      %swap3A_658 = arith.index_cast %swap3A_657 : i32 to index
      %swap3A_659 = arith.constant 16 : index
      %swap3A_660 = tpu.vector_load %arg7[%swap3A_658, %swap3A_659] {strides = array<i32>} : memref<128x128xf32, #tpu.memory_space<vmem>>, vector<16xf32>,
      tpu.vector_store %arg7[%swap3A_658, %swap3A_659], %mul3A_656 {strides = array<i32>} : memref<128x128xf32, #tpu.memory_space<vmem>>, vector<16xf32>,
      %get3A_661 = arith.constant 14 : i32
      %get3A_662 = arith.index_cast %get3A_661 : i32 to index
      %get3A_663 = arith.constant 32 : index
      %get3A_664 = tpu.vector_load %arg9[%get3A_662, %get3A_663] {strides = array<i32>} : memref<64x64xf32, #tpu.memory_space<vmem>>, vector<16xf32>,
      %mul3A_665 = arith.constant 8.000000e+00 : f32
      %mul3A_666 = vector.broadcast %mul3A_665 : f32 to vector<16xf32>
      %mul3A_667 = arith.mulf %get3A_664, %mul3A_666 : vector<16xf32>
      %swap3A_668 = arith.constant 14 : i32
      %swap3A_669 = arith.index_cast %swap3A_668 : i32 to index
      %swap3A_670 = arith.constant 32 : index
      %swap3A_671 = tpu.vector_load %arg7[%swap3A_669, %swap3A_670] {strides = array<i32>} : memref<128x128xf32, #tpu.memory_space<vmem>>, vector<16xf32>,
      tpu.vector_store %arg7[%swap3A_669, %swap3A_670], %mul3A_667 {strides = array<i32>} : memref<128x128xf32, #tpu.memory_space<vmem>>, vector<16xf32>,
      %get3A_672 = arith.constant 14 : i32
      %get3A_673 = arith.index_cast %get3A_672 : i32 to index
      %get3A_674 = arith.constant 48 : index
      %get3A_675 = tpu.vector_load %arg9[%get3A_673, %get3A_674] {strides = array<i32>} : memref<64x64xf32, #tpu.memory_space<vmem>>, vector<16xf32>,
      %mul3A_676 = arith.constant 8.000000e+00 : f32
      %mul3A_677 = vector.broadcast %mul3A_676 : f32 to vector<16xf32>
      %mul3A_678 = arith.mulf %get3A_675, %mul3A_677 : vector<16xf32>
      %swap3A_679 = arith.constant 14 : i32
      %swap3A_680 = arith.index_cast %swap3A_679 : i32 to index
      %swap3A_681 = arith.constant 48 : index
      %swap3A_682 = tpu.vector_load %arg7[%swap3A_680, %swap3A_681] {strides = array<i32>} : memref<128x128xf32, #tpu.memory_space<vmem>>, vector<16xf32>,
      tpu.vector_store %arg7[%swap3A_680, %swap3A_681], %mul3A_678 {strides = array<i32>} : memref<128x128xf32, #tpu.memory_space<vmem>>, vector<16xf32>,
      %get3A_683 = arith.constant 15 : i32
      %get3A_684 = arith.index_cast %get3A_683 : i32 to index
      %get3A_685 = arith.constant 0 : index
      %get3A_686 = tpu.vector_load %arg9[%get3A_684, %get3A_685] {strides = array<i32>} : memref<64x64xf32, #tpu.memory_space<vmem>>, vector<16xf32>,
      %mul3A_687 = arith.constant 8.000000e+00 : f32
      %mul3A_688 = vector.broadcast %mul3A_687 : f32 to vector<16xf32>
      %mul3A_689 = arith.mulf %get3A_686, %mul3A_688 : vector<16xf32>
      %swap3A_690 = arith.constant 15 : i32
      %swap3A_691 = arith.index_cast %swap3A_690 : i32 to index
      %swap3A_692 = arith.constant 0 : index
      %swap3A_693 = tpu.vector_load %arg7[%swap3A_691, %swap3A_692] {strides = array<i32>} : memref<128x128xf32, #tpu.memory_space<vmem>>, vector<16xf32>,
      tpu.vector_store %arg7[%swap3A_691, %swap3A_692], %mul3A_689 {strides = array<i32>} : memref<128x128xf32, #tpu.memory_space<vmem>>, vector<16xf32>,
      %get3A_694 = arith.constant 15 : i32
      %get3A_695 = arith.index_cast %get3A_694 : i32 to index
      %get3A_696 = arith.constant 16 : index
      %get3A_697 = tpu.vector_load %arg9[%get3A_695, %get3A_696] {strides = array<i32>} : memref<64x64xf32, #tpu.memory_space<vmem>>, vector<16xf32>,
      %mul3A_698 = arith.constant 8.000000e+00 : f32
      %mul3A_699 = vector.broadcast %mul3A_698 : f32 to vector<16xf32>
      %mul3A_700 = arith.mulf %get3A_697, %mul3A_699 : vector<16xf32>
      %swap3A_701 = arith.constant 15 : i32
      %swap3A_702 = arith.index_cast %swap3A_701 : i32 to index
      %swap3A_703 = arith.constant 16 : index
      %swap3A_704 = tpu.vector_load %arg7[%swap3A_702, %swap3A_703] {strides = array<i32>} : memref<128x128xf32, #tpu.memory_space<vmem>>, vector<16xf32>,
      tpu.vector_store %arg7[%swap3A_702, %swap3A_703], %mul3A_700 {strides = array<i32>} : memref<128x128xf32, #tpu.memory_space<vmem>>, vector<16xf32>,
      %get3A_705 = arith.constant 15 : i32
      %get3A_706 = arith.index_cast %get3A_705 : i32 to index
      %get3A_707 = arith.constant 32 : index
      %get3A_708 = tpu.vector_load %arg9[%get3A_706, %get3A_707] {strides = array<i32>} : memref<64x64xf32, #tpu.memory_space<vmem>>, vector<16xf32>,
      %mul3A_709 = arith.constant 8.000000e+00 : f32
      %mul3A_710 = vector.broadcast %mul3A_709 : f32 to vector<16xf32>
      %mul3A_711 = arith.mulf %get3A_708, %mul3A_710 : vector<16xf32>
      %swap3A_712 = arith.constant 15 : i32
      %swap3A_713 = arith.index_cast %swap3A_712 : i32 to index
      %swap3A_714 = arith.constant 32 : index
      %swap3A_715 = tpu.vector_load %arg7[%swap3A_713, %swap3A_714] {strides = array<i32>} : memref<128x128xf32, #tpu.memory_space<vmem>>, vector<16xf32>,
      tpu.vector_store %arg7[%swap3A_713, %swap3A_714], %mul3A_711 {strides = array<i32>} : memref<128x128xf32, #tpu.memory_space<vmem>>, vector<16xf32>,
      %get3A_716 = arith.constant 15 : i32
      %get3A_717 = arith.index_cast %get3A_716 : i32 to index
      %get3A_718 = arith.constant 48 : index
      %get3A_719 = tpu.vector_load %arg9[%get3A_717, %get3A_718] {strides = array<i32>} : memref<64x64xf32, #tpu.memory_space<vmem>>, vector<16xf32>,
      %mul3A_720 = arith.constant 8.000000e+00 : f32
      %mul3A_721 = vector.broadcast %mul3A_720 : f32 to vector<16xf32>
      %mul3A_722 = arith.mulf %get3A_719, %mul3A_721 : vector<16xf32>
      %swap3A_723 = arith.constant 15 : i32
      %swap3A_724 = arith.index_cast %swap3A_723 : i32 to index
      %swap3A_725 = arith.constant 48 : index
      %swap3A_726 = tpu.vector_load %arg7[%swap3A_724, %swap3A_725] {strides = array<i32>} : memref<128x128xf32, #tpu.memory_space<vmem>>, vector<16xf32>,
      tpu.vector_store %arg7[%swap3A_724, %swap3A_725], %mul3A_722 {strides = array<i32>} : memref<128x128xf32, #tpu.memory_space<vmem>>, vector<16xf32>,
      %get3A_727 = arith.constant 16 : i32
      %get3A_728 = arith.index_cast %get3A_727 : i32 to index
      %get3A_729 = arith.constant 0 : index
      %get3A_730 = tpu.vector_load %arg9[%get3A_728, %get3A_729] {strides = array<i32>} : memref<64x64xf32, #tpu.memory_space<vmem>>, vector<16xf32>,
      %mul3A_731 = arith.constant 8.000000e+00 : f32
      %mul3A_732 = vector.broadcast %mul3A_731 : f32 to vector<16xf32>
      %mul3A_733 = arith.mulf %get3A_730, %mul3A_732 : vector<16xf32>
      %swap3A_734 = arith.constant 16 : i32
      %swap3A_735 = arith.index_cast %swap3A_734 : i32 to index
      %swap3A_736 = arith.constant 0 : index
      %swap3A_737 = tpu.vector_load %arg7[%swap3A_735, %swap3A_736] {strides = array<i32>} : memref<128x128xf32, #tpu.memory_space<vmem>>, vector<16xf32>,
      tpu.vector_store %arg7[%swap3A_735, %swap3A_736], %mul3A_733 {strides = array<i32>} : memref<128x128xf32, #tpu.memory_space<vmem>>, vector<16xf32>,
      %get3A_738 = arith.constant 16 : i32
      %get3A_739 = arith.index_cast %get3A_738 : i32 to index
      %get3A_740 = arith.constant 16 : index
      %get3A_741 = tpu.vector_load %arg9[%get3A_739, %get3A_740] {strides = array<i32>} : memref<64x64xf32, #tpu.memory_space<vmem>>, vector<16xf32>,
      %mul3A_742 = arith.constant 8.000000e+00 : f32
      %mul3A_743 = vector.broadcast %mul3A_742 : f32 to vector<16xf32>
      %mul3A_744 = arith.mulf %get3A_741, %mul3A_743 : vector<16xf32>
      %swap3A_745 = arith.constant 16 : i32
      %swap3A_746 = arith.index_cast %swap3A_745 : i32 to index
      %swap3A_747 = arith.constant 16 : index
      %swap3A_748 = tpu.vector_load %arg7[%swap3A_746, %swap3A_747] {strides = array<i32>} : memref<128x128xf32, #tpu.memory_space<vmem>>, vector<16xf32>,
      tpu.vector_store %arg7[%swap3A_746, %swap3A_747], %mul3A_744 {strides = array<i32>} : memref<128x128xf32, #tpu.memory_space<vmem>>, vector<16xf32>,
      %get3A_749 = arith.constant 16 : i32
      %get3A_750 = arith.index_cast %get3A_749 : i32 to index
      %get3A_751 = arith.constant 32 : index
      %get3A_752 = tpu.vector_load %arg9[%get3A_750, %get3A_751] {strides = array<i32>} : memref<64x64xf32, #tpu.memory_space<vmem>>, vector<16xf32>,
      %mul3A_753 = arith.constant 8.000000e+00 : f32
      %mul3A_754 = vector.broadcast %mul3A_753 : f32 to vector<16xf32>
      %mul3A_755 = arith.mulf %get3A_752, %mul3A_754 : vector<16xf32>
      %swap3A_756 = arith.constant 16 : i32
      %swap3A_757 = arith.index_cast %swap3A_756 : i32 to index
      %swap3A_758 = arith.constant 32 : index
      %swap3A_759 = tpu.vector_load %arg7[%swap3A_757, %swap3A_758] {strides = array<i32>} : memref<128x128xf32, #tpu.memory_space<vmem>>, vector<16xf32>,
      tpu.vector_store %arg7[%swap3A_757, %swap3A_758], %mul3A_755 {strides = array<i32>} : memref<128x128xf32, #tpu.memory_space<vmem>>, vector<16xf32>,
      %get3A_760 = arith.constant 16 : i32
      %get3A_761 = arith.index_cast %get3A_760 : i32 to index
      %get3A_762 = arith.constant 48 : index
      %get3A_763 = tpu.vector_load %arg9[%get3A_761, %get3A_762] {strides = array<i32>} : memref<64x64xf32, #tpu.memory_space<vmem>>, vector<16xf32>,
      %mul3A_764 = arith.constant 8.000000e+00 : f32
      %mul3A_765 = vector.broadcast %mul3A_764 : f32 to vector<16xf32>
      %mul3A_766 = arith.mulf %get3A_763, %mul3A_765 : vector<16xf32>
      %swap3A_767 = arith.constant 16 : i32
      %swap3A_768 = arith.index_cast %swap3A_767 : i32 to index
      %swap3A_769 = arith.constant 48 : index
      %swap3A_770 = tpu.vector_load %arg7[%swap3A_768, %swap3A_769] {strides = array<i32>} : memref<128x128xf32, #tpu.memory_space<vmem>>, vector<16xf32>,
      tpu.vector_store %arg7[%swap3A_768, %swap3A_769], %mul3A_766 {strides = array<i32>} : memref<128x128xf32, #tpu.memory_space<vmem>>, vector<16xf32>,
      %get3A_771 = arith.constant 17 : i32
      %get3A_772 = arith.index_cast %get3A_771 : i32 to index
      %get3A_773 = arith.constant 0 : index
      %get3A_774 = tpu.vector_load %arg9[%get3A_772, %get3A_773] {strides = array<i32>} : memref<64x64xf32, #tpu.memory_space<vmem>>, vector<16xf32>,
      %mul3A_775 = arith.constant 8.000000e+00 : f32
      %mul3A_776 = vector.broadcast %mul3A_775 : f32 to vector<16xf32>
      %mul3A_777 = arith.mulf %get3A_774, %mul3A_776 : vector<16xf32>
      %swap3A_778 = arith.constant 17 : i32
      %swap3A_779 = arith.index_cast %swap3A_778 : i32 to index
      %swap3A_780 = arith.constant 0 : index
      %swap3A_781 = tpu.vector_load %arg7[%swap3A_779, %swap3A_780] {strides = array<i32>} : memref<128x128xf32, #tpu.memory_space<vmem>>, vector<16xf32>,
      tpu.vector_store %arg7[%swap3A_779, %swap3A_780], %mul3A_777 {strides = array<i32>} : memref<128x128xf32, #tpu.memory_space<vmem>>, vector<16xf32>,
      %get3A_782 = arith.constant 17 : i32
      %get3A_783 = arith.index_cast %get3A_782 : i32 to index
      %get3A_784 = arith.constant 16 : index
      %get3A_785 = tpu.vector_load %arg9[%get3A_783, %get3A_784] {strides = array<i32>} : memref<64x64xf32, #tpu.memory_space<vmem>>, vector<16xf32>,
      %mul3A_786 = arith.constant 8.000000e+00 : f32
      %mul3A_787 = vector.broadcast %mul3A_786 : f32 to vector<16xf32>
      %mul3A_788 = arith.mulf %get3A_785, %mul3A_787 : vector<16xf32>
      %swap3A_789 = arith.constant 17 : i32
      %swap3A_790 = arith.index_cast %swap3A_789 : i32 to index
      %swap3A_791 = arith.constant 16 : index
      %swap3A_792 = tpu.vector_load %arg7[%swap3A_790, %swap3A_791] {strides = array<i32>} : memref<128x128xf32, #tpu.memory_space<vmem>>, vector<16xf32>,
      tpu.vector_store %arg7[%swap3A_790, %swap3A_791], %mul3A_788 {strides = array<i32>} : memref<128x128xf32, #tpu.memory_space<vmem>>, vector<16xf32>,
      %get3A_793 = arith.constant 17 : i32
      %get3A_794 = arith.index_cast %get3A_793 : i32 to index
      %get3A_795 = arith.constant 32 : index
      %get3A_796 = tpu.vector_load %arg9[%get3A_794, %get3A_795] {strides = array<i32>} : memref<64x64xf32, #tpu.memory_space<vmem>>, vector<16xf32>,
      %mul3A_797 = arith.constant 8.000000e+00 : f32
      %mul3A_798 = vector.broadcast %mul3A_797 : f32 to vector<16xf32>
      %mul3A_799 = arith.mulf %get3A_796, %mul3A_798 : vector<16xf32>
      %swap3A_800 = arith.constant 17 : i32
      %swap3A_801 = arith.index_cast %swap3A_800 : i32 to index
      %swap3A_802 = arith.constant 32 : index
      %swap3A_803 = tpu.vector_load %arg7[%swap3A_801, %swap3A_802] {strides = array<i32>} : memref<128x128xf32, #tpu.memory_space<vmem>>, vector<16xf32>,
      tpu.vector_store %arg7[%swap3A_801, %swap3A_802], %mul3A_799 {strides = array<i32>} : memref<128x128xf32, #tpu.memory_space<vmem>>, vector<16xf32>,
      %get3A_804 = arith.constant 17 : i32
      %get3A_805 = arith.index_cast %get3A_804 : i32 to index
      %get3A_806 = arith.constant 48 : index
      %get3A_807 = tpu.vector_load %arg9[%get3A_805, %get3A_806] {strides = array<i32>} : memref<64x64xf32, #tpu.memory_space<vmem>>, vector<16xf32>,
      %mul3A_808 = arith.constant 8.000000e+00 : f32
      %mul3A_809 = vector.broadcast %mul3A_808 : f32 to vector<16xf32>
      %mul3A_810 = arith.mulf %get3A_807, %mul3A_809 : vector<16xf32>
      %swap3A_811 = arith.constant 17 : i32
      %swap3A_812 = arith.index_cast %swap3A_811 : i32 to index
      %swap3A_813 = arith.constant 48 : index
      %swap3A_814 = tpu.vector_load %arg7[%swap3A_812, %swap3A_813] {strides = array<i32>} : memref<128x128xf32, #tpu.memory_space<vmem>>, vector<16xf32>,
      tpu.vector_store %arg7[%swap3A_812, %swap3A_813], %mul3A_810 {strides = array<i32>} : memref<128x128xf32, #tpu.memory_space<vmem>>, vector<16xf32>,
      %get3A_815 = arith.constant 18 : i32
      %get3A_816 = arith.index_cast %get3A_815 : i32 to index
      %get3A_817 = arith.constant 0 : index
      %get3A_818 = tpu.vector_load %arg9[%get3A_816, %get3A_817] {strides = array<i32>} : memref<64x64xf32, #tpu.memory_space<vmem>>, vector<16xf32>,
      %mul3A_819 = arith.constant 8.000000e+00 : f32
      %mul3A_820 = vector.broadcast %mul3A_819 : f32 to vector<16xf32>
      %mul3A_821 = arith.mulf %get3A_818, %mul3A_820 : vector<16xf32>
      %swap3A_822 = arith.constant 18 : i32
      %swap3A_823 = arith.index_cast %swap3A_822 : i32 to index
      %swap3A_824 = arith.constant 0 : index
      %swap3A_825 = tpu.vector_load %arg7[%swap3A_823, %swap3A_824] {strides = array<i32>} : memref<128x128xf32, #tpu.memory_space<vmem>>, vector<16xf32>,
      tpu.vector_store %arg7[%swap3A_823, %swap3A_824], %mul3A_821 {strides = array<i32>} : memref<128x128xf32, #tpu.memory_space<vmem>>, vector<16xf32>,
      %get3A_826 = arith.constant 18 : i32
      %get3A_827 = arith.index_cast %get3A_826 : i32 to index
      %get3A_828 = arith.constant 16 : index
      %get3A_829 = tpu.vector_load %arg9[%get3A_827, %get3A_828] {strides = array<i32>} : memref<64x64xf32, #tpu.memory_space<vmem>>, vector<16xf32>,
      %mul3A_830 = arith.constant 8.000000e+00 : f32
      %mul3A_831 = vector.broadcast %mul3A_830 : f32 to vector<16xf32>
      %mul3A_832 = arith.mulf %get3A_829, %mul3A_831 : vector<16xf32>
      %swap3A_833 = arith.constant 18 : i32
      %swap3A_834 = arith.index_cast %swap3A_833 : i32 to index
      %swap3A_835 = arith.constant 16 : index
      %swap3A_836 = tpu.vector_load %arg7[%swap3A_834, %swap3A_835] {strides = array<i32>} : memref<128x128xf32, #tpu.memory_space<vmem>>, vector<16xf32>,
      tpu.vector_store %arg7[%swap3A_834, %swap3A_835], %mul3A_832 {strides = array<i32>} : memref<128x128xf32, #tpu.memory_space<vmem>>, vector<16xf32>,
      %get3A_837 = arith.constant 18 : i32
      %get3A_838 = arith.index_cast %get3A_837 : i32 to index
      %get3A_839 = arith.constant 32 : index
      %get3A_840 = tpu.vector_load %arg9[%get3A_838, %get3A_839] {strides = array<i32>} : memref<64x64xf32, #tpu.memory_space<vmem>>, vector<16xf32>,
      %mul3A_841 = arith.constant 8.000000e+00 : f32
      %mul3A_842 = vector.broadcast %mul3A_841 : f32 to vector<16xf32>
      %mul3A_843 = arith.mulf %get3A_840, %mul3A_842 : vector<16xf32>
      %swap3A_844 = arith.constant 18 : i32
      %swap3A_845 = arith.index_cast %swap3A_844 : i32 to index
      %swap3A_846 = arith.constant 32 : index
      %swap3A_847 = tpu.vector_load %arg7[%swap3A_845, %swap3A_846] {strides = array<i32>} : memref<128x128xf32, #tpu.memory_space<vmem>>, vector<16xf32>,
      tpu.vector_store %arg7[%swap3A_845, %swap3A_846], %mul3A_843 {strides = array<i32>} : memref<128x128xf32, #tpu.memory_space<vmem>>, vector<16xf32>,
      %get3A_848 = arith.constant 18 : i32
      %get3A_849 = arith.index_cast %get3A_848 : i32 to index
      %get3A_850 = arith.constant 48 : index
      %get3A_851 = tpu.vector_load %arg9[%get3A_849, %get3A_850] {strides = array<i32>} : memref<64x64xf32, #tpu.memory_space<vmem>>, vector<16xf32>,
      %mul3A_852 = arith.constant 8.000000e+00 : f32
      %mul3A_853 = vector.broadcast %mul3A_852 : f32 to vector<16xf32>
      %mul3A_854 = arith.mulf %get3A_851, %mul3A_853 : vector<16xf32>
      %swap3A_855 = arith.constant 18 : i32
      %swap3A_856 = arith.index_cast %swap3A_855 : i32 to index
      %swap3A_857 = arith.constant 48 : index
      %swap3A_858 = tpu.vector_load %arg7[%swap3A_856, %swap3A_857] {strides = array<i32>} : memref<128x128xf32, #tpu.memory_space<vmem>>, vector<16xf32>,
      tpu.vector_store %arg7[%swap3A_856, %swap3A_857], %mul3A_854 {strides = array<i32>} : memref<128x128xf32, #tpu.memory_space<vmem>>, vector<16xf32>,
      %get3A_859 = arith.constant 19 : i32
      %get3A_860 = arith.index_cast %get3A_859 : i32 to index
      %get3A_861 = arith.constant 0 : index
      %get3A_862 = tpu.vector_load %arg9[%get3A_860, %get3A_861] {strides = array<i32>} : memref<64x64xf32, #tpu.memory_space<vmem>>, vector<16xf32>,
      %mul3A_863 = arith.constant 8.000000e+00 : f32
      %mul3A_864 = vector.broadcast %mul3A_863 : f32 to vector<16xf32>
      %mul3A_865 = arith.mulf %get3A_862, %mul3A_864 : vector<16xf32>
      %swap3A_866 = arith.constant 19 : i32
      %swap3A_867 = arith.index_cast %swap3A_866 : i32 to index
      %swap3A_868 = arith.constant 0 : index
      %swap3A_869 = tpu.vector_load %arg7[%swap3A_867, %swap3A_868] {strides = array<i32>} : memref<128x128xf32, #tpu.memory_space<vmem>>, vector<16xf32>,
      tpu.vector_store %arg7[%swap3A_867, %swap3A_868], %mul3A_865 {strides = array<i32>} : memref<128x128xf32, #tpu.memory_space<vmem>>, vector<16xf32>,
      %get3A_870 = arith.constant 19 : i32
      %get3A_871 = arith.index_cast %get3A_870 : i32 to index
      %get3A_872 = arith.constant 16 : index
      %get3A_873 = tpu.vector_load %arg9[%get3A_871, %get3A_872] {strides = array<i32>} : memref<64x64xf32, #tpu.memory_space<vmem>>, vector<16xf32>,
      %mul3A_874 = arith.constant 8.000000e+00 : f32
      %mul3A_875 = vector.broadcast %mul3A_874 : f32 to vector<16xf32>
      %mul3A_876 = arith.mulf %get3A_873, %mul3A_875 : vector<16xf32>
      %swap3A_877 = arith.constant 19 : i32
      %swap3A_878 = arith.index_cast %swap3A_877 : i32 to index
      %swap3A_879 = arith.constant 16 : index
      %swap3A_880 = tpu.vector_load %arg7[%swap3A_878, %swap3A_879] {strides = array<i32>} : memref<128x128xf32, #tpu.memory_space<vmem>>, vector<16xf32>,
      tpu.vector_store %arg7[%swap3A_878, %swap3A_879], %mul3A_876 {strides = array<i32>} : memref<128x128xf32, #tpu.memory_space<vmem>>, vector<16xf32>,
      %get3A_881 = arith.constant 19 : i32
      %get3A_882 = arith.index_cast %get3A_881 : i32 to index
      %get3A_883 = arith.constant 32 : index
      %get3A_884 = tpu.vector_load %arg9[%get3A_882, %get3A_883] {strides = array<i32>} : memref<64x64xf32, #tpu.memory_space<vmem>>, vector<16xf32>,
      %mul3A_885 = arith.constant 8.000000e+00 : f32
      %mul3A_886 = vector.broadcast %mul3A_885 : f32 to vector<16xf32>
      %mul3A_887 = arith.mulf %get3A_884, %mul3A_886 : vector<16xf32>
      %swap3A_888 = arith.constant 19 : i32
      %swap3A_889 = arith.index_cast %swap3A_888 : i32 to index
      %swap3A_890 = arith.constant 32 : index
      %swap3A_891 = tpu.vector_load %arg7[%swap3A_889, %swap3A_890] {strides = array<i32>} : memref<128x128xf32, #tpu.memory_space<vmem>>, vector<16xf32>,
      tpu.vector_store %arg7[%swap3A_889, %swap3A_890], %mul3A_887 {strides = array<i32>} : memref<128x128xf32, #tpu.memory_space<vmem>>, vector<16xf32>,
      %get3A_892 = arith.constant 19 : i32
      %get3A_893 = arith.index_cast %get3A_892 : i32 to index
      %get3A_894 = arith.constant 48 : index
      %get3A_895 = tpu.vector_load %arg9[%get3A_893, %get3A_894] {strides = array<i32>} : memref<64x64xf32, #tpu.memory_space<vmem>>, vector<16xf32>,
      %mul3A_896 = arith.constant 8.000000e+00 : f32
      %mul3A_897 = vector.broadcast %mul3A_896 : f32 to vector<16xf32>
      %mul3A_898 = arith.mulf %get3A_895, %mul3A_897 : vector<16xf32>
      %swap3A_899 = arith.constant 19 : i32
      %swap3A_900 = arith.index_cast %swap3A_899 : i32 to index
      %swap3A_901 = arith.constant 48 : index
      %swap3A_902 = tpu.vector_load %arg7[%swap3A_900, %swap3A_901] {strides = array<i32>} : memref<128x128xf32, #tpu.memory_space<vmem>>, vector<16xf32>,
      tpu.vector_store %arg7[%swap3A_900, %swap3A_901], %mul3A_898 {strides = array<i32>} : memref<128x128xf32, #tpu.memory_space<vmem>>, vector<16xf32>,
      %get3A_903 = arith.constant 20 : i32
      %get3A_904 = arith.index_cast %get3A_903 : i32 to index
      %get3A_905 = arith.constant 0 : index
      %get3A_906 = tpu.vector_load %arg9[%get3A_904, %get3A_905] {strides = array<i32>} : memref<64x64xf32, #tpu.memory_space<vmem>>, vector<16xf32>,
      %mul3A_907 = arith.constant 8.000000e+00 : f32
      %mul3A_908 = vector.broadcast %mul3A_907 : f32 to vector<16xf32>
      %mul3A_909 = arith.mulf %get3A_906, %mul3A_908 : vector<16xf32>
      %swap3A_910 = arith.constant 20 : i32
      %swap3A_911 = arith.index_cast %swap3A_910 : i32 to index
      %swap3A_912 = arith.constant 0 : index
      %swap3A_913 = tpu.vector_load %arg7[%swap3A_911, %swap3A_912] {strides = array<i32>} : memref<128x128xf32, #tpu.memory_space<vmem>>, vector<16xf32>,
      tpu.vector_store %arg7[%swap3A_911, %swap3A_912], %mul3A_909 {strides = array<i32>} : memref<128x128xf32, #tpu.memory_space<vmem>>, vector<16xf32>,
      %get3A_914 = arith.constant 20 : i32
      %get3A_915 = arith.index_cast %get3A_914 : i32 to index
      %get3A_916 = arith.constant 16 : index
      %get3A_917 = tpu.vector_load %arg9[%get3A_915, %get3A_916] {strides = array<i32>} : memref<64x64xf32, #tpu.memory_space<vmem>>, vector<16xf32>,
      %mul3A_918 = arith.constant 8.000000e+00 : f32
      %mul3A_919 = vector.broadcast %mul3A_918 : f32 to vector<16xf32>
      %mul3A_920 = arith.mulf %get3A_917, %mul3A_919 : vector<16xf32>
      %swap3A_921 = arith.constant 20 : i32
      %swap3A_922 = arith.index_cast %swap3A_921 : i32 to index
      %swap3A_923 = arith.constant 16 : index
      %swap3A_924 = tpu.vector_load %arg7[%swap3A_922, %swap3A_923] {strides = array<i32>} : memref<128x128xf32, #tpu.memory_space<vmem>>, vector<16xf32>,
      tpu.vector_store %arg7[%swap3A_922, %swap3A_923], %mul3A_920 {strides = array<i32>} : memref<128x128xf32, #tpu.memory_space<vmem>>, vector<16xf32>,
      %get3A_925 = arith.constant 20 : i32
      %get3A_926 = arith.index_cast %get3A_925 : i32 to index
      %get3A_927 = arith.constant 32 : index
      %get3A_928 = tpu.vector_load %arg9[%get3A_926, %get3A_927] {strides = array<i32>} : memref<64x64xf32, #tpu.memory_space<vmem>>, vector<16xf32>,
      %mul3A_929 = arith.constant 8.000000e+00 : f32
      %mul3A_930 = vector.broadcast %mul3A_929 : f32 to vector<16xf32>
      %mul3A_931 = arith.mulf %get3A_928, %mul3A_930 : vector<16xf32>
      %swap3A_932 = arith.constant 20 : i32
      %swap3A_933 = arith.index_cast %swap3A_932 : i32 to index
      %swap3A_934 = arith.constant 32 : index
      %swap3A_935 = tpu.vector_load %arg7[%swap3A_933, %swap3A_934] {strides = array<i32>} : memref<128x128xf32, #tpu.memory_space<vmem>>, vector<16xf32>,
      tpu.vector_store %arg7[%swap3A_933, %swap3A_934], %mul3A_931 {strides = array<i32>} : memref<128x128xf32, #tpu.memory_space<vmem>>, vector<16xf32>,
      %get3A_936 = arith.constant 20 : i32
      %get3A_937 = arith.index_cast %get3A_936 : i32 to index
      %get3A_938 = arith.constant 48 : index
      %get3A_939 = tpu.vector_load %arg9[%get3A_937, %get3A_938] {strides = array<i32>} : memref<64x64xf32, #tpu.memory_space<vmem>>, vector<16xf32>,
      %mul3A_940 = arith.constant 8.000000e+00 : f32
      %mul3A_941 = vector.broadcast %mul3A_940 : f32 to vector<16xf32>
      %mul3A_942 = arith.mulf %get3A_939, %mul3A_941 : vector<16xf32>
      %swap3A_943 = arith.constant 20 : i32
      %swap3A_944 = arith.index_cast %swap3A_943 : i32 to index
      %swap3A_945 = arith.constant 48 : index
      %swap3A_946 = tpu.vector_load %arg7[%swap3A_944, %swap3A_945] {strides = array<i32>} : memref<128x128xf32, #tpu.memory_space<vmem>>, vector<16xf32>,
      tpu.vector_store %arg7[%swap3A_944, %swap3A_945], %mul3A_942 {strides = array<i32>} : memref<128x128xf32, #tpu.memory_space<vmem>>, vector<16xf32>,
      %get3A_947 = arith.constant 21 : i32
      %get3A_948 = arith.index_cast %get3A_947 : i32 to index
      %get3A_949 = arith.constant 0 : index
      %get3A_950 = tpu.vector_load %arg9[%get3A_948, %get3A_949] {strides = array<i32>} : memref<64x64xf32, #tpu.memory_space<vmem>>, vector<16xf32>,
      %mul3A_951 = arith.constant 8.000000e+00 : f32
      %mul3A_952 = vector.broadcast %mul3A_951 : f32 to vector<16xf32>
      %mul3A_953 = arith.mulf %get3A_950, %mul3A_952 : vector<16xf32>
      %swap3A_954 = arith.constant 21 : i32
      %swap3A_955 = arith.index_cast %swap3A_954 : i32 to index
      %swap3A_956 = arith.constant 0 : index
      %swap3A_957 = tpu.vector_load %arg7[%swap3A_955, %swap3A_956] {strides = array<i32>} : memref<128x128xf32, #tpu.memory_space<vmem>>, vector<16xf32>,
      tpu.vector_store %arg7[%swap3A_955, %swap3A_956], %mul3A_953 {strides = array<i32>} : memref<128x128xf32, #tpu.memory_space<vmem>>, vector<16xf32>,
      %get3A_958 = arith.constant 21 : i32
      %get3A_959 = arith.index_cast %get3A_958 : i32 to index
      %get3A_960 = arith.constant 16 : index
      %get3A_961 = tpu.vector_load %arg9[%get3A_959, %get3A_960] {strides = array<i32>} : memref<64x64xf32, #tpu.memory_space<vmem>>, vector<16xf32>,
      %mul3A_962 = arith.constant 8.000000e+00 : f32
      %mul3A_963 = vector.broadcast %mul3A_962 : f32 to vector<16xf32>
      %mul3A_964 = arith.mulf %get3A_961, %mul3A_963 : vector<16xf32>
      %swap3A_965 = arith.constant 21 : i32
      %swap3A_966 = arith.index_cast %swap3A_965 : i32 to index
      %swap3A_967 = arith.constant 16 : index
      %swap3A_968 = tpu.vector_load %arg7[%swap3A_966, %swap3A_967] {strides = array<i32>} : memref<128x128xf32, #tpu.memory_space<vmem>>, vector<16xf32>,
      tpu.vector_store %arg7[%swap3A_966, %swap3A_967], %mul3A_964 {strides = array<i32>} : memref<128x128xf32, #tpu.memory_space<vmem>>, vector<16xf32>,
      %get3A_969 = arith.constant 21 : i32
      %get3A_970 = arith.index_cast %get3A_969 : i32 to index
      %get3A_971 = arith.constant 32 : index
      %get3A_972 = tpu.vector_load %arg9[%get3A_970, %get3A_971] {strides = array<i32>} : memref<64x64xf32, #tpu.memory_space<vmem>>, vector<16xf32>,
      %mul3A_973 = arith.constant 8.000000e+00 : f32
      %mul3A_974 = vector.broadcast %mul3A_973 : f32 to vector<16xf32>
      %mul3A_975 = arith.mulf %get3A_972, %mul3A_974 : vector<16xf32>
      %swap3A_976 = arith.constant 21 : i32
      %swap3A_977 = arith.index_cast %swap3A_976 : i32 to index
      %swap3A_978 = arith.constant 32 : index
      %swap3A_979 = tpu.vector_load %arg7[%swap3A_977, %swap3A_978] {strides = array<i32>} : memref<128x128xf32, #tpu.memory_space<vmem>>, vector<16xf32>,
      tpu.vector_store %arg7[%swap3A_977, %swap3A_978], %mul3A_975 {strides = array<i32>} : memref<128x128xf32, #tpu.memory_space<vmem>>, vector<16xf32>,
      %get3A_980 = arith.constant 21 : i32
      %get3A_981 = arith.index_cast %get3A_980 : i32 to index
      %get3A_982 = arith.constant 48 : index
      %get3A_983 = tpu.vector_load %arg9[%get3A_981, %get3A_982] {strides = array<i32>} : memref<64x64xf32, #tpu.memory_space<vmem>>, vector<16xf32>,
      %mul3A_984 = arith.constant 8.000000e+00 : f32
      %mul3A_985 = vector.broadcast %mul3A_984 : f32 to vector<16xf32>
      %mul3A_986 = arith.mulf %get3A_983, %mul3A_985 : vector<16xf32>
      %swap3A_987 = arith.constant 21 : i32
      %swap3A_988 = arith.index_cast %swap3A_987 : i32 to index
      %swap3A_989 = arith.constant 48 : index
      %swap3A_990 = tpu.vector_load %arg7[%swap3A_988, %swap3A_989] {strides = array<i32>} : memref<128x128xf32, #tpu.memory_space<vmem>>, vector<16xf32>,
      tpu.vector_store %arg7[%swap3A_988, %swap3A_989], %mul3A_986 {strides = array<i32>} : memref<128x128xf32, #tpu.memory_space<vmem>>, vector<16xf32>,
      %get3A_991 = arith.constant 22 : i32
      %get3A_992 = arith.index_cast %get3A_991 : i32 to index
      %get3A_993 = arith.constant 0 : index
      %get3A_994 = tpu.vector_load %arg9[%get3A_992, %get3A_993] {strides = array<i32>} : memref<64x64xf32, #tpu.memory_space<vmem>>, vector<16xf32>,
      %mul3A_995 = arith.constant 8.000000e+00 : f32
      %mul3A_996 = vector.broadcast %mul3A_995 : f32 to vector<16xf32>
      %mul3A_997 = arith.mulf %get3A_994, %mul3A_996 : vector<16xf32>
      %swap3A_998 = arith.constant 22 : i32
      %swap3A_999 = arith.index_cast %swap3A_998 : i32 to index
      %swap3A_1000 = arith.constant 0 : index
      %swap3A_1001 = tpu.vector_load %arg7[%swap3A_999, %swap3A_1000] {strides = array<i32>} : memref<128x128xf32, #tpu.memory_space<vmem>>, vector<16xf32>,
      tpu.vector_store %arg7[%swap3A_999, %swap3A_1000], %mul3A_997 {strides = array<i32>} : memref<128x128xf32, #tpu.memory_space<vmem>>, vector<16xf32>,
      %get3A_1002 = arith.constant 22 : i32
      %get3A_1003 = arith.index_cast %get3A_1002 : i32 to index
      %get3A_1004 = arith.constant 16 : index
      %get3A_1005 = tpu.vector_load %arg9[%get3A_1003, %get3A_1004] {strides = array<i32>} : memref<64x64xf32, #tpu.memory_space<vmem>>, vector<16xf32>,
      %mul3A_1006 = arith.constant 8.000000e+00 : f32
      %mul3A_1007 = vector.broadcast %mul3A_1006 : f32 to vector<16xf32>
      %mul3A_1008 = arith.mulf %get3A_1005, %mul3A_1007 : vector<16xf32>
      %swap3A_1009 = arith.constant 22 : i32
      %swap3A_1010 = arith.index_cast %swap3A_1009 : i32 to index
      %swap3A_1011 = arith.constant 16 : index
      %swap3A_1012 = tpu.vector_load %arg7[%swap3A_1010, %swap3A_1011] {strides = array<i32>} : memref<128x128xf32, #tpu.memory_space<vmem>>, vector<16xf32>,
      tpu.vector_store %arg7[%swap3A_1010, %swap3A_1011], %mul3A_1008 {strides = array<i32>} : memref<128x128xf32, #tpu.memory_space<vmem>>, vector<16xf32>,
      %get3A_1013 = arith.constant 22 : i32
      %get3A_1014 = arith.index_cast %get3A_1013 : i32 to index
      %get3A_1015 = arith.constant 32 : index
      %get3A_1016 = tpu.vector_load %arg9[%get3A_1014, %get3A_1015] {strides = array<i32>} : memref<64x64xf32, #tpu.memory_space<vmem>>, vector<16xf32>,
      %mul3A_1017 = arith.constant 8.000000e+00 : f32
      %mul3A_1018 = vector.broadcast %mul3A_1017 : f32 to vector<16xf32>
      %mul3A_1019 = arith.mulf %get3A_1016, %mul3A_1018 : vector<16xf32>
      %swap3A_1020 = arith.constant 22 : i32
      %swap3A_1021 = arith.index_cast %swap3A_1020 : i32 to index
      %swap3A_1022 = arith.constant 32 : index
      %swap3A_1023 = tpu.vector_load %arg7[%swap3A_1021, %swap3A_1022] {strides = array<i32>} : memref<128x128xf32, #tpu.memory_space<vmem>>, vector<16xf32>,
      tpu.vector_store %arg7[%swap3A_1021, %swap3A_1022], %mul3A_1019 {strides = array<i32>} : memref<128x128xf32, #tpu.memory_space<vmem>>, vector<16xf32>,
      %get3A_1024 = arith.constant 22 : i32
      %get3A_1025 = arith.index_cast %get3A_1024 : i32 to index
      %get3A_1026 = arith.constant 48 : index
      %get3A_1027 = tpu.vector_load %arg9[%get3A_1025, %get3A_1026] {strides = array<i32>} : memref<64x64xf32, #tpu.memory_space<vmem>>, vector<16xf32>,
      %mul3A_1028 = arith.constant 8.000000e+00 : f32
      %mul3A_1029 = vector.broadcast %mul3A_1028 : f32 to vector<16xf32>
      %mul3A_1030 = arith.mulf %get3A_1027, %mul3A_1029 : vector<16xf32>
      %swap3A_1031 = arith.constant 22 : i32
      %swap3A_1032 = arith.index_cast %swap3A_1031 : i32 to index
      %swap3A_1033 = arith.constant 48 : index
      %swap3A_1034 = tpu.vector_load %arg7[%swap3A_1032, %swap3A_1033] {strides = array<i32>} : memref<128x128xf32, #tpu.memory_space<vmem>>, vector<16xf32>,
      tpu.vector_store %arg7[%swap3A_1032, %swap3A_1033], %mul3A_1030 {strides = array<i32>} : memref<128x128xf32, #tpu.memory_space<vmem>>, vector<16xf32>,
      %get3A_1035 = arith.constant 23 : i32
      %get3A_1036 = arith.index_cast %get3A_1035 : i32 to index
      %get3A_1037 = arith.constant 0 : index
      %get3A_1038 = tpu.vector_load %arg9[%get3A_1036, %get3A_1037] {strides = array<i32>} : memref<64x64xf32, #tpu.memory_space<vmem>>, vector<16xf32>,
      %mul3A_1039 = arith.constant 8.000000e+00 : f32
      %mul3A_1040 = vector.broadcast %mul3A_1039 : f32 to vector<16xf32>
      %mul3A_1041 = arith.mulf %get3A_1038, %mul3A_1040 : vector<16xf32>
      %swap3A_1042 = arith.constant 23 : i32
      %swap3A_1043 = arith.index_cast %swap3A_1042 : i32 to index
      %swap3A_1044 = arith.constant 0 : index
      %swap3A_1045 = tpu.vector_load %arg7[%swap3A_1043, %swap3A_1044] {strides = array<i32>} : memref<128x128xf32, #tpu.memory_space<vmem>>, vector<16xf32>,
      tpu.vector_store %arg7[%swap3A_1043, %swap3A_1044], %mul3A_1041 {strides = array<i32>} : memref<128x128xf32, #tpu.memory_space<vmem>>, vector<16xf32>,
      %get3A_1046 = arith.constant 23 : i32
      %get3A_1047 = arith.index_cast %get3A_1046 : i32 to index
      %get3A_1048 = arith.constant 16 : index
      %get3A_1049 = tpu.vector_load %arg9[%get3A_1047, %get3A_1048] {strides = array<i32>} : memref<64x64xf32, #tpu.memory_space<vmem>>, vector<16xf32>,
      %mul3A_1050 = arith.constant 8.000000e+00 : f32
      %mul3A_1051 = vector.broadcast %mul3A_1050 : f32 to vector<16xf32>
      %mul3A_1052 = arith.mulf %get3A_1049, %mul3A_1051 : vector<16xf32>
      %swap3A_1053 = arith.constant 23 : i32
      %swap3A_1054 = arith.index_cast %swap3A_1053 : i32 to index
      %swap3A_1055 = arith.constant 16 : index
      %swap3A_1056 = tpu.vector_load %arg7[%swap3A_1054, %swap3A_1055] {strides = array<i32>} : memref<128x128xf32, #tpu.memory_space<vmem>>, vector<16xf32>,
      tpu.vector_store %arg7[%swap3A_1054, %swap3A_1055], %mul3A_1052 {strides = array<i32>} : memref<128x128xf32, #tpu.memory_space<vmem>>, vector<16xf32>,
      %get3A_1057 = arith.constant 23 : i32
      %get3A_1058 = arith.index_cast %get3A_1057 : i32 to index
      %get3A_1059 = arith.constant 32 : index
      %get3A_1060 = tpu.vector_load %arg9[%get3A_1058, %get3A_1059] {strides = array<i32>} : memref<64x64xf32, #tpu.memory_space<vmem>>, vector<16xf32>,
      %mul3A_1061 = arith.constant 8.000000e+00 : f32
      %mul3A_1062 = vector.broadcast %mul3A_1061 : f32 to vector<16xf32>
      %mul3A_1063 = arith.mulf %get3A_1060, %mul3A_1062 : vector<16xf32>
      %swap3A_1064 = arith.constant 23 : i32
      %swap3A_1065 = arith.index_cast %swap3A_1064 : i32 to index
      %swap3A_1066 = arith.constant 32 : index
      %swap3A_1067 = tpu.vector_load %arg7[%swap3A_1065, %swap3A_1066] {strides = array<i32>} : memref<128x128xf32, #tpu.memory_space<vmem>>, vector<16xf32>,
      tpu.vector_store %arg7[%swap3A_1065, %swap3A_1066], %mul3A_1063 {strides = array<i32>} : memref<128x128xf32, #tpu.memory_space<vmem>>, vector<16xf32>,
      %get3A_1068 = arith.constant 23 : i32
      %get3A_1069 = arith.index_cast %get3A_1068 : i32 to index
      %get3A_1070 = arith.constant 48 : index
      %get3A_1071 = tpu.vector_load %arg9[%get3A_1069, %get3A_1070] {strides = array<i32>} : memref<64x64xf32, #tpu.memory_space<vmem>>, vector<16xf32>,
      %mul3A_1072 = arith.constant 8.000000e+00 : f32
      %mul3A_1073 = vector.broadcast %mul3A_1072 : f32 to vector<16xf32>
      %mul3A_1074 = arith.mulf %get3A_1071, %mul3A_1073 : vector<16xf32>
      %swap3A_1075 = arith.constant 23 : i32
      %swap3A_1076 = arith.index_cast %swap3A_1075 : i32 to index
      %swap3A_1077 = arith.constant 48 : index
      %swap3A_1078 = tpu.vector_load %arg7[%swap3A_1076, %swap3A_1077] {strides = array<i32>} : memref<128x128xf32, #tpu.memory_space<vmem>>, vector<16xf32>,
      tpu.vector_store %arg7[%swap3A_1076, %swap3A_1077], %mul3A_1074 {strides = array<i32>} : memref<128x128xf32, #tpu.memory_space<vmem>>, vector<16xf32>,
      %get3A_1079 = arith.constant 24 : i32
      %get3A_1080 = arith.index_cast %get3A_1079 : i32 to index
      %get3A_1081 = arith.constant 0 : index
      %get3A_1082 = tpu.vector_load %arg9[%get3A_1080, %get3A_1081] {strides = array<i32>} : memref<64x64xf32, #tpu.memory_space<vmem>>, vector<16xf32>,
      %mul3A_1083 = arith.constant 8.000000e+00 : f32
      %mul3A_1084 = vector.broadcast %mul3A_1083 : f32 to vector<16xf32>
      %mul3A_1085 = arith.mulf %get3A_1082, %mul3A_1084 : vector<16xf32>
      %swap3A_1086 = arith.constant 24 : i32
      %swap3A_1087 = arith.index_cast %swap3A_1086 : i32 to index
      %swap3A_1088 = arith.constant 0 : index
      %swap3A_1089 = tpu.vector_load %arg7[%swap3A_1087, %swap3A_1088] {strides = array<i32>} : memref<128x128xf32, #tpu.memory_space<vmem>>, vector<16xf32>,
      tpu.vector_store %arg7[%swap3A_1087, %swap3A_1088], %mul3A_1085 {strides = array<i32>} : memref<128x128xf32, #tpu.memory_space<vmem>>, vector<16xf32>,
      %get3A_1090 = arith.constant 24 : i32
      %get3A_1091 = arith.index_cast %get3A_1090 : i32 to index
      %get3A_1092 = arith.constant 16 : index
      %get3A_1093 = tpu.vector_load %arg9[%get3A_1091, %get3A_1092] {strides = array<i32>} : memref<64x64xf32, #tpu.memory_space<vmem>>, vector<16xf32>,
      %mul3A_1094 = arith.constant 8.000000e+00 : f32
      %mul3A_1095 = vector.broadcast %mul3A_1094 : f32 to vector<16xf32>
      %mul3A_1096 = arith.mulf %get3A_1093, %mul3A_1095 : vector<16xf32>
      %swap3A_1097 = arith.constant 24 : i32
      %swap3A_1098 = arith.index_cast %swap3A_1097 : i32 to index
      %swap3A_1099 = arith.constant 16 : index
      %swap3A_1100 = tpu.vector_load %arg7[%swap3A_1098, %swap3A_1099] {strides = array<i32>} : memref<128x128xf32, #tpu.memory_space<vmem>>, vector<16xf32>,
      tpu.vector_store %arg7[%swap3A_1098, %swap3A_1099], %mul3A_1096 {strides = array<i32>} : memref<128x128xf32, #tpu.memory_space<vmem>>, vector<16xf32>,
      %get3A_1101 = arith.constant 24 : i32
      %get3A_1102 = arith.index_cast %get3A_1101 : i32 to index
      %get3A_1103 = arith.constant 32 : index
      %get3A_1104 = tpu.vector_load %arg9[%get3A_1102, %get3A_1103] {strides = array<i32>} : memref<64x64xf32, #tpu.memory_space<vmem>>, vector<16xf32>,
      %mul3A_1105 = arith.constant 8.000000e+00 : f32
      %mul3A_1106 = vector.broadcast %mul3A_1105 : f32 to vector<16xf32>
      %mul3A_1107 = arith.mulf %get3A_1104, %mul3A_1106 : vector<16xf32>
      %swap3A_1108 = arith.constant 24 : i32
      %swap3A_1109 = arith.index_cast %swap3A_1108 : i32 to index
      %swap3A_1110 = arith.constant 32 : index
      %swap3A_1111 = tpu.vector_load %arg7[%swap3A_1109, %swap3A_1110] {strides = array<i32>} : memref<128x128xf32, #tpu.memory_space<vmem>>, vector<16xf32>,
      tpu.vector_store %arg7[%swap3A_1109, %swap3A_1110], %mul3A_1107 {strides = array<i32>} : memref<128x128xf32, #tpu.memory_space<vmem>>, vector<16xf32>,
      %get3A_1112 = arith.constant 24 : i32
      %get3A_1113 = arith.index_cast %get3A_1112 : i32 to index
      %get3A_1114 = arith.constant 48 : index
      %get3A_1115 = tpu.vector_load %arg9[%get3A_1113, %get3A_1114] {strides = array<i32>} : memref<64x64xf32, #tpu.memory_space<vmem>>, vector<16xf32>,
      %mul3A_1116 = arith.constant 8.000000e+00 : f32
      %mul3A_1117 = vector.broadcast %mul3A_1116 : f32 to vector<16xf32>
      %mul3A_1118 = arith.mulf %get3A_1115, %mul3A_1117 : vector<16xf32>
      %swap3A_1119 = arith.constant 24 : i32
      %swap3A_1120 = arith.index_cast %swap3A_1119 : i32 to index
      %swap3A_1121 = arith.constant 48 : index
      %swap3A_1122 = tpu.vector_load %arg7[%swap3A_1120, %swap3A_1121] {strides = array<i32>} : memref<128x128xf32, #tpu.memory_space<vmem>>, vector<16xf32>,
      tpu.vector_store %arg7[%swap3A_1120, %swap3A_1121], %mul3A_1118 {strides = array<i32>} : memref<128x128xf32, #tpu.memory_space<vmem>>, vector<16xf32>,
      %get3A_1123 = arith.constant 25 : i32
      %get3A_1124 = arith.index_cast %get3A_1123 : i32 to index
      %get3A_1125 = arith.constant 0 : index
      %get3A_1126 = tpu.vector_load %arg9[%get3A_1124, %get3A_1125] {strides = array<i32>} : memref<64x64xf32, #tpu.memory_space<vmem>>, vector<16xf32>,
      %mul3A_1127 = arith.constant 8.000000e+00 : f32
      %mul3A_1128 = vector.broadcast %mul3A_1127 : f32 to vector<16xf32>
      %mul3A_1129 = arith.mulf %get3A_1126, %mul3A_1128 : vector<16xf32>
      %swap3A_1130 = arith.constant 25 : i32
      %swap3A_1131 = arith.index_cast %swap3A_1130 : i32 to index
      %swap3A_1132 = arith.constant 0 : index
      %swap3A_1133 = tpu.vector_load %arg7[%swap3A_1131, %swap3A_1132] {strides = array<i32>} : memref<128x128xf32, #tpu.memory_space<vmem>>, vector<16xf32>,
      tpu.vector_store %arg7[%swap3A_1131, %swap3A_1132], %mul3A_1129 {strides = array<i32>} : memref<128x128xf32, #tpu.memory_space<vmem>>, vector<16xf32>,
      %get3A_1134 = arith.constant 25 : i32
      %get3A_1135 = arith.index_cast %get3A_1134 : i32 to index
      %get3A_1136 = arith.constant 16 : index
      %get3A_1137 = tpu.vector_load %arg9[%get3A_1135, %get3A_1136] {strides = array<i32>} : memref<64x64xf32, #tpu.memory_space<vmem>>, vector<16xf32>,
      %mul3A_1138 = arith.constant 8.000000e+00 : f32
      %mul3A_1139 = vector.broadcast %mul3A_1138 : f32 to vector<16xf32>
      %mul3A_1140 = arith.mulf %get3A_1137, %mul3A_1139 : vector<16xf32>
      %swap3A_1141 = arith.constant 25 : i32
      %swap3A_1142 = arith.index_cast %swap3A_1141 : i32 to index
      %swap3A_1143 = arith.constant 16 : index
      %swap3A_1144 = tpu.vector_load %arg7[%swap3A_1142, %swap3A_1143] {strides = array<i32>} : memref<128x128xf32, #tpu.memory_space<vmem>>, vector<16xf32>,
      tpu.vector_store %arg7[%swap3A_1142, %swap3A_1143], %mul3A_1140 {strides = array<i32>} : memref<128x128xf32, #tpu.memory_space<vmem>>, vector<16xf32>,
      %get3A_1145 = arith.constant 25 : i32
      %get3A_1146 = arith.index_cast %get3A_1145 : i32 to index
      %get3A_1147 = arith.constant 32 : index
      %get3A_1148 = tpu.vector_load %arg9[%get3A_1146, %get3A_1147] {strides = array<i32>} : memref<64x64xf32, #tpu.memory_space<vmem>>, vector<16xf32>,
      %mul3A_1149 = arith.constant 8.000000e+00 : f32
      %mul3A_1150 = vector.broadcast %mul3A_1149 : f32 to vector<16xf32>
      %mul3A_1151 = arith.mulf %get3A_1148, %mul3A_1150 : vector<16xf32>
      %swap3A_1152 = arith.constant 25 : i32
      %swap3A_1153 = arith.index_cast %swap3A_1152 : i32 to index
      %swap3A_1154 = arith.constant 32 : index
      %swap3A_1155 = tpu.vector_load %arg7[%swap3A_1153, %swap3A_1154] {strides = array<i32>} : memref<128x128xf32, #tpu.memory_space<vmem>>, vector<16xf32>,
      tpu.vector_store %arg7[%swap3A_1153, %swap3A_1154], %mul3A_1151 {strides = array<i32>} : memref<128x128xf32, #tpu.memory_space<vmem>>, vector<16xf32>,
      %get3A_1156 = arith.constant 25 : i32
      %get3A_1157 = arith.index_cast %get3A_1156 : i32 to index
      %get3A_1158 = arith.constant 48 : index
      %get3A_1159 = tpu.vector_load %arg9[%get3A_1157, %get3A_1158] {strides = array<i32>} : memref<64x64xf32, #tpu.memory_space<vmem>>, vector<16xf32>,
      %mul3A_1160 = arith.constant 8.000000e+00 : f32
      %mul3A_1161 = vector.broadcast %mul3A_1160 : f32 to vector<16xf32>
      %mul3A_1162 = arith.mulf %get3A_1159, %mul3A_1161 : vector<16xf32>
      %swap3A_1163 = arith.constant 25 : i32
      %swap3A_1164 = arith.index_cast %swap3A_1163 : i32 to index
      %swap3A_1165 = arith.constant 48 : index
      %swap3A_1166 = tpu.vector_load %arg7[%swap3A_1164, %swap3A_1165] {strides = array<i32>} : memref<128x128xf32, #tpu.memory_space<vmem>>, vector<16xf32>,
      tpu.vector_store %arg7[%swap3A_1164, %swap3A_1165], %mul3A_1162 {strides = array<i32>} : memref<128x128xf32, #tpu.memory_space<vmem>>, vector<16xf32>,
      %get3A_1167 = arith.constant 26 : i32
      %get3A_1168 = arith.index_cast %get3A_1167 : i32 to index
      %get3A_1169 = arith.constant 0 : index
      %get3A_1170 = tpu.vector_load %arg9[%get3A_1168, %get3A_1169] {strides = array<i32>} : memref<64x64xf32, #tpu.memory_space<vmem>>, vector<16xf32>,
      %mul3A_1171 = arith.constant 8.000000e+00 : f32
      %mul3A_1172 = vector.broadcast %mul3A_1171 : f32 to vector<16xf32>
      %mul3A_1173 = arith.mulf %get3A_1170, %mul3A_1172 : vector<16xf32>
      %swap3A_1174 = arith.constant 26 : i32
      %swap3A_1175 = arith.index_cast %swap3A_1174 : i32 to index
      %swap3A_1176 = arith.constant 0 : index
      %swap3A_1177 = tpu.vector_load %arg7[%swap3A_1175, %swap3A_1176] {strides = array<i32>} : memref<128x128xf32, #tpu.memory_space<vmem>>, vector<16xf32>,
      tpu.vector_store %arg7[%swap3A_1175, %swap3A_1176], %mul3A_1173 {strides = array<i32>} : memref<128x128xf32, #tpu.memory_space<vmem>>, vector<16xf32>,
      %get3A_1178 = arith.constant 26 : i32
      %get3A_1179 = arith.index_cast %get3A_1178 : i32 to index
      %get3A_1180 = arith.constant 16 : index
      %get3A_1181 = tpu.vector_load %arg9[%get3A_1179, %get3A_1180] {strides = array<i32>} : memref<64x64xf32, #tpu.memory_space<vmem>>, vector<16xf32>,
      %mul3A_1182 = arith.constant 8.000000e+00 : f32
      %mul3A_1183 = vector.broadcast %mul3A_1182 : f32 to vector<16xf32>
      %mul3A_1184 = arith.mulf %get3A_1181, %mul3A_1183 : vector<16xf32>
      %swap3A_1185 = arith.constant 26 : i32
      %swap3A_1186 = arith.index_cast %swap3A_1185 : i32 to index
      %swap3A_1187 = arith.constant 16 : index
      %swap3A_1188 = tpu.vector_load %arg7[%swap3A_1186, %swap3A_1187] {strides = array<i32>} : memref<128x128xf32, #tpu.memory_space<vmem>>, vector<16xf32>,
      tpu.vector_store %arg7[%swap3A_1186, %swap3A_1187], %mul3A_1184 {strides = array<i32>} : memref<128x128xf32, #tpu.memory_space<vmem>>, vector<16xf32>,
      %get3A_1189 = arith.constant 26 : i32
      %get3A_1190 = arith.index_cast %get3A_1189 : i32 to index
      %get3A_1191 = arith.constant 32 : index
      %get3A_1192 = tpu.vector_load %arg9[%get3A_1190, %get3A_1191] {strides = array<i32>} : memref<64x64xf32, #tpu.memory_space<vmem>>, vector<16xf32>,
      %mul3A_1193 = arith.constant 8.000000e+00 : f32
      %mul3A_1194 = vector.broadcast %mul3A_1193 : f32 to vector<16xf32>
      %mul3A_1195 = arith.mulf %get3A_1192, %mul3A_1194 : vector<16xf32>
      %swap3A_1196 = arith.constant 26 : i32
      %swap3A_1197 = arith.index_cast %swap3A_1196 : i32 to index
      %swap3A_1198 = arith.constant 32 : index
      %swap3A_1199 = tpu.vector_load %arg7[%swap3A_1197, %swap3A_1198] {strides = array<i32>} : memref<128x128xf32, #tpu.memory_space<vmem>>, vector<16xf32>,
      tpu.vector_store %arg7[%swap3A_1197, %swap3A_1198], %mul3A_1195 {strides = array<i32>} : memref<128x128xf32, #tpu.memory_space<vmem>>, vector<16xf32>,
      %get3A_1200 = arith.constant 26 : i32
      %get3A_1201 = arith.index_cast %get3A_1200 : i32 to index
      %get3A_1202 = arith.constant 48 : index
      %get3A_1203 = tpu.vector_load %arg9[%get3A_1201, %get3A_1202] {strides = array<i32>} : memref<64x64xf32, #tpu.memory_space<vmem>>, vector<16xf32>,
      %mul3A_1204 = arith.constant 8.000000e+00 : f32
      %mul3A_1205 = vector.broadcast %mul3A_1204 : f32 to vector<16xf32>
      %mul3A_1206 = arith.mulf %get3A_1203, %mul3A_1205 : vector<16xf32>
      %swap3A_1207 = arith.constant 26 : i32
      %swap3A_1208 = arith.index_cast %swap3A_1207 : i32 to index
      %swap3A_1209 = arith.constant 48 : index
      %swap3A_1210 = tpu.vector_load %arg7[%swap3A_1208, %swap3A_1209] {strides = array<i32>} : memref<128x128xf32, #tpu.memory_space<vmem>>, vector<16xf32>,
      tpu.vector_store %arg7[%swap3A_1208, %swap3A_1209], %mul3A_1206 {strides = array<i32>} : memref<128x128xf32, #tpu.memory_space<vmem>>, vector<16xf32>,
      %get3A_1211 = arith.constant 27 : i32
      %get3A_1212 = arith.index_cast %get3A_1211 : i32 to index
      %get3A_1213 = arith.constant 0 : index
      %get3A_1214 = tpu.vector_load %arg9[%get3A_1212, %get3A_1213] {strides = array<i32>} : memref<64x64xf32, #tpu.memory_space<vmem>>, vector<16xf32>,
      %mul3A_1215 = arith.constant 8.000000e+00 : f32
      %mul3A_1216 = vector.broadcast %mul3A_1215 : f32 to vector<16xf32>
      %mul3A_1217 = arith.mulf %get3A_1214, %mul3A_1216 : vector<16xf32>
      %swap3A_1218 = arith.constant 27 : i32
      %swap3A_1219 = arith.index_cast %swap3A_1218 : i32 to index
      %swap3A_1220 = arith.constant 0 : index
      %swap3A_1221 = tpu.vector_load %arg7[%swap3A_1219, %swap3A_1220] {strides = array<i32>} : memref<128x128xf32, #tpu.memory_space<vmem>>, vector<16xf32>,
      tpu.vector_store %arg7[%swap3A_1219, %swap3A_1220], %mul3A_1217 {strides = array<i32>} : memref<128x128xf32, #tpu.memory_space<vmem>>, vector<16xf32>,
      %get3A_1222 = arith.constant 27 : i32
      %get3A_1223 = arith.index_cast %get3A_1222 : i32 to index
      %get3A_1224 = arith.constant 16 : index
      %get3A_1225 = tpu.vector_load %arg9[%get3A_1223, %get3A_1224] {strides = array<i32>} : memref<64x64xf32, #tpu.memory_space<vmem>>, vector<16xf32>,
      %mul3A_1226 = arith.constant 8.000000e+00 : f32
      %mul3A_1227 = vector.broadcast %mul3A_1226 : f32 to vector<16xf32>
      %mul3A_1228 = arith.mulf %get3A_1225, %mul3A_1227 : vector<16xf32>
      %swap3A_1229 = arith.constant 27 : i32
      %swap3A_1230 = arith.index_cast %swap3A_1229 : i32 to index
      %swap3A_1231 = arith.constant 16 : index
      %swap3A_1232 = tpu.vector_load %arg7[%swap3A_1230, %swap3A_1231] {strides = array<i32>} : memref<128x128xf32, #tpu.memory_space<vmem>>, vector<16xf32>,
      tpu.vector_store %arg7[%swap3A_1230, %swap3A_1231], %mul3A_1228 {strides = array<i32>} : memref<128x128xf32, #tpu.memory_space<vmem>>, vector<16xf32>,
      %get3A_1233 = arith.constant 27 : i32
      %get3A_1234 = arith.index_cast %get3A_1233 : i32 to index
      %get3A_1235 = arith.constant 32 : index
      %get3A_1236 = tpu.vector_load %arg9[%get3A_1234, %get3A_1235] {strides = array<i32>} : memref<64x64xf32, #tpu.memory_space<vmem>>, vector<16xf32>,
      %mul3A_1237 = arith.constant 8.000000e+00 : f32
      %mul3A_1238 = vector.broadcast %mul3A_1237 : f32 to vector<16xf32>
      %mul3A_1239 = arith.mulf %get3A_1236, %mul3A_1238 : vector<16xf32>
      %swap3A_1240 = arith.constant 27 : i32
      %swap3A_1241 = arith.index_cast %swap3A_1240 : i32 to index
      %swap3A_1242 = arith.constant 32 : index
      %swap3A_1243 = tpu.vector_load %arg7[%swap3A_1241, %swap3A_1242] {strides = array<i32>} : memref<128x128xf32, #tpu.memory_space<vmem>>, vector<16xf32>,
      tpu.vector_store %arg7[%swap3A_1241, %swap3A_1242], %mul3A_1239 {strides = array<i32>} : memref<128x128xf32, #tpu.memory_space<vmem>>, vector<16xf32>,
      %get3A_1244 = arith.constant 27 : i32
      %get3A_1245 = arith.index_cast %get3A_1244 : i32 to index
      %get3A_1246 = arith.constant 48 : index
      %get3A_1247 = tpu.vector_load %arg9[%get3A_1245, %get3A_1246] {strides = array<i32>} : memref<64x64xf32, #tpu.memory_space<vmem>>, vector<16xf32>,
      %mul3A_1248 = arith.constant 8.000000e+00 : f32
      %mul3A_1249 = vector.broadcast %mul3A_1248 : f32 to vector<16xf32>
      %mul3A_1250 = arith.mulf %get3A_1247, %mul3A_1249 : vector<16xf32>
      %swap3A_1251 = arith.constant 27 : i32
      %swap3A_1252 = arith.index_cast %swap3A_1251 : i32 to index
      %swap3A_1253 = arith.constant 48 : index
      %swap3A_1254 = tpu.vector_load %arg7[%swap3A_1252, %swap3A_1253] {strides = array<i32>} : memref<128x128xf32, #tpu.memory_space<vmem>>, vector<16xf32>,
      tpu.vector_store %arg7[%swap3A_1252, %swap3A_1253], %mul3A_1250 {strides = array<i32>} : memref<128x128xf32, #tpu.memory_space<vmem>>, vector<16xf32>,
      %get3A_1255 = arith.constant 28 : i32
      %get3A_1256 = arith.index_cast %get3A_1255 : i32 to index
      %get3A_1257 = arith.constant 0 : index
      %get3A_1258 = tpu.vector_load %arg9[%get3A_1256, %get3A_1257] {strides = array<i32>} : memref<64x64xf32, #tpu.memory_space<vmem>>, vector<16xf32>,
      %mul3A_1259 = arith.constant 8.000000e+00 : f32
      %mul3A_1260 = vector.broadcast %mul3A_1259 : f32 to vector<16xf32>
      %mul3A_1261 = arith.mulf %get3A_1258, %mul3A_1260 : vector<16xf32>
      %swap3A_1262 = arith.constant 28 : i32
      %swap3A_1263 = arith.index_cast %swap3A_1262 : i32 to index
      %swap3A_1264 = arith.constant 0 : index
      %swap3A_1265 = tpu.vector_load %arg7[%swap3A_1263, %swap3A_1264] {strides = array<i32>} : memref<128x128xf32, #tpu.memory_space<vmem>>, vector<16xf32>,
      tpu.vector_store %arg7[%swap3A_1263, %swap3A_1264], %mul3A_1261 {strides = array<i32>} : memref<128x128xf32, #tpu.memory_space<vmem>>, vector<16xf32>,
      %get3A_1266 = arith.constant 28 : i32
      %get3A_1267 = arith.index_cast %get3A_1266 : i32 to index
      %get3A_1268 = arith.constant 16 : index
      %get3A_1269 = tpu.vector_load %arg9[%get3A_1267, %get3A_1268] {strides = array<i32>} : memref<64x64xf32, #tpu.memory_space<vmem>>, vector<16xf32>,
      %mul3A_1270 = arith.constant 8.000000e+00 : f32
      %mul3A_1271 = vector.broadcast %mul3A_1270 : f32 to vector<16xf32>
      %mul3A_1272 = arith.mulf %get3A_1269, %mul3A_1271 : vector<16xf32>
      %swap3A_1273 = arith.constant 28 : i32
      %swap3A_1274 = arith.index_cast %swap3A_1273 : i32 to index
      %swap3A_1275 = arith.constant 16 : index
      %swap3A_1276 = tpu.vector_load %arg7[%swap3A_1274, %swap3A_1275] {strides = array<i32>} : memref<128x128xf32, #tpu.memory_space<vmem>>, vector<16xf32>,
      tpu.vector_store %arg7[%swap3A_1274, %swap3A_1275], %mul3A_1272 {strides = array<i32>} : memref<128x128xf32, #tpu.memory_space<vmem>>, vector<16xf32>,
      %get3A_1277 = arith.constant 28 : i32
      %get3A_1278 = arith.index_cast %get3A_1277 : i32 to index
      %get3A_1279 = arith.constant 32 : index
      %get3A_1280 = tpu.vector_load %arg9[%get3A_1278, %get3A_1279] {strides = array<i32>} : memref<64x64xf32, #tpu.memory_space<vmem>>, vector<16xf32>,
      %mul3A_1281 = arith.constant 8.000000e+00 : f32
      %mul3A_1282 = vector.broadcast %mul3A_1281 : f32 to vector<16xf32>
      %mul3A_1283 = arith.mulf %get3A_1280, %mul3A_1282 : vector<16xf32>
      %swap3A_1284 = arith.constant 28 : i32
      %swap3A_1285 = arith.index_cast %swap3A_1284 : i32 to index
      %swap3A_1286 = arith.constant 32 : index
      %swap3A_1287 = tpu.vector_load %arg7[%swap3A_1285, %swap3A_1286] {strides = array<i32>} : memref<128x128xf32, #tpu.memory_space<vmem>>, vector<16xf32>,
      tpu.vector_store %arg7[%swap3A_1285, %swap3A_1286], %mul3A_1283 {strides = array<i32>} : memref<128x128xf32, #tpu.memory_space<vmem>>, vector<16xf32>,
      %get3A_1288 = arith.constant 28 : i32
      %get3A_1289 = arith.index_cast %get3A_1288 : i32 to index
      %get3A_1290 = arith.constant 48 : index
      %get3A_1291 = tpu.vector_load %arg9[%get3A_1289, %get3A_1290] {strides = array<i32>} : memref<64x64xf32, #tpu.memory_space<vmem>>, vector<16xf32>,
      %mul3A_1292 = arith.constant 8.000000e+00 : f32
      %mul3A_1293 = vector.broadcast %mul3A_1292 : f32 to vector<16xf32>
      %mul3A_1294 = arith.mulf %get3A_1291, %mul3A_1293 : vector<16xf32>
      %swap3A_1295 = arith.constant 28 : i32
      %swap3A_1296 = arith.index_cast %swap3A_1295 : i32 to index
      %swap3A_1297 = arith.constant 48 : index
      %swap3A_1298 = tpu.vector_load %arg7[%swap3A_1296, %swap3A_1297] {strides = array<i32>} : memref<128x128xf32, #tpu.memory_space<vmem>>, vector<16xf32>,
      tpu.vector_store %arg7[%swap3A_1296, %swap3A_1297], %mul3A_1294 {strides = array<i32>} : memref<128x128xf32, #tpu.memory_space<vmem>>, vector<16xf32>,
      %get3A_1299 = arith.constant 29 : i32
      %get3A_1300 = arith.index_cast %get3A_1299 : i32 to index
      %get3A_1301 = arith.constant 0 : index
      %get3A_1302 = tpu.vector_load %arg9[%get3A_1300, %get3A_1301] {strides = array<i32>} : memref<64x64xf32, #tpu.memory_space<vmem>>, vector<16xf32>,
      %mul3A_1303 = arith.constant 8.000000e+00 : f32
      %mul3A_1304 = vector.broadcast %mul3A_1303 : f32 to vector<16xf32>
      %mul3A_1305 = arith.mulf %get3A_1302, %mul3A_1304 : vector<16xf32>
      %swap3A_1306 = arith.constant 29 : i32
      %swap3A_1307 = arith.index_cast %swap3A_1306 : i32 to index
      %swap3A_1308 = arith.constant 0 : index
      %swap3A_1309 = tpu.vector_load %arg7[%swap3A_1307, %swap3A_1308] {strides = array<i32>} : memref<128x128xf32, #tpu.memory_space<vmem>>, vector<16xf32>,
      tpu.vector_store %arg7[%swap3A_1307, %swap3A_1308], %mul3A_1305 {strides = array<i32>} : memref<128x128xf32, #tpu.memory_space<vmem>>, vector<16xf32>,
      %get3A_1310 = arith.constant 29 : i32
      %get3A_1311 = arith.index_cast %get3A_1310 : i32 to index
      %get3A_1312 = arith.constant 16 : index
      %get3A_1313 = tpu.vector_load %arg9[%get3A_1311, %get3A_1312] {strides = array<i32>} : memref<64x64xf32, #tpu.memory_space<vmem>>, vector<16xf32>,
      %mul3A_1314 = arith.constant 8.000000e+00 : f32
      %mul3A_1315 = vector.broadcast %mul3A_1314 : f32 to vector<16xf32>
      %mul3A_1316 = arith.mulf %get3A_1313, %mul3A_1315 : vector<16xf32>
      %swap3A_1317 = arith.constant 29 : i32
      %swap3A_1318 = arith.index_cast %swap3A_1317 : i32 to index
      %swap3A_1319 = arith.constant 16 : index
      %swap3A_1320 = tpu.vector_load %arg7[%swap3A_1318, %swap3A_1319] {strides = array<i32>} : memref<128x128xf32, #tpu.memory_space<vmem>>, vector<16xf32>,
      tpu.vector_store %arg7[%swap3A_1318, %swap3A_1319], %mul3A_1316 {strides = array<i32>} : memref<128x128xf32, #tpu.memory_space<vmem>>, vector<16xf32>,
      %get3A_1321 = arith.constant 29 : i32
      %get3A_1322 = arith.index_cast %get3A_1321 : i32 to index
      %get3A_1323 = arith.constant 32 : index
      %get3A_1324 = tpu.vector_load %arg9[%get3A_1322, %get3A_1323] {strides = array<i32>} : memref<64x64xf32, #tpu.memory_space<vmem>>, vector<16xf32>,
      %mul3A_1325 = arith.constant 8.000000e+00 : f32
      %mul3A_1326 = vector.broadcast %mul3A_1325 : f32 to vector<16xf32>
      %mul3A_1327 = arith.mulf %get3A_1324, %mul3A_1326 : vector<16xf32>
      %swap3A_1328 = arith.constant 29 : i32
      %swap3A_1329 = arith.index_cast %swap3A_1328 : i32 to index
      %swap3A_1330 = arith.constant 32 : index
      %swap3A_1331 = tpu.vector_load %arg7[%swap3A_1329, %swap3A_1330] {strides = array<i32>} : memref<128x128xf32, #tpu.memory_space<vmem>>, vector<16xf32>,
      tpu.vector_store %arg7[%swap3A_1329, %swap3A_1330], %mul3A_1327 {strides = array<i32>} : memref<128x128xf32, #tpu.memory_space<vmem>>, vector<16xf32>,
      %get3A_1332 = arith.constant 29 : i32
      %get3A_1333 = arith.index_cast %get3A_1332 : i32 to index
      %get3A_1334 = arith.constant 48 : index
      %get3A_1335 = tpu.vector_load %arg9[%get3A_1333, %get3A_1334] {strides = array<i32>} : memref<64x64xf32, #tpu.memory_space<vmem>>, vector<16xf32>,
      %mul3A_1336 = arith.constant 8.000000e+00 : f32
      %mul3A_1337 = vector.broadcast %mul3A_1336 : f32 to vector<16xf32>
      %mul3A_1338 = arith.mulf %get3A_1335, %mul3A_1337 : vector<16xf32>
      %swap3A_1339 = arith.constant 29 : i32
      %swap3A_1340 = arith.index_cast %swap3A_1339 : i32 to index
      %swap3A_1341 = arith.constant 48 : index
      %swap3A_1342 = tpu.vector_load %arg7[%swap3A_1340, %swap3A_1341] {strides = array<i32>} : memref<128x128xf32, #tpu.memory_space<vmem>>, vector<16xf32>,
      tpu.vector_store %arg7[%swap3A_1340, %swap3A_1341], %mul3A_1338 {strides = array<i32>} : memref<128x128xf32, #tpu.memory_space<vmem>>, vector<16xf32>,
      %get3A_1343 = arith.constant 30 : i32
      %get3A_1344 = arith.index_cast %get3A_1343 : i32 to index
      %get3A_1345 = arith.constant 0 : index
      %get3A_1346 = tpu.vector_load %arg9[%get3A_1344, %get3A_1345] {strides = array<i32>} : memref<64x64xf32, #tpu.memory_space<vmem>>, vector<16xf32>,
      %mul3A_1347 = arith.constant 8.000000e+00 : f32
      %mul3A_1348 = vector.broadcast %mul3A_1347 : f32 to vector<16xf32>
      %mul3A_1349 = arith.mulf %get3A_1346, %mul3A_1348 : vector<16xf32>
      %swap3A_1350 = arith.constant 30 : i32
      %swap3A_1351 = arith.index_cast %swap3A_1350 : i32 to index
      %swap3A_1352 = arith.constant 0 : index
      %swap3A_1353 = tpu.vector_load %arg7[%swap3A_1351, %swap3A_1352] {strides = array<i32>} : memref<128x128xf32, #tpu.memory_space<vmem>>, vector<16xf32>,
      tpu.vector_store %arg7[%swap3A_1351, %swap3A_1352], %mul3A_1349 {strides = array<i32>} : memref<128x128xf32, #tpu.memory_space<vmem>>, vector<16xf32>,
      %get3A_1354 = arith.constant 30 : i32
      %get3A_1355 = arith.index_cast %get3A_1354 : i32 to index
      %get3A_1356 = arith.constant 16 : index
      %get3A_1357 = tpu.vector_load %arg9[%get3A_1355, %get3A_1356] {strides = array<i32>} : memref<64x64xf32, #tpu.memory_space<vmem>>, vector<16xf32>,
      %mul3A_1358 = arith.constant 8.000000e+00 : f32
      %mul3A_1359 = vector.broadcast %mul3A_1358 : f32 to vector<16xf32>
      %mul3A_1360 = arith.mulf %get3A_1357, %mul3A_1359 : vector<16xf32>
      %swap3A_1361 = arith.constant 30 : i32
      %swap3A_1362 = arith.index_cast %swap3A_1361 : i32 to index
      %swap3A_1363 = arith.constant 16 : index
      %swap3A_1364 = tpu.vector_load %arg7[%swap3A_1362, %swap3A_1363] {strides = array<i32>} : memref<128x128xf32, #tpu.memory_space<vmem>>, vector<16xf32>,
      tpu.vector_store %arg7[%swap3A_1362, %swap3A_1363], %mul3A_1360 {strides = array<i32>} : memref<128x128xf32, #tpu.memory_space<vmem>>, vector<16xf32>,
      %get3A_1365 = arith.constant 30 : i32
      %get3A_1366 = arith.index_cast %get3A_1365 : i32 to index
      %get3A_1367 = arith.constant 32 : index
      %get3A_1368 = tpu.vector_load %arg9[%get3A_1366, %get3A_1367] {strides = array<i32>} : memref<64x64xf32, #tpu.memory_space<vmem>>, vector<16xf32>,
      %mul3A_1369 = arith.constant 8.000000e+00 : f32
      %mul3A_1370 = vector.broadcast %mul3A_1369 : f32 to vector<16xf32>
      %mul3A_1371 = arith.mulf %get3A_1368, %mul3A_1370 : vector<16xf32>
      %swap3A_1372 = arith.constant 30 : i32
      %swap3A_1373 = arith.index_cast %swap3A_1372 : i32 to index
      %swap3A_1374 = arith.constant 32 : index
      %swap3A_1375 = tpu.vector_load %arg7[%swap3A_1373, %swap3A_1374] {strides = array<i32>} : memref<128x128xf32, #tpu.memory_space<vmem>>, vector<16xf32>,
      tpu.vector_store %arg7[%swap3A_1373, %swap3A_1374], %mul3A_1371 {strides = array<i32>} : memref<128x128xf32, #tpu.memory_space<vmem>>, vector<16xf32>,
      %get3A_1376 = arith.constant 30 : i32
      %get3A_1377 = arith.index_cast %get3A_1376 : i32 to index
      %get3A_1378 = arith.constant 48 : index
      %get3A_1379 = tpu.vector_load %arg9[%get3A_1377, %get3A_1378] {strides = array<i32>} : memref<64x64xf32, #tpu.memory_space<vmem>>, vector<16xf32>,
      %mul3A_1380 = arith.constant 8.000000e+00 : f32
      %mul3A_1381 = vector.broadcast %mul3A_1380 : f32 to vector<16xf32>
      %mul3A_1382 = arith.mulf %get3A_1379, %mul3A_1381 : vector<16xf32>
      %swap3A_1383 = arith.constant 30 : i32
      %swap3A_1384 = arith.index_cast %swap3A_1383 : i32 to index
      %swap3A_1385 = arith.constant 48 : index
      %swap3A_1386 = tpu.vector_load %arg7[%swap3A_1384, %swap3A_1385] {strides = array<i32>} : memref<128x128xf32, #tpu.memory_space<vmem>>, vector<16xf32>,
      tpu.vector_store %arg7[%swap3A_1384, %swap3A_1385], %mul3A_1382 {strides = array<i32>} : memref<128x128xf32, #tpu.memory_space<vmem>>, vector<16xf32>,
      %get3A_1387 = arith.constant 31 : i32
      %get3A_1388 = arith.index_cast %get3A_1387 : i32 to index
      %get3A_1389 = arith.constant 0 : index
      %get3A_1390 = tpu.vector_load %arg9[%get3A_1388, %get3A_1389] {strides = array<i32>} : memref<64x64xf32, #tpu.memory_space<vmem>>, vector<16xf32>,
      %mul3A_1391 = arith.constant 8.000000e+00 : f32
      %mul3A_1392 = vector.broadcast %mul3A_1391 : f32 to vector<16xf32>
      %mul3A_1393 = arith.mulf %get3A_1390, %mul3A_1392 : vector<16xf32>
      %swap3A_1394 = arith.constant 31 : i32
      %swap3A_1395 = arith.index_cast %swap3A_1394 : i32 to index
      %swap3A_1396 = arith.constant 0 : index
      %swap3A_1397 = tpu.vector_load %arg7[%swap3A_1395, %swap3A_1396] {strides = array<i32>} : memref<128x128xf32, #tpu.memory_space<vmem>>, vector<16xf32>,
      tpu.vector_store %arg7[%swap3A_1395, %swap3A_1396], %mul3A_1393 {strides = array<i32>} : memref<128x128xf32, #tpu.memory_space<vmem>>, vector<16xf32>,
      %get3A_1398 = arith.constant 31 : i32
      %get3A_1399 = arith.index_cast %get3A_1398 : i32 to index
      %get3A_1400 = arith.constant 16 : index
      %get3A_1401 = tpu.vector_load %arg9[%get3A_1399, %get3A_1400] {strides = array<i32>} : memref<64x64xf32, #tpu.memory_space<vmem>>, vector<16xf32>,
      %mul3A_1402 = arith.constant 8.000000e+00 : f32
      %mul3A_1403 = vector.broadcast %mul3A_1402 : f32 to vector<16xf32>
      %mul3A_1404 = arith.mulf %get3A_1401, %mul3A_1403 : vector<16xf32>
      %swap3A_1405 = arith.constant 31 : i32
      %swap3A_1406 = arith.index_cast %swap3A_1405 : i32 to index
      %swap3A_1407 = arith.constant 16 : index
      %swap3A_1408 = tpu.vector_load %arg7[%swap3A_1406, %swap3A_1407] {strides = array<i32>} : memref<128x128xf32, #tpu.memory_space<vmem>>, vector<16xf32>,
      tpu.vector_store %arg7[%swap3A_1406, %swap3A_1407], %mul3A_1404 {strides = array<i32>} : memref<128x128xf32, #tpu.memory_space<vmem>>, vector<16xf32>,
      %get3A_1409 = arith.constant 31 : i32
      %get3A_1410 = arith.index_cast %get3A_1409 : i32 to index
      %get3A_1411 = arith.constant 32 : index
      %get3A_1412 = tpu.vector_load %arg9[%get3A_1410, %get3A_1411] {strides = array<i32>} : memref<64x64xf32, #tpu.memory_space<vmem>>, vector<16xf32>,
      %mul3A_1413 = arith.constant 8.000000e+00 : f32
      %mul3A_1414 = vector.broadcast %mul3A_1413 : f32 to vector<16xf32>
      %mul3A_1415 = arith.mulf %get3A_1412, %mul3A_1414 : vector<16xf32>
      %swap3A_1416 = arith.constant 31 : i32
      %swap3A_1417 = arith.index_cast %swap3A_1416 : i32 to index
      %swap3A_1418 = arith.constant 32 : index
      %swap3A_1419 = tpu.vector_load %arg7[%swap3A_1417, %swap3A_1418] {strides = array<i32>} : memref<128x128xf32, #tpu.memory_space<vmem>>, vector<16xf32>,
      tpu.vector_store %arg7[%swap3A_1417, %swap3A_1418], %mul3A_1415 {strides = array<i32>} : memref<128x128xf32, #tpu.memory_space<vmem>>, vector<16xf32>,
      %get3A_1420 = arith.constant 31 : i32
      %get3A_1421 = arith.index_cast %get3A_1420 : i32 to index
      %get3A_1422 = arith.constant 48 : index
      %get3A_1423 = tpu.vector_load %arg9[%get3A_1421, %get3A_1422] {strides = array<i32>} : memref<64x64xf32, #tpu.memory_space<vmem>>, vector<16xf32>,
      %mul3A_1424 = arith.constant 8.000000e+00 : f32
      %mul3A_1425 = vector.broadcast %mul3A_1424 : f32 to vector<16xf32>
      %mul3A_1426 = arith.mulf %get3A_1423, %mul3A_1425 : vector<16xf32>
      %swap3A_1427 = arith.constant 31 : i32
      %swap3A_1428 = arith.index_cast %swap3A_1427 : i32 to index
      %swap3A_1429 = arith.constant 48 : index
      %swap3A_1430 = tpu.vector_load %arg7[%swap3A_1428, %swap3A_1429] {strides = array<i32>} : memref<128x128xf32, #tpu.memory_space<vmem>>, vector<16xf32>,
      tpu.vector_store %arg7[%swap3A_1428, %swap3A_1429], %mul3A_1426 {strides = array<i32>} : memref<128x128xf32, #tpu.memory_space<vmem>>, vector<16xf32>,
      %get3A_1431 = arith.constant 32 : i32
      %get3A_1432 = arith.index_cast %get3A_1431 : i32 to index
      %get3A_1433 = arith.constant 0 : index
      %get3A_1434 = tpu.vector_load %arg9[%get3A_1432, %get3A_1433] {strides = array<i32>} : memref<64x64xf32, #tpu.memory_space<vmem>>, vector<16xf32>,
      %mul3A_1435 = arith.constant 8.000000e+00 : f32
      %mul3A_1436 = vector.broadcast %mul3A_1435 : f32 to vector<16xf32>
      %mul3A_1437 = arith.mulf %get3A_1434, %mul3A_1436 : vector<16xf32>
      %swap3A_1438 = arith.constant 32 : i32
      %swap3A_1439 = arith.index_cast %swap3A_1438 : i32 to index
      %swap3A_1440 = arith.constant 0 : index
      %swap3A_1441 = tpu.vector_load %arg7[%swap3A_1439, %swap3A_1440] {strides = array<i32>} : memref<128x128xf32, #tpu.memory_space<vmem>>, vector<16xf32>,
      tpu.vector_store %arg7[%swap3A_1439, %swap3A_1440], %mul3A_1437 {strides = array<i32>} : memref<128x128xf32, #tpu.memory_space<vmem>>, vector<16xf32>,
      %get3A_1442 = arith.constant 32 : i32
      %get3A_1443 = arith.index_cast %get3A_1442 : i32 to index
      %get3A_1444 = arith.constant 16 : index
      %get3A_1445 = tpu.vector_load %arg9[%get3A_1443, %get3A_1444] {strides = array<i32>} : memref<64x64xf32, #tpu.memory_space<vmem>>, vector<16xf32>,
      %mul3A_1446 = arith.constant 8.000000e+00 : f32
      %mul3A_1447 = vector.broadcast %mul3A_1446 : f32 to vector<16xf32>
      %mul3A_1448 = arith.mulf %get3A_1445, %mul3A_1447 : vector<16xf32>
      %swap3A_1449 = arith.constant 32 : i32
      %swap3A_1450 = arith.index_cast %swap3A_1449 : i32 to index
      %swap3A_1451 = arith.constant 16 : index
      %swap3A_1452 = tpu.vector_load %arg7[%swap3A_1450, %swap3A_1451] {strides = array<i32>} : memref<128x128xf32, #tpu.memory_space<vmem>>, vector<16xf32>,
      tpu.vector_store %arg7[%swap3A_1450, %swap3A_1451], %mul3A_1448 {strides = array<i32>} : memref<128x128xf32, #tpu.memory_space<vmem>>, vector<16xf32>,
      %get3A_1453 = arith.constant 32 : i32
      %get3A_1454 = arith.index_cast %get3A_1453 : i32 to index
      %get3A_1455 = arith.constant 32 : index
      %get3A_1456 = tpu.vector_load %arg9[%get3A_1454, %get3A_1455] {strides = array<i32>} : memref<64x64xf32, #tpu.memory_space<vmem>>, vector<16xf32>,
      %mul3A_1457 = arith.constant 8.000000e+00 : f32
      %mul3A_1458 = vector.broadcast %mul3A_1457 : f32 to vector<16xf32>
      %mul3A_1459 = arith.mulf %get3A_1456, %mul3A_1458 : vector<16xf32>
      %swap3A_1460 = arith.constant 32 : i32
      %swap3A_1461 = arith.index_cast %swap3A_1460 : i32 to index
      %swap3A_1462 = arith.constant 32 : index
      %swap3A_1463 = tpu.vector_load %arg7[%swap3A_1461, %swap3A_1462] {strides = array<i32>} : memref<128x128xf32, #tpu.memory_space<vmem>>, vector<16xf32>,
      tpu.vector_store %arg7[%swap3A_1461, %swap3A_1462], %mul3A_1459 {strides = array<i32>} : memref<128x128xf32, #tpu.memory_space<vmem>>, vector<16xf32>,
      %get3A_1464 = arith.constant 32 : i32
      %get3A_1465 = arith.index_cast %get3A_1464 : i32 to index
      %get3A_1466 = arith.constant 48 : index
      %get3A_1467 = tpu.vector_load %arg9[%get3A_1465, %get3A_1466] {strides = array<i32>} : memref<64x64xf32, #tpu.memory_space<vmem>>, vector<16xf32>,
      %mul3A_1468 = arith.constant 8.000000e+00 : f32
      %mul3A_1469 = vector.broadcast %mul3A_1468 : f32 to vector<16xf32>
      %mul3A_1470 = arith.mulf %get3A_1467, %mul3A_1469 : vector<16xf32>
      %swap3A_1471 = arith.constant 32 : i32
      %swap3A_1472 = arith.index_cast %swap3A_1471 : i32 to index
      %swap3A_1473 = arith.constant 48 : index
      %swap3A_1474 = tpu.vector_load %arg7[%swap3A_1472, %swap3A_1473] {strides = array<i32>} : memref<128x128xf32, #tpu.memory_space<vmem>>, vector<16xf32>,
      tpu.vector_store %arg7[%swap3A_1472, %swap3A_1473], %mul3A_1470 {strides = array<i32>} : memref<128x128xf32, #tpu.memory_space<vmem>>, vector<16xf32>,
      %get3A_1475 = arith.constant 33 : i32
      %get3A_1476 = arith.index_cast %get3A_1475 : i32 to index
      %get3A_1477 = arith.constant 0 : index
      %get3A_1478 = tpu.vector_load %arg9[%get3A_1476, %get3A_1477] {strides = array<i32>} : memref<64x64xf32, #tpu.memory_space<vmem>>, vector<16xf32>,
      %mul3A_1479 = arith.constant 8.000000e+00 : f32
      %mul3A_1480 = vector.broadcast %mul3A_1479 : f32 to vector<16xf32>
      %mul3A_1481 = arith.mulf %get3A_1478, %mul3A_1480 : vector<16xf32>
      %swap3A_1482 = arith.constant 33 : i32
      %swap3A_1483 = arith.index_cast %swap3A_1482 : i32 to index
      %swap3A_1484 = arith.constant 0 : index
      %swap3A_1485 = tpu.vector_load %arg7[%swap3A_1483, %swap3A_1484] {strides = array<i32>} : memref<128x128xf32, #tpu.memory_space<vmem>>, vector<16xf32>,
      tpu.vector_store %arg7[%swap3A_1483, %swap3A_1484], %mul3A_1481 {strides = array<i32>} : memref<128x128xf32, #tpu.memory_space<vmem>>, vector<16xf32>,
      %get3A_1486 = arith.constant 33 : i32
      %get3A_1487 = arith.index_cast %get3A_1486 : i32 to index
      %get3A_1488 = arith.constant 16 : index
      %get3A_1489 = tpu.vector_load %arg9[%get3A_1487, %get3A_1488] {strides = array<i32>} : memref<64x64xf32, #tpu.memory_space<vmem>>, vector<16xf32>,
      %mul3A_1490 = arith.constant 8.000000e+00 : f32
      %mul3A_1491 = vector.broadcast %mul3A_1490 : f32 to vector<16xf32>
      %mul3A_1492 = arith.mulf %get3A_1489, %mul3A_1491 : vector<16xf32>
      %swap3A_1493 = arith.constant 33 : i32
      %swap3A_1494 = arith.index_cast %swap3A_1493 : i32 to index
      %swap3A_1495 = arith.constant 16 : index
      %swap3A_1496 = tpu.vector_load %arg7[%swap3A_1494, %swap3A_1495] {strides = array<i32>} : memref<128x128xf32, #tpu.memory_space<vmem>>, vector<16xf32>,
      tpu.vector_store %arg7[%swap3A_1494, %swap3A_1495], %mul3A_1492 {strides = array<i32>} : memref<128x128xf32, #tpu.memory_space<vmem>>, vector<16xf32>,
      %get3A_1497 = arith.constant 33 : i32
      %get3A_1498 = arith.index_cast %get3A_1497 : i32 to index
      %get3A_1499 = arith.constant 32 : index
      %get3A_1500 = tpu.vector_load %arg9[%get3A_1498, %get3A_1499] {strides = array<i32>} : memref<64x64xf32, #tpu.memory_space<vmem>>, vector<16xf32>,
      %mul3A_1501 = arith.constant 8.000000e+00 : f32
      %mul3A_1502 = vector.broadcast %mul3A_1501 : f32 to vector<16xf32>
      %mul3A_1503 = arith.mulf %get3A_1500, %mul3A_1502 : vector<16xf32>
      %swap3A_1504 = arith.constant 33 : i32
      %swap3A_1505 = arith.index_cast %swap3A_1504 : i32 to index
      %swap3A_1506 = arith.constant 32 : index
      %swap3A_1507 = tpu.vector_load %arg7[%swap3A_1505, %swap3A_1506] {strides = array<i32>} : memref<128x128xf32, #tpu.memory_space<vmem>>, vector<16xf32>,
      tpu.vector_store %arg7[%swap3A_1505, %swap3A_1506], %mul3A_1503 {strides = array<i32>} : memref<128x128xf32, #tpu.memory_space<vmem>>, vector<16xf32>,
      %get3A_1508 = arith.constant 33 : i32
      %get3A_1509 = arith.index_cast %get3A_1508 : i32 to index
      %get3A_1510 = arith.constant 48 : index
      %get3A_1511 = tpu.vector_load %arg9[%get3A_1509, %get3A_1510] {strides = array<i32>} : memref<64x64xf32, #tpu.memory_space<vmem>>, vector<16xf32>,
      %mul3A_1512 = arith.constant 8.000000e+00 : f32
      %mul3A_1513 = vector.broadcast %mul3A_1512 : f32 to vector<16xf32>
      %mul3A_1514 = arith.mulf %get3A_1511, %mul3A_1513 : vector<16xf32>
      %swap3A_1515 = arith.constant 33 : i32
      %swap3A_1516 = arith.index_cast %swap3A_1515 : i32 to index
      %swap3A_1517 = arith.constant 48 : index
      %swap3A_1518 = tpu.vector_load %arg7[%swap3A_1516, %swap3A_1517] {strides = array<i32>} : memref<128x128xf32, #tpu.memory_space<vmem>>, vector<16xf32>,
      tpu.vector_store %arg7[%swap3A_1516, %swap3A_1517], %mul3A_1514 {strides = array<i32>} : memref<128x128xf32, #tpu.memory_space<vmem>>, vector<16xf32>,
      %get3A_1519 = arith.constant 34 : i32
      %get3A_1520 = arith.index_cast %get3A_1519 : i32 to index
      %get3A_1521 = arith.constant 0 : index
      %get3A_1522 = tpu.vector_load %arg9[%get3A_1520, %get3A_1521] {strides = array<i32>} : memref<64x64xf32, #tpu.memory_space<vmem>>, vector<16xf32>,
      %mul3A_1523 = arith.constant 8.000000e+00 : f32
      %mul3A_1524 = vector.broadcast %mul3A_1523 : f32 to vector<16xf32>
      %mul3A_1525 = arith.mulf %get3A_1522, %mul3A_1524 : vector<16xf32>
      %swap3A_1526 = arith.constant 34 : i32
      %swap3A_1527 = arith.index_cast %swap3A_1526 : i32 to index
      %swap3A_1528 = arith.constant 0 : index
      %swap3A_1529 = tpu.vector_load %arg7[%swap3A_1527, %swap3A_1528] {strides = array<i32>} : memref<128x128xf32, #tpu.memory_space<vmem>>, vector<16xf32>,
      tpu.vector_store %arg7[%swap3A_1527, %swap3A_1528], %mul3A_1525 {strides = array<i32>} : memref<128x128xf32, #tpu.memory_space<vmem>>, vector<16xf32>,
      %get3A_1530 = arith.constant 34 : i32
      %get3A_1531 = arith.index_cast %get3A_1530 : i32 to index
      %get3A_1532 = arith.constant 16 : index
      %get3A_1533 = tpu.vector_load %arg9[%get3A_1531, %get3A_1532] {strides = array<i32>} : memref<64x64xf32, #tpu.memory_space<vmem>>, vector<16xf32>,
      %mul3A_1534 = arith.constant 8.000000e+00 : f32
      %mul3A_1535 = vector.broadcast %mul3A_1534 : f32 to vector<16xf32>
      %mul3A_1536 = arith.mulf %get3A_1533, %mul3A_1535 : vector<16xf32>
      %swap3A_1537 = arith.constant 34 : i32
      %swap3A_1538 = arith.index_cast %swap3A_1537 : i32 to index
      %swap3A_1539 = arith.constant 16 : index
      %swap3A_1540 = tpu.vector_load %arg7[%swap3A_1538, %swap3A_1539] {strides = array<i32>} : memref<128x128xf32, #tpu.memory_space<vmem>>, vector<16xf32>,
      tpu.vector_store %arg7[%swap3A_1538, %swap3A_1539], %mul3A_1536 {strides = array<i32>} : memref<128x128xf32, #tpu.memory_space<vmem>>, vector<16xf32>,
      %get3A_1541 = arith.constant 34 : i32
      %get3A_1542 = arith.index_cast %get3A_1541 : i32 to index
      %get3A_1543 = arith.constant 32 : index
      %get3A_1544 = tpu.vector_load %arg9[%get3A_1542, %get3A_1543] {strides = array<i32>} : memref<64x64xf32, #tpu.memory_space<vmem>>, vector<16xf32>,
      %mul3A_1545 = arith.constant 8.000000e+00 : f32
      %mul3A_1546 = vector.broadcast %mul3A_1545 : f32 to vector<16xf32>
      %mul3A_1547 = arith.mulf %get3A_1544, %mul3A_1546 : vector<16xf32>
      %swap3A_1548 = arith.constant 34 : i32
      %swap3A_1549 = arith.index_cast %swap3A_1548 : i32 to index
      %swap3A_1550 = arith.constant 32 : index
      %swap3A_1551 = tpu.vector_load %arg7[%swap3A_1549, %swap3A_1550] {strides = array<i32>} : memref<128x128xf32, #tpu.memory_space<vmem>>, vector<16xf32>,
      tpu.vector_store %arg7[%swap3A_1549, %swap3A_1550], %mul3A_1547 {strides = array<i32>} : memref<128x128xf32, #tpu.memory_space<vmem>>, vector<16xf32>,
      %get3A_1552 = arith.constant 34 : i32
      %get3A_1553 = arith.index_cast %get3A_1552 : i32 to index
      %get3A_1554 = arith.constant 48 : index
      %get3A_1555 = tpu.vector_load %arg9[%get3A_1553, %get3A_1554] {strides = array<i32>} : memref<64x64xf32, #tpu.memory_space<vmem>>, vector<16xf32>,
      %mul3A_1556 = arith.constant 8.000000e+00 : f32
      %mul3A_1557 = vector.broadcast %mul3A_1556 : f32 to vector<16xf32>
      %mul3A_1558 = arith.mulf %get3A_1555, %mul3A_1557 : vector<16xf32>
      %swap3A_1559 = arith.constant 34 : i32
      %swap3A_1560 = arith.index_cast %swap3A_1559 : i32 to index
      %swap3A_1561 = arith.constant 48 : index
      %swap3A_1562 = tpu.vector_load %arg7[%swap3A_1560, %swap3A_1561] {strides = array<i32>} : memref<128x128xf32, #tpu.memory_space<vmem>>, vector<16xf32>,
      tpu.vector_store %arg7[%swap3A_1560, %swap3A_1561], %mul3A_1558 {strides = array<i32>} : memref<128x128xf32, #tpu.memory_space<vmem>>, vector<16xf32>,
      %get3A_1563 = arith.constant 35 : i32
      %get3A_1564 = arith.index_cast %get3A_1563 : i32 to index
      %get3A_1565 = arith.constant 0 : index
      %get3A_1566 = tpu.vector_load %arg9[%get3A_1564, %get3A_1565] {strides = array<i32>} : memref<64x64xf32, #tpu.memory_space<vmem>>, vector<16xf32>,
      %mul3A_1567 = arith.constant 8.000000e+00 : f32
      %mul3A_1568 = vector.broadcast %mul3A_1567 : f32 to vector<16xf32>
      %mul3A_1569 = arith.mulf %get3A_1566, %mul3A_1568 : vector<16xf32>
      %swap3A_1570 = arith.constant 35 : i32
      %swap3A_1571 = arith.index_cast %swap3A_1570 : i32 to index
      %swap3A_1572 = arith.constant 0 : index
      %swap3A_1573 = tpu.vector_load %arg7[%swap3A_1571, %swap3A_1572] {strides = array<i32>} : memref<128x128xf32, #tpu.memory_space<vmem>>, vector<16xf32>,
      tpu.vector_store %arg7[%swap3A_1571, %swap3A_1572], %mul3A_1569 {strides = array<i32>} : memref<128x128xf32, #tpu.memory_space<vmem>>, vector<16xf32>,
      %get3A_1574 = arith.constant 35 : i32
      %get3A_1575 = arith.index_cast %get3A_1574 : i32 to index
      %get3A_1576 = arith.constant 16 : index
      %get3A_1577 = tpu.vector_load %arg9[%get3A_1575, %get3A_1576] {strides = array<i32>} : memref<64x64xf32, #tpu.memory_space<vmem>>, vector<16xf32>,
      %mul3A_1578 = arith.constant 8.000000e+00 : f32
      %mul3A_1579 = vector.broadcast %mul3A_1578 : f32 to vector<16xf32>
      %mul3A_1580 = arith.mulf %get3A_1577, %mul3A_1579 : vector<16xf32>
      %swap3A_1581 = arith.constant 35 : i32
      %swap3A_1582 = arith.index_cast %swap3A_1581 : i32 to index
      %swap3A_1583 = arith.constant 16 : index
      %swap3A_1584 = tpu.vector_load %arg7[%swap3A_1582, %swap3A_1583] {strides = array<i32>} : memref<128x128xf32, #tpu.memory_space<vmem>>, vector<16xf32>,
      tpu.vector_store %arg7[%swap3A_1582, %swap3A_1583], %mul3A_1580 {strides = array<i32>} : memref<128x128xf32, #tpu.memory_space<vmem>>, vector<16xf32>,
      %get3A_1585 = arith.constant 35 : i32
      %get3A_1586 = arith.index_cast %get3A_1585 : i32 to index
      %get3A_1587 = arith.constant 32 : index
      %get3A_1588 = tpu.vector_load %arg9[%get3A_1586, %get3A_1587] {strides = array<i32>} : memref<64x64xf32, #tpu.memory_space<vmem>>, vector<16xf32>,
      %mul3A_1589 = arith.constant 8.000000e+00 : f32
      %mul3A_1590 = vector.broadcast %mul3A_1589 : f32 to vector<16xf32>
      %mul3A_1591 = arith.mulf %get3A_1588, %mul3A_1590 : vector<16xf32>
      %swap3A_1592 = arith.constant 35 : i32
      %swap3A_1593 = arith.index_cast %swap3A_1592 : i32 to index
      %swap3A_1594 = arith.constant 32 : index
      %swap3A_1595 = tpu.vector_load %arg7[%swap3A_1593, %swap3A_1594] {strides = array<i32>} : memref<128x128xf32, #tpu.memory_space<vmem>>, vector<16xf32>,
      tpu.vector_store %arg7[%swap3A_1593, %swap3A_1594], %mul3A_1591 {strides = array<i32>} : memref<128x128xf32, #tpu.memory_space<vmem>>, vector<16xf32>,
      %get3A_1596 = arith.constant 35 : i32
      %get3A_1597 = arith.index_cast %get3A_1596 : i32 to index
      %get3A_1598 = arith.constant 48 : index
      %get3A_1599 = tpu.vector_load %arg9[%get3A_1597, %get3A_1598] {strides = array<i32>} : memref<64x64xf32, #tpu.memory_space<vmem>>, vector<16xf32>,
      %mul3A_1600 = arith.constant 8.000000e+00 : f32
      %mul3A_1601 = vector.broadcast %mul3A_1600 : f32 to vector<16xf32>
      %mul3A_1602 = arith.mulf %get3A_1599, %mul3A_1601 : vector<16xf32>
      %swap3A_1603 = arith.constant 35 : i32
      %swap3A_1604 = arith.index_cast %swap3A_1603 : i32 to index
      %swap3A_1605 = arith.constant 48 : index
      %swap3A_1606 = tpu.vector_load %arg7[%swap3A_1604, %swap3A_1605] {strides = array<i32>} : memref<128x128xf32, #tpu.memory_space<vmem>>, vector<16xf32>,
      tpu.vector_store %arg7[%swap3A_1604, %swap3A_1605], %mul3A_1602 {strides = array<i32>} : memref<128x128xf32, #tpu.memory_space<vmem>>, vector<16xf32>,
      %get3A_1607 = arith.constant 36 : i32
      %get3A_1608 = arith.index_cast %get3A_1607 : i32 to index
      %get3A_1609 = arith.constant 0 : index
      %get3A_1610 = tpu.vector_load %arg9[%get3A_1608, %get3A_1609] {strides = array<i32>} : memref<64x64xf32, #tpu.memory_space<vmem>>, vector<16xf32>,
      %mul3A_1611 = arith.constant 8.000000e+00 : f32
      %mul3A_1612 = vector.broadcast %mul3A_1611 : f32 to vector<16xf32>
      %mul3A_1613 = arith.mulf %get3A_1610, %mul3A_1612 : vector<16xf32>
      %swap3A_1614 = arith.constant 36 : i32
      %swap3A_1615 = arith.index_cast %swap3A_1614 : i32 to index
      %swap3A_1616 = arith.constant 0 : index
      %swap3A_1617 = tpu.vector_load %arg7[%swap3A_1615, %swap3A_1616] {strides = array<i32>} : memref<128x128xf32, #tpu.memory_space<vmem>>, vector<16xf32>,
      tpu.vector_store %arg7[%swap3A_1615, %swap3A_1616], %mul3A_1613 {strides = array<i32>} : memref<128x128xf32, #tpu.memory_space<vmem>>, vector<16xf32>,
      %get3A_1618 = arith.constant 36 : i32
      %get3A_1619 = arith.index_cast %get3A_1618 : i32 to index
      %get3A_1620 = arith.constant 16 : index
      %get3A_1621 = tpu.vector_load %arg9[%get3A_1619, %get3A_1620] {strides = array<i32>} : memref<64x64xf32, #tpu.memory_space<vmem>>, vector<16xf32>,
      %mul3A_1622 = arith.constant 8.000000e+00 : f32
      %mul3A_1623 = vector.broadcast %mul3A_1622 : f32 to vector<16xf32>
      %mul3A_1624 = arith.mulf %get3A_1621, %mul3A_1623 : vector<16xf32>
      %swap3A_1625 = arith.constant 36 : i32
      %swap3A_1626 = arith.index_cast %swap3A_1625 : i32 to index
      %swap3A_1627 = arith.constant 16 : index
      %swap3A_1628 = tpu.vector_load %arg7[%swap3A_1626, %swap3A_1627] {strides = array<i32>} : memref<128x128xf32, #tpu.memory_space<vmem>>, vector<16xf32>,
      tpu.vector_store %arg7[%swap3A_1626, %swap3A_1627], %mul3A_1624 {strides = array<i32>} : memref<128x128xf32, #tpu.memory_space<vmem>>, vector<16xf32>,
      %get3A_1629 = arith.constant 36 : i32
      %get3A_1630 = arith.index_cast %get3A_1629 : i32 to index
      %get3A_1631 = arith.constant 32 : index
      %get3A_1632 = tpu.vector_load %arg9[%get3A_1630, %get3A_1631] {strides = array<i32>} : memref<64x64xf32, #tpu.memory_space<vmem>>, vector<16xf32>,
      %mul3A_1633 = arith.constant 8.000000e+00 : f32
      %mul3A_1634 = vector.broadcast %mul3A_1633 : f32 to vector<16xf32>
      %mul3A_1635 = arith.mulf %get3A_1632, %mul3A_1634 : vector<16xf32>
      %swap3A_1636 = arith.constant 36 : i32
      %swap3A_1637 = arith.index_cast %swap3A_1636 : i32 to index
      %swap3A_1638 = arith.constant 32 : index
      %swap3A_1639 = tpu.vector_load %arg7[%swap3A_1637, %swap3A_1638] {strides = array<i32>} : memref<128x128xf32, #tpu.memory_space<vmem>>, vector<16xf32>,
      tpu.vector_store %arg7[%swap3A_1637, %swap3A_1638], %mul3A_1635 {strides = array<i32>} : memref<128x128xf32, #tpu.memory_space<vmem>>, vector<16xf32>,
      %get3A_1640 = arith.constant 36 : i32
      %get3A_1641 = arith.index_cast %get3A_1640 : i32 to index
      %get3A_1642 = arith.constant 48 : index
      %get3A_1643 = tpu.vector_load %arg9[%get3A_1641, %get3A_1642] {strides = array<i32>} : memref<64x64xf32, #tpu.memory_space<vmem>>, vector<16xf32>,
      %mul3A_1644 = arith.constant 8.000000e+00 : f32
      %mul3A_1645 = vector.broadcast %mul3A_1644 : f32 to vector<16xf32>
      %mul3A_1646 = arith.mulf %get3A_1643, %mul3A_1645 : vector<16xf32>
      %swap3A_1647 = arith.constant 36 : i32
      %swap3A_1648 = arith.index_cast %swap3A_1647 : i32 to index
      %swap3A_1649 = arith.constant 48 : index
      %swap3A_1650 = tpu.vector_load %arg7[%swap3A_1648, %swap3A_1649] {strides = array<i32>} : memref<128x128xf32, #tpu.memory_space<vmem>>, vector<16xf32>,
      tpu.vector_store %arg7[%swap3A_1648, %swap3A_1649], %mul3A_1646 {strides = array<i32>} : memref<128x128xf32, #tpu.memory_space<vmem>>, vector<16xf32>,
      %get3A_1651 = arith.constant 37 : i32
      %get3A_1652 = arith.index_cast %get3A_1651 : i32 to index
      %get3A_1653 = arith.constant 0 : index
      %get3A_1654 = tpu.vector_load %arg9[%get3A_1652, %get3A_1653] {strides = array<i32>} : memref<64x64xf32, #tpu.memory_space<vmem>>, vector<16xf32>,
      %mul3A_1655 = arith.constant 8.000000e+00 : f32
      %mul3A_1656 = vector.broadcast %mul3A_1655 : f32 to vector<16xf32>
      %mul3A_1657 = arith.mulf %get3A_1654, %mul3A_1656 : vector<16xf32>
      %swap3A_1658 = arith.constant 37 : i32
      %swap3A_1659 = arith.index_cast %swap3A_1658 : i32 to index
      %swap3A_1660 = arith.constant 0 : index
      %swap3A_1661 = tpu.vector_load %arg7[%swap3A_1659, %swap3A_1660] {strides = array<i32>} : memref<128x128xf32, #tpu.memory_space<vmem>>, vector<16xf32>,
      tpu.vector_store %arg7[%swap3A_1659, %swap3A_1660], %mul3A_1657 {strides = array<i32>} : memref<128x128xf32, #tpu.memory_space<vmem>>, vector<16xf32>,
      %get3A_1662 = arith.constant 37 : i32
      %get3A_1663 = arith.index_cast %get3A_1662 : i32 to index
      %get3A_1664 = arith.constant 16 : index
      %get3A_1665 = tpu.vector_load %arg9[%get3A_1663, %get3A_1664] {strides = array<i32>} : memref<64x64xf32, #tpu.memory_space<vmem>>, vector<16xf32>,
      %mul3A_1666 = arith.constant 8.000000e+00 : f32
      %mul3A_1667 = vector.broadcast %mul3A_1666 : f32 to vector<16xf32>
      %mul3A_1668 = arith.mulf %get3A_1665, %mul3A_1667 : vector<16xf32>
      %swap3A_1669 = arith.constant 37 : i32
      %swap3A_1670 = arith.index_cast %swap3A_1669 : i32 to index
      %swap3A_1671 = arith.constant 16 : index
      %swap3A_1672 = tpu.vector_load %arg7[%swap3A_1670, %swap3A_1671] {strides = array<i32>} : memref<128x128xf32, #tpu.memory_space<vmem>>, vector<16xf32>,
      tpu.vector_store %arg7[%swap3A_1670, %swap3A_1671], %mul3A_1668 {strides = array<i32>} : memref<128x128xf32, #tpu.memory_space<vmem>>, vector<16xf32>,
      %get3A_1673 = arith.constant 37 : i32
      %get3A_1674 = arith.index_cast %get3A_1673 : i32 to index
      %get3A_1675 = arith.constant 32 : index
      %get3A_1676 = tpu.vector_load %arg9[%get3A_1674, %get3A_1675] {strides = array<i32>} : memref<64x64xf32, #tpu.memory_space<vmem>>, vector<16xf32>,
      %mul3A_1677 = arith.constant 8.000000e+00 : f32
      %mul3A_1678 = vector.broadcast %mul3A_1677 : f32 to vector<16xf32>
      %mul3A_1679 = arith.mulf %get3A_1676, %mul3A_1678 : vector<16xf32>
      %swap3A_1680 = arith.constant 37 : i32
      %swap3A_1681 = arith.index_cast %swap3A_1680 : i32 to index
      %swap3A_1682 = arith.constant 32 : index
      %swap3A_1683 = tpu.vector_load %arg7[%swap3A_1681, %swap3A_1682] {strides = array<i32>} : memref<128x128xf32, #tpu.memory_space<vmem>>, vector<16xf32>,
      tpu.vector_store %arg7[%swap3A_1681, %swap3A_1682], %mul3A_1679 {strides = array<i32>} : memref<128x128xf32, #tpu.memory_space<vmem>>, vector<16xf32>,
      %get3A_1684 = arith.constant 37 : i32
      %get3A_1685 = arith.index_cast %get3A_1684 : i32 to index
      %get3A_1686 = arith.constant 48 : index
      %get3A_1687 = tpu.vector_load %arg9[%get3A_1685, %get3A_1686] {strides = array<i32>} : memref<64x64xf32, #tpu.memory_space<vmem>>, vector<16xf32>,
      %mul3A_1688 = arith.constant 8.000000e+00 : f32
      %mul3A_1689 = vector.broadcast %mul3A_1688 : f32 to vector<16xf32>
      %mul3A_1690 = arith.mulf %get3A_1687, %mul3A_1689 : vector<16xf32>
      %swap3A_1691 = arith.constant 37 : i32
      %swap3A_1692 = arith.index_cast %swap3A_1691 : i32 to index
      %swap3A_1693 = arith.constant 48 : index
      %swap3A_1694 = tpu.vector_load %arg7[%swap3A_1692, %swap3A_1693] {strides = array<i32>} : memref<128x128xf32, #tpu.memory_space<vmem>>, vector<16xf32>,
      tpu.vector_store %arg7[%swap3A_1692, %swap3A_1693], %mul3A_1690 {strides = array<i32>} : memref<128x128xf32, #tpu.memory_space<vmem>>, vector<16xf32>,
      %get3A_1695 = arith.constant 38 : i32
      %get3A_1696 = arith.index_cast %get3A_1695 : i32 to index
      %get3A_1697 = arith.constant 0 : index
      %get3A_1698 = tpu.vector_load %arg9[%get3A_1696, %get3A_1697] {strides = array<i32>} : memref<64x64xf32, #tpu.memory_space<vmem>>, vector<16xf32>,
      %mul3A_1699 = arith.constant 8.000000e+00 : f32
      %mul3A_1700 = vector.broadcast %mul3A_1699 : f32 to vector<16xf32>
      %mul3A_1701 = arith.mulf %get3A_1698, %mul3A_1700 : vector<16xf32>
      %swap3A_1702 = arith.constant 38 : i32
      %swap3A_1703 = arith.index_cast %swap3A_1702 : i32 to index
      %swap3A_1704 = arith.constant 0 : index
      %swap3A_1705 = tpu.vector_load %arg7[%swap3A_1703, %swap3A_1704] {strides = array<i32>} : memref<128x128xf32, #tpu.memory_space<vmem>>, vector<16xf32>,
      tpu.vector_store %arg7[%swap3A_1703, %swap3A_1704], %mul3A_1701 {strides = array<i32>} : memref<128x128xf32, #tpu.memory_space<vmem>>, vector<16xf32>,
      %get3A_1706 = arith.constant 38 : i32
      %get3A_1707 = arith.index_cast %get3A_1706 : i32 to index
      %get3A_1708 = arith.constant 16 : index
      %get3A_1709 = tpu.vector_load %arg9[%get3A_1707, %get3A_1708] {strides = array<i32>} : memref<64x64xf32, #tpu.memory_space<vmem>>, vector<16xf32>,
      %mul3A_1710 = arith.constant 8.000000e+00 : f32
      %mul3A_1711 = vector.broadcast %mul3A_1710 : f32 to vector<16xf32>
      %mul3A_1712 = arith.mulf %get3A_1709, %mul3A_1711 : vector<16xf32>
      %swap3A_1713 = arith.constant 38 : i32
      %swap3A_1714 = arith.index_cast %swap3A_1713 : i32 to index
      %swap3A_1715 = arith.constant 16 : index
      %swap3A_1716 = tpu.vector_load %arg7[%swap3A_1714, %swap3A_1715] {strides = array<i32>} : memref<128x128xf32, #tpu.memory_space<vmem>>, vector<16xf32>,
      tpu.vector_store %arg7[%swap3A_1714, %swap3A_1715], %mul3A_1712 {strides = array<i32>} : memref<128x128xf32, #tpu.memory_space<vmem>>, vector<16xf32>,
      %get3A_1717 = arith.constant 38 : i32
      %get3A_1718 = arith.index_cast %get3A_1717 : i32 to index
      %get3A_1719 = arith.constant 32 : index
      %get3A_1720 = tpu.vector_load %arg9[%get3A_1718, %get3A_1719] {strides = array<i32>} : memref<64x64xf32, #tpu.memory_space<vmem>>, vector<16xf32>,
      %mul3A_1721 = arith.constant 8.000000e+00 : f32
      %mul3A_1722 = vector.broadcast %mul3A_1721 : f32 to vector<16xf32>
      %mul3A_1723 = arith.mulf %get3A_1720, %mul3A_1722 : vector<16xf32>
      %swap3A_1724 = arith.constant 38 : i32
      %swap3A_1725 = arith.index_cast %swap3A_1724 : i32 to index
      %swap3A_1726 = arith.constant 32 : index
      %swap3A_1727 = tpu.vector_load %arg7[%swap3A_1725, %swap3A_1726] {strides = array<i32>} : memref<128x128xf32, #tpu.memory_space<vmem>>, vector<16xf32>,
      tpu.vector_store %arg7[%swap3A_1725, %swap3A_1726], %mul3A_1723 {strides = array<i32>} : memref<128x128xf32, #tpu.memory_space<vmem>>, vector<16xf32>,
      %get3A_1728 = arith.constant 38 : i32
      %get3A_1729 = arith.index_cast %get3A_1728 : i32 to index
      %get3A_1730 = arith.constant 48 : index
      %get3A_1731 = tpu.vector_load %arg9[%get3A_1729, %get3A_1730] {strides = array<i32>} : memref<64x64xf32, #tpu.memory_space<vmem>>, vector<16xf32>,
      %mul3A_1732 = arith.constant 8.000000e+00 : f32
      %mul3A_1733 = vector.broadcast %mul3A_1732 : f32 to vector<16xf32>
      %mul3A_1734 = arith.mulf %get3A_1731, %mul3A_1733 : vector<16xf32>
      %swap3A_1735 = arith.constant 38 : i32
      %swap3A_1736 = arith.index_cast %swap3A_1735 : i32 to index
      %swap3A_1737 = arith.constant 48 : index
      %swap3A_1738 = tpu.vector_load %arg7[%swap3A_1736, %swap3A_1737] {strides = array<i32>} : memref<128x128xf32, #tpu.memory_space<vmem>>, vector<16xf32>,
      tpu.vector_store %arg7[%swap3A_1736, %swap3A_1737], %mul3A_1734 {strides = array<i32>} : memref<128x128xf32, #tpu.memory_space<vmem>>, vector<16xf32>,
      %get3A_1739 = arith.constant 39 : i32
      %get3A_1740 = arith.index_cast %get3A_1739 : i32 to index
      %get3A_1741 = arith.constant 0 : index
      %get3A_1742 = tpu.vector_load %arg9[%get3A_1740, %get3A_1741] {strides = array<i32>} : memref<64x64xf32, #tpu.memory_space<vmem>>, vector<16xf32>,
      %mul3A_1743 = arith.constant 8.000000e+00 : f32
      %mul3A_1744 = vector.broadcast %mul3A_1743 : f32 to vector<16xf32>
      %mul3A_1745 = arith.mulf %get3A_1742, %mul3A_1744 : vector<16xf32>
      %swap3A_1746 = arith.constant 39 : i32
      %swap3A_1747 = arith.index_cast %swap3A_1746 : i32 to index
      %swap3A_1748 = arith.constant 0 : index
      %swap3A_1749 = tpu.vector_load %arg7[%swap3A_1747, %swap3A_1748] {strides = array<i32>} : memref<128x128xf32, #tpu.memory_space<vmem>>, vector<16xf32>,
      tpu.vector_store %arg7[%swap3A_1747, %swap3A_1748], %mul3A_1745 {strides = array<i32>} : memref<128x128xf32, #tpu.memory_space<vmem>>, vector<16xf32>,
      %get3A_1750 = arith.constant 39 : i32
      %get3A_1751 = arith.index_cast %get3A_1750 : i32 to index
      %get3A_1752 = arith.constant 16 : index
      %get3A_1753 = tpu.vector_load %arg9[%get3A_1751, %get3A_1752] {strides = array<i32>} : memref<64x64xf32, #tpu.memory_space<vmem>>, vector<16xf32>,
      %mul3A_1754 = arith.constant 8.000000e+00 : f32
      %mul3A_1755 = vector.broadcast %mul3A_1754 : f32 to vector<16xf32>
      %mul3A_1756 = arith.mulf %get3A_1753, %mul3A_1755 : vector<16xf32>
      %swap3A_1757 = arith.constant 39 : i32
      %swap3A_1758 = arith.index_cast %swap3A_1757 : i32 to index
      %swap3A_1759 = arith.constant 16 : index
      %swap3A_1760 = tpu.vector_load %arg7[%swap3A_1758, %swap3A_1759] {strides = array<i32>} : memref<128x128xf32, #tpu.memory_space<vmem>>, vector<16xf32>,
      tpu.vector_store %arg7[%swap3A_1758, %swap3A_1759], %mul3A_1756 {strides = array<i32>} : memref<128x128xf32, #tpu.memory_space<vmem>>, vector<16xf32>,
      %get3A_1761 = arith.constant 39 : i32
      %get3A_1762 = arith.index_cast %get3A_1761 : i32 to index
      %get3A_1763 = arith.constant 32 : index
      %get3A_1764 = tpu.vector_load %arg9[%get3A_1762, %get3A_1763] {strides = array<i32>} : memref<64x64xf32, #tpu.memory_space<vmem>>, vector<16xf32>,
      %mul3A_1765 = arith.constant 8.000000e+00 : f32
      %mul3A_1766 = vector.broadcast %mul3A_1765 : f32 to vector<16xf32>
      %mul3A_1767 = arith.mulf %get3A_1764, %mul3A_1766 : vector<16xf32>
      %swap3A_1768 = arith.constant 39 : i32
      %swap3A_1769 = arith.index_cast %swap3A_1768 : i32 to index
      %swap3A_1770 = arith.constant 32 : index
      %swap3A_1771 = tpu.vector_load %arg7[%swap3A_1769, %swap3A_1770] {strides = array<i32>} : memref<128x128xf32, #tpu.memory_space<vmem>>, vector<16xf32>,
      tpu.vector_store %arg7[%swap3A_1769, %swap3A_1770], %mul3A_1767 {strides = array<i32>} : memref<128x128xf32, #tpu.memory_space<vmem>>, vector<16xf32>,
      %get3A_1772 = arith.constant 39 : i32
      %get3A_1773 = arith.index_cast %get3A_1772 : i32 to index
      %get3A_1774 = arith.constant 48 : index
      %get3A_1775 = tpu.vector_load %arg9[%get3A_1773, %get3A_1774] {strides = array<i32>} : memref<64x64xf32, #tpu.memory_space<vmem>>, vector<16xf32>,
      %mul3A_1776 = arith.constant 8.000000e+00 : f32
      %mul3A_1777 = vector.broadcast %mul3A_1776 : f32 to vector<16xf32>
      %mul3A_1778 = arith.mulf %get3A_1775, %mul3A_1777 : vector<16xf32>
      %swap3A_1779 = arith.constant 39 : i32
      %swap3A_1780 = arith.index_cast %swap3A_1779 : i32 to index
      %swap3A_1781 = arith.constant 48 : index
      %swap3A_1782 = tpu.vector_load %arg7[%swap3A_1780, %swap3A_1781] {strides = array<i32>} : memref<128x128xf32, #tpu.memory_space<vmem>>, vector<16xf32>,
      tpu.vector_store %arg7[%swap3A_1780, %swap3A_1781], %mul3A_1778 {strides = array<i32>} : memref<128x128xf32, #tpu.memory_space<vmem>>, vector<16xf32>,
      %get3A_1783 = arith.constant 40 : i32
      %get3A_1784 = arith.index_cast %get3A_1783 : i32 to index
      %get3A_1785 = arith.constant 0 : index
      %get3A_1786 = tpu.vector_load %arg9[%get3A_1784, %get3A_1785] {strides = array<i32>} : memref<64x64xf32, #tpu.memory_space<vmem>>, vector<16xf32>,
      %mul3A_1787 = arith.constant 8.000000e+00 : f32
      %mul3A_1788 = vector.broadcast %mul3A_1787 : f32 to vector<16xf32>
      %mul3A_1789 = arith.mulf %get3A_1786, %mul3A_1788 : vector<16xf32>
      %swap3A_1790 = arith.constant 40 : i32
      %swap3A_1791 = arith.index_cast %swap3A_1790 : i32 to index
      %swap3A_1792 = arith.constant 0 : index
      %swap3A_1793 = tpu.vector_load %arg7[%swap3A_1791, %swap3A_1792] {strides = array<i32>} : memref<128x128xf32, #tpu.memory_space<vmem>>, vector<16xf32>,
      tpu.vector_store %arg7[%swap3A_1791, %swap3A_1792], %mul3A_1789 {strides = array<i32>} : memref<128x128xf32, #tpu.memory_space<vmem>>, vector<16xf32>,
      %get3A_1794 = arith.constant 40 : i32
      %get3A_1795 = arith.index_cast %get3A_1794 : i32 to index
      %get3A_1796 = arith.constant 16 : index
      %get3A_1797 = tpu.vector_load %arg9[%get3A_1795, %get3A_1796] {strides = array<i32>} : memref<64x64xf32, #tpu.memory_space<vmem>>, vector<16xf32>,
      %mul3A_1798 = arith.constant 8.000000e+00 : f32
      %mul3A_1799 = vector.broadcast %mul3A_1798 : f32 to vector<16xf32>
      %mul3A_1800 = arith.mulf %get3A_1797, %mul3A_1799 : vector<16xf32>
      %swap3A_1801 = arith.constant 40 : i32
      %swap3A_1802 = arith.index_cast %swap3A_1801 : i32 to index
      %swap3A_1803 = arith.constant 16 : index
      %swap3A_1804 = tpu.vector_load %arg7[%swap3A_1802, %swap3A_1803] {strides = array<i32>} : memref<128x128xf32, #tpu.memory_space<vmem>>, vector<16xf32>,
      tpu.vector_store %arg7[%swap3A_1802, %swap3A_1803], %mul3A_1800 {strides = array<i32>} : memref<128x128xf32, #tpu.memory_space<vmem>>, vector<16xf32>,
      %get3A_1805 = arith.constant 40 : i32
      %get3A_1806 = arith.index_cast %get3A_1805 : i32 to index
      %get3A_1807 = arith.constant 32 : index
      %get3A_1808 = tpu.vector_load %arg9[%get3A_1806, %get3A_1807] {strides = array<i32>} : memref<64x64xf32, #tpu.memory_space<vmem>>, vector<16xf32>,
      %mul3A_1809 = arith.constant 8.000000e+00 : f32
      %mul3A_1810 = vector.broadcast %mul3A_1809 : f32 to vector<16xf32>
      %mul3A_1811 = arith.mulf %get3A_1808, %mul3A_1810 : vector<16xf32>
      %swap3A_1812 = arith.constant 40 : i32
      %swap3A_1813 = arith.index_cast %swap3A_1812 : i32 to index
      %swap3A_1814 = arith.constant 32 : index
      %swap3A_1815 = tpu.vector_load %arg7[%swap3A_1813, %swap3A_1814] {strides = array<i32>} : memref<128x128xf32, #tpu.memory_space<vmem>>, vector<16xf32>,
      tpu.vector_store %arg7[%swap3A_1813, %swap3A_1814], %mul3A_1811 {strides = array<i32>} : memref<128x128xf32, #tpu.memory_space<vmem>>, vector<16xf32>,
      %get3A_1816 = arith.constant 40 : i32
      %get3A_1817 = arith.index_cast %get3A_1816 : i32 to index
      %get3A_1818 = arith.constant 48 : index
      %get3A_1819 = tpu.vector_load %arg9[%get3A_1817, %get3A_1818] {strides = array<i32>} : memref<64x64xf32, #tpu.memory_space<vmem>>, vector<16xf32>,
      %mul3A_1820 = arith.constant 8.000000e+00 : f32
      %mul3A_1821 = vector.broadcast %mul3A_1820 : f32 to vector<16xf32>
      %mul3A_1822 = arith.mulf %get3A_1819, %mul3A_1821 : vector<16xf32>
      %swap3A_1823 = arith.constant 40 : i32
      %swap3A_1824 = arith.index_cast %swap3A_1823 : i32 to index
      %swap3A_1825 = arith.constant 48 : index
      %swap3A_1826 = tpu.vector_load %arg7[%swap3A_1824, %swap3A_1825] {strides = array<i32>} : memref<128x128xf32, #tpu.memory_space<vmem>>, vector<16xf32>,
      tpu.vector_store %arg7[%swap3A_1824, %swap3A_1825], %mul3A_1822 {strides = array<i32>} : memref<128x128xf32, #tpu.memory_space<vmem>>, vector<16xf32>,
      %get3A_1827 = arith.constant 41 : i32
      %get3A_1828 = arith.index_cast %get3A_1827 : i32 to index
      %get3A_1829 = arith.constant 0 : index
      %get3A_1830 = tpu.vector_load %arg9[%get3A_1828, %get3A_1829] {strides = array<i32>} : memref<64x64xf32, #tpu.memory_space<vmem>>, vector<16xf32>,
      %mul3A_1831 = arith.constant 8.000000e+00 : f32
      %mul3A_1832 = vector.broadcast %mul3A_1831 : f32 to vector<16xf32>
      %mul3A_1833 = arith.mulf %get3A_1830, %mul3A_1832 : vector<16xf32>
      %swap3A_1834 = arith.constant 41 : i32
      %swap3A_1835 = arith.index_cast %swap3A_1834 : i32 to index
      %swap3A_1836 = arith.constant 0 : index
      %swap3A_1837 = tpu.vector_load %arg7[%swap3A_1835, %swap3A_1836] {strides = array<i32>} : memref<128x128xf32, #tpu.memory_space<vmem>>, vector<16xf32>,
      tpu.vector_store %arg7[%swap3A_1835, %swap3A_1836], %mul3A_1833 {strides = array<i32>} : memref<128x128xf32, #tpu.memory_space<vmem>>, vector<16xf32>,
      %get3A_1838 = arith.constant 41 : i32
      %get3A_1839 = arith.index_cast %get3A_1838 : i32 to index
      %get3A_1840 = arith.constant 16 : index
      %get3A_1841 = tpu.vector_load %arg9[%get3A_1839, %get3A_1840] {strides = array<i32>} : memref<64x64xf32, #tpu.memory_space<vmem>>, vector<16xf32>,
      %mul3A_1842 = arith.constant 8.000000e+00 : f32
      %mul3A_1843 = vector.broadcast %mul3A_1842 : f32 to vector<16xf32>
      %mul3A_1844 = arith.mulf %get3A_1841, %mul3A_1843 : vector<16xf32>
      %swap3A_1845 = arith.constant 41 : i32
      %swap3A_1846 = arith.index_cast %swap3A_1845 : i32 to index
      %swap3A_1847 = arith.constant 16 : index
      %swap3A_1848 = tpu.vector_load %arg7[%swap3A_1846, %swap3A_1847] {strides = array<i32>} : memref<128x128xf32, #tpu.memory_space<vmem>>, vector<16xf32>,
      tpu.vector_store %arg7[%swap3A_1846, %swap3A_1847], %mul3A_1844 {strides = array<i32>} : memref<128x128xf32, #tpu.memory_space<vmem>>, vector<16xf32>,
      %get3A_1849 = arith.constant 41 : i32
      %get3A_1850 = arith.index_cast %get3A_1849 : i32 to index
      %get3A_1851 = arith.constant 32 : index
      %get3A_1852 = tpu.vector_load %arg9[%get3A_1850, %get3A_1851] {strides = array<i32>} : memref<64x64xf32, #tpu.memory_space<vmem>>, vector<16xf32>,
      %mul3A_1853 = arith.constant 8.000000e+00 : f32
      %mul3A_1854 = vector.broadcast %mul3A_1853 : f32 to vector<16xf32>
      %mul3A_1855 = arith.mulf %get3A_1852, %mul3A_1854 : vector<16xf32>
      %swap3A_1856 = arith.constant 41 : i32
      %swap3A_1857 = arith.index_cast %swap3A_1856 : i32 to index
      %swap3A_1858 = arith.constant 32 : index
      %swap3A_1859 = tpu.vector_load %arg7[%swap3A_1857, %swap3A_1858] {strides = array<i32>} : memref<128x128xf32, #tpu.memory_space<vmem>>, vector<16xf32>,
      tpu.vector_store %arg7[%swap3A_1857, %swap3A_1858], %mul3A_1855 {strides = array<i32>} : memref<128x128xf32, #tpu.memory_space<vmem>>, vector<16xf32>,
      %get3A_1860 = arith.constant 41 : i32
      %get3A_1861 = arith.index_cast %get3A_1860 : i32 to index
      %get3A_1862 = arith.constant 48 : index
      %get3A_1863 = tpu.vector_load %arg9[%get3A_1861, %get3A_1862] {strides = array<i32>} : memref<64x64xf32, #tpu.memory_space<vmem>>, vector<16xf32>,
      %mul3A_1864 = arith.constant 8.000000e+00 : f32
      %mul3A_1865 = vector.broadcast %mul3A_1864 : f32 to vector<16xf32>
      %mul3A_1866 = arith.mulf %get3A_1863, %mul3A_1865 : vector<16xf32>
      %swap3A_1867 = arith.constant 41 : i32
      %swap3A_1868 = arith.index_cast %swap3A_1867 : i32 to index
      %swap3A_1869 = arith.constant 48 : index
      %swap3A_1870 = tpu.vector_load %arg7[%swap3A_1868, %swap3A_1869] {strides = array<i32>} : memref<128x128xf32, #tpu.memory_space<vmem>>, vector<16xf32>,
      tpu.vector_store %arg7[%swap3A_1868, %swap3A_1869], %mul3A_1866 {strides = array<i32>} : memref<128x128xf32, #tpu.memory_space<vmem>>, vector<16xf32>,
      %get3A_1871 = arith.constant 42 : i32
      %get3A_1872 = arith.index_cast %get3A_1871 : i32 to index
      %get3A_1873 = arith.constant 0 : index
      %get3A_1874 = tpu.vector_load %arg9[%get3A_1872, %get3A_1873] {strides = array<i32>} : memref<64x64xf32, #tpu.memory_space<vmem>>, vector<16xf32>,
      %mul3A_1875 = arith.constant 8.000000e+00 : f32
      %mul3A_1876 = vector.broadcast %mul3A_1875 : f32 to vector<16xf32>
      %mul3A_1877 = arith.mulf %get3A_1874, %mul3A_1876 : vector<16xf32>
      %swap3A_1878 = arith.constant 42 : i32
      %swap3A_1879 = arith.index_cast %swap3A_1878 : i32 to index
      %swap3A_1880 = arith.constant 0 : index
      %swap3A_1881 = tpu.vector_load %arg7[%swap3A_1879, %swap3A_1880] {strides = array<i32>} : memref<128x128xf32, #tpu.memory_space<vmem>>, vector<16xf32>,
      tpu.vector_store %arg7[%swap3A_1879, %swap3A_1880], %mul3A_1877 {strides = array<i32>} : memref<128x128xf32, #tpu.memory_space<vmem>>, vector<16xf32>,
      %get3A_1882 = arith.constant 42 : i32
      %get3A_1883 = arith.index_cast %get3A_1882 : i32 to index
      %get3A_1884 = arith.constant 16 : index
      %get3A_1885 = tpu.vector_load %arg9[%get3A_1883, %get3A_1884] {strides = array<i32>} : memref<64x64xf32, #tpu.memory_space<vmem>>, vector<16xf32>,
      %mul3A_1886 = arith.constant 8.000000e+00 : f32
      %mul3A_1887 = vector.broadcast %mul3A_1886 : f32 to vector<16xf32>
      %mul3A_1888 = arith.mulf %get3A_1885, %mul3A_1887 : vector<16xf32>
      %swap3A_1889 = arith.constant 42 : i32
      %swap3A_1890 = arith.index_cast %swap3A_1889 : i32 to index
      %swap3A_1891 = arith.constant 16 : index
      %swap3A_1892 = tpu.vector_load %arg7[%swap3A_1890, %swap3A_1891] {strides = array<i32>} : memref<128x128xf32, #tpu.memory_space<vmem>>, vector<16xf32>,
      tpu.vector_store %arg7[%swap3A_1890, %swap3A_1891], %mul3A_1888 {strides = array<i32>} : memref<128x128xf32, #tpu.memory_space<vmem>>, vector<16xf32>,
      %get3A_1893 = arith.constant 42 : i32
      %get3A_1894 = arith.index_cast %get3A_1893 : i32 to index
      %get3A_1895 = arith.constant 32 : index
      %get3A_1896 = tpu.vector_load %arg9[%get3A_1894, %get3A_1895] {strides = array<i32>} : memref<64x64xf32, #tpu.memory_space<vmem>>, vector<16xf32>,
      %mul3A_1897 = arith.constant 8.000000e+00 : f32
      %mul3A_1898 = vector.broadcast %mul3A_1897 : f32 to vector<16xf32>
      %mul3A_1899 = arith.mulf %get3A_1896, %mul3A_1898 : vector<16xf32>
      %swap3A_1900 = arith.constant 42 : i32
      %swap3A_1901 = arith.index_cast %swap3A_1900 : i32 to index
      %swap3A_1902 = arith.constant 32 : index
      %swap3A_1903 = tpu.vector_load %arg7[%swap3A_1901, %swap3A_1902] {strides = array<i32>} : memref<128x128xf32, #tpu.memory_space<vmem>>, vector<16xf32>,
      tpu.vector_store %arg7[%swap3A_1901, %swap3A_1902], %mul3A_1899 {strides = array<i32>} : memref<128x128xf32, #tpu.memory_space<vmem>>, vector<16xf32>,
      %get3A_1904 = arith.constant 42 : i32
      %get3A_1905 = arith.index_cast %get3A_1904 : i32 to index
      %get3A_1906 = arith.constant 48 : index
      %get3A_1907 = tpu.vector_load %arg9[%get3A_1905, %get3A_1906] {strides = array<i32>} : memref<64x64xf32, #tpu.memory_space<vmem>>, vector<16xf32>,
      %mul3A_1908 = arith.constant 8.000000e+00 : f32
      %mul3A_1909 = vector.broadcast %mul3A_1908 : f32 to vector<16xf32>
      %mul3A_1910 = arith.mulf %get3A_1907, %mul3A_1909 : vector<16xf32>
      %swap3A_1911 = arith.constant 42 : i32
      %swap3A_1912 = arith.index_cast %swap3A_1911 : i32 to index
      %swap3A_1913 = arith.constant 48 : index
      %swap3A_1914 = tpu.vector_load %arg7[%swap3A_1912, %swap3A_1913] {strides = array<i32>} : memref<128x128xf32, #tpu.memory_space<vmem>>, vector<16xf32>,
      tpu.vector_store %arg7[%swap3A_1912, %swap3A_1913], %mul3A_1910 {strides = array<i32>} : memref<128x128xf32, #tpu.memory_space<vmem>>, vector<16xf32>,
      %get3A_1915 = arith.constant 43 : i32
      %get3A_1916 = arith.index_cast %get3A_1915 : i32 to index
      %get3A_1917 = arith.constant 0 : index
      %get3A_1918 = tpu.vector_load %arg9[%get3A_1916, %get3A_1917] {strides = array<i32>} : memref<64x64xf32, #tpu.memory_space<vmem>>, vector<16xf32>,
      %mul3A_1919 = arith.constant 8.000000e+00 : f32
      %mul3A_1920 = vector.broadcast %mul3A_1919 : f32 to vector<16xf32>
      %mul3A_1921 = arith.mulf %get3A_1918, %mul3A_1920 : vector<16xf32>
      %swap3A_1922 = arith.constant 43 : i32
      %swap3A_1923 = arith.index_cast %swap3A_1922 : i32 to index
      %swap3A_1924 = arith.constant 0 : index
      %swap3A_1925 = tpu.vector_load %arg7[%swap3A_1923, %swap3A_1924] {strides = array<i32>} : memref<128x128xf32, #tpu.memory_space<vmem>>, vector<16xf32>,
      tpu.vector_store %arg7[%swap3A_1923, %swap3A_1924], %mul3A_1921 {strides = array<i32>} : memref<128x128xf32, #tpu.memory_space<vmem>>, vector<16xf32>,
      %get3A_1926 = arith.constant 43 : i32
      %get3A_1927 = arith.index_cast %get3A_1926 : i32 to index
      %get3A_1928 = arith.constant 16 : index
      %get3A_1929 = tpu.vector_load %arg9[%get3A_1927, %get3A_1928] {strides = array<i32>} : memref<64x64xf32, #tpu.memory_space<vmem>>, vector<16xf32>,
      %mul3A_1930 = arith.constant 8.000000e+00 : f32
      %mul3A_1931 = vector.broadcast %mul3A_1930 : f32 to vector<16xf32>
      %mul3A_1932 = arith.mulf %get3A_1929, %mul3A_1931 : vector<16xf32>
      %swap3A_1933 = arith.constant 43 : i32
      %swap3A_1934 = arith.index_cast %swap3A_1933 : i32 to index
      %swap3A_1935 = arith.constant 16 : index
      %swap3A_1936 = tpu.vector_load %arg7[%swap3A_1934, %swap3A_1935] {strides = array<i32>} : memref<128x128xf32, #tpu.memory_space<vmem>>, vector<16xf32>,
      tpu.vector_store %arg7[%swap3A_1934, %swap3A_1935], %mul3A_1932 {strides = array<i32>} : memref<128x128xf32, #tpu.memory_space<vmem>>, vector<16xf32>,
      %get3A_1937 = arith.constant 43 : i32
      %get3A_1938 = arith.index_cast %get3A_1937 : i32 to index
      %get3A_1939 = arith.constant 32 : index
      %get3A_1940 = tpu.vector_load %arg9[%get3A_1938, %get3A_1939] {strides = array<i32>} : memref<64x64xf32, #tpu.memory_space<vmem>>, vector<16xf32>,
      %mul3A_1941 = arith.constant 8.000000e+00 : f32
      %mul3A_1942 = vector.broadcast %mul3A_1941 : f32 to vector<16xf32>
      %mul3A_1943 = arith.mulf %get3A_1940, %mul3A_1942 : vector<16xf32>
      %swap3A_1944 = arith.constant 43 : i32
      %swap3A_1945 = arith.index_cast %swap3A_1944 : i32 to index
      %swap3A_1946 = arith.constant 32 : index
      %swap3A_1947 = tpu.vector_load %arg7[%swap3A_1945, %swap3A_1946] {strides = array<i32>} : memref<128x128xf32, #tpu.memory_space<vmem>>, vector<16xf32>,
      tpu.vector_store %arg7[%swap3A_1945, %swap3A_1946], %mul3A_1943 {strides = array<i32>} : memref<128x128xf32, #tpu.memory_space<vmem>>, vector<16xf32>,
      %get3A_1948 = arith.constant 43 : i32
      %get3A_1949 = arith.index_cast %get3A_1948 : i32 to index
      %get3A_1950 = arith.constant 48 : index
      %get3A_1951 = tpu.vector_load %arg9[%get3A_1949, %get3A_1950] {strides = array<i32>} : memref<64x64xf32, #tpu.memory_space<vmem>>, vector<16xf32>,
      %mul3A_1952 = arith.constant 8.000000e+00 : f32
      %mul3A_1953 = vector.broadcast %mul3A_1952 : f32 to vector<16xf32>
      %mul3A_1954 = arith.mulf %get3A_1951, %mul3A_1953 : vector<16xf32>
      %swap3A_1955 = arith.constant 43 : i32
      %swap3A_1956 = arith.index_cast %swap3A_1955 : i32 to index
      %swap3A_1957 = arith.constant 48 : index
      %swap3A_1958 = tpu.vector_load %arg7[%swap3A_1956, %swap3A_1957] {strides = array<i32>} : memref<128x128xf32, #tpu.memory_space<vmem>>, vector<16xf32>,
      tpu.vector_store %arg7[%swap3A_1956, %swap3A_1957], %mul3A_1954 {strides = array<i32>} : memref<128x128xf32, #tpu.memory_space<vmem>>, vector<16xf32>,
      %get3A_1959 = arith.constant 44 : i32
      %get3A_1960 = arith.index_cast %get3A_1959 : i32 to index
      %get3A_1961 = arith.constant 0 : index
      %get3A_1962 = tpu.vector_load %arg9[%get3A_1960, %get3A_1961] {strides = array<i32>} : memref<64x64xf32, #tpu.memory_space<vmem>>, vector<16xf32>,
      %mul3A_1963 = arith.constant 8.000000e+00 : f32
      %mul3A_1964 = vector.broadcast %mul3A_1963 : f32 to vector<16xf32>
      %mul3A_1965 = arith.mulf %get3A_1962, %mul3A_1964 : vector<16xf32>
      %swap3A_1966 = arith.constant 44 : i32
      %swap3A_1967 = arith.index_cast %swap3A_1966 : i32 to index
      %swap3A_1968 = arith.constant 0 : index
      %swap3A_1969 = tpu.vector_load %arg7[%swap3A_1967, %swap3A_1968] {strides = array<i32>} : memref<128x128xf32, #tpu.memory_space<vmem>>, vector<16xf32>,
      tpu.vector_store %arg7[%swap3A_1967, %swap3A_1968], %mul3A_1965 {strides = array<i32>} : memref<128x128xf32, #tpu.memory_space<vmem>>, vector<16xf32>,
      %get3A_1970 = arith.constant 44 : i32
      %get3A_1971 = arith.index_cast %get3A_1970 : i32 to index
      %get3A_1972 = arith.constant 16 : index
      %get3A_1973 = tpu.vector_load %arg9[%get3A_1971, %get3A_1972] {strides = array<i32>} : memref<64x64xf32, #tpu.memory_space<vmem>>, vector<16xf32>,
      %mul3A_1974 = arith.constant 8.000000e+00 : f32
      %mul3A_1975 = vector.broadcast %mul3A_1974 : f32 to vector<16xf32>
      %mul3A_1976 = arith.mulf %get3A_1973, %mul3A_1975 : vector<16xf32>
      %swap3A_1977 = arith.constant 44 : i32
      %swap3A_1978 = arith.index_cast %swap3A_1977 : i32 to index
      %swap3A_1979 = arith.constant 16 : index
      %swap3A_1980 = tpu.vector_load %arg7[%swap3A_1978, %swap3A_1979] {strides = array<i32>} : memref<128x128xf32, #tpu.memory_space<vmem>>, vector<16xf32>,
      tpu.vector_store %arg7[%swap3A_1978, %swap3A_1979], %mul3A_1976 {strides = array<i32>} : memref<128x128xf32, #tpu.memory_space<vmem>>, vector<16xf32>,
      %get3A_1981 = arith.constant 44 : i32
      %get3A_1982 = arith.index_cast %get3A_1981 : i32 to index
      %get3A_1983 = arith.constant 32 : index
      %get3A_1984 = tpu.vector_load %arg9[%get3A_1982, %get3A_1983] {strides = array<i32>} : memref<64x64xf32, #tpu.memory_space<vmem>>, vector<16xf32>,
      %mul3A_1985 = arith.constant 8.000000e+00 : f32
      %mul3A_1986 = vector.broadcast %mul3A_1985 : f32 to vector<16xf32>
      %mul3A_1987 = arith.mulf %get3A_1984, %mul3A_1986 : vector<16xf32>
      %swap3A_1988 = arith.constant 44 : i32
      %swap3A_1989 = arith.index_cast %swap3A_1988 : i32 to index
      %swap3A_1990 = arith.constant 32 : index
      %swap3A_1991 = tpu.vector_load %arg7[%swap3A_1989, %swap3A_1990] {strides = array<i32>} : memref<128x128xf32, #tpu.memory_space<vmem>>, vector<16xf32>,
      tpu.vector_store %arg7[%swap3A_1989, %swap3A_1990], %mul3A_1987 {strides = array<i32>} : memref<128x128xf32, #tpu.memory_space<vmem>>, vector<16xf32>,
      %get3A_1992 = arith.constant 44 : i32
      %get3A_1993 = arith.index_cast %get3A_1992 : i32 to index
      %get3A_1994 = arith.constant 48 : index
      %get3A_1995 = tpu.vector_load %arg9[%get3A_1993, %get3A_1994] {strides = array<i32>} : memref<64x64xf32, #tpu.memory_space<vmem>>, vector<16xf32>,
      %mul3A_1996 = arith.constant 8.000000e+00 : f32
      %mul3A_1997 = vector.broadcast %mul3A_1996 : f32 to vector<16xf32>
      %mul3A_1998 = arith.mulf %get3A_1995, %mul3A_1997 : vector<16xf32>
      %swap3A_1999 = arith.constant 44 : i32
      %swap3A_2000 = arith.index_cast %swap3A_1999 : i32 to index
      %swap3A_2001 = arith.constant 48 : index
      %swap3A_2002 = tpu.vector_load %arg7[%swap3A_2000, %swap3A_2001] {strides = array<i32>} : memref<128x128xf32, #tpu.memory_space<vmem>>, vector<16xf32>,
      tpu.vector_store %arg7[%swap3A_2000, %swap3A_2001], %mul3A_1998 {strides = array<i32>} : memref<128x128xf32, #tpu.memory_space<vmem>>, vector<16xf32>,
      %get3A_2003 = arith.constant 45 : i32
      %get3A_2004 = arith.index_cast %get3A_2003 : i32 to index
      %get3A_2005 = arith.constant 0 : index
      %get3A_2006 = tpu.vector_load %arg9[%get3A_2004, %get3A_2005] {strides = array<i32>} : memref<64x64xf32, #tpu.memory_space<vmem>>, vector<16xf32>,
      %mul3A_2007 = arith.constant 8.000000e+00 : f32
      %mul3A_2008 = vector.broadcast %mul3A_2007 : f32 to vector<16xf32>
      %mul3A_2009 = arith.mulf %get3A_2006, %mul3A_2008 : vector<16xf32>
      %swap3A_2010 = arith.constant 45 : i32
      %swap3A_2011 = arith.index_cast %swap3A_2010 : i32 to index
      %swap3A_2012 = arith.constant 0 : index
      %swap3A_2013 = tpu.vector_load %arg7[%swap3A_2011, %swap3A_2012] {strides = array<i32>} : memref<128x128xf32, #tpu.memory_space<vmem>>, vector<16xf32>,
      tpu.vector_store %arg7[%swap3A_2011, %swap3A_2012], %mul3A_2009 {strides = array<i32>} : memref<128x128xf32, #tpu.memory_space<vmem>>, vector<16xf32>,
      %get3A_2014 = arith.constant 45 : i32
      %get3A_2015 = arith.index_cast %get3A_2014 : i32 to index
      %get3A_2016 = arith.constant 16 : index
      %get3A_2017 = tpu.vector_load %arg9[%get3A_2015, %get3A_2016] {strides = array<i32>} : memref<64x64xf32, #tpu.memory_space<vmem>>, vector<16xf32>,
      %mul3A_2018 = arith.constant 8.000000e+00 : f32
      %mul3A_2019 = vector.broadcast %mul3A_2018 : f32 to vector<16xf32>
      %mul3A_2020 = arith.mulf %get3A_2017, %mul3A_2019 : vector<16xf32>
      %swap3A_2021 = arith.constant 45 : i32
      %swap3A_2022 = arith.index_cast %swap3A_2021 : i32 to index
      %swap3A_2023 = arith.constant 16 : index
      %swap3A_2024 = tpu.vector_load %arg7[%swap3A_2022, %swap3A_2023] {strides = array<i32>} : memref<128x128xf32, #tpu.memory_space<vmem>>, vector<16xf32>,
      tpu.vector_store %arg7[%swap3A_2022, %swap3A_2023], %mul3A_2020 {strides = array<i32>} : memref<128x128xf32, #tpu.memory_space<vmem>>, vector<16xf32>,
      %get3A_2025 = arith.constant 45 : i32
      %get3A_2026 = arith.index_cast %get3A_2025 : i32 to index
      %get3A_2027 = arith.constant 32 : index
      %get3A_2028 = tpu.vector_load %arg9[%get3A_2026, %get3A_2027] {strides = array<i32>} : memref<64x64xf32, #tpu.memory_space<vmem>>, vector<16xf32>,
      %mul3A_2029 = arith.constant 8.000000e+00 : f32
      %mul3A_2030 = vector.broadcast %mul3A_2029 : f32 to vector<16xf32>
      %mul3A_2031 = arith.mulf %get3A_2028, %mul3A_2030 : vector<16xf32>
      %swap3A_2032 = arith.constant 45 : i32
      %swap3A_2033 = arith.index_cast %swap3A_2032 : i32 to index
      %swap3A_2034 = arith.constant 32 : index
      %swap3A_2035 = tpu.vector_load %arg7[%swap3A_2033, %swap3A_2034] {strides = array<i32>} : memref<128x128xf32, #tpu.memory_space<vmem>>, vector<16xf32>,
      tpu.vector_store %arg7[%swap3A_2033, %swap3A_2034], %mul3A_2031 {strides = array<i32>} : memref<128x128xf32, #tpu.memory_space<vmem>>, vector<16xf32>,
      %get3A_2036 = arith.constant 45 : i32
      %get3A_2037 = arith.index_cast %get3A_2036 : i32 to index
      %get3A_2038 = arith.constant 48 : index
      %get3A_2039 = tpu.vector_load %arg9[%get3A_2037, %get3A_2038] {strides = array<i32>} : memref<64x64xf32, #tpu.memory_space<vmem>>, vector<16xf32>,
      %mul3A_2040 = arith.constant 8.000000e+00 : f32
      %mul3A_2041 = vector.broadcast %mul3A_2040 : f32 to vector<16xf32>
      %mul3A_2042 = arith.mulf %get3A_2039, %mul3A_2041 : vector<16xf32>
      %swap3A_2043 = arith.constant 45 : i32
      %swap3A_2044 = arith.index_cast %swap3A_2043 : i32 to index
      %swap3A_2045 = arith.constant 48 : index
      %swap3A_2046 = tpu.vector_load %arg7[%swap3A_2044, %swap3A_2045] {strides = array<i32>} : memref<128x128xf32, #tpu.memory_space<vmem>>, vector<16xf32>,
      tpu.vector_store %arg7[%swap3A_2044, %swap3A_2045], %mul3A_2042 {strides = array<i32>} : memref<128x128xf32, #tpu.memory_space<vmem>>, vector<16xf32>,
      %get3A_2047 = arith.constant 46 : i32
      %get3A_2048 = arith.index_cast %get3A_2047 : i32 to index
      %get3A_2049 = arith.constant 0 : index
      %get3A_2050 = tpu.vector_load %arg9[%get3A_2048, %get3A_2049] {strides = array<i32>} : memref<64x64xf32, #tpu.memory_space<vmem>>, vector<16xf32>,
      %mul3A_2051 = arith.constant 8.000000e+00 : f32
      %mul3A_2052 = vector.broadcast %mul3A_2051 : f32 to vector<16xf32>
      %mul3A_2053 = arith.mulf %get3A_2050, %mul3A_2052 : vector<16xf32>
      %swap3A_2054 = arith.constant 46 : i32
      %swap3A_2055 = arith.index_cast %swap3A_2054 : i32 to index
      %swap3A_2056 = arith.constant 0 : index
      %swap3A_2057 = tpu.vector_load %arg7[%swap3A_2055, %swap3A_2056] {strides = array<i32>} : memref<128x128xf32, #tpu.memory_space<vmem>>, vector<16xf32>,
      tpu.vector_store %arg7[%swap3A_2055, %swap3A_2056], %mul3A_2053 {strides = array<i32>} : memref<128x128xf32, #tpu.memory_space<vmem>>, vector<16xf32>,
      %get3A_2058 = arith.constant 46 : i32
      %get3A_2059 = arith.index_cast %get3A_2058 : i32 to index
      %get3A_2060 = arith.constant 16 : index
      %get3A_2061 = tpu.vector_load %arg9[%get3A_2059, %get3A_2060] {strides = array<i32>} : memref<64x64xf32, #tpu.memory_space<vmem>>, vector<16xf32>,
      %mul3A_2062 = arith.constant 8.000000e+00 : f32
      %mul3A_2063 = vector.broadcast %mul3A_2062 : f32 to vector<16xf32>
      %mul3A_2064 = arith.mulf %get3A_2061, %mul3A_2063 : vector<16xf32>
      %swap3A_2065 = arith.constant 46 : i32
      %swap3A_2066 = arith.index_cast %swap3A_2065 : i32 to index
      %swap3A_2067 = arith.constant 16 : index
      %swap3A_2068 = tpu.vector_load %arg7[%swap3A_2066, %swap3A_2067] {strides = array<i32>} : memref<128x128xf32, #tpu.memory_space<vmem>>, vector<16xf32>,
      tpu.vector_store %arg7[%swap3A_2066, %swap3A_2067], %mul3A_2064 {strides = array<i32>} : memref<128x128xf32, #tpu.memory_space<vmem>>, vector<16xf32>,
      %get3A_2069 = arith.constant 46 : i32
      %get3A_2070 = arith.index_cast %get3A_2069 : i32 to index
      %get3A_2071 = arith.constant 32 : index
      %get3A_2072 = tpu.vector_load %arg9[%get3A_2070, %get3A_2071] {strides = array<i32>} : memref<64x64xf32, #tpu.memory_space<vmem>>, vector<16xf32>,
      %mul3A_2073 = arith.constant 8.000000e+00 : f32
      %mul3A_2074 = vector.broadcast %mul3A_2073 : f32 to vector<16xf32>
      %mul3A_2075 = arith.mulf %get3A_2072, %mul3A_2074 : vector<16xf32>
      %swap3A_2076 = arith.constant 46 : i32
      %swap3A_2077 = arith.index_cast %swap3A_2076 : i32 to index
      %swap3A_2078 = arith.constant 32 : index
      %swap3A_2079 = tpu.vector_load %arg7[%swap3A_2077, %swap3A_2078] {strides = array<i32>} : memref<128x128xf32, #tpu.memory_space<vmem>>, vector<16xf32>,
      tpu.vector_store %arg7[%swap3A_2077, %swap3A_2078], %mul3A_2075 {strides = array<i32>} : memref<128x128xf32, #tpu.memory_space<vmem>>, vector<16xf32>,
      %get3A_2080 = arith.constant 46 : i32
      %get3A_2081 = arith.index_cast %get3A_2080 : i32 to index
      %get3A_2082 = arith.constant 48 : index
      %get3A_2083 = tpu.vector_load %arg9[%get3A_2081, %get3A_2082] {strides = array<i32>} : memref<64x64xf32, #tpu.memory_space<vmem>>, vector<16xf32>,
      %mul3A_2084 = arith.constant 8.000000e+00 : f32
      %mul3A_2085 = vector.broadcast %mul3A_2084 : f32 to vector<16xf32>
      %mul3A_2086 = arith.mulf %get3A_2083, %mul3A_2085 : vector<16xf32>
      %swap3A_2087 = arith.constant 46 : i32
      %swap3A_2088 = arith.index_cast %swap3A_2087 : i32 to index
      %swap3A_2089 = arith.constant 48 : index
      %swap3A_2090 = tpu.vector_load %arg7[%swap3A_2088, %swap3A_2089] {strides = array<i32>} : memref<128x128xf32, #tpu.memory_space<vmem>>, vector<16xf32>,
      tpu.vector_store %arg7[%swap3A_2088, %swap3A_2089], %mul3A_2086 {strides = array<i32>} : memref<128x128xf32, #tpu.memory_space<vmem>>, vector<16xf32>,
      %get3A_2091 = arith.constant 47 : i32
      %get3A_2092 = arith.index_cast %get3A_2091 : i32 to index
      %get3A_2093 = arith.constant 0 : index
      %get3A_2094 = tpu.vector_load %arg9[%get3A_2092, %get3A_2093] {strides = array<i32>} : memref<64x64xf32, #tpu.memory_space<vmem>>, vector<16xf32>,
      %mul3A_2095 = arith.constant 8.000000e+00 : f32
      %mul3A_2096 = vector.broadcast %mul3A_2095 : f32 to vector<16xf32>
      %mul3A_2097 = arith.mulf %get3A_2094, %mul3A_2096 : vector<16xf32>
      %swap3A_2098 = arith.constant 47 : i32
      %swap3A_2099 = arith.index_cast %swap3A_2098 : i32 to index
      %swap3A_2100 = arith.constant 0 : index
      %swap3A_2101 = tpu.vector_load %arg7[%swap3A_2099, %swap3A_2100] {strides = array<i32>} : memref<128x128xf32, #tpu.memory_space<vmem>>, vector<16xf32>,
      tpu.vector_store %arg7[%swap3A_2099, %swap3A_2100], %mul3A_2097 {strides = array<i32>} : memref<128x128xf32, #tpu.memory_space<vmem>>, vector<16xf32>,
      %get3A_2102 = arith.constant 47 : i32
      %get3A_2103 = arith.index_cast %get3A_2102 : i32 to index
      %get3A_2104 = arith.constant 16 : index
      %get3A_2105 = tpu.vector_load %arg9[%get3A_2103, %get3A_2104] {strides = array<i32>} : memref<64x64xf32, #tpu.memory_space<vmem>>, vector<16xf32>,
      %mul3A_2106 = arith.constant 8.000000e+00 : f32
      %mul3A_2107 = vector.broadcast %mul3A_2106 : f32 to vector<16xf32>
      %mul3A_2108 = arith.mulf %get3A_2105, %mul3A_2107 : vector<16xf32>
      %swap3A_2109 = arith.constant 47 : i32
      %swap3A_2110 = arith.index_cast %swap3A_2109 : i32 to index
      %swap3A_2111 = arith.constant 16 : index
      %swap3A_2112 = tpu.vector_load %arg7[%swap3A_2110, %swap3A_2111] {strides = array<i32>} : memref<128x128xf32, #tpu.memory_space<vmem>>, vector<16xf32>,
      tpu.vector_store %arg7[%swap3A_2110, %swap3A_2111], %mul3A_2108 {strides = array<i32>} : memref<128x128xf32, #tpu.memory_space<vmem>>, vector<16xf32>,
      %get3A_2113 = arith.constant 47 : i32
      %get3A_2114 = arith.index_cast %get3A_2113 : i32 to index
      %get3A_2115 = arith.constant 32 : index
      %get3A_2116 = tpu.vector_load %arg9[%get3A_2114, %get3A_2115] {strides = array<i32>} : memref<64x64xf32, #tpu.memory_space<vmem>>, vector<16xf32>,
      %mul3A_2117 = arith.constant 8.000000e+00 : f32
      %mul3A_2118 = vector.broadcast %mul3A_2117 : f32 to vector<16xf32>
      %mul3A_2119 = arith.mulf %get3A_2116, %mul3A_2118 : vector<16xf32>
      %swap3A_2120 = arith.constant 47 : i32
      %swap3A_2121 = arith.index_cast %swap3A_2120 : i32 to index
      %swap3A_2122 = arith.constant 32 : index
      %swap3A_2123 = tpu.vector_load %arg7[%swap3A_2121, %swap3A_2122] {strides = array<i32>} : memref<128x128xf32, #tpu.memory_space<vmem>>, vector<16xf32>,
      tpu.vector_store %arg7[%swap3A_2121, %swap3A_2122], %mul3A_2119 {strides = array<i32>} : memref<128x128xf32, #tpu.memory_space<vmem>>, vector<16xf32>,
      %get3A_2124 = arith.constant 47 : i32
      %get3A_2125 = arith.index_cast %get3A_2124 : i32 to index
      %get3A_2126 = arith.constant 48 : index
      %get3A_2127 = tpu.vector_load %arg9[%get3A_2125, %get3A_2126] {strides = array<i32>} : memref<64x64xf32, #tpu.memory_space<vmem>>, vector<16xf32>,
      %mul3A_2128 = arith.constant 8.000000e+00 : f32
      %mul3A_2129 = vector.broadcast %mul3A_2128 : f32 to vector<16xf32>
      %mul3A_2130 = arith.mulf %get3A_2127, %mul3A_2129 : vector<16xf32>
      %swap3A_2131 = arith.constant 47 : i32
      %swap3A_2132 = arith.index_cast %swap3A_2131 : i32 to index
      %swap3A_2133 = arith.constant 48 : index
      %swap3A_2134 = tpu.vector_load %arg7[%swap3A_2132, %swap3A_2133] {strides = array<i32>} : memref<128x128xf32, #tpu.memory_space<vmem>>, vector<16xf32>,
      tpu.vector_store %arg7[%swap3A_2132, %swap3A_2133], %mul3A_2130 {strides = array<i32>} : memref<128x128xf32, #tpu.memory_space<vmem>>, vector<16xf32>,
      %get3A_2135 = arith.constant 48 : i32
      %get3A_2136 = arith.index_cast %get3A_2135 : i32 to index
      %get3A_2137 = arith.constant 0 : index
      %get3A_2138 = tpu.vector_load %arg9[%get3A_2136, %get3A_2137] {strides = array<i32>} : memref<64x64xf32, #tpu.memory_space<vmem>>, vector<16xf32>,
      %mul3A_2139 = arith.constant 8.000000e+00 : f32
      %mul3A_2140 = vector.broadcast %mul3A_2139 : f32 to vector<16xf32>
      %mul3A_2141 = arith.mulf %get3A_2138, %mul3A_2140 : vector<16xf32>
      %swap3A_2142 = arith.constant 48 : i32
      %swap3A_2143 = arith.index_cast %swap3A_2142 : i32 to index
      %swap3A_2144 = arith.constant 0 : index
      %swap3A_2145 = tpu.vector_load %arg7[%swap3A_2143, %swap3A_2144] {strides = array<i32>} : memref<128x128xf32, #tpu.memory_space<vmem>>, vector<16xf32>,
      tpu.vector_store %arg7[%swap3A_2143, %swap3A_2144], %mul3A_2141 {strides = array<i32>} : memref<128x128xf32, #tpu.memory_space<vmem>>, vector<16xf32>,
      %get3A_2146 = arith.constant 48 : i32
      %get3A_2147 = arith.index_cast %get3A_2146 : i32 to index
      %get3A_2148 = arith.constant 16 : index
      %get3A_2149 = tpu.vector_load %arg9[%get3A_2147, %get3A_2148] {strides = array<i32>} : memref<64x64xf32, #tpu.memory_space<vmem>>, vector<16xf32>,
      %mul3A_2150 = arith.constant 8.000000e+00 : f32
      %mul3A_2151 = vector.broadcast %mul3A_2150 : f32 to vector<16xf32>
      %mul3A_2152 = arith.mulf %get3A_2149, %mul3A_2151 : vector<16xf32>
      %swap3A_2153 = arith.constant 48 : i32
      %swap3A_2154 = arith.index_cast %swap3A_2153 : i32 to index
      %swap3A_2155 = arith.constant 16 : index
      %swap3A_2156 = tpu.vector_load %arg7[%swap3A_2154, %swap3A_2155] {strides = array<i32>} : memref<128x128xf32, #tpu.memory_space<vmem>>, vector<16xf32>,
      tpu.vector_store %arg7[%swap3A_2154, %swap3A_2155], %mul3A_2152 {strides = array<i32>} : memref<128x128xf32, #tpu.memory_space<vmem>>, vector<16xf32>,
      %get3A_2157 = arith.constant 48 : i32
      %get3A_2158 = arith.index_cast %get3A_2157 : i32 to index
      %get3A_2159 = arith.constant 32 : index
      %get3A_2160 = tpu.vector_load %arg9[%get3A_2158, %get3A_2159] {strides = array<i32>} : memref<64x64xf32, #tpu.memory_space<vmem>>, vector<16xf32>,
      %mul3A_2161 = arith.constant 8.000000e+00 : f32
      %mul3A_2162 = vector.broadcast %mul3A_2161 : f32 to vector<16xf32>
      %mul3A_2163 = arith.mulf %get3A_2160, %mul3A_2162 : vector<16xf32>
      %swap3A_2164 = arith.constant 48 : i32
      %swap3A_2165 = arith.index_cast %swap3A_2164 : i32 to index
      %swap3A_2166 = arith.constant 32 : index
      %swap3A_2167 = tpu.vector_load %arg7[%swap3A_2165, %swap3A_2166] {strides = array<i32>} : memref<128x128xf32, #tpu.memory_space<vmem>>, vector<16xf32>,
      tpu.vector_store %arg7[%swap3A_2165, %swap3A_2166], %mul3A_2163 {strides = array<i32>} : memref<128x128xf32, #tpu.memory_space<vmem>>, vector<16xf32>,
      %get3A_2168 = arith.constant 48 : i32
      %get3A_2169 = arith.index_cast %get3A_2168 : i32 to index
      %get3A_2170 = arith.constant 48 : index
      %get3A_2171 = tpu.vector_load %arg9[%get3A_2169, %get3A_2170] {strides = array<i32>} : memref<64x64xf32, #tpu.memory_space<vmem>>, vector<16xf32>,
      %mul3A_2172 = arith.constant 8.000000e+00 : f32
      %mul3A_2173 = vector.broadcast %mul3A_2172 : f32 to vector<16xf32>
      %mul3A_2174 = arith.mulf %get3A_2171, %mul3A_2173 : vector<16xf32>
      %swap3A_2175 = arith.constant 48 : i32
      %swap3A_2176 = arith.index_cast %swap3A_2175 : i32 to index
      %swap3A_2177 = arith.constant 48 : index
      %swap3A_2178 = tpu.vector_load %arg7[%swap3A_2176, %swap3A_2177] {strides = array<i32>} : memref<128x128xf32, #tpu.memory_space<vmem>>, vector<16xf32>,
      tpu.vector_store %arg7[%swap3A_2176, %swap3A_2177], %mul3A_2174 {strides = array<i32>} : memref<128x128xf32, #tpu.memory_space<vmem>>, vector<16xf32>,
      %get3A_2179 = arith.constant 49 : i32
      %get3A_2180 = arith.index_cast %get3A_2179 : i32 to index
      %get3A_2181 = arith.constant 0 : index
      %get3A_2182 = tpu.vector_load %arg9[%get3A_2180, %get3A_2181] {strides = array<i32>} : memref<64x64xf32, #tpu.memory_space<vmem>>, vector<16xf32>,
      %mul3A_2183 = arith.constant 8.000000e+00 : f32
      %mul3A_2184 = vector.broadcast %mul3A_2183 : f32 to vector<16xf32>
      %mul3A_2185 = arith.mulf %get3A_2182, %mul3A_2184 : vector<16xf32>
      %swap3A_2186 = arith.constant 49 : i32
      %swap3A_2187 = arith.index_cast %swap3A_2186 : i32 to index
      %swap3A_2188 = arith.constant 0 : index
      %swap3A_2189 = tpu.vector_load %arg7[%swap3A_2187, %swap3A_2188] {strides = array<i32>} : memref<128x128xf32, #tpu.memory_space<vmem>>, vector<16xf32>,
      tpu.vector_store %arg7[%swap3A_2187, %swap3A_2188], %mul3A_2185 {strides = array<i32>} : memref<128x128xf32, #tpu.memory_space<vmem>>, vector<16xf32>,
      %get3A_2190 = arith.constant 49 : i32
      %get3A_2191 = arith.index_cast %get3A_2190 : i32 to index
      %get3A_2192 = arith.constant 16 : index
      %get3A_2193 = tpu.vector_load %arg9[%get3A_2191, %get3A_2192] {strides = array<i32>} : memref<64x64xf32, #tpu.memory_space<vmem>>, vector<16xf32>,
      %mul3A_2194 = arith.constant 8.000000e+00 : f32
      %mul3A_2195 = vector.broadcast %mul3A_2194 : f32 to vector<16xf32>
      %mul3A_2196 = arith.mulf %get3A_2193, %mul3A_2195 : vector<16xf32>
      %swap3A_2197 = arith.constant 49 : i32
      %swap3A_2198 = arith.index_cast %swap3A_2197 : i32 to index
      %swap3A_2199 = arith.constant 16 : index
      %swap3A_2200 = tpu.vector_load %arg7[%swap3A_2198, %swap3A_2199] {strides = array<i32>} : memref<128x128xf32, #tpu.memory_space<vmem>>, vector<16xf32>,
      tpu.vector_store %arg7[%swap3A_2198, %swap3A_2199], %mul3A_2196 {strides = array<i32>} : memref<128x128xf32, #tpu.memory_space<vmem>>, vector<16xf32>,
      %get3A_2201 = arith.constant 49 : i32
      %get3A_2202 = arith.index_cast %get3A_2201 : i32 to index
      %get3A_2203 = arith.constant 32 : index
      %get3A_2204 = tpu.vector_load %arg9[%get3A_2202, %get3A_2203] {strides = array<i32>} : memref<64x64xf32, #tpu.memory_space<vmem>>, vector<16xf32>,
      %mul3A_2205 = arith.constant 8.000000e+00 : f32
      %mul3A_2206 = vector.broadcast %mul3A_2205 : f32 to vector<16xf32>
      %mul3A_2207 = arith.mulf %get3A_2204, %mul3A_2206 : vector<16xf32>
      %swap3A_2208 = arith.constant 49 : i32
      %swap3A_2209 = arith.index_cast %swap3A_2208 : i32 to index
      %swap3A_2210 = arith.constant 32 : index
      %swap3A_2211 = tpu.vector_load %arg7[%swap3A_2209, %swap3A_2210] {strides = array<i32>} : memref<128x128xf32, #tpu.memory_space<vmem>>, vector<16xf32>,
      tpu.vector_store %arg7[%swap3A_2209, %swap3A_2210], %mul3A_2207 {strides = array<i32>} : memref<128x128xf32, #tpu.memory_space<vmem>>, vector<16xf32>,
      %get3A_2212 = arith.constant 49 : i32
      %get3A_2213 = arith.index_cast %get3A_2212 : i32 to index
      %get3A_2214 = arith.constant 48 : index
      %get3A_2215 = tpu.vector_load %arg9[%get3A_2213, %get3A_2214] {strides = array<i32>} : memref<64x64xf32, #tpu.memory_space<vmem>>, vector<16xf32>,
      %mul3A_2216 = arith.constant 8.000000e+00 : f32
      %mul3A_2217 = vector.broadcast %mul3A_2216 : f32 to vector<16xf32>
      %mul3A_2218 = arith.mulf %get3A_2215, %mul3A_2217 : vector<16xf32>
      %swap3A_2219 = arith.constant 49 : i32
      %swap3A_2220 = arith.index_cast %swap3A_2219 : i32 to index
      %swap3A_2221 = arith.constant 48 : index
      %swap3A_2222 = tpu.vector_load %arg7[%swap3A_2220, %swap3A_2221] {strides = array<i32>} : memref<128x128xf32, #tpu.memory_space<vmem>>, vector<16xf32>,
      tpu.vector_store %arg7[%swap3A_2220, %swap3A_2221], %mul3A_2218 {strides = array<i32>} : memref<128x128xf32, #tpu.memory_space<vmem>>, vector<16xf32>,
      %get3A_2223 = arith.constant 50 : i32
      %get3A_2224 = arith.index_cast %get3A_2223 : i32 to index
      %get3A_2225 = arith.constant 0 : index
      %get3A_2226 = tpu.vector_load %arg9[%get3A_2224, %get3A_2225] {strides = array<i32>} : memref<64x64xf32, #tpu.memory_space<vmem>>, vector<16xf32>,
      %mul3A_2227 = arith.constant 8.000000e+00 : f32
      %mul3A_2228 = vector.broadcast %mul3A_2227 : f32 to vector<16xf32>
      %mul3A_2229 = arith.mulf %get3A_2226, %mul3A_2228 : vector<16xf32>
      %swap3A_2230 = arith.constant 50 : i32
      %swap3A_2231 = arith.index_cast %swap3A_2230 : i32 to index
      %swap3A_2232 = arith.constant 0 : index
      %swap3A_2233 = tpu.vector_load %arg7[%swap3A_2231, %swap3A_2232] {strides = array<i32>} : memref<128x128xf32, #tpu.memory_space<vmem>>, vector<16xf32>,
      tpu.vector_store %arg7[%swap3A_2231, %swap3A_2232], %mul3A_2229 {strides = array<i32>} : memref<128x128xf32, #tpu.memory_space<vmem>>, vector<16xf32>,
      %get3A_2234 = arith.constant 50 : i32
      %get3A_2235 = arith.index_cast %get3A_2234 : i32 to index
      %get3A_2236 = arith.constant 16 : index
      %get3A_2237 = tpu.vector_load %arg9[%get3A_2235, %get3A_2236] {strides = array<i32>} : memref<64x64xf32, #tpu.memory_space<vmem>>, vector<16xf32>,
      %mul3A_2238 = arith.constant 8.000000e+00 : f32
      %mul3A_2239 = vector.broadcast %mul3A_2238 : f32 to vector<16xf32>
      %mul3A_2240 = arith.mulf %get3A_2237, %mul3A_2239 : vector<16xf32>
      %swap3A_2241 = arith.constant 50 : i32
      %swap3A_2242 = arith.index_cast %swap3A_2241 : i32 to index
      %swap3A_2243 = arith.constant 16 : index
      %swap3A_2244 = tpu.vector_load %arg7[%swap3A_2242, %swap3A_2243] {strides = array<i32>} : memref<128x128xf32, #tpu.memory_space<vmem>>, vector<16xf32>,
      tpu.vector_store %arg7[%swap3A_2242, %swap3A_2243], %mul3A_2240 {strides = array<i32>} : memref<128x128xf32, #tpu.memory_space<vmem>>, vector<16xf32>,
      %get3A_2245 = arith.constant 50 : i32
      %get3A_2246 = arith.index_cast %get3A_2245 : i32 to index
      %get3A_2247 = arith.constant 32 : index
      %get3A_2248 = tpu.vector_load %arg9[%get3A_2246, %get3A_2247] {strides = array<i32>} : memref<64x64xf32, #tpu.memory_space<vmem>>, vector<16xf32>,
      %mul3A_2249 = arith.constant 8.000000e+00 : f32
      %mul3A_2250 = vector.broadcast %mul3A_2249 : f32 to vector<16xf32>
      %mul3A_2251 = arith.mulf %get3A_2248, %mul3A_2250 : vector<16xf32>
      %swap3A_2252 = arith.constant 50 : i32
      %swap3A_2253 = arith.index_cast %swap3A_2252 : i32 to index
      %swap3A_2254 = arith.constant 32 : index
      %swap3A_2255 = tpu.vector_load %arg7[%swap3A_2253, %swap3A_2254] {strides = array<i32>} : memref<128x128xf32, #tpu.memory_space<vmem>>, vector<16xf32>,
      tpu.vector_store %arg7[%swap3A_2253, %swap3A_2254], %mul3A_2251 {strides = array<i32>} : memref<128x128xf32, #tpu.memory_space<vmem>>, vector<16xf32>,
      %get3A_2256 = arith.constant 50 : i32
      %get3A_2257 = arith.index_cast %get3A_2256 : i32 to index
      %get3A_2258 = arith.constant 48 : index
      %get3A_2259 = tpu.vector_load %arg9[%get3A_2257, %get3A_2258] {strides = array<i32>} : memref<64x64xf32, #tpu.memory_space<vmem>>, vector<16xf32>,
      %mul3A_2260 = arith.constant 8.000000e+00 : f32
      %mul3A_2261 = vector.broadcast %mul3A_2260 : f32 to vector<16xf32>
      %mul3A_2262 = arith.mulf %get3A_2259, %mul3A_2261 : vector<16xf32>
      %swap3A_2263 = arith.constant 50 : i32
      %swap3A_2264 = arith.index_cast %swap3A_2263 : i32 to index
      %swap3A_2265 = arith.constant 48 : index
      %swap3A_2266 = tpu.vector_load %arg7[%swap3A_2264, %swap3A_2265] {strides = array<i32>} : memref<128x128xf32, #tpu.memory_space<vmem>>, vector<16xf32>,
      tpu.vector_store %arg7[%swap3A_2264, %swap3A_2265], %mul3A_2262 {strides = array<i32>} : memref<128x128xf32, #tpu.memory_space<vmem>>, vector<16xf32>,
      %get3A_2267 = arith.constant 51 : i32
      %get3A_2268 = arith.index_cast %get3A_2267 : i32 to index
      %get3A_2269 = arith.constant 0 : index
      %get3A_2270 = tpu.vector_load %arg9[%get3A_2268, %get3A_2269] {strides = array<i32>} : memref<64x64xf32, #tpu.memory_space<vmem>>, vector<16xf32>,
      %mul3A_2271 = arith.constant 8.000000e+00 : f32
      %mul3A_2272 = vector.broadcast %mul3A_2271 : f32 to vector<16xf32>
      %mul3A_2273 = arith.mulf %get3A_2270, %mul3A_2272 : vector<16xf32>
      %swap3A_2274 = arith.constant 51 : i32
      %swap3A_2275 = arith.index_cast %swap3A_2274 : i32 to index
      %swap3A_2276 = arith.constant 0 : index
      %swap3A_2277 = tpu.vector_load %arg7[%swap3A_2275, %swap3A_2276] {strides = array<i32>} : memref<128x128xf32, #tpu.memory_space<vmem>>, vector<16xf32>,
      tpu.vector_store %arg7[%swap3A_2275, %swap3A_2276], %mul3A_2273 {strides = array<i32>} : memref<128x128xf32, #tpu.memory_space<vmem>>, vector<16xf32>,
      %get3A_2278 = arith.constant 51 : i32
      %get3A_2279 = arith.index_cast %get3A_2278 : i32 to index
      %get3A_2280 = arith.constant 16 : index
      %get3A_2281 = tpu.vector_load %arg9[%get3A_2279, %get3A_2280] {strides = array<i32>} : memref<64x64xf32, #tpu.memory_space<vmem>>, vector<16xf32>,
      %mul3A_2282 = arith.constant 8.000000e+00 : f32
      %mul3A_2283 = vector.broadcast %mul3A_2282 : f32 to vector<16xf32>
      %mul3A_2284 = arith.mulf %get3A_2281, %mul3A_2283 : vector<16xf32>
      %swap3A_2285 = arith.constant 51 : i32
      %swap3A_2286 = arith.index_cast %swap3A_2285 : i32 to index
      %swap3A_2287 = arith.constant 16 : index
      %swap3A_2288 = tpu.vector_load %arg7[%swap3A_2286, %swap3A_2287] {strides = array<i32>} : memref<128x128xf32, #tpu.memory_space<vmem>>, vector<16xf32>,
      tpu.vector_store %arg7[%swap3A_2286, %swap3A_2287], %mul3A_2284 {strides = array<i32>} : memref<128x128xf32, #tpu.memory_space<vmem>>, vector<16xf32>,
      %get3A_2289 = arith.constant 51 : i32
      %get3A_2290 = arith.index_cast %get3A_2289 : i32 to index
      %get3A_2291 = arith.constant 32 : index
      %get3A_2292 = tpu.vector_load %arg9[%get3A_2290, %get3A_2291] {strides = array<i32>} : memref<64x64xf32, #tpu.memory_space<vmem>>, vector<16xf32>,
      %mul3A_2293 = arith.constant 8.000000e+00 : f32
      %mul3A_2294 = vector.broadcast %mul3A_2293 : f32 to vector<16xf32>
      %mul3A_2295 = arith.mulf %get3A_2292, %mul3A_2294 : vector<16xf32>
      %swap3A_2296 = arith.constant 51 : i32
      %swap3A_2297 = arith.index_cast %swap3A_2296 : i32 to index
      %swap3A_2298 = arith.constant 32 : index
      %swap3A_2299 = tpu.vector_load %arg7[%swap3A_2297, %swap3A_2298] {strides = array<i32>} : memref<128x128xf32, #tpu.memory_space<vmem>>, vector<16xf32>,
      tpu.vector_store %arg7[%swap3A_2297, %swap3A_2298], %mul3A_2295 {strides = array<i32>} : memref<128x128xf32, #tpu.memory_space<vmem>>, vector<16xf32>,
      %get3A_2300 = arith.constant 51 : i32
      %get3A_2301 = arith.index_cast %get3A_2300 : i32 to index
      %get3A_2302 = arith.constant 48 : index
      %get3A_2303 = tpu.vector_load %arg9[%get3A_2301, %get3A_2302] {strides = array<i32>} : memref<64x64xf32, #tpu.memory_space<vmem>>, vector<16xf32>,
      %mul3A_2304 = arith.constant 8.000000e+00 : f32
      %mul3A_2305 = vector.broadcast %mul3A_2304 : f32 to vector<16xf32>
      %mul3A_2306 = arith.mulf %get3A_2303, %mul3A_2305 : vector<16xf32>
      %swap3A_2307 = arith.constant 51 : i32
      %swap3A_2308 = arith.index_cast %swap3A_2307 : i32 to index
      %swap3A_2309 = arith.constant 48 : index
      %swap3A_2310 = tpu.vector_load %arg7[%swap3A_2308, %swap3A_2309] {strides = array<i32>} : memref<128x128xf32, #tpu.memory_space<vmem>>, vector<16xf32>,
      tpu.vector_store %arg7[%swap3A_2308, %swap3A_2309], %mul3A_2306 {strides = array<i32>} : memref<128x128xf32, #tpu.memory_space<vmem>>, vector<16xf32>,
      %get3A_2311 = arith.constant 52 : i32
      %get3A_2312 = arith.index_cast %get3A_2311 : i32 to index
      %get3A_2313 = arith.constant 0 : index
      %get3A_2314 = tpu.vector_load %arg9[%get3A_2312, %get3A_2313] {strides = array<i32>} : memref<64x64xf32, #tpu.memory_space<vmem>>, vector<16xf32>,
      %mul3A_2315 = arith.constant 8.000000e+00 : f32
      %mul3A_2316 = vector.broadcast %mul3A_2315 : f32 to vector<16xf32>
      %mul3A_2317 = arith.mulf %get3A_2314, %mul3A_2316 : vector<16xf32>
      %swap3A_2318 = arith.constant 52 : i32
      %swap3A_2319 = arith.index_cast %swap3A_2318 : i32 to index
      %swap3A_2320 = arith.constant 0 : index
      %swap3A_2321 = tpu.vector_load %arg7[%swap3A_2319, %swap3A_2320] {strides = array<i32>} : memref<128x128xf32, #tpu.memory_space<vmem>>, vector<16xf32>,
      tpu.vector_store %arg7[%swap3A_2319, %swap3A_2320], %mul3A_2317 {strides = array<i32>} : memref<128x128xf32, #tpu.memory_space<vmem>>, vector<16xf32>,
      %get3A_2322 = arith.constant 52 : i32
      %get3A_2323 = arith.index_cast %get3A_2322 : i32 to index
      %get3A_2324 = arith.constant 16 : index
      %get3A_2325 = tpu.vector_load %arg9[%get3A_2323, %get3A_2324] {strides = array<i32>} : memref<64x64xf32, #tpu.memory_space<vmem>>, vector<16xf32>,
      %mul3A_2326 = arith.constant 8.000000e+00 : f32
      %mul3A_2327 = vector.broadcast %mul3A_2326 : f32 to vector<16xf32>
      %mul3A_2328 = arith.mulf %get3A_2325, %mul3A_2327 : vector<16xf32>
      %swap3A_2329 = arith.constant 52 : i32
      %swap3A_2330 = arith.index_cast %swap3A_2329 : i32 to index
      %swap3A_2331 = arith.constant 16 : index
      %swap3A_2332 = tpu.vector_load %arg7[%swap3A_2330, %swap3A_2331] {strides = array<i32>} : memref<128x128xf32, #tpu.memory_space<vmem>>, vector<16xf32>,
      tpu.vector_store %arg7[%swap3A_2330, %swap3A_2331], %mul3A_2328 {strides = array<i32>} : memref<128x128xf32, #tpu.memory_space<vmem>>, vector<16xf32>,
      %get3A_2333 = arith.constant 52 : i32
      %get3A_2334 = arith.index_cast %get3A_2333 : i32 to index
      %get3A_2335 = arith.constant 32 : index
      %get3A_2336 = tpu.vector_load %arg9[%get3A_2334, %get3A_2335] {strides = array<i32>} : memref<64x64xf32, #tpu.memory_space<vmem>>, vector<16xf32>,
      %mul3A_2337 = arith.constant 8.000000e+00 : f32
      %mul3A_2338 = vector.broadcast %mul3A_2337 : f32 to vector<16xf32>
      %mul3A_2339 = arith.mulf %get3A_2336, %mul3A_2338 : vector<16xf32>
      %swap3A_2340 = arith.constant 52 : i32
      %swap3A_2341 = arith.index_cast %swap3A_2340 : i32 to index
      %swap3A_2342 = arith.constant 32 : index
      %swap3A_2343 = tpu.vector_load %arg7[%swap3A_2341, %swap3A_2342] {strides = array<i32>} : memref<128x128xf32, #tpu.memory_space<vmem>>, vector<16xf32>,
      tpu.vector_store %arg7[%swap3A_2341, %swap3A_2342], %mul3A_2339 {strides = array<i32>} : memref<128x128xf32, #tpu.memory_space<vmem>>, vector<16xf32>,
      %get3A_2344 = arith.constant 52 : i32
      %get3A_2345 = arith.index_cast %get3A_2344 : i32 to index
      %get3A_2346 = arith.constant 48 : index
      %get3A_2347 = tpu.vector_load %arg9[%get3A_2345, %get3A_2346] {strides = array<i32>} : memref<64x64xf32, #tpu.memory_space<vmem>>, vector<16xf32>,
      %mul3A_2348 = arith.constant 8.000000e+00 : f32
      %mul3A_2349 = vector.broadcast %mul3A_2348 : f32 to vector<16xf32>
      %mul3A_2350 = arith.mulf %get3A_2347, %mul3A_2349 : vector<16xf32>
      %swap3A_2351 = arith.constant 52 : i32
      %swap3A_2352 = arith.index_cast %swap3A_2351 : i32 to index
      %swap3A_2353 = arith.constant 48 : index
      %swap3A_2354 = tpu.vector_load %arg7[%swap3A_2352, %swap3A_2353] {strides = array<i32>} : memref<128x128xf32, #tpu.memory_space<vmem>>, vector<16xf32>,
      tpu.vector_store %arg7[%swap3A_2352, %swap3A_2353], %mul3A_2350 {strides = array<i32>} : memref<128x128xf32, #tpu.memory_space<vmem>>, vector<16xf32>,
      %get3A_2355 = arith.constant 53 : i32
      %get3A_2356 = arith.index_cast %get3A_2355 : i32 to index
      %get3A_2357 = arith.constant 0 : index
      %get3A_2358 = tpu.vector_load %arg9[%get3A_2356, %get3A_2357] {strides = array<i32>} : memref<64x64xf32, #tpu.memory_space<vmem>>, vector<16xf32>,
      %mul3A_2359 = arith.constant 8.000000e+00 : f32
      %mul3A_2360 = vector.broadcast %mul3A_2359 : f32 to vector<16xf32>
      %mul3A_2361 = arith.mulf %get3A_2358, %mul3A_2360 : vector<16xf32>
      %swap3A_2362 = arith.constant 53 : i32
      %swap3A_2363 = arith.index_cast %swap3A_2362 : i32 to index
      %swap3A_2364 = arith.constant 0 : index
      %swap3A_2365 = tpu.vector_load %arg7[%swap3A_2363, %swap3A_2364] {strides = array<i32>} : memref<128x128xf32, #tpu.memory_space<vmem>>, vector<16xf32>,
      tpu.vector_store %arg7[%swap3A_2363, %swap3A_2364], %mul3A_2361 {strides = array<i32>} : memref<128x128xf32, #tpu.memory_space<vmem>>, vector<16xf32>,
      %get3A_2366 = arith.constant 53 : i32
      %get3A_2367 = arith.index_cast %get3A_2366 : i32 to index
      %get3A_2368 = arith.constant 16 : index
      %get3A_2369 = tpu.vector_load %arg9[%get3A_2367, %get3A_2368] {strides = array<i32>} : memref<64x64xf32, #tpu.memory_space<vmem>>, vector<16xf32>,
      %mul3A_2370 = arith.constant 8.000000e+00 : f32
      %mul3A_2371 = vector.broadcast %mul3A_2370 : f32 to vector<16xf32>
      %mul3A_2372 = arith.mulf %get3A_2369, %mul3A_2371 : vector<16xf32>
      %swap3A_2373 = arith.constant 53 : i32
      %swap3A_2374 = arith.index_cast %swap3A_2373 : i32 to index
      %swap3A_2375 = arith.constant 16 : index
      %swap3A_2376 = tpu.vector_load %arg7[%swap3A_2374, %swap3A_2375] {strides = array<i32>} : memref<128x128xf32, #tpu.memory_space<vmem>>, vector<16xf32>,
      tpu.vector_store %arg7[%swap3A_2374, %swap3A_2375], %mul3A_2372 {strides = array<i32>} : memref<128x128xf32, #tpu.memory_space<vmem>>, vector<16xf32>,
      %get3A_2377 = arith.constant 53 : i32
      %get3A_2378 = arith.index_cast %get3A_2377 : i32 to index
      %get3A_2379 = arith.constant 32 : index
      %get3A_2380 = tpu.vector_load %arg9[%get3A_2378, %get3A_2379] {strides = array<i32>} : memref<64x64xf32, #tpu.memory_space<vmem>>, vector<16xf32>,
      %mul3A_2381 = arith.constant 8.000000e+00 : f32
      %mul3A_2382 = vector.broadcast %mul3A_2381 : f32 to vector<16xf32>
      %mul3A_2383 = arith.mulf %get3A_2380, %mul3A_2382 : vector<16xf32>
      %swap3A_2384 = arith.constant 53 : i32
      %swap3A_2385 = arith.index_cast %swap3A_2384 : i32 to index
      %swap3A_2386 = arith.constant 32 : index
      %swap3A_2387 = tpu.vector_load %arg7[%swap3A_2385, %swap3A_2386] {strides = array<i32>} : memref<128x128xf32, #tpu.memory_space<vmem>>, vector<16xf32>,
      tpu.vector_store %arg7[%swap3A_2385, %swap3A_2386], %mul3A_2383 {strides = array<i32>} : memref<128x128xf32, #tpu.memory_space<vmem>>, vector<16xf32>,
      %get3A_2388 = arith.constant 53 : i32
      %get3A_2389 = arith.index_cast %get3A_2388 : i32 to index
      %get3A_2390 = arith.constant 48 : index
      %get3A_2391 = tpu.vector_load %arg9[%get3A_2389, %get3A_2390] {strides = array<i32>} : memref<64x64xf32, #tpu.memory_space<vmem>>, vector<16xf32>,
      %mul3A_2392 = arith.constant 8.000000e+00 : f32
      %mul3A_2393 = vector.broadcast %mul3A_2392 : f32 to vector<16xf32>
      %mul3A_2394 = arith.mulf %get3A_2391, %mul3A_2393 : vector<16xf32>
      %swap3A_2395 = arith.constant 53 : i32
      %swap3A_2396 = arith.index_cast %swap3A_2395 : i32 to index
      %swap3A_2397 = arith.constant 48 : index
      %swap3A_2398 = tpu.vector_load %arg7[%swap3A_2396, %swap3A_2397] {strides = array<i32>} : memref<128x128xf32, #tpu.memory_space<vmem>>, vector<16xf32>,
      tpu.vector_store %arg7[%swap3A_2396, %swap3A_2397], %mul3A_2394 {strides = array<i32>} : memref<128x128xf32, #tpu.memory_space<vmem>>, vector<16xf32>,
      %get3A_2399 = arith.constant 54 : i32
      %get3A_2400 = arith.index_cast %get3A_2399 : i32 to index
      %get3A_2401 = arith.constant 0 : index
      %get3A_2402 = tpu.vector_load %arg9[%get3A_2400, %get3A_2401] {strides = array<i32>} : memref<64x64xf32, #tpu.memory_space<vmem>>, vector<16xf32>,
      %mul3A_2403 = arith.constant 8.000000e+00 : f32
      %mul3A_2404 = vector.broadcast %mul3A_2403 : f32 to vector<16xf32>
      %mul3A_2405 = arith.mulf %get3A_2402, %mul3A_2404 : vector<16xf32>
      %swap3A_2406 = arith.constant 54 : i32
      %swap3A_2407 = arith.index_cast %swap3A_2406 : i32 to index
      %swap3A_2408 = arith.constant 0 : index
      %swap3A_2409 = tpu.vector_load %arg7[%swap3A_2407, %swap3A_2408] {strides = array<i32>} : memref<128x128xf32, #tpu.memory_space<vmem>>, vector<16xf32>,
      tpu.vector_store %arg7[%swap3A_2407, %swap3A_2408], %mul3A_2405 {strides = array<i32>} : memref<128x128xf32, #tpu.memory_space<vmem>>, vector<16xf32>,
      %get3A_2410 = arith.constant 54 : i32
      %get3A_2411 = arith.index_cast %get3A_2410 : i32 to index
      %get3A_2412 = arith.constant 16 : index
      %get3A_2413 = tpu.vector_load %arg9[%get3A_2411, %get3A_2412] {strides = array<i32>} : memref<64x64xf32, #tpu.memory_space<vmem>>, vector<16xf32>,
      %mul3A_2414 = arith.constant 8.000000e+00 : f32
      %mul3A_2415 = vector.broadcast %mul3A_2414 : f32 to vector<16xf32>
      %mul3A_2416 = arith.mulf %get3A_2413, %mul3A_2415 : vector<16xf32>
      %swap3A_2417 = arith.constant 54 : i32
      %swap3A_2418 = arith.index_cast %swap3A_2417 : i32 to index
      %swap3A_2419 = arith.constant 16 : index
      %swap3A_2420 = tpu.vector_load %arg7[%swap3A_2418, %swap3A_2419] {strides = array<i32>} : memref<128x128xf32, #tpu.memory_space<vmem>>, vector<16xf32>,
      tpu.vector_store %arg7[%swap3A_2418, %swap3A_2419], %mul3A_2416 {strides = array<i32>} : memref<128x128xf32, #tpu.memory_space<vmem>>, vector<16xf32>,
      %get3A_2421 = arith.constant 54 : i32
      %get3A_2422 = arith.index_cast %get3A_2421 : i32 to index
      %get3A_2423 = arith.constant 32 : index
      %get3A_2424 = tpu.vector_load %arg9[%get3A_2422, %get3A_2423] {strides = array<i32>} : memref<64x64xf32, #tpu.memory_space<vmem>>, vector<16xf32>,
      %mul3A_2425 = arith.constant 8.000000e+00 : f32
      %mul3A_2426 = vector.broadcast %mul3A_2425 : f32 to vector<16xf32>
      %mul3A_2427 = arith.mulf %get3A_2424, %mul3A_2426 : vector<16xf32>
      %swap3A_2428 = arith.constant 54 : i32
      %swap3A_2429 = arith.index_cast %swap3A_2428 : i32 to index
      %swap3A_2430 = arith.constant 32 : index
      %swap3A_2431 = tpu.vector_load %arg7[%swap3A_2429, %swap3A_2430] {strides = array<i32>} : memref<128x128xf32, #tpu.memory_space<vmem>>, vector<16xf32>,
      tpu.vector_store %arg7[%swap3A_2429, %swap3A_2430], %mul3A_2427 {strides = array<i32>} : memref<128x128xf32, #tpu.memory_space<vmem>>, vector<16xf32>,
      %get3A_2432 = arith.constant 54 : i32
      %get3A_2433 = arith.index_cast %get3A_2432 : i32 to index
      %get3A_2434 = arith.constant 48 : index
      %get3A_2435 = tpu.vector_load %arg9[%get3A_2433, %get3A_2434] {strides = array<i32>} : memref<64x64xf32, #tpu.memory_space<vmem>>, vector<16xf32>,
      %mul3A_2436 = arith.constant 8.000000e+00 : f32
      %mul3A_2437 = vector.broadcast %mul3A_2436 : f32 to vector<16xf32>
      %mul3A_2438 = arith.mulf %get3A_2435, %mul3A_2437 : vector<16xf32>
      %swap3A_2439 = arith.constant 54 : i32
      %swap3A_2440 = arith.index_cast %swap3A_2439 : i32 to index
      %swap3A_2441 = arith.constant 48 : index
      %swap3A_2442 = tpu.vector_load %arg7[%swap3A_2440, %swap3A_2441] {strides = array<i32>} : memref<128x128xf32, #tpu.memory_space<vmem>>, vector<16xf32>,
      tpu.vector_store %arg7[%swap3A_2440, %swap3A_2441], %mul3A_2438 {strides = array<i32>} : memref<128x128xf32, #tpu.memory_space<vmem>>, vector<16xf32>,
      %get3A_2443 = arith.constant 55 : i32
      %get3A_2444 = arith.index_cast %get3A_2443 : i32 to index
      %get3A_2445 = arith.constant 0 : index
      %get3A_2446 = tpu.vector_load %arg9[%get3A_2444, %get3A_2445] {strides = array<i32>} : memref<64x64xf32, #tpu.memory_space<vmem>>, vector<16xf32>,
      %mul3A_2447 = arith.constant 8.000000e+00 : f32
      %mul3A_2448 = vector.broadcast %mul3A_2447 : f32 to vector<16xf32>
      %mul3A_2449 = arith.mulf %get3A_2446, %mul3A_2448 : vector<16xf32>
      %swap3A_2450 = arith.constant 55 : i32
      %swap3A_2451 = arith.index_cast %swap3A_2450 : i32 to index
      %swap3A_2452 = arith.constant 0 : index
      %swap3A_2453 = tpu.vector_load %arg7[%swap3A_2451, %swap3A_2452] {strides = array<i32>} : memref<128x128xf32, #tpu.memory_space<vmem>>, vector<16xf32>,
      tpu.vector_store %arg7[%swap3A_2451, %swap3A_2452], %mul3A_2449 {strides = array<i32>} : memref<128x128xf32, #tpu.memory_space<vmem>>, vector<16xf32>,
      %get3A_2454 = arith.constant 55 : i32
      %get3A_2455 = arith.index_cast %get3A_2454 : i32 to index
      %get3A_2456 = arith.constant 16 : index
      %get3A_2457 = tpu.vector_load %arg9[%get3A_2455, %get3A_2456] {strides = array<i32>} : memref<64x64xf32, #tpu.memory_space<vmem>>, vector<16xf32>,
      %mul3A_2458 = arith.constant 8.000000e+00 : f32
      %mul3A_2459 = vector.broadcast %mul3A_2458 : f32 to vector<16xf32>
      %mul3A_2460 = arith.mulf %get3A_2457, %mul3A_2459 : vector<16xf32>
      %swap3A_2461 = arith.constant 55 : i32
      %swap3A_2462 = arith.index_cast %swap3A_2461 : i32 to index
      %swap3A_2463 = arith.constant 16 : index
      %swap3A_2464 = tpu.vector_load %arg7[%swap3A_2462, %swap3A_2463] {strides = array<i32>} : memref<128x128xf32, #tpu.memory_space<vmem>>, vector<16xf32>,
      tpu.vector_store %arg7[%swap3A_2462, %swap3A_2463], %mul3A_2460 {strides = array<i32>} : memref<128x128xf32, #tpu.memory_space<vmem>>, vector<16xf32>,
      %get3A_2465 = arith.constant 55 : i32
      %get3A_2466 = arith.index_cast %get3A_2465 : i32 to index
      %get3A_2467 = arith.constant 32 : index
      %get3A_2468 = tpu.vector_load %arg9[%get3A_2466, %get3A_2467] {strides = array<i32>} : memref<64x64xf32, #tpu.memory_space<vmem>>, vector<16xf32>,
      %mul3A_2469 = arith.constant 8.000000e+00 : f32
      %mul3A_2470 = vector.broadcast %mul3A_2469 : f32 to vector<16xf32>
      %mul3A_2471 = arith.mulf %get3A_2468, %mul3A_2470 : vector<16xf32>
      %swap3A_2472 = arith.constant 55 : i32
      %swap3A_2473 = arith.index_cast %swap3A_2472 : i32 to index
      %swap3A_2474 = arith.constant 32 : index
      %swap3A_2475 = tpu.vector_load %arg7[%swap3A_2473, %swap3A_2474] {strides = array<i32>} : memref<128x128xf32, #tpu.memory_space<vmem>>, vector<16xf32>,
      tpu.vector_store %arg7[%swap3A_2473, %swap3A_2474], %mul3A_2471 {strides = array<i32>} : memref<128x128xf32, #tpu.memory_space<vmem>>, vector<16xf32>,
      %get3A_2476 = arith.constant 55 : i32
      %get3A_2477 = arith.index_cast %get3A_2476 : i32 to index
      %get3A_2478 = arith.constant 48 : index
      %get3A_2479 = tpu.vector_load %arg9[%get3A_2477, %get3A_2478] {strides = array<i32>} : memref<64x64xf32, #tpu.memory_space<vmem>>, vector<16xf32>,
      %mul3A_2480 = arith.constant 8.000000e+00 : f32
      %mul3A_2481 = vector.broadcast %mul3A_2480 : f32 to vector<16xf32>
      %mul3A_2482 = arith.mulf %get3A_2479, %mul3A_2481 : vector<16xf32>
      %swap3A_2483 = arith.constant 55 : i32
      %swap3A_2484 = arith.index_cast %swap3A_2483 : i32 to index
      %swap3A_2485 = arith.constant 48 : index
      %swap3A_2486 = tpu.vector_load %arg7[%swap3A_2484, %swap3A_2485] {strides = array<i32>} : memref<128x128xf32, #tpu.memory_space<vmem>>, vector<16xf32>,
      tpu.vector_store %arg7[%swap3A_2484, %swap3A_2485], %mul3A_2482 {strides = array<i32>} : memref<128x128xf32, #tpu.memory_space<vmem>>, vector<16xf32>,
      %get3A_2487 = arith.constant 56 : i32
      %get3A_2488 = arith.index_cast %get3A_2487 : i32 to index
      %get3A_2489 = arith.constant 0 : index
      %get3A_2490 = tpu.vector_load %arg9[%get3A_2488, %get3A_2489] {strides = array<i32>} : memref<64x64xf32, #tpu.memory_space<vmem>>, vector<16xf32>,
      %mul3A_2491 = arith.constant 8.000000e+00 : f32
      %mul3A_2492 = vector.broadcast %mul3A_2491 : f32 to vector<16xf32>
      %mul3A_2493 = arith.mulf %get3A_2490, %mul3A_2492 : vector<16xf32>
      %swap3A_2494 = arith.constant 56 : i32
      %swap3A_2495 = arith.index_cast %swap3A_2494 : i32 to index
      %swap3A_2496 = arith.constant 0 : index
      %swap3A_2497 = tpu.vector_load %arg7[%swap3A_2495, %swap3A_2496] {strides = array<i32>} : memref<128x128xf32, #tpu.memory_space<vmem>>, vector<16xf32>,
      tpu.vector_store %arg7[%swap3A_2495, %swap3A_2496], %mul3A_2493 {strides = array<i32>} : memref<128x128xf32, #tpu.memory_space<vmem>>, vector<16xf32>,
      %get3A_2498 = arith.constant 56 : i32
      %get3A_2499 = arith.index_cast %get3A_2498 : i32 to index
      %get3A_2500 = arith.constant 16 : index
      %get3A_2501 = tpu.vector_load %arg9[%get3A_2499, %get3A_2500] {strides = array<i32>} : memref<64x64xf32, #tpu.memory_space<vmem>>, vector<16xf32>,
      %mul3A_2502 = arith.constant 8.000000e+00 : f32
      %mul3A_2503 = vector.broadcast %mul3A_2502 : f32 to vector<16xf32>
      %mul3A_2504 = arith.mulf %get3A_2501, %mul3A_2503 : vector<16xf32>
      %swap3A_2505 = arith.constant 56 : i32
      %swap3A_2506 = arith.index_cast %swap3A_2505 : i32 to index
      %swap3A_2507 = arith.constant 16 : index
      %swap3A_2508 = tpu.vector_load %arg7[%swap3A_2506, %swap3A_2507] {strides = array<i32>} : memref<128x128xf32, #tpu.memory_space<vmem>>, vector<16xf32>,
      tpu.vector_store %arg7[%swap3A_2506, %swap3A_2507], %mul3A_2504 {strides = array<i32>} : memref<128x128xf32, #tpu.memory_space<vmem>>, vector<16xf32>,
      %get3A_2509 = arith.constant 56 : i32
      %get3A_2510 = arith.index_cast %get3A_2509 : i32 to index
      %get3A_2511 = arith.constant 32 : index
      %get3A_2512 = tpu.vector_load %arg9[%get3A_2510, %get3A_2511] {strides = array<i32>} : memref<64x64xf32, #tpu.memory_space<vmem>>, vector<16xf32>,
      %mul3A_2513 = arith.constant 8.000000e+00 : f32
      %mul3A_2514 = vector.broadcast %mul3A_2513 : f32 to vector<16xf32>
      %mul3A_2515 = arith.mulf %get3A_2512, %mul3A_2514 : vector<16xf32>
      %swap3A_2516 = arith.constant 56 : i32
      %swap3A_2517 = arith.index_cast %swap3A_2516 : i32 to index
      %swap3A_2518 = arith.constant 32 : index
      %swap3A_2519 = tpu.vector_load %arg7[%swap3A_2517, %swap3A_2518] {strides = array<i32>} : memref<128x128xf32, #tpu.memory_space<vmem>>, vector<16xf32>,
      tpu.vector_store %arg7[%swap3A_2517, %swap3A_2518], %mul3A_2515 {strides = array<i32>} : memref<128x128xf32, #tpu.memory_space<vmem>>, vector<16xf32>,
      %get3A_2520 = arith.constant 56 : i32
      %get3A_2521 = arith.index_cast %get3A_2520 : i32 to index
      %get3A_2522 = arith.constant 48 : index
      %get3A_2523 = tpu.vector_load %arg9[%get3A_2521, %get3A_2522] {strides = array<i32>} : memref<64x64xf32, #tpu.memory_space<vmem>>, vector<16xf32>,
      %mul3A_2524 = arith.constant 8.000000e+00 : f32
      %mul3A_2525 = vector.broadcast %mul3A_2524 : f32 to vector<16xf32>
      %mul3A_2526 = arith.mulf %get3A_2523, %mul3A_2525 : vector<16xf32>
      %swap3A_2527 = arith.constant 56 : i32
      %swap3A_2528 = arith.index_cast %swap3A_2527 : i32 to index
      %swap3A_2529 = arith.constant 48 : index
      %swap3A_2530 = tpu.vector_load %arg7[%swap3A_2528, %swap3A_2529] {strides = array<i32>} : memref<128x128xf32, #tpu.memory_space<vmem>>, vector<16xf32>,
      tpu.vector_store %arg7[%swap3A_2528, %swap3A_2529], %mul3A_2526 {strides = array<i32>} : memref<128x128xf32, #tpu.memory_space<vmem>>, vector<16xf32>,
      %get3A_2531 = arith.constant 57 : i32
      %get3A_2532 = arith.index_cast %get3A_2531 : i32 to index
      %get3A_2533 = arith.constant 0 : index
      %get3A_2534 = tpu.vector_load %arg9[%get3A_2532, %get3A_2533] {strides = array<i32>} : memref<64x64xf32, #tpu.memory_space<vmem>>, vector<16xf32>,
      %mul3A_2535 = arith.constant 8.000000e+00 : f32
      %mul3A_2536 = vector.broadcast %mul3A_2535 : f32 to vector<16xf32>
      %mul3A_2537 = arith.mulf %get3A_2534, %mul3A_2536 : vector<16xf32>
      %swap3A_2538 = arith.constant 57 : i32
      %swap3A_2539 = arith.index_cast %swap3A_2538 : i32 to index
      %swap3A_2540 = arith.constant 0 : index
      %swap3A_2541 = tpu.vector_load %arg7[%swap3A_2539, %swap3A_2540] {strides = array<i32>} : memref<128x128xf32, #tpu.memory_space<vmem>>, vector<16xf32>,
      tpu.vector_store %arg7[%swap3A_2539, %swap3A_2540], %mul3A_2537 {strides = array<i32>} : memref<128x128xf32, #tpu.memory_space<vmem>>, vector<16xf32>,
      %get3A_2542 = arith.constant 57 : i32
      %get3A_2543 = arith.index_cast %get3A_2542 : i32 to index
      %get3A_2544 = arith.constant 16 : index
      %get3A_2545 = tpu.vector_load %arg9[%get3A_2543, %get3A_2544] {strides = array<i32>} : memref<64x64xf32, #tpu.memory_space<vmem>>, vector<16xf32>,
      %mul3A_2546 = arith.constant 8.000000e+00 : f32
      %mul3A_2547 = vector.broadcast %mul3A_2546 : f32 to vector<16xf32>
      %mul3A_2548 = arith.mulf %get3A_2545, %mul3A_2547 : vector<16xf32>
      %swap3A_2549 = arith.constant 57 : i32
      %swap3A_2550 = arith.index_cast %swap3A_2549 : i32 to index
      %swap3A_2551 = arith.constant 16 : index
      %swap3A_2552 = tpu.vector_load %arg7[%swap3A_2550, %swap3A_2551] {strides = array<i32>} : memref<128x128xf32, #tpu.memory_space<vmem>>, vector<16xf32>,
      tpu.vector_store %arg7[%swap3A_2550, %swap3A_2551], %mul3A_2548 {strides = array<i32>} : memref<128x128xf32, #tpu.memory_space<vmem>>, vector<16xf32>,
      %get3A_2553 = arith.constant 57 : i32
      %get3A_2554 = arith.index_cast %get3A_2553 : i32 to index
      %get3A_2555 = arith.constant 32 : index
      %get3A_2556 = tpu.vector_load %arg9[%get3A_2554, %get3A_2555] {strides = array<i32>} : memref<64x64xf32, #tpu.memory_space<vmem>>, vector<16xf32>,
      %mul3A_2557 = arith.constant 8.000000e+00 : f32
      %mul3A_2558 = vector.broadcast %mul3A_2557 : f32 to vector<16xf32>
      %mul3A_2559 = arith.mulf %get3A_2556, %mul3A_2558 : vector<16xf32>
      %swap3A_2560 = arith.constant 57 : i32
      %swap3A_2561 = arith.index_cast %swap3A_2560 : i32 to index
      %swap3A_2562 = arith.constant 32 : index
      %swap3A_2563 = tpu.vector_load %arg7[%swap3A_2561, %swap3A_2562] {strides = array<i32>} : memref<128x128xf32, #tpu.memory_space<vmem>>, vector<16xf32>,
      tpu.vector_store %arg7[%swap3A_2561, %swap3A_2562], %mul3A_2559 {strides = array<i32>} : memref<128x128xf32, #tpu.memory_space<vmem>>, vector<16xf32>,
      %get3A_2564 = arith.constant 57 : i32
      %get3A_2565 = arith.index_cast %get3A_2564 : i32 to index
      %get3A_2566 = arith.constant 48 : index
      %get3A_2567 = tpu.vector_load %arg9[%get3A_2565, %get3A_2566] {strides = array<i32>} : memref<64x64xf32, #tpu.memory_space<vmem>>, vector<16xf32>,
      %mul3A_2568 = arith.constant 8.000000e+00 : f32
      %mul3A_2569 = vector.broadcast %mul3A_2568 : f32 to vector<16xf32>
      %mul3A_2570 = arith.mulf %get3A_2567, %mul3A_2569 : vector<16xf32>
      %swap3A_2571 = arith.constant 57 : i32
      %swap3A_2572 = arith.index_cast %swap3A_2571 : i32 to index
      %swap3A_2573 = arith.constant 48 : index
      %swap3A_2574 = tpu.vector_load %arg7[%swap3A_2572, %swap3A_2573] {strides = array<i32>} : memref<128x128xf32, #tpu.memory_space<vmem>>, vector<16xf32>,
      tpu.vector_store %arg7[%swap3A_2572, %swap3A_2573], %mul3A_2570 {strides = array<i32>} : memref<128x128xf32, #tpu.memory_space<vmem>>, vector<16xf32>,
      %get3A_2575 = arith.constant 58 : i32
      %get3A_2576 = arith.index_cast %get3A_2575 : i32 to index
      %get3A_2577 = arith.constant 0 : index
      %get3A_2578 = tpu.vector_load %arg9[%get3A_2576, %get3A_2577] {strides = array<i32>} : memref<64x64xf32, #tpu.memory_space<vmem>>, vector<16xf32>,
      %mul3A_2579 = arith.constant 8.000000e+00 : f32
      %mul3A_2580 = vector.broadcast %mul3A_2579 : f32 to vector<16xf32>
      %mul3A_2581 = arith.mulf %get3A_2578, %mul3A_2580 : vector<16xf32>
      %swap3A_2582 = arith.constant 58 : i32
      %swap3A_2583 = arith.index_cast %swap3A_2582 : i32 to index
      %swap3A_2584 = arith.constant 0 : index
      %swap3A_2585 = tpu.vector_load %arg7[%swap3A_2583, %swap3A_2584] {strides = array<i32>} : memref<128x128xf32, #tpu.memory_space<vmem>>, vector<16xf32>,
      tpu.vector_store %arg7[%swap3A_2583, %swap3A_2584], %mul3A_2581 {strides = array<i32>} : memref<128x128xf32, #tpu.memory_space<vmem>>, vector<16xf32>,
      %get3A_2586 = arith.constant 58 : i32
      %get3A_2587 = arith.index_cast %get3A_2586 : i32 to index
      %get3A_2588 = arith.constant 16 : index
      %get3A_2589 = tpu.vector_load %arg9[%get3A_2587, %get3A_2588] {strides = array<i32>} : memref<64x64xf32, #tpu.memory_space<vmem>>, vector<16xf32>,
      %mul3A_2590 = arith.constant 8.000000e+00 : f32
      %mul3A_2591 = vector.broadcast %mul3A_2590 : f32 to vector<16xf32>
      %mul3A_2592 = arith.mulf %get3A_2589, %mul3A_2591 : vector<16xf32>
      %swap3A_2593 = arith.constant 58 : i32
      %swap3A_2594 = arith.index_cast %swap3A_2593 : i32 to index
      %swap3A_2595 = arith.constant 16 : index
      %swap3A_2596 = tpu.vector_load %arg7[%swap3A_2594, %swap3A_2595] {strides = array<i32>} : memref<128x128xf32, #tpu.memory_space<vmem>>, vector<16xf32>,
      tpu.vector_store %arg7[%swap3A_2594, %swap3A_2595], %mul3A_2592 {strides = array<i32>} : memref<128x128xf32, #tpu.memory_space<vmem>>, vector<16xf32>,
      %get3A_2597 = arith.constant 58 : i32
      %get3A_2598 = arith.index_cast %get3A_2597 : i32 to index
      %get3A_2599 = arith.constant 32 : index
      %get3A_2600 = tpu.vector_load %arg9[%get3A_2598, %get3A_2599] {strides = array<i32>} : memref<64x64xf32, #tpu.memory_space<vmem>>, vector<16xf32>,
      %mul3A_2601 = arith.constant 8.000000e+00 : f32
      %mul3A_2602 = vector.broadcast %mul3A_2601 : f32 to vector<16xf32>
      %mul3A_2603 = arith.mulf %get3A_2600, %mul3A_2602 : vector<16xf32>
      %swap3A_2604 = arith.constant 58 : i32
      %swap3A_2605 = arith.index_cast %swap3A_2604 : i32 to index
      %swap3A_2606 = arith.constant 32 : index
      %swap3A_2607 = tpu.vector_load %arg7[%swap3A_2605, %swap3A_2606] {strides = array<i32>} : memref<128x128xf32, #tpu.memory_space<vmem>>, vector<16xf32>,
      tpu.vector_store %arg7[%swap3A_2605, %swap3A_2606], %mul3A_2603 {strides = array<i32>} : memref<128x128xf32, #tpu.memory_space<vmem>>, vector<16xf32>,
      %get3A_2608 = arith.constant 58 : i32
      %get3A_2609 = arith.index_cast %get3A_2608 : i32 to index
      %get3A_2610 = arith.constant 48 : index
      %get3A_2611 = tpu.vector_load %arg9[%get3A_2609, %get3A_2610] {strides = array<i32>} : memref<64x64xf32, #tpu.memory_space<vmem>>, vector<16xf32>,
      %mul3A_2612 = arith.constant 8.000000e+00 : f32
      %mul3A_2613 = vector.broadcast %mul3A_2612 : f32 to vector<16xf32>
      %mul3A_2614 = arith.mulf %get3A_2611, %mul3A_2613 : vector<16xf32>
      %swap3A_2615 = arith.constant 58 : i32
      %swap3A_2616 = arith.index_cast %swap3A_2615 : i32 to index
      %swap3A_2617 = arith.constant 48 : index
      %swap3A_2618 = tpu.vector_load %arg7[%swap3A_2616, %swap3A_2617] {strides = array<i32>} : memref<128x128xf32, #tpu.memory_space<vmem>>, vector<16xf32>,
      tpu.vector_store %arg7[%swap3A_2616, %swap3A_2617], %mul3A_2614 {strides = array<i32>} : memref<128x128xf32, #tpu.memory_space<vmem>>, vector<16xf32>,
      %get3A_2619 = arith.constant 59 : i32
      %get3A_2620 = arith.index_cast %get3A_2619 : i32 to index
      %get3A_2621 = arith.constant 0 : index
      %get3A_2622 = tpu.vector_load %arg9[%get3A_2620, %get3A_2621] {strides = array<i32>} : memref<64x64xf32, #tpu.memory_space<vmem>>, vector<16xf32>,
      %mul3A_2623 = arith.constant 8.000000e+00 : f32
      %mul3A_2624 = vector.broadcast %mul3A_2623 : f32 to vector<16xf32>
      %mul3A_2625 = arith.mulf %get3A_2622, %mul3A_2624 : vector<16xf32>
      %swap3A_2626 = arith.constant 59 : i32
      %swap3A_2627 = arith.index_cast %swap3A_2626 : i32 to index
      %swap3A_2628 = arith.constant 0 : index
      %swap3A_2629 = tpu.vector_load %arg7[%swap3A_2627, %swap3A_2628] {strides = array<i32>} : memref<128x128xf32, #tpu.memory_space<vmem>>, vector<16xf32>,
      tpu.vector_store %arg7[%swap3A_2627, %swap3A_2628], %mul3A_2625 {strides = array<i32>} : memref<128x128xf32, #tpu.memory_space<vmem>>, vector<16xf32>,
      %get3A_2630 = arith.constant 59 : i32
      %get3A_2631 = arith.index_cast %get3A_2630 : i32 to index
      %get3A_2632 = arith.constant 16 : index
      %get3A_2633 = tpu.vector_load %arg9[%get3A_2631, %get3A_2632] {strides = array<i32>} : memref<64x64xf32, #tpu.memory_space<vmem>>, vector<16xf32>,
      %mul3A_2634 = arith.constant 8.000000e+00 : f32
      %mul3A_2635 = vector.broadcast %mul3A_2634 : f32 to vector<16xf32>
      %mul3A_2636 = arith.mulf %get3A_2633, %mul3A_2635 : vector<16xf32>
      %swap3A_2637 = arith.constant 59 : i32
      %swap3A_2638 = arith.index_cast %swap3A_2637 : i32 to index
      %swap3A_2639 = arith.constant 16 : index
      %swap3A_2640 = tpu.vector_load %arg7[%swap3A_2638, %swap3A_2639] {strides = array<i32>} : memref<128x128xf32, #tpu.memory_space<vmem>>, vector<16xf32>,
      tpu.vector_store %arg7[%swap3A_2638, %swap3A_2639], %mul3A_2636 {strides = array<i32>} : memref<128x128xf32, #tpu.memory_space<vmem>>, vector<16xf32>,
      %get3A_2641 = arith.constant 59 : i32
      %get3A_2642 = arith.index_cast %get3A_2641 : i32 to index
      %get3A_2643 = arith.constant 32 : index
      %get3A_2644 = tpu.vector_load %arg9[%get3A_2642, %get3A_2643] {strides = array<i32>} : memref<64x64xf32, #tpu.memory_space<vmem>>, vector<16xf32>,
      %mul3A_2645 = arith.constant 8.000000e+00 : f32
      %mul3A_2646 = vector.broadcast %mul3A_2645 : f32 to vector<16xf32>
      %mul3A_2647 = arith.mulf %get3A_2644, %mul3A_2646 : vector<16xf32>
      %swap3A_2648 = arith.constant 59 : i32
      %swap3A_2649 = arith.index_cast %swap3A_2648 : i32 to index
      %swap3A_2650 = arith.constant 32 : index
      %swap3A_2651 = tpu.vector_load %arg7[%swap3A_2649, %swap3A_2650] {strides = array<i32>} : memref<128x128xf32, #tpu.memory_space<vmem>>, vector<16xf32>,
      tpu.vector_store %arg7[%swap3A_2649, %swap3A_2650], %mul3A_2647 {strides = array<i32>} : memref<128x128xf32, #tpu.memory_space<vmem>>, vector<16xf32>,
      %get3A_2652 = arith.constant 59 : i32
      %get3A_2653 = arith.index_cast %get3A_2652 : i32 to index
      %get3A_2654 = arith.constant 48 : index
      %get3A_2655 = tpu.vector_load %arg9[%get3A_2653, %get3A_2654] {strides = array<i32>} : memref<64x64xf32, #tpu.memory_space<vmem>>, vector<16xf32>,
      %mul3A_2656 = arith.constant 8.000000e+00 : f32
      %mul3A_2657 = vector.broadcast %mul3A_2656 : f32 to vector<16xf32>
      %mul3A_2658 = arith.mulf %get3A_2655, %mul3A_2657 : vector<16xf32>
      %swap3A_2659 = arith.constant 59 : i32
      %swap3A_2660 = arith.index_cast %swap3A_2659 : i32 to index
      %swap3A_2661 = arith.constant 48 : index
      %swap3A_2662 = tpu.vector_load %arg7[%swap3A_2660, %swap3A_2661] {strides = array<i32>} : memref<128x128xf32, #tpu.memory_space<vmem>>, vector<16xf32>,
      tpu.vector_store %arg7[%swap3A_2660, %swap3A_2661], %mul3A_2658 {strides = array<i32>} : memref<128x128xf32, #tpu.memory_space<vmem>>, vector<16xf32>,
      %get3A_2663 = arith.constant 60 : i32
      %get3A_2664 = arith.index_cast %get3A_2663 : i32 to index
      %get3A_2665 = arith.constant 0 : index
      %get3A_2666 = tpu.vector_load %arg9[%get3A_2664, %get3A_2665] {strides = array<i32>} : memref<64x64xf32, #tpu.memory_space<vmem>>, vector<16xf32>,
      %mul3A_2667 = arith.constant 8.000000e+00 : f32
      %mul3A_2668 = vector.broadcast %mul3A_2667 : f32 to vector<16xf32>
      %mul3A_2669 = arith.mulf %get3A_2666, %mul3A_2668 : vector<16xf32>
      %swap3A_2670 = arith.constant 60 : i32
      %swap3A_2671 = arith.index_cast %swap3A_2670 : i32 to index
      %swap3A_2672 = arith.constant 0 : index
      %swap3A_2673 = tpu.vector_load %arg7[%swap3A_2671, %swap3A_2672] {strides = array<i32>} : memref<128x128xf32, #tpu.memory_space<vmem>>, vector<16xf32>,
      tpu.vector_store %arg7[%swap3A_2671, %swap3A_2672], %mul3A_2669 {strides = array<i32>} : memref<128x128xf32, #tpu.memory_space<vmem>>, vector<16xf32>,
      %get3A_2674 = arith.constant 60 : i32
      %get3A_2675 = arith.index_cast %get3A_2674 : i32 to index
      %get3A_2676 = arith.constant 16 : index
      %get3A_2677 = tpu.vector_load %arg9[%get3A_2675, %get3A_2676] {strides = array<i32>} : memref<64x64xf32, #tpu.memory_space<vmem>>, vector<16xf32>,
      %mul3A_2678 = arith.constant 8.000000e+00 : f32
      %mul3A_2679 = vector.broadcast %mul3A_2678 : f32 to vector<16xf32>
      %mul3A_2680 = arith.mulf %get3A_2677, %mul3A_2679 : vector<16xf32>
      %swap3A_2681 = arith.constant 60 : i32
      %swap3A_2682 = arith.index_cast %swap3A_2681 : i32 to index
      %swap3A_2683 = arith.constant 16 : index
      %swap3A_2684 = tpu.vector_load %arg7[%swap3A_2682, %swap3A_2683] {strides = array<i32>} : memref<128x128xf32, #tpu.memory_space<vmem>>, vector<16xf32>,
      tpu.vector_store %arg7[%swap3A_2682, %swap3A_2683], %mul3A_2680 {strides = array<i32>} : memref<128x128xf32, #tpu.memory_space<vmem>>, vector<16xf32>,
      %get3A_2685 = arith.constant 60 : i32
      %get3A_2686 = arith.index_cast %get3A_2685 : i32 to index
      %get3A_2687 = arith.constant 32 : index
      %get3A_2688 = tpu.vector_load %arg9[%get3A_2686, %get3A_2687] {strides = array<i32>} : memref<64x64xf32, #tpu.memory_space<vmem>>, vector<16xf32>,
      %mul3A_2689 = arith.constant 8.000000e+00 : f32
      %mul3A_2690 = vector.broadcast %mul3A_2689 : f32 to vector<16xf32>
      %mul3A_2691 = arith.mulf %get3A_2688, %mul3A_2690 : vector<16xf32>
      %swap3A_2692 = arith.constant 60 : i32
      %swap3A_2693 = arith.index_cast %swap3A_2692 : i32 to index
      %swap3A_2694 = arith.constant 32 : index
      %swap3A_2695 = tpu.vector_load %arg7[%swap3A_2693, %swap3A_2694] {strides = array<i32>} : memref<128x128xf32, #tpu.memory_space<vmem>>, vector<16xf32>,
      tpu.vector_store %arg7[%swap3A_2693, %swap3A_2694], %mul3A_2691 {strides = array<i32>} : memref<128x128xf32, #tpu.memory_space<vmem>>, vector<16xf32>,
      %get3A_2696 = arith.constant 60 : i32
      %get3A_2697 = arith.index_cast %get3A_2696 : i32 to index
      %get3A_2698 = arith.constant 48 : index
      %get3A_2699 = tpu.vector_load %arg9[%get3A_2697, %get3A_2698] {strides = array<i32>} : memref<64x64xf32, #tpu.memory_space<vmem>>, vector<16xf32>,
      %mul3A_2700 = arith.constant 8.000000e+00 : f32
      %mul3A_2701 = vector.broadcast %mul3A_2700 : f32 to vector<16xf32>
      %mul3A_2702 = arith.mulf %get3A_2699, %mul3A_2701 : vector<16xf32>
      %swap3A_2703 = arith.constant 60 : i32
      %swap3A_2704 = arith.index_cast %swap3A_2703 : i32 to index
      %swap3A_2705 = arith.constant 48 : index
      %swap3A_2706 = tpu.vector_load %arg7[%swap3A_2704, %swap3A_2705] {strides = array<i32>} : memref<128x128xf32, #tpu.memory_space<vmem>>, vector<16xf32>,
      tpu.vector_store %arg7[%swap3A_2704, %swap3A_2705], %mul3A_2702 {strides = array<i32>} : memref<128x128xf32, #tpu.memory_space<vmem>>, vector<16xf32>,
      %get3A_2707 = arith.constant 61 : i32
      %get3A_2708 = arith.index_cast %get3A_2707 : i32 to index
      %get3A_2709 = arith.constant 0 : index
      %get3A_2710 = tpu.vector_load %arg9[%get3A_2708, %get3A_2709] {strides = array<i32>} : memref<64x64xf32, #tpu.memory_space<vmem>>, vector<16xf32>,
      %mul3A_2711 = arith.constant 8.000000e+00 : f32
      %mul3A_2712 = vector.broadcast %mul3A_2711 : f32 to vector<16xf32>
      %mul3A_2713 = arith.mulf %get3A_2710, %mul3A_2712 : vector<16xf32>
      %swap3A_2714 = arith.constant 61 : i32
      %swap3A_2715 = arith.index_cast %swap3A_2714 : i32 to index
      %swap3A_2716 = arith.constant 0 : index
      %swap3A_2717 = tpu.vector_load %arg7[%swap3A_2715, %swap3A_2716] {strides = array<i32>} : memref<128x128xf32, #tpu.memory_space<vmem>>, vector<16xf32>,
      tpu.vector_store %arg7[%swap3A_2715, %swap3A_2716], %mul3A_2713 {strides = array<i32>} : memref<128x128xf32, #tpu.memory_space<vmem>>, vector<16xf32>,
      %get3A_2718 = arith.constant 61 : i32
      %get3A_2719 = arith.index_cast %get3A_2718 : i32 to index
      %get3A_2720 = arith.constant 16 : index
      %get3A_2721 = tpu.vector_load %arg9[%get3A_2719, %get3A_2720] {strides = array<i32>} : memref<64x64xf32, #tpu.memory_space<vmem>>, vector<16xf32>,
      %mul3A_2722 = arith.constant 8.000000e+00 : f32
      %mul3A_2723 = vector.broadcast %mul3A_2722 : f32 to vector<16xf32>
      %mul3A_2724 = arith.mulf %get3A_2721, %mul3A_2723 : vector<16xf32>
      %swap3A_2725 = arith.constant 61 : i32
      %swap3A_2726 = arith.index_cast %swap3A_2725 : i32 to index
      %swap3A_2727 = arith.constant 16 : index
      %swap3A_2728 = tpu.vector_load %arg7[%swap3A_2726, %swap3A_2727] {strides = array<i32>} : memref<128x128xf32, #tpu.memory_space<vmem>>, vector<16xf32>,
      tpu.vector_store %arg7[%swap3A_2726, %swap3A_2727], %mul3A_2724 {strides = array<i32>} : memref<128x128xf32, #tpu.memory_space<vmem>>, vector<16xf32>,
      %get3A_2729 = arith.constant 61 : i32
      %get3A_2730 = arith.index_cast %get3A_2729 : i32 to index
      %get3A_2731 = arith.constant 32 : index
      %get3A_2732 = tpu.vector_load %arg9[%get3A_2730, %get3A_2731] {strides = array<i32>} : memref<64x64xf32, #tpu.memory_space<vmem>>, vector<16xf32>,
      %mul3A_2733 = arith.constant 8.000000e+00 : f32
      %mul3A_2734 = vector.broadcast %mul3A_2733 : f32 to vector<16xf32>
      %mul3A_2735 = arith.mulf %get3A_2732, %mul3A_2734 : vector<16xf32>
      %swap3A_2736 = arith.constant 61 : i32
      %swap3A_2737 = arith.index_cast %swap3A_2736 : i32 to index
      %swap3A_2738 = arith.constant 32 : index
      %swap3A_2739 = tpu.vector_load %arg7[%swap3A_2737, %swap3A_2738] {strides = array<i32>} : memref<128x128xf32, #tpu.memory_space<vmem>>, vector<16xf32>,
      tpu.vector_store %arg7[%swap3A_2737, %swap3A_2738], %mul3A_2735 {strides = array<i32>} : memref<128x128xf32, #tpu.memory_space<vmem>>, vector<16xf32>,
      %get3A_2740 = arith.constant 61 : i32
      %get3A_2741 = arith.index_cast %get3A_2740 : i32 to index
      %get3A_2742 = arith.constant 48 : index
      %get3A_2743 = tpu.vector_load %arg9[%get3A_2741, %get3A_2742] {strides = array<i32>} : memref<64x64xf32, #tpu.memory_space<vmem>>, vector<16xf32>,
      %mul3A_2744 = arith.constant 8.000000e+00 : f32
      %mul3A_2745 = vector.broadcast %mul3A_2744 : f32 to vector<16xf32>
      %mul3A_2746 = arith.mulf %get3A_2743, %mul3A_2745 : vector<16xf32>
      %swap3A_2747 = arith.constant 61 : i32
      %swap3A_2748 = arith.index_cast %swap3A_2747 : i32 to index
      %swap3A_2749 = arith.constant 48 : index
      %swap3A_2750 = tpu.vector_load %arg7[%swap3A_2748, %swap3A_2749] {strides = array<i32>} : memref<128x128xf32, #tpu.memory_space<vmem>>, vector<16xf32>,
      tpu.vector_store %arg7[%swap3A_2748, %swap3A_2749], %mul3A_2746 {strides = array<i32>} : memref<128x128xf32, #tpu.memory_space<vmem>>, vector<16xf32>,
      %get3A_2751 = arith.constant 62 : i32
      %get3A_2752 = arith.index_cast %get3A_2751 : i32 to index
      %get3A_2753 = arith.constant 0 : index
      %get3A_2754 = tpu.vector_load %arg9[%get3A_2752, %get3A_2753] {strides = array<i32>} : memref<64x64xf32, #tpu.memory_space<vmem>>, vector<16xf32>,
      %mul3A_2755 = arith.constant 8.000000e+00 : f32
      %mul3A_2756 = vector.broadcast %mul3A_2755 : f32 to vector<16xf32>
      %mul3A_2757 = arith.mulf %get3A_2754, %mul3A_2756 : vector<16xf32>
      %swap3A_2758 = arith.constant 62 : i32
      %swap3A_2759 = arith.index_cast %swap3A_2758 : i32 to index
      %swap3A_2760 = arith.constant 0 : index
      %swap3A_2761 = tpu.vector_load %arg7[%swap3A_2759, %swap3A_2760] {strides = array<i32>} : memref<128x128xf32, #tpu.memory_space<vmem>>, vector<16xf32>,
      tpu.vector_store %arg7[%swap3A_2759, %swap3A_2760], %mul3A_2757 {strides = array<i32>} : memref<128x128xf32, #tpu.memory_space<vmem>>, vector<16xf32>,
      %get3A_2762 = arith.constant 62 : i32
      %get3A_2763 = arith.index_cast %get3A_2762 : i32 to index
      %get3A_2764 = arith.constant 16 : index
      %get3A_2765 = tpu.vector_load %arg9[%get3A_2763, %get3A_2764] {strides = array<i32>} : memref<64x64xf32, #tpu.memory_space<vmem>>, vector<16xf32>,
      %mul3A_2766 = arith.constant 8.000000e+00 : f32
      %mul3A_2767 = vector.broadcast %mul3A_2766 : f32 to vector<16xf32>
      %mul3A_2768 = arith.mulf %get3A_2765, %mul3A_2767 : vector<16xf32>
      %swap3A_2769 = arith.constant 62 : i32
      %swap3A_2770 = arith.index_cast %swap3A_2769 : i32 to index
      %swap3A_2771 = arith.constant 16 : index
      %swap3A_2772 = tpu.vector_load %arg7[%swap3A_2770, %swap3A_2771] {strides = array<i32>} : memref<128x128xf32, #tpu.memory_space<vmem>>, vector<16xf32>,
      tpu.vector_store %arg7[%swap3A_2770, %swap3A_2771], %mul3A_2768 {strides = array<i32>} : memref<128x128xf32, #tpu.memory_space<vmem>>, vector<16xf32>,
      %get3A_2773 = arith.constant 62 : i32
      %get3A_2774 = arith.index_cast %get3A_2773 : i32 to index
      %get3A_2775 = arith.constant 32 : index
      %get3A_2776 = tpu.vector_load %arg9[%get3A_2774, %get3A_2775] {strides = array<i32>} : memref<64x64xf32, #tpu.memory_space<vmem>>, vector<16xf32>,
      %mul3A_2777 = arith.constant 8.000000e+00 : f32
      %mul3A_2778 = vector.broadcast %mul3A_2777 : f32 to vector<16xf32>
      %mul3A_2779 = arith.mulf %get3A_2776, %mul3A_2778 : vector<16xf32>
      %swap3A_2780 = arith.constant 62 : i32
      %swap3A_2781 = arith.index_cast %swap3A_2780 : i32 to index
      %swap3A_2782 = arith.constant 32 : index
      %swap3A_2783 = tpu.vector_load %arg7[%swap3A_2781, %swap3A_2782] {strides = array<i32>} : memref<128x128xf32, #tpu.memory_space<vmem>>, vector<16xf32>,
      tpu.vector_store %arg7[%swap3A_2781, %swap3A_2782], %mul3A_2779 {strides = array<i32>} : memref<128x128xf32, #tpu.memory_space<vmem>>, vector<16xf32>,
      %get3A_2784 = arith.constant 62 : i32
      %get3A_2785 = arith.index_cast %get3A_2784 : i32 to index
      %get3A_2786 = arith.constant 48 : index
      %get3A_2787 = tpu.vector_load %arg9[%get3A_2785, %get3A_2786] {strides = array<i32>} : memref<64x64xf32, #tpu.memory_space<vmem>>, vector<16xf32>,
      %mul3A_2788 = arith.constant 8.000000e+00 : f32
      %mul3A_2789 = vector.broadcast %mul3A_2788 : f32 to vector<16xf32>
      %mul3A_2790 = arith.mulf %get3A_2787, %mul3A_2789 : vector<16xf32>
      %swap3A_2791 = arith.constant 62 : i32
      %swap3A_2792 = arith.index_cast %swap3A_2791 : i32 to index
      %swap3A_2793 = arith.constant 48 : index
      %swap3A_2794 = tpu.vector_load %arg7[%swap3A_2792, %swap3A_2793] {strides = array<i32>} : memref<128x128xf32, #tpu.memory_space<vmem>>, vector<16xf32>,
      tpu.vector_store %arg7[%swap3A_2792, %swap3A_2793], %mul3A_2790 {strides = array<i32>} : memref<128x128xf32, #tpu.memory_space<vmem>>, vector<16xf32>,
      %get3A_2795 = arith.constant 63 : i32
      %get3A_2796 = arith.index_cast %get3A_2795 : i32 to index
      %get3A_2797 = arith.constant 0 : index
      %get3A_2798 = tpu.vector_load %arg9[%get3A_2796, %get3A_2797] {strides = array<i32>} : memref<64x64xf32, #tpu.memory_space<vmem>>, vector<16xf32>,
      %mul3A_2799 = arith.constant 8.000000e+00 : f32
      %mul3A_2800 = vector.broadcast %mul3A_2799 : f32 to vector<16xf32>
      %mul3A_2801 = arith.mulf %get3A_2798, %mul3A_2800 : vector<16xf32>
      %swap3A_2802 = arith.constant 63 : i32
      %swap3A_2803 = arith.index_cast %swap3A_2802 : i32 to index
      %swap3A_2804 = arith.constant 0 : index
      %swap3A_2805 = tpu.vector_load %arg7[%swap3A_2803, %swap3A_2804] {strides = array<i32>} : memref<128x128xf32, #tpu.memory_space<vmem>>, vector<16xf32>,
      tpu.vector_store %arg7[%swap3A_2803, %swap3A_2804], %mul3A_2801 {strides = array<i32>} : memref<128x128xf32, #tpu.memory_space<vmem>>, vector<16xf32>,
      %get3A_2806 = arith.constant 63 : i32
      %get3A_2807 = arith.index_cast %get3A_2806 : i32 to index
      %get3A_2808 = arith.constant 16 : index
      %get3A_2809 = tpu.vector_load %arg9[%get3A_2807, %get3A_2808] {strides = array<i32>} : memref<64x64xf32, #tpu.memory_space<vmem>>, vector<16xf32>,
      %mul3A_2810 = arith.constant 8.000000e+00 : f32
      %mul3A_2811 = vector.broadcast %mul3A_2810 : f32 to vector<16xf32>
      %mul3A_2812 = arith.mulf %get3A_2809, %mul3A_2811 : vector<16xf32>
      %swap3A_2813 = arith.constant 63 : i32
      %swap3A_2814 = arith.index_cast %swap3A_2813 : i32 to index
      %swap3A_2815 = arith.constant 16 : index
      %swap3A_2816 = tpu.vector_load %arg7[%swap3A_2814, %swap3A_2815] {strides = array<i32>} : memref<128x128xf32, #tpu.memory_space<vmem>>, vector<16xf32>,
      tpu.vector_store %arg7[%swap3A_2814, %swap3A_2815], %mul3A_2812 {strides = array<i32>} : memref<128x128xf32, #tpu.memory_space<vmem>>, vector<16xf32>,
      %get3A_2817 = arith.constant 63 : i32
      %get3A_2818 = arith.index_cast %get3A_2817 : i32 to index
      %get3A_2819 = arith.constant 32 : index
      %get3A_2820 = tpu.vector_load %arg9[%get3A_2818, %get3A_2819] {strides = array<i32>} : memref<64x64xf32, #tpu.memory_space<vmem>>, vector<16xf32>,
      %mul3A_2821 = arith.constant 8.000000e+00 : f32
      %mul3A_2822 = vector.broadcast %mul3A_2821 : f32 to vector<16xf32>
      %mul3A_2823 = arith.mulf %get3A_2820, %mul3A_2822 : vector<16xf32>
      %swap3A_2824 = arith.constant 63 : i32
      %swap3A_2825 = arith.index_cast %swap3A_2824 : i32 to index
      %swap3A_2826 = arith.constant 32 : index
      %swap3A_2827 = tpu.vector_load %arg7[%swap3A_2825, %swap3A_2826] {strides = array<i32>} : memref<128x128xf32, #tpu.memory_space<vmem>>, vector<16xf32>,
      tpu.vector_store %arg7[%swap3A_2825, %swap3A_2826], %mul3A_2823 {strides = array<i32>} : memref<128x128xf32, #tpu.memory_space<vmem>>, vector<16xf32>,
      %get3A_2828 = arith.constant 63 : i32
      %get3A_2829 = arith.index_cast %get3A_2828 : i32 to index
      %get3A_2830 = arith.constant 48 : index
      %get3A_2831 = tpu.vector_load %arg9[%get3A_2829, %get3A_2830] {strides = array<i32>} : memref<64x64xf32, #tpu.memory_space<vmem>>, vector<16xf32>,
      %mul3A_2832 = arith.constant 8.000000e+00 : f32
      %mul3A_2833 = vector.broadcast %mul3A_2832 : f32 to vector<16xf32>
      %mul3A_2834 = arith.mulf %get3A_2831, %mul3A_2833 : vector<16xf32>
      %swap3A_2835 = arith.constant 63 : i32
      %swap3A_2836 = arith.index_cast %swap3A_2835 : i32 to index
      %swap3A_2837 = arith.constant 48 : index
      %swap3A_2838 = tpu.vector_load %arg7[%swap3A_2836, %swap3A_2837] {strides = array<i32>} : memref<128x128xf32, #tpu.memory_space<vmem>>, vector<16xf32>,
      tpu.vector_store %arg7[%swap3A_2836, %swap3A_2837], %mul3A_2834 {strides = array<i32>} : memref<128x128xf32, #tpu.memory_space<vmem>>, vector<16xf32>,
      "tpu.region"() ({
        %run_scoped3A = tpu.sem_alloc : memref<!tpu.dma_semaphore, #tpu.memory_space<semaphore_mem>>
        %dma_start3A_2839 = arith.constant 0 : i32
        %dma_start3A_2840 = arith.constant 0 : i32
        %dma_start3A_2841 = tpu.memref_slice %arg7[%dma_start3A_2839, %dma_start3A_2840] : memref<128x128xf32, #tpu.memory_space<vmem>> -> memref<64x128xf32, #tpu.memory_space<vmem>>
        %dma_start3A_2842 = arith.constant 999936 : i32
        %dma_start3A_2843 = arith.constant 0 : i32
        %dma_start3A_2844 = tpu.memref_slice %arg4[%dma_start3A_2842, %dma_start3A_2843] : memref<1000000x128xf32, #tpu.memory_space<hbm>> -> memref<64x128xf32, #tpu.memory_space<hbm>>
        %dma_start3A_2845 = arith.constant 999936 : i32
        %dma_start3A_2846 = arith.constant 0 : i32
        %dma_start3A_2847 = tpu.memref_slice %arg4[%dma_start3A_2845, %dma_start3A_2846] : memref<1000000x128xf32, #tpu.memory_space<hbm>> -> memref<64x128xf32, #tpu.memory_space<hbm>>
        %dma_start3A_2848 = arith.constant 0 : i32
        %dma_start3A_2849 = arith.constant 0 : i32
        %dma_start3A_2850 = tpu.memref_slice %arg7[%dma_start3A_2848, %dma_start3A_2849] : memref<128x128xf32, #tpu.memory_space<vmem>> -> memref<64x128xf32, #tpu.memory_space<vmem>>
        tpu.enqueue_dma source(%dma_start3A_2850 : memref<64x128xf32, #tpu.memory_space<vmem>>) target(%dma_start3A_2847 : memref<64x128xf32, #tpu.memory_space<hbm>>) target_semaphore(%run_scoped3A : memref<!tpu.dma_semaphore, #tpu.memory_space<semaphore_mem>>)
        %dma_wait3A_2851 = arith.constant 0 : i32
        %dma_wait3A_2852 = arith.constant 0 : i32
        %dma_wait3A_2853 = tpu.memref_slice %arg7[%dma_wait3A_2851, %dma_wait3A_2852] : memref<128x128xf32, #tpu.memory_space<vmem>> -> memref<64x128xf32, #tpu.memory_space<vmem>>
        %dma_wait3A_2854 = arith.constant 999936 : i32
        %dma_wait3A_2855 = arith.constant 0 : i32
        %dma_wait3A_2856 = tpu.memref_slice %arg4[%dma_wait3A_2854, %dma_wait3A_2855] : memref<1000000x128xf32, #tpu.memory_space<hbm>> -> memref<64x128xf32, #tpu.memory_space<hbm>>
        %dma_wait3A_2857 = arith.constant 999936 : i32
        %dma_wait3A_2858 = arith.constant 0 : i32
        %dma_wait3A_2859 = tpu.memref_slice %arg4[%dma_wait3A_2857, %dma_wait3A_2858] : memref<1000000x128xf32, #tpu.memory_space<hbm>> -> memref<64x128xf32, #tpu.memory_space<hbm>>
        %dma_wait3A_2860 = arith.constant 0 : i32
        %dma_wait3A_2861 = arith.constant 0 : i32
        %dma_wait3A_2862 = tpu.memref_slice %arg7[%dma_wait3A_2860, %dma_wait3A_2861] : memref<128x128xf32, #tpu.memory_space<vmem>> -> memref<64x128xf32, #tpu.memory_space<vmem>>
        tpu.wait_dma2 semaphore(%run_scoped3A : memref<!tpu.dma_semaphore, #tpu.memory_space<semaphore_mem>>) src(%dma_wait3A_2862 : memref<64x128xf32, #tpu.memory_space<vmem>>) dst(%dma_wait3A_2859 : memref<64x128xf32, #tpu.memory_space<hbm>>)
        tpu.yield
      }) : () -> ()
    } else {
    }
    return
  }
}

#map = affine_map<(d0, d1) -> (0, 0)>
#map1 = affine_map<(d0, d1) -> (0, 0, 0)>
module attributes {stable_mosaic.version = 14 : i64} {
  func.func @k2(%arg0: i32, %arg1: i32, %arg2: memref<200x4096xi32, #tpu.memory_space<hbm>>, %arg3: memref<1000000x128xf32, #tpu.memory_space<hbm>>, %arg4: memref<200x64xf32, #tpu.memory_space<hbm>>, %arg5: memref<200x64x4096xf32, #tpu.memory_space<hbm>>, %arg6: memref<200x128xi32, #tpu.memory_space<vmem>>, %arg7: memref<128x128xf32, #tpu.memory_space<vmem>>, %arg8: memref<128x128xf32, #tpu.memory_space<vmem>>, %arg9: memref<64x128xf32, #tpu.memory_space<vmem>>, %arg10: memref<64x128xf32, #tpu.memory_space<vmem>>, %arg11: memref<200x64xf32, #tpu.memory_space<vmem>>, %arg12: memref<!tpu.dma_semaphore, #tpu.memory_space<semaphore_mem>>, %arg13: memref<!tpu.dma_semaphore, #tpu.memory_space<semaphore_mem>>, %arg14: memref<!tpu.dma_semaphore, #tpu.memory_space<semaphore_mem>>, %arg15: memref<!tpu.dma_semaphore, #tpu.memory_space<semaphore_mem>>) attributes {dimension_semantics = [#tpu.dimension_semantics<core_parallel>, #tpu.dimension_semantics<subcore_parallel>], iteration_bounds = array<i64: 2, 16>, scalar_prefetch = 0 : i64, scratch_operands = 10 : i64, tpu.core_type = #tpu.core_type<sc_vector_subcore>, window_params = [{transform_indices = #map}, {transform_indices = #map}, {transform_indices = #map}, {transform_indices = #map1}]} {
    %mul3A = arith.constant 2 : i32
    %mul3A_0 = arith.muli %arg1, %mul3A : i32
    %add3A = arith.addi %mul3A_0, %arg0 : i32
    %mul3A_1 = arith.constant 128 : i32
    %mul3A_2 = arith.muli %add3A, %mul3A_1 : i32
    "tpu.region"() ({
      %run_scoped3A = tpu.sem_alloc : memref<!tpu.dma_semaphore, #tpu.memory_space<semaphore_mem>>
      tpu.enqueue_dma source(%arg4 : memref<200x64xf32, #tpu.memory_space<hbm>>) target(%arg11 : memref<200x64xf32, #tpu.memory_space<vmem>>) target_semaphore(%run_scoped3A : memref<!tpu.dma_semaphore, #tpu.memory_space<semaphore_mem>>)
      tpu.wait_dma2 semaphore(%run_scoped3A : memref<!tpu.dma_semaphore, #tpu.memory_space<semaphore_mem>>) src(%arg4 : memref<200x64xf32, #tpu.memory_space<hbm>>) dst(%arg11 : memref<200x64xf32, #tpu.memory_space<vmem>>)
      tpu.yield
    }) : () -> ()
    "tpu.region"() ({
      %run_scoped3A = tpu.sem_alloc : memref<!tpu.dma_semaphore, #tpu.memory_space<semaphore_mem>>
      %dma_start3A_28 = arith.constant 0 : i32
      %dma_start3A_29 = tpu.memref_slice %arg2[%dma_start3A_28, %mul3A_2] : memref<200x4096xi32, #tpu.memory_space<hbm>> -> memref<200x128xi32, #tpu.memory_space<hbm>>
      %dma_start3A_30 = arith.constant 0 : i32
      %dma_start3A_31 = tpu.memref_slice %arg2[%dma_start3A_30, %mul3A_2] : memref<200x4096xi32, #tpu.memory_space<hbm>> -> memref<200x128xi32, #tpu.memory_space<hbm>>
      tpu.enqueue_dma source(%dma_start3A_31 : memref<200x128xi32, #tpu.memory_space<hbm>>) target(%arg6 : memref<200x128xi32, #tpu.memory_space<vmem>>) target_semaphore(%run_scoped3A : memref<!tpu.dma_semaphore, #tpu.memory_space<semaphore_mem>>)
      %dma_wait3A_32 = arith.constant 0 : i32
      %dma_wait3A_33 = tpu.memref_slice %arg2[%dma_wait3A_32, %mul3A_2] : memref<200x4096xi32, #tpu.memory_space<hbm>> -> memref<200x128xi32, #tpu.memory_space<hbm>>
      %dma_wait3A_34 = arith.constant 0 : i32
      %dma_wait3A_35 = tpu.memref_slice %arg2[%dma_wait3A_34, %mul3A_2] : memref<200x4096xi32, #tpu.memory_space<hbm>> -> memref<200x128xi32, #tpu.memory_space<hbm>>
      tpu.wait_dma2 semaphore(%run_scoped3A : memref<!tpu.dma_semaphore, #tpu.memory_space<semaphore_mem>>) src(%dma_wait3A_35 : memref<200x128xi32, #tpu.memory_space<hbm>>) dst(%arg6 : memref<200x128xi32, #tpu.memory_space<vmem>>)
      tpu.yield
    }) : () -> ()
    %dma_start3A = arith.constant 0 : i32
    %dma_start3A_3 = arith.constant 0 : i32
    %dma_start3A_4 = tpu.memref_slice %arg6[%dma_start3A, %dma_start3A_3] : memref<200x128xi32, #tpu.memory_space<vmem>> -> memref<1x128xi32, #tpu.memory_space<vmem>>
    %dma_start3A_5 = tpu.memref_squeeze %dma_start3A_4 : memref<1x128xi32, #tpu.memory_space<vmem>> -> memref<128xi32, #tpu.memory_space<vmem>>
    %dma_start3A_6 = arith.constant 0 : i32
    %dma_start3A_7 = arith.constant 0 : i32
    %dma_start3A_8 = tpu.memref_slice %arg3[%dma_start3A_6, %dma_start3A_7] : memref<1000000x128xf32, #tpu.memory_space<hbm>> -> memref<1000000x128xf32, #tpu.memory_space<hbm>>
    tpu.enqueue_indirect_dma source(%dma_start3A_8 : memref<1000000x128xf32, #tpu.memory_space<hbm>>) target(%arg7 : memref<128x128xf32, #tpu.memory_space<vmem>>) offsets(%dma_start3A_5 : memref<128xi32, #tpu.memory_space<vmem>>) semaphore(%arg12 : memref<!tpu.dma_semaphore, #tpu.memory_space<semaphore_mem>>)
    %scan3A = arith.constant 0 : i32
    %scan3A_9 = arith.constant 0 : i32
    %scan3A_10 = arith.constant 100 : i32
    %scan3A_11 = arith.addi %scan3A_9, %scan3A_10 : i32
    %scan3A_12 = arith.constant 1 : i32
    %scan3A_13 = scf.for %scan3A_28 = %scan3A_9 to %scan3A_11 step %scan3A_12 iter_args(%scan3A_29 = %scan3A) -> (i32)  : i32 {
      %mul3A_30 = arith.constant 2 : i32
      %mul3A_31 = arith.muli %scan3A_28, %mul3A_30 : i32
      %add3A_32 = arith.constant 0 : i32
      %add3A_33 = arith.addi %mul3A_31, %add3A_32 : i32
      %add3A_34 = arith.constant 1 : i32
      %add3A_35 = arith.addi %add3A_33, %add3A_34 : i32
      %lt3A = arith.constant 200 : i32
      %lt3A_36 = arith.cmpi slt, %add3A_35, %lt3A : i32
      %convert_element_type3A = arith.extui %lt3A_36 : i1 to i32
      %cond3A = arith.constant 0 : i32
      %cond3A_37 = arith.cmpi ne, %convert_element_type3A, %cond3A : i32
      scf.if %cond3A_37 {
        %add3A_161 = arith.constant 1 : i32
        %add3A_162 = arith.addi %add3A_33, %add3A_161 : i32
        %dma_start3A_163 = arith.constant 0 : i32
        %dma_start3A_164 = tpu.memref_slice %arg6[%add3A_162, %dma_start3A_163] : memref<200x128xi32, #tpu.memory_space<vmem>> -> memref<1x128xi32, #tpu.memory_space<vmem>>
        %dma_start3A_165 = tpu.memref_squeeze %dma_start3A_164 : memref<1x128xi32, #tpu.memory_space<vmem>> -> memref<128xi32, #tpu.memory_space<vmem>>
        %dma_start3A_166 = arith.constant 0 : i32
        %dma_start3A_167 = arith.constant 0 : i32
        %dma_start3A_168 = tpu.memref_slice %arg3[%dma_start3A_166, %dma_start3A_167] : memref<1000000x128xf32, #tpu.memory_space<hbm>> -> memref<1000000x128xf32, #tpu.memory_space<hbm>>
        tpu.enqueue_indirect_dma source(%dma_start3A_168 : memref<1000000x128xf32, #tpu.memory_space<hbm>>) target(%arg8 : memref<128x128xf32, #tpu.memory_space<vmem>>) offsets(%dma_start3A_165 : memref<128xi32, #tpu.memory_space<vmem>>) semaphore(%arg13 : memref<!tpu.dma_semaphore, #tpu.memory_space<semaphore_mem>>)
      } else {
      }
      %dma_wait3A_38 = arith.constant 0 : i32
      %dma_wait3A_39 = tpu.memref_slice %arg6[%add3A_33, %dma_wait3A_38] : memref<200x128xi32, #tpu.memory_space<vmem>> -> memref<1x128xi32, #tpu.memory_space<vmem>>
      %dma_wait3A_40 = tpu.memref_squeeze %dma_wait3A_39 : memref<1x128xi32, #tpu.memory_space<vmem>> -> memref<128xi32, #tpu.memory_space<vmem>>
      %dma_wait3A_41 = arith.constant 0 : i32
      %dma_wait3A_42 = arith.constant 0 : i32
      %dma_wait3A_43 = tpu.memref_slice %arg3[%dma_wait3A_41, %dma_wait3A_42] : memref<1000000x128xf32, #tpu.memory_space<hbm>> -> memref<1000000x128xf32, #tpu.memory_space<hbm>>
      tpu.wait_indirect_dma semaphore(%arg12 : memref<!tpu.dma_semaphore, #tpu.memory_space<semaphore_mem>>) src(%dma_wait3A_43 : memref<1000000x128xf32, #tpu.memory_space<hbm>>) dst(%arg7 : memref<128x128xf32, #tpu.memory_space<vmem>>)
      %ge3A = arith.constant 2 : i32
      %ge3A_44 = arith.cmpi sge, %add3A_33, %ge3A : i32
      %convert_element_type3A_45 = arith.extui %ge3A_44 : i1 to i32
      %cond3A_46 = arith.constant 0 : i32
      %cond3A_47 = arith.cmpi ne, %convert_element_type3A_45, %cond3A_46 : i32
      scf.if %cond3A_47 {
        %dma_wait3A_161 = arith.constant 0 : i32
        %dma_wait3A_162 = arith.constant 0 : i32
        %dma_wait3A_163 = tpu.memref_slice %arg5[%dma_wait3A_161, %dma_wait3A_162, %mul3A_2] : memref<200x64x4096xf32, #tpu.memory_space<hbm>> -> memref<1x64x128xf32, #tpu.memory_space<hbm>>
        %dma_wait3A_164 = tpu.memref_squeeze %dma_wait3A_163 : memref<1x64x128xf32, #tpu.memory_space<hbm>> -> memref<64x128xf32, #tpu.memory_space<hbm>>
        %dma_wait3A_165 = arith.constant 0 : i32
        %dma_wait3A_166 = tpu.memref_slice %arg5[%dma_wait3A_161, %dma_wait3A_165, %mul3A_2] : memref<200x64x4096xf32, #tpu.memory_space<hbm>> -> memref<1x64x128xf32, #tpu.memory_space<hbm>>
        %dma_wait3A_167 = tpu.memref_squeeze %dma_wait3A_166 : memref<1x64x128xf32, #tpu.memory_space<hbm>> -> memref<64x128xf32, #tpu.memory_space<hbm>>
        tpu.wait_dma2 semaphore(%arg14 : memref<!tpu.dma_semaphore, #tpu.memory_space<semaphore_mem>>) src(%arg9 : memref<64x128xf32, #tpu.memory_space<vmem>>) dst(%dma_wait3A_167 : memref<64x128xf32, #tpu.memory_space<hbm>>)
      } else {
      }
      %iota3A = tpu.iota {dimensions = array<i32: 0>} : vector<16xi32>
      %add3A_48 = arith.constant 0 : i32
      %add3A_49 = vector.broadcast %add3A_48 : i32 to vector<16xi32>
      %add3A_50 = arith.addi %iota3A, %add3A_49 : vector<16xi32>
      %iota3A_51 = tpu.iota {dimensions = array<i32: 0>} : vector<16xi32>
      %add3A_52 = arith.constant 16 : i32
      %add3A_53 = vector.broadcast %add3A_52 : i32 to vector<16xi32>
      %add3A_54 = arith.addi %iota3A_51, %add3A_53 : vector<16xi32>
      %iota3A_55 = tpu.iota {dimensions = array<i32: 0>} : vector<16xi32>
      %add3A_56 = arith.constant 32 : i32
      %add3A_57 = vector.broadcast %add3A_56 : i32 to vector<16xi32>
      %add3A_58 = arith.addi %iota3A_55, %add3A_57 : vector<16xi32>
      %iota3A_59 = tpu.iota {dimensions = array<i32: 0>} : vector<16xi32>
      %add3A_60 = arith.constant 48 : i32
      %add3A_61 = vector.broadcast %add3A_60 : i32 to vector<16xi32>
      %add3A_62 = arith.addi %iota3A_59, %add3A_61 : vector<16xi32>
      %iota3A_63 = tpu.iota {dimensions = array<i32: 0>} : vector<16xi32>
      %add3A_64 = arith.constant 64 : i32
      %add3A_65 = vector.broadcast %add3A_64 : i32 to vector<16xi32>
      %add3A_66 = arith.addi %iota3A_63, %add3A_65 : vector<16xi32>
      %iota3A_67 = tpu.iota {dimensions = array<i32: 0>} : vector<16xi32>
      %add3A_68 = arith.constant 80 : i32
      %add3A_69 = vector.broadcast %add3A_68 : i32 to vector<16xi32>
      %add3A_70 = arith.addi %iota3A_67, %add3A_69 : vector<16xi32>
      %iota3A_71 = tpu.iota {dimensions = array<i32: 0>} : vector<16xi32>
      %add3A_72 = arith.constant 96 : i32
      %add3A_73 = vector.broadcast %add3A_72 : i32 to vector<16xi32>
      %add3A_74 = arith.addi %iota3A_71, %add3A_73 : vector<16xi32>
      %iota3A_75 = tpu.iota {dimensions = array<i32: 0>} : vector<16xi32>
      %add3A_76 = arith.constant 112 : i32
      %add3A_77 = vector.broadcast %add3A_76 : i32 to vector<16xi32>
      %add3A_78 = arith.addi %iota3A_75, %add3A_77 : vector<16xi32>
      %broadcast_in_dim3A = vector.broadcast %add3A_33 : i32 to vector<16xi32>
      %scan3A_79 = arith.constant 0 : i32
      %scan3A_80 = arith.constant 0 : i32
      %scan3A_81 = arith.constant 64 : i32
      %scan3A_82 = arith.addi %scan3A_80, %scan3A_81 : i32
      %scan3A_83 = arith.constant 1 : i32
      %scan3A_84 = scf.for %scan3A_161 = %scan3A_80 to %scan3A_82 step %scan3A_83 iter_args(%scan3A_162 = %scan3A_79) -> (i32)  : i32 {
        %broadcast_in_dim3A_163 = vector.broadcast %scan3A_161 : i32 to vector<16xi32>
        %gather3A = tpu.vector_load_idx %arg11[%broadcast_in_dim3A, %broadcast_in_dim3A_163] : memref<200x64xf32, #tpu.memory_space<vmem>>[vector<16xi32>, vector<16xi32>], vector<16xf32>,
        %gather3A_164 = tpu.vector_load_idx %arg7[%add3A_50, %broadcast_in_dim3A_163] : memref<128x128xf32, #tpu.memory_space<vmem>>[vector<16xi32>, vector<16xi32>], vector<16xf32>,
        %add3A_165 = arith.addf %gather3A_164, %gather3A : vector<16xf32>
        %swap3A = arith.index_cast %scan3A_161 : i32 to index
        %swap3A_166 = arith.constant 0 : index
        %swap3A_167 = tpu.vector_load %arg9[%swap3A, %swap3A_166] {strides = array<i32>} : memref<64x128xf32, #tpu.memory_space<vmem>>, vector<16xf32>,
        tpu.vector_store %arg9[%swap3A, %swap3A_166], %add3A_165 {strides = array<i32>} : memref<64x128xf32, #tpu.memory_space<vmem>>, vector<16xf32>,
        %gather3A_168 = tpu.vector_load_idx %arg7[%add3A_54, %broadcast_in_dim3A_163] : memref<128x128xf32, #tpu.memory_space<vmem>>[vector<16xi32>, vector<16xi32>], vector<16xf32>,
        %add3A_169 = arith.addf %gather3A_168, %gather3A : vector<16xf32>
        %swap3A_170 = arith.index_cast %scan3A_161 : i32 to index
        %swap3A_171 = arith.constant 16 : index
        %swap3A_172 = tpu.vector_load %arg9[%swap3A_170, %swap3A_171] {strides = array<i32>} : memref<64x128xf32, #tpu.memory_space<vmem>>, vector<16xf32>,
        tpu.vector_store %arg9[%swap3A_170, %swap3A_171], %add3A_169 {strides = array<i32>} : memref<64x128xf32, #tpu.memory_space<vmem>>, vector<16xf32>,
        %gather3A_173 = tpu.vector_load_idx %arg7[%add3A_58, %broadcast_in_dim3A_163] : memref<128x128xf32, #tpu.memory_space<vmem>>[vector<16xi32>, vector<16xi32>], vector<16xf32>,
        %add3A_174 = arith.addf %gather3A_173, %gather3A : vector<16xf32>
        %swap3A_175 = arith.index_cast %scan3A_161 : i32 to index
        %swap3A_176 = arith.constant 32 : index
        %swap3A_177 = tpu.vector_load %arg9[%swap3A_175, %swap3A_176] {strides = array<i32>} : memref<64x128xf32, #tpu.memory_space<vmem>>, vector<16xf32>,
        tpu.vector_store %arg9[%swap3A_175, %swap3A_176], %add3A_174 {strides = array<i32>} : memref<64x128xf32, #tpu.memory_space<vmem>>, vector<16xf32>,
        %gather3A_178 = tpu.vector_load_idx %arg7[%add3A_62, %broadcast_in_dim3A_163] : memref<128x128xf32, #tpu.memory_space<vmem>>[vector<16xi32>, vector<16xi32>], vector<16xf32>,
        %add3A_179 = arith.addf %gather3A_178, %gather3A : vector<16xf32>
        %swap3A_180 = arith.index_cast %scan3A_161 : i32 to index
        %swap3A_181 = arith.constant 48 : index
        %swap3A_182 = tpu.vector_load %arg9[%swap3A_180, %swap3A_181] {strides = array<i32>} : memref<64x128xf32, #tpu.memory_space<vmem>>, vector<16xf32>,
        tpu.vector_store %arg9[%swap3A_180, %swap3A_181], %add3A_179 {strides = array<i32>} : memref<64x128xf32, #tpu.memory_space<vmem>>, vector<16xf32>,
        %gather3A_183 = tpu.vector_load_idx %arg7[%add3A_66, %broadcast_in_dim3A_163] : memref<128x128xf32, #tpu.memory_space<vmem>>[vector<16xi32>, vector<16xi32>], vector<16xf32>,
        %add3A_184 = arith.addf %gather3A_183, %gather3A : vector<16xf32>
        %swap3A_185 = arith.index_cast %scan3A_161 : i32 to index
        %swap3A_186 = arith.constant 64 : index
        %swap3A_187 = tpu.vector_load %arg9[%swap3A_185, %swap3A_186] {strides = array<i32>} : memref<64x128xf32, #tpu.memory_space<vmem>>, vector<16xf32>,
        tpu.vector_store %arg9[%swap3A_185, %swap3A_186], %add3A_184 {strides = array<i32>} : memref<64x128xf32, #tpu.memory_space<vmem>>, vector<16xf32>,
        %gather3A_188 = tpu.vector_load_idx %arg7[%add3A_70, %broadcast_in_dim3A_163] : memref<128x128xf32, #tpu.memory_space<vmem>>[vector<16xi32>, vector<16xi32>], vector<16xf32>,
        %add3A_189 = arith.addf %gather3A_188, %gather3A : vector<16xf32>
        %swap3A_190 = arith.index_cast %scan3A_161 : i32 to index
        %swap3A_191 = arith.constant 80 : index
        %swap3A_192 = tpu.vector_load %arg9[%swap3A_190, %swap3A_191] {strides = array<i32>} : memref<64x128xf32, #tpu.memory_space<vmem>>, vector<16xf32>,
        tpu.vector_store %arg9[%swap3A_190, %swap3A_191], %add3A_189 {strides = array<i32>} : memref<64x128xf32, #tpu.memory_space<vmem>>, vector<16xf32>,
        %gather3A_193 = tpu.vector_load_idx %arg7[%add3A_74, %broadcast_in_dim3A_163] : memref<128x128xf32, #tpu.memory_space<vmem>>[vector<16xi32>, vector<16xi32>], vector<16xf32>,
        %add3A_194 = arith.addf %gather3A_193, %gather3A : vector<16xf32>
        %swap3A_195 = arith.index_cast %scan3A_161 : i32 to index
        %swap3A_196 = arith.constant 96 : index
        %swap3A_197 = tpu.vector_load %arg9[%swap3A_195, %swap3A_196] {strides = array<i32>} : memref<64x128xf32, #tpu.memory_space<vmem>>, vector<16xf32>,
        tpu.vector_store %arg9[%swap3A_195, %swap3A_196], %add3A_194 {strides = array<i32>} : memref<64x128xf32, #tpu.memory_space<vmem>>, vector<16xf32>,
        %gather3A_198 = tpu.vector_load_idx %arg7[%add3A_78, %broadcast_in_dim3A_163] : memref<128x128xf32, #tpu.memory_space<vmem>>[vector<16xi32>, vector<16xi32>], vector<16xf32>,
        %add3A_199 = arith.addf %gather3A_198, %gather3A : vector<16xf32>
        %swap3A_200 = arith.index_cast %scan3A_161 : i32 to index
        %swap3A_201 = arith.constant 112 : index
        %swap3A_202 = tpu.vector_load %arg9[%swap3A_200, %swap3A_201] {strides = array<i32>} : memref<64x128xf32, #tpu.memory_space<vmem>>, vector<16xf32>,
        tpu.vector_store %arg9[%swap3A_200, %swap3A_201], %add3A_199 {strides = array<i32>} : memref<64x128xf32, #tpu.memory_space<vmem>>, vector<16xf32>,
        %scan3A_203 = arith.constant 0 : i32
        scf.yield %scan3A_203 : i32
      }
      %scan3A_85 = arith.constant 64 : i32
      %dma_start3A_86 = arith.constant 0 : i32
      %dma_start3A_87 = tpu.memref_slice %arg5[%add3A_33, %dma_start3A_86, %mul3A_2] : memref<200x64x4096xf32, #tpu.memory_space<hbm>> -> memref<1x64x128xf32, #tpu.memory_space<hbm>>
      %dma_start3A_88 = tpu.memref_squeeze %dma_start3A_87 : memref<1x64x128xf32, #tpu.memory_space<hbm>> -> memref<64x128xf32, #tpu.memory_space<hbm>>
      %dma_start3A_89 = arith.constant 0 : i32
      %dma_start3A_90 = tpu.memref_slice %arg5[%add3A_33, %dma_start3A_89, %mul3A_2] : memref<200x64x4096xf32, #tpu.memory_space<hbm>> -> memref<1x64x128xf32, #tpu.memory_space<hbm>>
      %dma_start3A_91 = tpu.memref_squeeze %dma_start3A_90 : memref<1x64x128xf32, #tpu.memory_space<hbm>> -> memref<64x128xf32, #tpu.memory_space<hbm>>
      tpu.enqueue_dma source(%arg9 : memref<64x128xf32, #tpu.memory_space<vmem>>) target(%dma_start3A_91 : memref<64x128xf32, #tpu.memory_space<hbm>>) target_semaphore(%arg14 : memref<!tpu.dma_semaphore, #tpu.memory_space<semaphore_mem>>)
      %mul3A_92 = arith.constant 2 : i32
      %mul3A_93 = arith.muli %scan3A_28, %mul3A_92 : i32
      %add3A_94 = arith.constant 1 : i32
      %add3A_95 = arith.addi %mul3A_93, %add3A_94 : i32
      %add3A_96 = arith.constant 1 : i32
      %add3A_97 = arith.addi %add3A_95, %add3A_96 : i32
      %lt3A_98 = arith.constant 200 : i32
      %lt3A_99 = arith.cmpi slt, %add3A_97, %lt3A_98 : i32
      %convert_element_type3A_100 = arith.extui %lt3A_99 : i1 to i32
      %cond3A_101 = arith.constant 0 : i32
      %cond3A_102 = arith.cmpi ne, %convert_element_type3A_100, %cond3A_101 : i32
      scf.if %cond3A_102 {
        %add3A_161 = arith.constant 1 : i32
        %add3A_162 = arith.addi %add3A_95, %add3A_161 : i32
        %dma_start3A_163 = arith.constant 0 : i32
        %dma_start3A_164 = tpu.memref_slice %arg6[%add3A_162, %dma_start3A_163] : memref<200x128xi32, #tpu.memory_space<vmem>> -> memref<1x128xi32, #tpu.memory_space<vmem>>
        %dma_start3A_165 = tpu.memref_squeeze %dma_start3A_164 : memref<1x128xi32, #tpu.memory_space<vmem>> -> memref<128xi32, #tpu.memory_space<vmem>>
        %dma_start3A_166 = arith.constant 0 : i32
        %dma_start3A_167 = arith.constant 0 : i32
        %dma_start3A_168 = tpu.memref_slice %arg3[%dma_start3A_166, %dma_start3A_167] : memref<1000000x128xf32, #tpu.memory_space<hbm>> -> memref<1000000x128xf32, #tpu.memory_space<hbm>>
        tpu.enqueue_indirect_dma source(%dma_start3A_168 : memref<1000000x128xf32, #tpu.memory_space<hbm>>) target(%arg7 : memref<128x128xf32, #tpu.memory_space<vmem>>) offsets(%dma_start3A_165 : memref<128xi32, #tpu.memory_space<vmem>>) semaphore(%arg12 : memref<!tpu.dma_semaphore, #tpu.memory_space<semaphore_mem>>)
      } else {
      }
      %dma_wait3A_103 = arith.constant 0 : i32
      %dma_wait3A_104 = tpu.memref_slice %arg6[%add3A_95, %dma_wait3A_103] : memref<200x128xi32, #tpu.memory_space<vmem>> -> memref<1x128xi32, #tpu.memory_space<vmem>>
      %dma_wait3A_105 = tpu.memref_squeeze %dma_wait3A_104 : memref<1x128xi32, #tpu.memory_space<vmem>> -> memref<128xi32, #tpu.memory_space<vmem>>
      %dma_wait3A_106 = arith.constant 0 : i32
      %dma_wait3A_107 = arith.constant 0 : i32
      %dma_wait3A_108 = tpu.memref_slice %arg3[%dma_wait3A_106, %dma_wait3A_107] : memref<1000000x128xf32, #tpu.memory_space<hbm>> -> memref<1000000x128xf32, #tpu.memory_space<hbm>>
      tpu.wait_indirect_dma semaphore(%arg13 : memref<!tpu.dma_semaphore, #tpu.memory_space<semaphore_mem>>) src(%dma_wait3A_108 : memref<1000000x128xf32, #tpu.memory_space<hbm>>) dst(%arg8 : memref<128x128xf32, #tpu.memory_space<vmem>>)
      %ge3A_109 = arith.constant 2 : i32
      %ge3A_110 = arith.cmpi sge, %add3A_95, %ge3A_109 : i32
      %convert_element_type3A_111 = arith.extui %ge3A_110 : i1 to i32
      %cond3A_112 = arith.constant 0 : i32
      %cond3A_113 = arith.cmpi ne, %convert_element_type3A_111, %cond3A_112 : i32
      scf.if %cond3A_113 {
        %dma_wait3A_161 = arith.constant 0 : i32
        %dma_wait3A_162 = arith.constant 0 : i32
        %dma_wait3A_163 = tpu.memref_slice %arg5[%dma_wait3A_161, %dma_wait3A_162, %mul3A_2] : memref<200x64x4096xf32, #tpu.memory_space<hbm>> -> memref<1x64x128xf32, #tpu.memory_space<hbm>>
        %dma_wait3A_164 = tpu.memref_squeeze %dma_wait3A_163 : memref<1x64x128xf32, #tpu.memory_space<hbm>> -> memref<64x128xf32, #tpu.memory_space<hbm>>
        %dma_wait3A_165 = arith.constant 0 : i32
        %dma_wait3A_166 = tpu.memref_slice %arg5[%dma_wait3A_161, %dma_wait3A_165, %mul3A_2] : memref<200x64x4096xf32, #tpu.memory_space<hbm>> -> memref<1x64x128xf32, #tpu.memory_space<hbm>>
        %dma_wait3A_167 = tpu.memref_squeeze %dma_wait3A_166 : memref<1x64x128xf32, #tpu.memory_space<hbm>> -> memref<64x128xf32, #tpu.memory_space<hbm>>
        tpu.wait_dma2 semaphore(%arg15 : memref<!tpu.dma_semaphore, #tpu.memory_space<semaphore_mem>>) src(%arg10 : memref<64x128xf32, #tpu.memory_space<vmem>>) dst(%dma_wait3A_167 : memref<64x128xf32, #tpu.memory_space<hbm>>)
      } else {
      }
      %iota3A_114 = tpu.iota {dimensions = array<i32: 0>} : vector<16xi32>
      %add3A_115 = arith.constant 0 : i32
      %add3A_116 = vector.broadcast %add3A_115 : i32 to vector<16xi32>
      %add3A_117 = arith.addi %iota3A_114, %add3A_116 : vector<16xi32>
      %iota3A_118 = tpu.iota {dimensions = array<i32: 0>} : vector<16xi32>
      %add3A_119 = arith.constant 16 : i32
      %add3A_120 = vector.broadcast %add3A_119 : i32 to vector<16xi32>
      %add3A_121 = arith.addi %iota3A_118, %add3A_120 : vector<16xi32>
      %iota3A_122 = tpu.iota {dimensions = array<i32: 0>} : vector<16xi32>
      %add3A_123 = arith.constant 32 : i32
      %add3A_124 = vector.broadcast %add3A_123 : i32 to vector<16xi32>
      %add3A_125 = arith.addi %iota3A_122, %add3A_124 : vector<16xi32>
      %iota3A_126 = tpu.iota {dimensions = array<i32: 0>} : vector<16xi32>
      %add3A_127 = arith.constant 48 : i32
      %add3A_128 = vector.broadcast %add3A_127 : i32 to vector<16xi32>
      %add3A_129 = arith.addi %iota3A_126, %add3A_128 : vector<16xi32>
      %iota3A_130 = tpu.iota {dimensions = array<i32: 0>} : vector<16xi32>
      %add3A_131 = arith.constant 64 : i32
      %add3A_132 = vector.broadcast %add3A_131 : i32 to vector<16xi32>
      %add3A_133 = arith.addi %iota3A_130, %add3A_132 : vector<16xi32>
      %iota3A_134 = tpu.iota {dimensions = array<i32: 0>} : vector<16xi32>
      %add3A_135 = arith.constant 80 : i32
      %add3A_136 = vector.broadcast %add3A_135 : i32 to vector<16xi32>
      %add3A_137 = arith.addi %iota3A_134, %add3A_136 : vector<16xi32>
      %iota3A_138 = tpu.iota {dimensions = array<i32: 0>} : vector<16xi32>
      %add3A_139 = arith.constant 96 : i32
      %add3A_140 = vector.broadcast %add3A_139 : i32 to vector<16xi32>
      %add3A_141 = arith.addi %iota3A_138, %add3A_140 : vector<16xi32>
      %iota3A_142 = tpu.iota {dimensions = array<i32: 0>} : vector<16xi32>
      %add3A_143 = arith.constant 112 : i32
      %add3A_144 = vector.broadcast %add3A_143 : i32 to vector<16xi32>
      %add3A_145 = arith.addi %iota3A_142, %add3A_144 : vector<16xi32>
      %broadcast_in_dim3A_146 = vector.broadcast %add3A_95 : i32 to vector<16xi32>
      %scan3A_147 = arith.constant 0 : i32
      %scan3A_148 = arith.constant 0 : i32
      %scan3A_149 = arith.constant 64 : i32
      %scan3A_150 = arith.addi %scan3A_148, %scan3A_149 : i32
      %scan3A_151 = arith.constant 1 : i32
      %scan3A_152 = scf.for %scan3A_161 = %scan3A_148 to %scan3A_150 step %scan3A_151 iter_args(%scan3A_162 = %scan3A_147) -> (i32)  : i32 {
        %broadcast_in_dim3A_163 = vector.broadcast %scan3A_161 : i32 to vector<16xi32>
        %gather3A = tpu.vector_load_idx %arg11[%broadcast_in_dim3A_146, %broadcast_in_dim3A_163] : memref<200x64xf32, #tpu.memory_space<vmem>>[vector<16xi32>, vector<16xi32>], vector<16xf32>,
        %gather3A_164 = tpu.vector_load_idx %arg8[%add3A_117, %broadcast_in_dim3A_163] : memref<128x128xf32, #tpu.memory_space<vmem>>[vector<16xi32>, vector<16xi32>], vector<16xf32>,
        %add3A_165 = arith.addf %gather3A_164, %gather3A : vector<16xf32>
        %swap3A = arith.index_cast %scan3A_161 : i32 to index
        %swap3A_166 = arith.constant 0 : index
        %swap3A_167 = tpu.vector_load %arg10[%swap3A, %swap3A_166] {strides = array<i32>} : memref<64x128xf32, #tpu.memory_space<vmem>>, vector<16xf32>,
        tpu.vector_store %arg10[%swap3A, %swap3A_166], %add3A_165 {strides = array<i32>} : memref<64x128xf32, #tpu.memory_space<vmem>>, vector<16xf32>,
        %gather3A_168 = tpu.vector_load_idx %arg8[%add3A_121, %broadcast_in_dim3A_163] : memref<128x128xf32, #tpu.memory_space<vmem>>[vector<16xi32>, vector<16xi32>], vector<16xf32>,
        %add3A_169 = arith.addf %gather3A_168, %gather3A : vector<16xf32>
        %swap3A_170 = arith.index_cast %scan3A_161 : i32 to index
        %swap3A_171 = arith.constant 16 : index
        %swap3A_172 = tpu.vector_load %arg10[%swap3A_170, %swap3A_171] {strides = array<i32>} : memref<64x128xf32, #tpu.memory_space<vmem>>, vector<16xf32>,
        tpu.vector_store %arg10[%swap3A_170, %swap3A_171], %add3A_169 {strides = array<i32>} : memref<64x128xf32, #tpu.memory_space<vmem>>, vector<16xf32>,
        %gather3A_173 = tpu.vector_load_idx %arg8[%add3A_125, %broadcast_in_dim3A_163] : memref<128x128xf32, #tpu.memory_space<vmem>>[vector<16xi32>, vector<16xi32>], vector<16xf32>,
        %add3A_174 = arith.addf %gather3A_173, %gather3A : vector<16xf32>
        %swap3A_175 = arith.index_cast %scan3A_161 : i32 to index
        %swap3A_176 = arith.constant 32 : index
        %swap3A_177 = tpu.vector_load %arg10[%swap3A_175, %swap3A_176] {strides = array<i32>} : memref<64x128xf32, #tpu.memory_space<vmem>>, vector<16xf32>,
        tpu.vector_store %arg10[%swap3A_175, %swap3A_176], %add3A_174 {strides = array<i32>} : memref<64x128xf32, #tpu.memory_space<vmem>>, vector<16xf32>,
        %gather3A_178 = tpu.vector_load_idx %arg8[%add3A_129, %broadcast_in_dim3A_163] : memref<128x128xf32, #tpu.memory_space<vmem>>[vector<16xi32>, vector<16xi32>], vector<16xf32>,
        %add3A_179 = arith.addf %gather3A_178, %gather3A : vector<16xf32>
        %swap3A_180 = arith.index_cast %scan3A_161 : i32 to index
        %swap3A_181 = arith.constant 48 : index
        %swap3A_182 = tpu.vector_load %arg10[%swap3A_180, %swap3A_181] {strides = array<i32>} : memref<64x128xf32, #tpu.memory_space<vmem>>, vector<16xf32>,
        tpu.vector_store %arg10[%swap3A_180, %swap3A_181], %add3A_179 {strides = array<i32>} : memref<64x128xf32, #tpu.memory_space<vmem>>, vector<16xf32>,
        %gather3A_183 = tpu.vector_load_idx %arg8[%add3A_133, %broadcast_in_dim3A_163] : memref<128x128xf32, #tpu.memory_space<vmem>>[vector<16xi32>, vector<16xi32>], vector<16xf32>,
        %add3A_184 = arith.addf %gather3A_183, %gather3A : vector<16xf32>
        %swap3A_185 = arith.index_cast %scan3A_161 : i32 to index
        %swap3A_186 = arith.constant 64 : index
        %swap3A_187 = tpu.vector_load %arg10[%swap3A_185, %swap3A_186] {strides = array<i32>} : memref<64x128xf32, #tpu.memory_space<vmem>>, vector<16xf32>,
        tpu.vector_store %arg10[%swap3A_185, %swap3A_186], %add3A_184 {strides = array<i32>} : memref<64x128xf32, #tpu.memory_space<vmem>>, vector<16xf32>,
        %gather3A_188 = tpu.vector_load_idx %arg8[%add3A_137, %broadcast_in_dim3A_163] : memref<128x128xf32, #tpu.memory_space<vmem>>[vector<16xi32>, vector<16xi32>], vector<16xf32>,
        %add3A_189 = arith.addf %gather3A_188, %gather3A : vector<16xf32>
        %swap3A_190 = arith.index_cast %scan3A_161 : i32 to index
        %swap3A_191 = arith.constant 80 : index
        %swap3A_192 = tpu.vector_load %arg10[%swap3A_190, %swap3A_191] {strides = array<i32>} : memref<64x128xf32, #tpu.memory_space<vmem>>, vector<16xf32>,
        tpu.vector_store %arg10[%swap3A_190, %swap3A_191], %add3A_189 {strides = array<i32>} : memref<64x128xf32, #tpu.memory_space<vmem>>, vector<16xf32>,
        %gather3A_193 = tpu.vector_load_idx %arg8[%add3A_141, %broadcast_in_dim3A_163] : memref<128x128xf32, #tpu.memory_space<vmem>>[vector<16xi32>, vector<16xi32>], vector<16xf32>,
        %add3A_194 = arith.addf %gather3A_193, %gather3A : vector<16xf32>
        %swap3A_195 = arith.index_cast %scan3A_161 : i32 to index
        %swap3A_196 = arith.constant 96 : index
        %swap3A_197 = tpu.vector_load %arg10[%swap3A_195, %swap3A_196] {strides = array<i32>} : memref<64x128xf32, #tpu.memory_space<vmem>>, vector<16xf32>,
        tpu.vector_store %arg10[%swap3A_195, %swap3A_196], %add3A_194 {strides = array<i32>} : memref<64x128xf32, #tpu.memory_space<vmem>>, vector<16xf32>,
        %gather3A_198 = tpu.vector_load_idx %arg8[%add3A_145, %broadcast_in_dim3A_163] : memref<128x128xf32, #tpu.memory_space<vmem>>[vector<16xi32>, vector<16xi32>], vector<16xf32>,
        %add3A_199 = arith.addf %gather3A_198, %gather3A : vector<16xf32>
        %swap3A_200 = arith.index_cast %scan3A_161 : i32 to index
        %swap3A_201 = arith.constant 112 : index
        %swap3A_202 = tpu.vector_load %arg10[%swap3A_200, %swap3A_201] {strides = array<i32>} : memref<64x128xf32, #tpu.memory_space<vmem>>, vector<16xf32>,
        tpu.vector_store %arg10[%swap3A_200, %swap3A_201], %add3A_199 {strides = array<i32>} : memref<64x128xf32, #tpu.memory_space<vmem>>, vector<16xf32>,
        %scan3A_203 = arith.constant 0 : i32
        scf.yield %scan3A_203 : i32
      }
      %scan3A_153 = arith.constant 64 : i32
      %dma_start3A_154 = arith.constant 0 : i32
      %dma_start3A_155 = tpu.memref_slice %arg5[%add3A_95, %dma_start3A_154, %mul3A_2] : memref<200x64x4096xf32, #tpu.memory_space<hbm>> -> memref<1x64x128xf32, #tpu.memory_space<hbm>>
      %dma_start3A_156 = tpu.memref_squeeze %dma_start3A_155 : memref<1x64x128xf32, #tpu.memory_space<hbm>> -> memref<64x128xf32, #tpu.memory_space<hbm>>
      %dma_start3A_157 = arith.constant 0 : i32
      %dma_start3A_158 = tpu.memref_slice %arg5[%add3A_95, %dma_start3A_157, %mul3A_2] : memref<200x64x4096xf32, #tpu.memory_space<hbm>> -> memref<1x64x128xf32, #tpu.memory_space<hbm>>
      %dma_start3A_159 = tpu.memref_squeeze %dma_start3A_158 : memref<1x64x128xf32, #tpu.memory_space<hbm>> -> memref<64x128xf32, #tpu.memory_space<hbm>>
      tpu.enqueue_dma source(%arg10 : memref<64x128xf32, #tpu.memory_space<vmem>>) target(%dma_start3A_159 : memref<64x128xf32, #tpu.memory_space<hbm>>) target_semaphore(%arg15 : memref<!tpu.dma_semaphore, #tpu.memory_space<semaphore_mem>>)
      %scan3A_160 = arith.constant 0 : i32
      scf.yield %scan3A_160 : i32
    }
    %scan3A_14 = arith.constant 100 : i32
    %dma_wait3A = arith.constant 0 : i32
    %dma_wait3A_15 = arith.constant 0 : i32
    %dma_wait3A_16 = tpu.memref_slice %arg5[%dma_wait3A, %dma_wait3A_15, %mul3A_2] : memref<200x64x4096xf32, #tpu.memory_space<hbm>> -> memref<1x64x128xf32, #tpu.memory_space<hbm>>
    %dma_wait3A_17 = tpu.memref_squeeze %dma_wait3A_16 : memref<1x64x128xf32, #tpu.memory_space<hbm>> -> memref<64x128xf32, #tpu.memory_space<hbm>>
    %dma_wait3A_18 = arith.constant 0 : i32
    %dma_wait3A_19 = tpu.memref_slice %arg5[%dma_wait3A, %dma_wait3A_18, %mul3A_2] : memref<200x64x4096xf32, #tpu.memory_space<hbm>> -> memref<1x64x128xf32, #tpu.memory_space<hbm>>
    %dma_wait3A_20 = tpu.memref_squeeze %dma_wait3A_19 : memref<1x64x128xf32, #tpu.memory_space<hbm>> -> memref<64x128xf32, #tpu.memory_space<hbm>>
    tpu.wait_dma2 semaphore(%arg14 : memref<!tpu.dma_semaphore, #tpu.memory_space<semaphore_mem>>) src(%arg9 : memref<64x128xf32, #tpu.memory_space<vmem>>) dst(%dma_wait3A_20 : memref<64x128xf32, #tpu.memory_space<hbm>>)
    %dma_wait3A_21 = arith.constant 0 : i32
    %dma_wait3A_22 = arith.constant 0 : i32
    %dma_wait3A_23 = tpu.memref_slice %arg5[%dma_wait3A_21, %dma_wait3A_22, %mul3A_2] : memref<200x64x4096xf32, #tpu.memory_space<hbm>> -> memref<1x64x128xf32, #tpu.memory_space<hbm>>
    %dma_wait3A_24 = tpu.memref_squeeze %dma_wait3A_23 : memref<1x64x128xf32, #tpu.memory_space<hbm>> -> memref<64x128xf32, #tpu.memory_space<hbm>>
    %dma_wait3A_25 = arith.constant 0 : i32
    %dma_wait3A_26 = tpu.memref_slice %arg5[%dma_wait3A_21, %dma_wait3A_25, %mul3A_2] : memref<200x64x4096xf32, #tpu.memory_space<hbm>> -> memref<1x64x128xf32, #tpu.memory_space<hbm>>
    %dma_wait3A_27 = tpu.memref_squeeze %dma_wait3A_26 : memref<1x64x128xf32, #tpu.memory_space<hbm>> -> memref<64x128xf32, #tpu.memory_space<hbm>>
    tpu.wait_dma2 semaphore(%arg15 : memref<!tpu.dma_semaphore, #tpu.memory_space<semaphore_mem>>) src(%arg10 : memref<64x128xf32, #tpu.memory_space<vmem>>) dst(%dma_wait3A_27 : memref<64x128xf32, #tpu.memory_space<hbm>>)
    return
  }
}

</mosaic_0001>

<sc_bundles>
// kernel: kernel.4.cloned.1.call-start
scs
__scs_entry_jumppad:
0x0: {  	(pc) =	sbr.rel $0x88, $3  }
0x1: {  	(tag) =	ssettag $0x0;
	lr =	simm.s32 $0x1  }
0x2: {  	[smem:$0x3F9E] =	sst lr;
	_ =	strace $0xD0000000  }
0x3: {  	_ = 	snop  }
0x4: {  	_ = 	snop  }
0x5: {  	_ = 	snop  }
0x6: {  	_ = 	snop  }
0x7: {  	_ = 	snop  }
__scs_overlays_trampoline_lowered:
0x8: {  	[smem:$0x3FAD] =	sst s0  }
0x9: {  	[smem:$0x3FAE] =	sst s1  }
0xa: {  	[smem:$0x3FAF] =	sst s2  }
0xb: {  	[smem:$0x3FB0] =	sst s3  }
0xc: {  	[smem:$0x3FB1] =	sst s4  }
0xd: {  	[smem:$0x3FB2] =	sst s5  }
0xe: {  	[smem:$0x3FB3] =	sst s6  }
0xf: {  	[smem:$0x3FB4] =	sst s7  }
0x10: {  	[smem:$0x3FB5] =	sst s8  }
0x11: {  	[smem:$0x3FB6] =	sst s9;
	s0 =	simm.s32 @!p0 $0x0  }
0x12: {  	s1 =	sld [smem:$0x3F9C];
	s0 =	simm.s32 @p0 $0x1  }
0x13: {  	[smem:$0x3FB7] =	sst s0;
	s0 =	simm.s32 @!p1 $0x0  }
0x14: {  	s2 =	sld [smem:$0x3F9B];
	s0 =	simm.s32 @p1 $0x1  }
0x15: {  	[smem:$0x3FB8] =	sst s0;
	s0 =	simm.s32 @!p2 $0x0  }
0x16: {  	s3 =	sld [smem:$0x3FDB];
	s0 =	simm.s32 @p2 $0x1  }
0x17: {  	s4 =	simm.s32 $0x1BF5;
	[smem:$0x3FBA] =	sst s0  }
0x18: {  	s0 =	sld [smem:$0x3F9D];
	_ =	swait.ge [sflag:s4], $0x0  }
0x19: {  	s7 =	sld [smem:$0x3F9E]  }
0x1a: {  	s8 =	sadd.s32 $0xFFFFE003, lr  }
0x1b: {  	s9 =	sadd.s32 $0xFFFFFEF7, lr;
	s5 =	simm.s32 $0xFFFFFFFF;
	p2 =	slt.u32 s8, $0xFFFFF086  }
0x1c: {  	p1 =	slt.u32 s9, $0xF7A;
	s5 =	simm.s32 @!p2 $0x0  }
0x1d: {  	s5 =	simm.s32 @p1 $0x1;
	p0 =	seq.s32 s7, s2  }
0x1e: {  	s7 =	smul.u32 @!p0 $0xF7A, s2;
	p2 =	seq.s32 @!p0 s5, $0x0  }
0x1f: {  	s9 =	smul.u32 $0xF7A, s1;
	s8 =	simm.s32 @!p0 $0x1BF5;
	p2 =	por !p2, p0  }
0x20: {  	[sflag:s8] =	ssyncset.s32 @!p0 $0xFFFFF086;
	s6 =	sadd.s32 @!p0 s3, s7;
	s7 =	simm.s32 @!p0 $0x108  }
0x21: {  	s3 =	sadd.s32 s3, s9;
	s6 =	sadd.s32 @!p0 $0x88, s6;
	s7 =	simm.s32 @p2 $0x1082  }
0x22: {  	[simem:s7], [sflag:s8] =	dma.local @!p0 [hbm:s6], $0xF7A  }
0x23: {  	s9 =	sor.u32 $0xD0000000, s2;
	s6 =	simm.s32 $0x108;
	_ =	swait.ge @!p0 [sflag:s8], $0x0  }
0x24: {  	s3 =	sadd.s32 $0x88, s3;
	s6 =	simm.s32 @!p1 $0x1082;
	[sflag:s4] =	ssyncset.s32 $0xFFFFF086  }
0x25: {  	[simem:s6], [sflag:s4] =	dma.local [hbm:s3], $0xF7A  }
0x26: {  	[smem:$0x3F9E] =	sst s1;
	(tag) =	ssettag s2;
	_ =	strace s9  }
0x27: {  	s1 =	sld [smem:$0x3FAE]  }
0x28: {  	s2 =	sld [smem:$0x3FAF]  }
0x29: {  	s4 =	sld [smem:$0x3FB1]  }
0x2a: {  	p0 =	seq.s32 s5, $0x0;
	s5 =	sld [smem:$0x3FB2]  }
0x2b: {  	s6 =	sld [smem:$0x3FB3]  }
0x2c: {  	s7 =	sld [smem:$0x3FB4]  }
0x2d: {  	s3 =	simm.s32 $0x108;
	s8 =	sld [smem:$0x3FB5]  }
0x2e: {  	s3 =	simm.s32 @!p0 $0x1082;
	s9 =	sld [smem:$0x3FB6]  }
0x2f: {  	lr =	sadd.s32 s0, s3;
	s0 =	sld [smem:$0x3FAD]  }
0x30: {  	s3 =	sld [smem:$0x3FB0]  }
0x31: {  	[smem:$0x3FB9] =	sst s10  }
0x32: {  	s10 =	sld [smem:$0x3FB7];
	_ =	sdelay $0x3  }
0x33: {  	p0 =	seq.s32 s10, $0x1;
	s10 =	sld [smem:$0x3FB9];
	_ =	sdelay $0x3  }
0x34: {  	[smem:$0x3FB9] =	sst s10  }
0x35: {  	s10 =	sld [smem:$0x3FB8];
	_ =	sdelay $0x3  }
0x36: {  	p1 =	seq.s32 s10, $0x1;
	s10 =	sld [smem:$0x3FB9];
	_ =	sdelay $0x3  }
0x37: {  	[smem:$0x3FB9] =	sst s10  }
0x38: {  	s10 =	sld [smem:$0x3FBA]  }
0x39: {  	_ = 	snop;
	(pc) =	sbr.ind lr, $3  }
0x3a: {  	_ = 	snop  }
0x3b: {  	_ = 	snop  }
0x3c: {  	p2 =	seq.s32 s10, $0x1;
	s10 =	sld [smem:$0x3FB9]  }
0x3d: {  	_ =	shalt  }
0x3e: {  	_ =	shalt  }
0x3f: {  	_ =	shalt  }
0x40: {  	_ =	shalt  }
0x41: {  	_ =	shalt  }
0x42: {  	_ =	shalt  }
0x43: {  	_ =	shalt  }
0x44: {  	_ =	shalt  }
0x45: {  	_ =	shalt  }
0x46: {  	_ =	shalt  }
0x47: {  	_ =	shalt  }
0x48: {  	_ =	shalt  }
0x49: {  	_ =	shalt  }
0x4a: {  	_ =	shalt  }
0x4b: {  	_ =	shalt  }
0x4c: {  	_ =	shalt  }
0x4d: {  	_ =	shalt  }
0x4e: {  	_ =	shalt  }
0x4f: {  	_ =	shalt  }
0x50: {  	_ =	shalt  }
0x51: {  	_ =	shalt  }
0x52: {  	_ =	shalt  }
0x53: {  	_ =	shalt  }
0x54: {  	_ =	shalt  }
0x55: {  	_ =	shalt  }
0x56: {  	_ =	shalt  }
0x57: {  	_ =	shalt  }
0x58: {  	_ =	shalt  }
0x59: {  	_ =	shalt  }
0x5a: {  	_ =	shalt  }
0x5b: {  	_ =	shalt  }
0x5c: {  	_ =	shalt  }
0x5d: {  	_ =	shalt  }
0x5e: {  	_ =	shalt  }
0x5f: {  	_ =	shalt  }
0x60: {  	_ =	shalt  }
0x61: {  	_ =	shalt  }
0x62: {  	_ =	shalt  }
0x63: {  	_ =	shalt  }
0x64: {  	_ =	shalt  }
0x65: {  	_ =	shalt  }
0x66: {  	_ =	shalt  }
0x67: {  	_ =	shalt  }
0x68: {  	_ =	shalt  }
0x69: {  	_ =	shalt  }
0x6a: {  	_ =	shalt  }
0x6b: {  	_ =	shalt  }
0x6c: {  	_ =	shalt  }
0x6d: {  	_ =	shalt  }
0x6e: {  	_ =	shalt  }
0x6f: {  	_ =	shalt  }
0x70: {  	_ =	shalt  }
0x71: {  	_ =	shalt  }
0x72: {  	_ =	shalt  }
0x73: {  	_ =	shalt  }
0x74: {  	_ =	shalt  }
0x75: {  	_ =	shalt  }
0x76: {  	_ =	shalt  }
0x77: {  	_ =	shalt  }
0x78: {  	_ =	shalt  }
0x79: {  	_ =	shalt  }
0x7a: {  	_ =	shalt  }
0x7b: {  	_ =	shalt  }
0x7c: {  	_ =	shalt  }
0x7d: {  	_ =	shalt  }
0x7e: {  	_ =	shalt  }
0x7f: {  	_ =	shalt  }
0x80: {  	_ =	shalt  }
0x81: {  	_ =	shalt  }
0x82: {  	_ =	shalt  }
0x83: {  	_ =	shalt  }
0x84: {  	_ =	shalt  }
0x85: {  	_ =	shalt  }
0x86: {  	_ =	shalt  }
0x87: {  	_ =	shalt  }
.Lfunc_end0:
.L_simem_size_0:
called_computation_lowered:
.L_overlay_start_0:
0x88: {  	s2 =	sld [smem:$0x3FD9]  }
0x89: {  	s3 =	sld [smem:$0x3FFE];
	_ =	sdelay $0x1  }
0x8a: {  	s1 =	srdreg.scid  }
0x8b: {  	s0 =	sand.u32 $0x1, s1  }
0x8c: {  	s17 =	sshll.u32 s0, $0xA;
	s2 =	sadd.s32 s3, s2  }
0x8d: {  	s2 =	sadd.s32 s2, s17  }
0x8e: {  	[smem:$0x3FC5] =	sst s2  }
0x8f: {  	_ = 	snop  }
0x90: {  	s2 =	sld [smem:$0x3FC8]  }
0x91: {  	s18 =	sld [smem:$0x3FD0];
	(tm) =	ssettm $0x1  }
0x92: {  	s4 =	sld [smem:$0x3FFB];
	_ =	sdelay $0x3  }
0x93: {  	_ =	strace s4  }
0x94: {  	s4 =	sld [smem:$0x3FFC];
	_ =	sdelay $0x3  }
0x95: {  	_ =	strace s4  }
0x96: {  	s4 =	sld [smem:$0x3FFD];
	_ =	sdelay $0x3  }
0x97: {  	_ =	strace s4  }
0x98: {  	_ =	strace $0x8FFFFFFF  }
0x99: {  	s19 =	sld [smem:$0x3FDB];
	_ =	sdelay $0x1  }
0x9a: {  	s5 =	simm.s32 $_scs_section_size  }
0x9b: {  	s6 =	simm.s32 $_size__tile_overlayer_lowered;
	s7 =	simm.s32 $_tile_overlayer_lowered  }
0x9c: {  	s22 =	simm.s32 $0x1BFF;
	s21 =	sshll.u32 s7, $0x1;
	s4 =	sadd.s32 s5, s19  }
0x9d: {  	s8 =	simm.s32 $0x0;
	s20 =	sshll.u32 s6, $0x1;
	s6 =	sadd.s32 s21, s4  }
0x9e: {  	[timem:s8], [sflag:s22] =	dma.local [hbm:s6], s20  }
0x9f: {  	_ =	swait.ge [sflag:s22], s20  }
0xa0: {  	s5 =	ssub.s32 $0x0, s20;
	[sflag:s22] =	ssyncset.done $0x0  }
0xa1: {  	[sflag:s22] =	ssyncadd.s32 s5;
	_ =	sdelay $0x1  }
0xa2: {  	s23 =	simm.s32 $0x1B8B  }
0xa3: {  	_ =	swait.ge [sflag:s23], $0x1  }
0xa4: {  	[sflag:s23] =	ssyncset.done $0x0  }
0xa5: {  	s25 =	simm.s32 $0x1B8E;
	s24 =	sld [smem:$0x3FFE];
	[sflag:s23] =	ssyncadd.s32 $0xFFFFFFFF  }
0xa6: {  	s26 =	simm.s32 $execute0_lowered;
	[smem:$0x3FD2] =	sst s25  }
0xa7: {  	s6 =	sshll.u32 s26, $0x1;
	_ =	strace $0x80000046;
	[dreg:$0x1] =	wrdreg $0xFFFFFFFF  }
0xa8: {  	s28 =	simm.s32 $_size_execute0_lowered;
	s4 =	sadd.s32 s4, s6;
	[dreg:$0x0] =	wrdreg $0x0  }
0xa9: {  	s6 =	sshll.u32 s28, $0x1;
	[dreg:$0x2] =	wrdreg s4  }
0xaa: {  	[dreg:$0x3] =	wrdreg s6  }
0xab: {  	[dreg:$0x4] =	wrdreg $0xC0  }
0xac: {  	_ =	task [dreg:s8], $0x5FFFF  }
0xad: {  	[dreg:$0x1] =	wrdreg $0xFFFFFFFF  }
0xae: {  	[dreg:$0x0] =	wrdreg $0x60  }
0xaf: {  	[dreg:$0x2] =	wrdreg s2  }
0xb0: {  	[dreg:$0x3] =	wrdreg s18  }
0xb1: {  	[dreg:$0x4] =	wrdreg s24  }
0xb2: {  	[dreg:$0x5] =	wrdreg $0x9  }
0xb3: {  	_ =	task.clear_ibuf [dreg:s8], $0x6FFFF;
	_ =	strace $0x90000046  }
0xb4: {  	s29 =	simm.s32 $0x9;
	_ =	strace $0x80000048  }
0xb5: {  	_ =	swait.ge [sflag:s29], $0x1  }
0xb6: {  	[sflag:s29] =	ssyncadd.s32 $0xFFFFFFFF  }
0xb7: {  	_ =	strace $0x90000048  }
0xb8: {  	_ =	sfence  }
0xb9: {  	s30 =	sld [smem:$0x0];
	_ =	sdelay $0x2  }
0xba: {  	s31 =	sshll.u32 s1, $0xD;
	s1 =	sshrl.u32 s1, $0x2  }
0xbb: {  	s3 =	sand.u32 $0x4000, s31;
	s1 =	sadd.s32 s1, s30  }
0xbc: {  	s0 =	sor.u32 s3, s0;
	s1 =	sshll.u32 s1, $0x11  }
0xbd: {  	s0 =	sor.u32 s1, s0  }
0xbe: {  	s0 =	sadd.s32 $0x8F2B, s0  }
0xbf: {  	[sflag:s0] =	ssyncadd.remote.s32 $0x1  }
0xc0: {  	_ =	sfence.sel $0xFFFF  }
0xc1: {  	[dreg:$0x0] =	wrdreg $0xFFFFFFFF;
	(pc) =	sbr.abs _section_cstart, $3  }
0xc2: {  	[dreg:$0x1] =	wrdreg $0xFFFFFFFF  }
0xc3: {  	_ =	task.clear_ibuf [dreg:s8], $0x2FFFF;
	_ =	strace $0x9FFFFFFF  }
0xc4: {  	(tm) =	ssettm $0x7FFFFFFF  }
0xc5: {  	_ =	shalt  }
tec
execute0_lowered:
.L_overlay_start_1:
0x0: {  	(tag) =	ssettag $0x1  }
0x1: {  	s1 =	rddreg [dreg:$0x0]  }
0x2: {  	s2 =	rddreg [dreg:$0x1]  }
0x3: {  	s9 =	rddreg [dreg:$0x2]  }
0x4: {  	s0 =	rddreg [dreg:$0x3];
	s4 =	simm.s32 $0x0  }
0x5: {  	s5 =	srdreg.scid;
	s3 =	stileid.u32;
	s12 =	simm.s32 $0x7A1400  }
0x6: {  	s13 =	simm.s32 $0x1;
	s14 =	simm.s32 $0x4000;
	s15 =	simm.s32 $0x2  }
0x7: {  	s16 =	simm.s32 $0x2000;
	s17 =	simm.s32 $0x8000;
	s18 =	simm.s32 $0x3  }
0x8: {  	s19 =	simm.s32 $0x4;
	s20 =	simm.s32 $0xC000;
	s21 =	simm.s32 $0x5  }
0x9: {  	s22 =	simm.s32 $0x0;
	[smem:$0x7FF] =	sst s4;
	s5 =	sand.u32 $0x1, s5  }
.Ltmp0:
0xa: {  	s6 =	sshll.u32 s3, $0x1;
	_ =	strace $0x80000047;
	(pc) =	sbr.rel .LBB2_1-.Ltmp0, $4  }
0xb: {  	v0 =	vlaneseq.u32;
	s7 =	ssub.s32 $0x2, s5;
	s5 =	sor.u32 s5, s6;
	s6 =	sadd.s32 $0xA00, s9  }
0xc: {  	v0 =	vmul.u32 $0x80, v0;
	s9 =	sadd.s32 $0xF42A00, s9;
	s8 =	sshrl.u32 s7, $0x1;
	s10 =	sshll.u32 s5, $0x7  }
0xd: {  	p0 =	sne.s32 s5, $0x1F;
	s11 =	ssub.s32 s7, s8;
	s7 =	sadd.s32 s1, s10  }
0xe: {  	v1 =	vor.u32 $0x800, v0;
	v2 =	vor.u32 $0x1000, v0;
	v3 =	vor.u32 $0x1800, v0;
	s8 =	sadd.s32 $0x1000, s1;
	s10 =	smax.u32 s11, $0x1;
	s11 =	simm.s32 $0x400  }
.LBB2_12:
0xf: {  	s22 =	sadd.s32 $0x1, s22  }
0x10: {  	p1 =	sne.s32 s22, s10  }
.Ltmp1:
0x11: {  	_ = 	snop;
	(pc) =	sbr.rel @!p1 .LBB2_13-.Ltmp1, $1  }
0x12: {  	_ =	sdelay $0x3  }
.LBB2_1:
.Ltmp2:
0x13: {  	(pc) =	sbr.rel .LBB2_2-.Ltmp2, $3  }
0x14: {  	_ =	sdelay $0x1  }
0x15: {  	[tilespmem:s4], [sflag:$0x1] =	stream.strided.gather [hbm4b:s7+s11], $0x2000, s12, s11, $0x38;
	[tilespmem:$0xE000] =	vst v63  }
0x16: {  	s23 =	simm.s32 $0x0  }
.LBB2_9:
0x17: {  	s23 =	sadd.s32 $0x1, s23  }
0x18: {  	p1 =	sne.s32 s23, $0x7B  }
.Ltmp3:
0x19: {  	_ = 	snop;
	(pc) =	sbr.rel @!p1 .LBB2_10-.Ltmp3, $1  }
0x1a: {  	_ =	sdelay $0x3  }
.LBB2_2:
0x1b: {  	s24 =	sshll.u32 s23, $0x6  }
0x1c: {  	s25 =	sor.u32 s5, s24  }
0x1d: {  	p1 =	sgt.u32 s25, $0x1E83  }
.Ltmp4:
0x1e: {  	_ = 	snop;
	(pc) =	sbr.rel @p1 .LBB2_9-.Ltmp4, $1  }
0x1f: {  	_ =	sdelay $0x3  }
0x20: {  	s24 =	sor.u32 $0x20, s25  }
0x21: {  	s28 =	simm.s32 $0x0;
	p2 =	sgt.u32 s24, $0x1E83  }
0x22: {  	v4 =	vmov s28;
	s26 =	sshll.u32 @!p2 s24, $0x7;
	s28 =	simm.s32 @!p2 $0x400  }
0x23: {  	s29 =	simm.s32 @!p2 $0x7A1400;
	s30 =	simm.s32 @!p2 $0x2000;
	v4 =	vand.u32 $0x7F, v4;
	s26 =	sadd.s32 @!p2 s1, s26  }
0x24: {  	v4 =	vbroadcast v4, $0x0;
	[tilespmem:s30], [sflag:$0x2] =	stream.strided.gather @!p2 [hbm4b:s26+s28], $0x2000, s29, s28, $0x38;
	[tilespmem:$0xE000] =	vst v63  }
0x25: {  	_ =	swait.ge [sflag:s13], $0x2000  }
0x26: {  	p1 =	seq.s32 s23, $0x0;
	v5 =	vor.u32 v0, v4;
	[sflag:s13] =	ssyncset.done $0x0  }
0x27: {  	s26 =	simm.s32 @!p1 $0x3;
	[sflag:s13] =	ssyncadd.s32 $0xFFFFE000  }
0x28: {  	_ =	swait.ge @!p1 [sflag:s26], $0x4000  }
0x29: {  	[sflag:s26] =	ssyncset.done @!p1 $0x0  }
0x2a: {  	[sflag:s26] =	ssyncadd.s32 @!p1 $0xFFFFC000  }
0x2b: {  	v5 =	vld.idx.msk [tilespmem:v5+s4+$0x0], $0xffff;
	_ =	sdelay $0x2  }
0x2c: {  	v6 =	vor.u32 v1, v4;
	_ =	sdelay $0x1  }
0x2d: {  	v5 =	vmul.f32 $8.000000000e+00, v5  }
0x2e: {  	s26 =	simm.s32 $0x4020  }
0x2f: {  	[tilespmem:s26+$0xFFFFFFE0] =	vst v5  }
0x30: {  	v5 =	vld.idx.msk [tilespmem:v6+s4+$0x0], $0xffff;
	_ =	sdelay $0x2  }
0x31: {  	v6 =	vor.u32 v2, v4;
	_ =	sdelay $0x1  }
0x32: {  	v5 =	vmul.f32 $8.000000000e+00, v5;
	_ =	sdelay $0x1  }
0x33: {  	[tilespmem:s26+$0xFFFFFFF0] =	vst v5  }
0x34: {  	v5 =	vld.idx.msk [tilespmem:v6+s4+$0x0], $0xffff;
	_ =	sdelay $0x2  }
0x35: {  	v4 =	vor.u32 v3, v4;
	_ =	sdelay $0x1  }
0x36: {  	v5 =	vmul.f32 $8.000000000e+00, v5;
	_ =	sdelay $0x1  }
0x37: {  	s28 =	simm.s32 $0x1;
	[tilespmem:s26+$0x0] =	vst v5  }
0x38: {  	v5 =	vmov s28;
	s28 =	simm.s32 $0x2;
	v4 =	vld.idx.msk [tilespmem:v4+s4+$0x0], $0xffff  }
.LBB2_4:
0x39: {  	p3 =	sne.s32 s28, $0x7F;
	v5 =	vand.u32 $0x7F, v5  }
0x3a: {  	v5 =	vbroadcast v5, $0x0;
	_ =	sdelay $0x1  }
0x3b: {  	v6 =	vor.u32 v0, v5;
	_ =	sdelay $0x1  }
0x3c: {  	v4 =	vmul.f32 $8.000000000e+00, v4;
	_ =	sdelay $0x1  }
0x3d: {  	[tilespmem:s26+$0x10] =	vst v4  }
0x3e: {  	v4 =	vld.idx.msk [tilespmem:v6+s4+$0x0], $0xffff;
	_ =	sdelay $0x3  }
0x3f: {  	v6 =	vor.u32 v1, v5;
	_ =	sdelay $0x1  }
0x40: {  	v4 =	vmul.f32 $8.000000000e+00, v4  }
0x41: {  	s26 =	sadd.s32 $0x80, s26  }
0x42: {  	[tilespmem:s26+$0xFFFFFFE0] =	vst v4  }
0x43: {  	v4 =	vld.idx.msk [tilespmem:v6+s4+$0x0], $0xffff;
	_ =	sdelay $0x3  }
0x44: {  	v6 =	vor.u32 v2, v5;
	_ =	sdelay $0x1  }
0x45: {  	v4 =	vmul.f32 $8.000000000e+00, v4;
	_ =	sdelay $0x1  }
0x46: {  	[tilespmem:s26+$0xFFFFFFF0] =	vst v4  }
0x47: {  	v4 =	vld.idx.msk [tilespmem:v6+s4+$0x0], $0xffff;
	_ =	sdelay $0x3  }
0x48: {  	v6 =	vor.u32 v3, v5  }
.Ltmp5:
0x49: {  	(pc) =	sbr.rel @p3 .LBB2_4-.Ltmp5, $3  }
0x4a: {  	v4 =	vmul.f32 $8.000000000e+00, v4;
	_ =	sdelay $0x1  }
0x4b: {  	[tilespmem:s26+$0x0] =	vst v4  }
0x4c: {  	v5 =	vmov s28;
	s28 =	sadd.s32 $0x1, s28;
	v4 =	vld.idx.msk [tilespmem:v6+s4+$0x0], $0xffff  }
0x4d: {  	v5 =	vand.u32 $0x7F, v5  }
0x4e: {  	v5 =	vbroadcast v5, $0x0;
	_ =	sdelay $0x1  }
0x4f: {  	v6 =	vor.u32 v0, v5;
	_ =	sdelay $0x1  }
0x50: {  	v4 =	vmul.f32 $8.000000000e+00, v4;
	_ =	sdelay $0x1  }
0x51: {  	[tilespmem:s26+$0x10] =	vst v4  }
0x52: {  	v4 =	vld.idx.msk [tilespmem:v6+s4+$0x0], $0xffff;
	_ =	sdelay $0x2  }
0x53: {  	v62 =	vor.u32 v1, v5;
	_ =	sdelay $0x1  }
0x54: {  	v4 =	vmul.f32 $8.000000000e+00, v4  }
0x55: {  	s31 =	sadd.s32 $0x80, s26  }
0x56: {  	[tilespmem:s31+$0xFFFFFFE0] =	vst v4  }
0x57: {  	v4 =	vld.idx.msk [tilespmem:v62+s4+$0x0], $0xffff;
	_ =	sdelay $0x2  }
0x58: {  	v63 =	vor.u32 v2, v5;
	_ =	sdelay $0x1  }
0x59: {  	v4 =	vmul.f32 $8.000000000e+00, v4;
	_ =	sdelay $0x1  }
0x5a: {  	[tilespmem:s31+$0xFFFFFFF0] =	vst v4  }
0x5b: {  	v4 =	vld.idx.msk [tilespmem:v63+s4+$0x0], $0xffff;
	_ =	sdelay $0x2  }
0x5c: {  	v5 =	vor.u32 v3, v5;
	_ =	sdelay $0x1  }
0x5d: {  	v4 =	vmul.f32 $8.000000000e+00, v4;
	_ =	sdelay $0x1  }
0x5e: {  	[tilespmem:s31+$0x0] =	vst v4  }
0x5f: {  	v4 =	vld.idx.msk [tilespmem:v5+s4+$0x0], $0xffff;
	_ =	sdelay $0x3  }
.Ltmp6:
0x60: {  	_ = 	snop;
	(pc) =	sbr.rel @p2 .LBB2_9-.Ltmp6, $4  }
0x61: {  	v4 =	vmul.f32 $8.000000000e+00, v4  }
0x62: {  	s25 =	sshll.u32 s25, $0xB  }
0x63: {  	s25 =	sadd.s32 s6, s25;
	[tilespmem:s31+$0x10] =	vst v4  }
0x64: {  	[hbm4b:s25+s4] =	stream.linear.scatter [tilespmem:s14], [sflag:$0x3], $0x4000, $0x38;
	[tilespmem:$0xE000] =	vst v63  }
0x65: {  	p2 =	sgt.u32 s24, $0x1E63;
	s26 =	simm.s32 $0x0  }
0x66: {  	s25 =	sshll.u32 @!p2 s24, $0x7;
	v4 =	vmov s26;
	s26 =	simm.s32 @!p2 $0x400  }
0x67: {  	s28 =	simm.s32 @!p2 $0x7A1400;
	s29 =	simm.s32 @!p2 $0x0;
	s25 =	sadd.s32 @!p2 s25, s8;
	v4 =	vand.u32 $0x7F, v4  }
0x68: {  	[tilespmem:s29], [sflag:$0x1] =	stream.strided.gather @!p2 [hbm4b:s25+s26], $0x2000, s28, s26, $0x38;
	v4 =	vbroadcast v4, $0x0;
	[tilespmem:$0xE000] =	vst v63  }
0x69: {  	_ =	swait.ge [sflag:s15], $0x2000  }
0x6a: {  	[sflag:s15] =	ssyncset.done $0x0;
	v5 =	vor.u32 v0, v4  }
0x6b: {  	s25 =	simm.s32 @!p1 $0x4;
	[sflag:s15] =	ssyncadd.s32 $0xFFFFE000  }
0x6c: {  	_ =	swait.ge @!p1 [sflag:s25], $0x4000  }
0x6d: {  	[sflag:s25] =	ssyncset.done @!p1 $0x0  }
0x6e: {  	[sflag:s25] =	ssyncadd.s32 @!p1 $0xFFFFC000  }
0x6f: {  	v5 =	vld.idx.msk [tilespmem:v5+s16+$0x0], $0xffff;
	_ =	sdelay $0x2  }
0x70: {  	v6 =	vor.u32 v1, v4;
	_ =	sdelay $0x1  }
0x71: {  	v5 =	vmul.f32 $8.000000000e+00, v5  }
0x72: {  	s25 =	simm.s32 $0x8020  }
0x73: {  	[tilespmem:s25+$0xFFFFFFE0] =	vst v5  }
0x74: {  	v5 =	vld.idx.msk [tilespmem:v6+s16+$0x0], $0xffff;
	_ =	sdelay $0x2  }
0x75: {  	v6 =	vor.u32 v2, v4;
	_ =	sdelay $0x1  }
0x76: {  	v5 =	vmul.f32 $8.000000000e+00, v5;
	_ =	sdelay $0x1  }
0x77: {  	[tilespmem:s25+$0xFFFFFFF0] =	vst v5  }
0x78: {  	v5 =	vld.idx.msk [tilespmem:v6+s16+$0x0], $0xffff;
	_ =	sdelay $0x2  }
0x79: {  	v4 =	vor.u32 v3, v4;
	_ =	sdelay $0x1  }
0x7a: {  	v5 =	vmul.f32 $8.000000000e+00, v5;
	_ =	sdelay $0x1  }
0x7b: {  	s31 =	simm.s32 $0x1;
	[tilespmem:s25+$0x0] =	vst v5  }
0x7c: {  	s26 =	simm.s32 $0x2;
	v5 =	vmov s31;
	v4 =	vld.idx.msk [tilespmem:v4+s16+$0x0], $0xffff  }
.LBB2_7:
0x7d: {  	p1 =	sne.s32 s26, $0x7F;
	v5 =	vand.u32 $0x7F, v5  }
0x7e: {  	v5 =	vbroadcast v5, $0x0;
	_ =	sdelay $0x1  }
0x7f: {  	v6 =	vor.u32 v0, v5;
	_ =	sdelay $0x1  }
0x80: {  	v4 =	vmul.f32 $8.000000000e+00, v4;
	_ =	sdelay $0x1  }
0x81: {  	[tilespmem:s25+$0x10] =	vst v4  }
0x82: {  	v4 =	vld.idx.msk [tilespmem:v6+s16+$0x0], $0xffff;
	_ =	sdelay $0x3  }
0x83: {  	v6 =	vor.u32 v1, v5;
	_ =	sdelay $0x1  }
0x84: {  	v4 =	vmul.f32 $8.000000000e+00, v4  }
0x85: {  	s25 =	sadd.s32 $0x80, s25  }
0x86: {  	[tilespmem:s25+$0xFFFFFFE0] =	vst v4  }
0x87: {  	v4 =	vld.idx.msk [tilespmem:v6+s16+$0x0], $0xffff;
	_ =	sdelay $0x3  }
0x88: {  	v6 =	vor.u32 v2, v5;
	_ =	sdelay $0x1  }
0x89: {  	v4 =	vmul.f32 $8.000000000e+00, v4;
	_ =	sdelay $0x1  }
0x8a: {  	[tilespmem:s25+$0xFFFFFFF0] =	vst v4  }
0x8b: {  	v4 =	vld.idx.msk [tilespmem:v6+s16+$0x0], $0xffff;
	_ =	sdelay $0x3  }
0x8c: {  	v6 =	vor.u32 v3, v5  }
.Ltmp7:
0x8d: {  	(pc) =	sbr.rel @p1 .LBB2_7-.Ltmp7, $3  }
0x8e: {  	v4 =	vmul.f32 $8.000000000e+00, v4;
	_ =	sdelay $0x1  }
0x8f: {  	[tilespmem:s25+$0x0] =	vst v4  }
0x90: {  	v5 =	vmov s26;
	s26 =	sadd.s32 $0x1, s26;
	v4 =	vld.idx.msk [tilespmem:v6+s16+$0x0], $0xffff  }
0x91: {  	v5 =	vand.u32 $0x7F, v5  }
0x92: {  	v5 =	vbroadcast v5, $0x0;
	_ =	sdelay $0x1  }
0x93: {  	v6 =	vor.u32 v0, v5;
	_ =	sdelay $0x1  }
0x94: {  	v4 =	vmul.f32 $8.000000000e+00, v4;
	_ =	sdelay $0x1  }
0x95: {  	[tilespmem:s25+$0x10] =	vst v4  }
0x96: {  	v4 =	vld.idx.msk [tilespmem:v6+s16+$0x0], $0xffff;
	_ =	sdelay $0x2  }
0x97: {  	v62 =	vor.u32 v1, v5;
	_ =	sdelay $0x1  }
0x98: {  	v4 =	vmul.f32 $8.000000000e+00, v4  }
0x99: {  	s31 =	sadd.s32 $0x80, s25  }
0x9a: {  	[tilespmem:s31+$0xFFFFFFE0] =	vst v4  }
0x9b: {  	v4 =	vld.idx.msk [tilespmem:v62+s16+$0x0], $0xffff;
	_ =	sdelay $0x2  }
0x9c: {  	v63 =	vor.u32 v2, v5;
	_ =	sdelay $0x1  }
0x9d: {  	v4 =	vmul.f32 $8.000000000e+00, v4;
	_ =	sdelay $0x1  }
0x9e: {  	[tilespmem:s31+$0xFFFFFFF0] =	vst v4  }
0x9f: {  	v4 =	vld.idx.msk [tilespmem:v63+s16+$0x0], $0xffff;
	_ =	sdelay $0x2  }
0xa0: {  	v5 =	vor.u32 v3, v5;
	_ =	sdelay $0x1  }
0xa1: {  	v4 =	vmul.f32 $8.000000000e+00, v4;
	_ =	sdelay $0x1  }
0xa2: {  	[tilespmem:s31+$0x0] =	vst v4  }
0xa3: {  	v4 =	vld.idx.msk [tilespmem:v5+s16+$0x0], $0xffff;
	_ =	sdelay $0x3  }
.Ltmp8:
0xa4: {  	_ = 	snop;
	(pc) =	sbr.rel .LBB2_9-.Ltmp8, $4  }
0xa5: {  	v4 =	vmul.f32 $8.000000000e+00, v4  }
0xa6: {  	s24 =	sshll.u32 s24, $0xB  }
0xa7: {  	s24 =	sadd.s32 s6, s24;
	[tilespmem:s31+$0x10] =	vst v4  }
0xa8: {  	[hbm4b:s24+s4] =	stream.linear.scatter [tilespmem:s17], [sflag:$0x4], $0x4000, $0x38;
	[tilespmem:$0xE000] =	vst v63  }
.LBB2_10:
0xa9: {  	_ =	swait.ge [sflag:s18], $0x4000  }
.Ltmp9:
0xaa: {  	[sflag:s18] =	ssyncset.done $0x0;
	(pc) =	sbr.rel @p0 .LBB2_12-.Ltmp9, $4  }
0xab: {  	[sflag:s18] =	ssyncadd.s32 $0xFFFFC000  }
0xac: {  	_ =	swait.ge [sflag:s19], $0x4000  }
0xad: {  	[sflag:s19] =	ssyncset.done $0x0  }
0xae: {  	[sflag:s19] =	ssyncadd.s32 $0xFFFFC000  }
0xaf: {  	[tilespmem:s20], [sflag:$0x5] =	stream.linear.gather [hbm4b:s2+s4], $0x2000, $0x38;
	[tilespmem:$0xE000] =	vst v63  }
0xb0: {  	_ =	swait.ge [sflag:s21], $0x2000  }
0xb1: {  	[sflag:s21] =	ssyncset.done $0x0  }
0xb2: {  	[sflag:s21] =	ssyncadd.s32 $0xFFFFE000  }
0xb3: {  	v4 =	vld [tilespmem:$0xC000]  }
0xb4: {  	v5 =	vld [tilespmem:$0xC010]  }
0xb5: {  	v6 =	vld [tilespmem:$0xC020]  }
0xb6: {  	v7 =	vld [tilespmem:$0xC030]  }
0xb7: {  	v8 =	vld [tilespmem:$0xC080]  }
0xb8: {  	v9 =	vld [tilespmem:$0xC090];
	v4 =	vmul.f32 $8.000000000e+00, v4  }
0xb9: {  	v10 =	vld [tilespmem:$0xC0A0];
	v5 =	vmul.f32 $8.000000000e+00, v5  }
0xba: {  	v25 =	vld [tilespmem:$0xC0B0];
	[tilespmem:$0x4000] =	vst v4;
	v4 =	vmul.f32 $8.000000000e+00, v6  }
0xbb: {  	[tilespmem:$0x4010] =	vst v5;
	v5 =	vmul.f32 $8.000000000e+00, v7  }
0xbc: {  	[tilespmem:$0x4020] =	vst v4;
	v4 =	vmul.f32 $8.000000000e+00, v8  }
0xbd: {  	[tilespmem:$0x4030] =	vst v5;
	v5 =	vmul.f32 $8.000000000e+00, v9  }
0xbe: {  	[tilespmem:$0x4080] =	vst v4;
	v4 =	vmul.f32 $8.000000000e+00, v10  }
0xbf: {  	[tilespmem:$0x4090] =	vst v5;
	v5 =	vmul.f32 $8.000000000e+00, v25  }
0xc0: {  	[tilespmem:$0x40A0] =	vst v4  }
0xc1: {  	[tilespmem:$0x40B0] =	vst v5  }
0xc2: {  	v4 =	vld [tilespmem:$0xC100]  }
0xc3: {  	v5 =	vld [tilespmem:$0xC110]  }
0xc4: {  	v26 =	vld [tilespmem:$0xC120]  }
0xc5: {  	v27 =	vld [tilespmem:$0xC130]  }
0xc6: {  	v28 =	vld [tilespmem:$0xC180]  }
0xc7: {  	v29 =	vld [tilespmem:$0xC190];
	v4 =	vmul.f32 $8.000000000e+00, v4  }
0xc8: {  	v30 =	vld [tilespmem:$0xC1A0];
	v5 =	vmul.f32 $8.000000000e+00, v5  }
0xc9: {  	v31 =	vld [tilespmem:$0xC1B0];
	[tilespmem:$0x4100] =	vst v4;
	v4 =	vmul.f32 $8.000000000e+00, v26  }
0xca: {  	v32 =	vld [tilespmem:$0xC200];
	[tilespmem:$0x4110] =	vst v5;
	v5 =	vmul.f32 $8.000000000e+00, v27  }
0xcb: {  	v33 =	vld [tilespmem:$0xC210];
	[tilespmem:$0x4120] =	vst v4;
	v4 =	vmul.f32 $8.000000000e+00, v28  }
0xcc: {  	v34 =	vld [tilespmem:$0xC220];
	[tilespmem:$0x4130] =	vst v5;
	v5 =	vmul.f32 $8.000000000e+00, v29  }
0xcd: {  	v35 =	vld [tilespmem:$0xC230];
	[tilespmem:$0x4180] =	vst v4;
	v4 =	vmul.f32 $8.000000000e+00, v30  }
0xce: {  	v36 =	vld [tilespmem:$0xC280];
	[tilespmem:$0x4190] =	vst v5;
	v5 =	vmul.f32 $8.000000000e+00, v31  }
0xcf: {  	v37 =	vld [tilespmem:$0xC290];
	[tilespmem:$0x41A0] =	vst v4;
	v4 =	vmul.f32 $8.000000000e+00, v32  }
0xd0: {  	v38 =	vld [tilespmem:$0xC2A0];
	[tilespmem:$0x41B0] =	vst v5;
	v5 =	vmul.f32 $8.000000000e+00, v33  }
0xd1: {  	v39 =	vld [tilespmem:$0xC2B0];
	[tilespmem:$0x4200] =	vst v4;
	v4 =	vmul.f32 $8.000000000e+00, v34  }
0xd2: {  	v40 =	vld [tilespmem:$0xC300];
	[tilespmem:$0x4210] =	vst v5;
	v5 =	vmul.f32 $8.000000000e+00, v35  }
0xd3: {  	v41 =	vld [tilespmem:$0xC310];
	[tilespmem:$0x4220] =	vst v4;
	v4 =	vmul.f32 $8.000000000e+00, v36  }
0xd4: {  	v42 =	vld [tilespmem:$0xC320];
	[tilespmem:$0x4230] =	vst v5;
	v5 =	vmul.f32 $8.000000000e+00, v37  }
0xd5: {  	v43 =	vld [tilespmem:$0xC330];
	[tilespmem:$0x4280] =	vst v4;
	v4 =	vmul.f32 $8.000000000e+00, v38  }
0xd6: {  	v44 =	vld [tilespmem:$0xC380];
	[tilespmem:$0x4290] =	vst v5;
	v5 =	vmul.f32 $8.000000000e+00, v39  }
0xd7: {  	v45 =	vld [tilespmem:$0xC390];
	[tilespmem:$0x42A0] =	vst v4;
	v4 =	vmul.f32 $8.000000000e+00, v40  }
0xd8: {  	v46 =	vld [tilespmem:$0xC3A0];
	[tilespmem:$0x42B0] =	vst v5;
	v5 =	vmul.f32 $8.000000000e+00, v41  }
0xd9: {  	v47 =	vld [tilespmem:$0xC3B0];
	[tilespmem:$0x4300] =	vst v4;
	v4 =	vmul.f32 $8.000000000e+00, v42  }
0xda: {  	v48 =	vld [tilespmem:$0xC400];
	[tilespmem:$0x4310] =	vst v5;
	v5 =	vmul.f32 $8.000000000e+00, v43  }
0xdb: {  	v49 =	vld [tilespmem:$0xC410];
	[tilespmem:$0x4320] =	vst v4;
	v4 =	vmul.f32 $8.000000000e+00, v44  }
0xdc: {  	v50 =	vld [tilespmem:$0xC420];
	[tilespmem:$0x4330] =	vst v5;
	v5 =	vmul.f32 $8.000000000e+00, v45  }
0xdd: {  	v51 =	vld [tilespmem:$0xC430];
	[tilespmem:$0x4380] =	vst v4;
	v4 =	vmul.f32 $8.000000000e+00, v46  }
0xde: {  	v52 =	vld [tilespmem:$0xC480];
	[tilespmem:$0x4390] =	vst v5;
	v5 =	vmul.f32 $8.000000000e+00, v47  }
0xdf: {  	v53 =	vld [tilespmem:$0xC490];
	[tilespmem:$0x43A0] =	vst v4;
	v4 =	vmul.f32 $8.000000000e+00, v48  }
0xe0: {  	v54 =	vld [tilespmem:$0xC4A0];
	[tilespmem:$0x43B0] =	vst v5;
	v5 =	vmul.f32 $8.000000000e+00, v49  }
0xe1: {  	v55 =	vld [tilespmem:$0xC4B0];
	[tilespmem:$0x4400] =	vst v4;
	v4 =	vmul.f32 $8.000000000e+00, v50  }
0xe2: {  	v56 =	vld [tilespmem:$0xC500];
	[tilespmem:$0x4410] =	vst v5;
	v5 =	vmul.f32 $8.000000000e+00, v51  }
0xe3: {  	v57 =	vld [tilespmem:$0xC510];
	[tilespmem:$0x4420] =	vst v4;
	v4 =	vmul.f32 $8.000000000e+00, v52  }
0xe4: {  	v58 =	vld [tilespmem:$0xC520];
	[tilespmem:$0x4430] =	vst v5;
	v5 =	vmul.f32 $8.000000000e+00, v53  }
0xe5: {  	v59 =	vld [tilespmem:$0xC530];
	[tilespmem:$0x4480] =	vst v4;
	v4 =	vmul.f32 $8.000000000e+00, v54  }
0xe6: {  	v60 =	vld [tilespmem:$0xC580];
	[tilespmem:$0x4490] =	vst v5;
	v5 =	vmul.f32 $8.000000000e+00, v55  }
0xe7: {  	v61 =	vld [tilespmem:$0xC590];
	[tilespmem:$0x44A0] =	vst v4;
	v4 =	vmul.f32 $8.000000000e+00, v56  }
0xe8: {  	v62 =	vld [tilespmem:$0xC5A0];
	[tilespmem:$0x44B0] =	vst v5;
	v5 =	vmul.f32 $8.000000000e+00, v57  }
0xe9: {  	v63 =	vld [tilespmem:$0xC5B0];
	[tilespmem:$0x4500] =	vst v4;
	v4 =	vmul.f32 $8.000000000e+00, v58  }
0xea: {  	v12 =	vld [tilespmem:$0xC600];
	[tilespmem:$0x4510] =	vst v5;
	v5 =	vmul.f32 $8.000000000e+00, v59  }
0xeb: {  	v13 =	vld [tilespmem:$0xC610];
	[tilespmem:$0x4520] =	vst v4;
	v4 =	vmul.f32 $8.000000000e+00, v60  }
0xec: {  	v14 =	vld [tilespmem:$0xC620];
	[tilespmem:$0x4530] =	vst v5;
	v5 =	vmul.f32 $8.000000000e+00, v61  }
0xed: {  	v15 =	vld [tilespmem:$0xC630];
	[tilespmem:$0x4580] =	vst v4;
	v4 =	vmul.f32 $8.000000000e+00, v62  }
0xee: {  	v16 =	vld [tilespmem:$0xC680];
	[tilespmem:$0x4590] =	vst v5;
	v5 =	vmul.f32 $8.000000000e+00, v63  }
0xef: {  	v17 =	vld [tilespmem:$0xC690];
	[tilespmem:$0x45A0] =	vst v4;
	v4 =	vmul.f32 $8.000000000e+00, v12  }
0xf0: {  	v18 =	vld [tilespmem:$0xC6A0];
	[tilespmem:$0x45B0] =	vst v5;
	v5 =	vmul.f32 $8.000000000e+00, v13  }
0xf1: {  	v19 =	vld [tilespmem:$0xC6B0];
	[tilespmem:$0x4600] =	vst v4;
	v4 =	vmul.f32 $8.000000000e+00, v14  }
0xf2: {  	v20 =	vld [tilespmem:$0xC700];
	[tilespmem:$0x4610] =	vst v5;
	v5 =	vmul.f32 $8.000000000e+00, v15  }
0xf3: {  	v21 =	vld [tilespmem:$0xC710];
	[tilespmem:$0x4620] =	vst v4;
	v4 =	vmul.f32 $8.000000000e+00, v16  }
0xf4: {  	v22 =	vld [tilespmem:$0xC720];
	[tilespmem:$0x4630] =	vst v5;
	v5 =	vmul.f32 $8.000000000e+00, v17  }
0xf5: {  	v23 =	vld [tilespmem:$0xC730];
	[tilespmem:$0x4680] =	vst v4;
	v4 =	vmul.f32 $8.000000000e+00, v18  }
0xf6: {  	v24 =	vld [tilespmem:$0xC780];
	[tilespmem:$0x4690] =	vst v5;
	v5 =	vmul.f32 $8.000000000e+00, v19  }
0xf7: {  	v25 =	vld [tilespmem:$0xC790];
	[tilespmem:$0x46A0] =	vst v4;
	v4 =	vmul.f32 $8.000000000e+00, v20  }
0xf8: {  	v26 =	vld [tilespmem:$0xC7A0];
	[tilespmem:$0x46B0] =	vst v5;
	v5 =	vmul.f32 $8.000000000e+00, v21  }
0xf9: {  	v27 =	vld [tilespmem:$0xC7B0];
	[tilespmem:$0x4700] =	vst v4;
	v4 =	vmul.f32 $8.000000000e+00, v22  }
0xfa: {  	v28 =	vld [tilespmem:$0xC800];
	[tilespmem:$0x4710] =	vst v5;
	v5 =	vmul.f32 $8.000000000e+00, v23  }
0xfb: {  	v29 =	vld [tilespmem:$0xC810];
	[tilespmem:$0x4720] =	vst v4;
	v4 =	vmul.f32 $8.000000000e+00, v24  }
0xfc: {  	v30 =	vld [tilespmem:$0xC820];
	[tilespmem:$0x4730] =	vst v5;
	v5 =	vmul.f32 $8.000000000e+00, v25  }
0xfd: {  	v31 =	vld [tilespmem:$0xC830];
	[tilespmem:$0x4780] =	vst v4;
	v4 =	vmul.f32 $8.000000000e+00, v26  }
0xfe: {  	v32 =	vld [tilespmem:$0xC880];
	[tilespmem:$0x4790] =	vst v5;
	v5 =	vmul.f32 $8.000000000e+00, v27  }
0xff: {  	v33 =	vld [tilespmem:$0xC890];
	[tilespmem:$0x47A0] =	vst v4;
	v4 =	vmul.f32 $8.000000000e+00, v28  }
0x100: {  	v34 =	vld [tilespmem:$0xC8A0];
	[tilespmem:$0x47B0] =	vst v5;
	v5 =	vmul.f32 $8.000000000e+00, v29  }
0x101: {  	v35 =	vld [tilespmem:$0xC8B0];
	[tilespmem:$0x4800] =	vst v4;
	v4 =	vmul.f32 $8.000000000e+00, v30  }
0x102: {  	v36 =	vld [tilespmem:$0xC900];
	[tilespmem:$0x4810] =	vst v5;
	v5 =	vmul.f32 $8.000000000e+00, v31  }
0x103: {  	v37 =	vld [tilespmem:$0xC910];
	[tilespmem:$0x4820] =	vst v4;
	v4 =	vmul.f32 $8.000000000e+00, v32  }
0x104: {  	v38 =	vld [tilespmem:$0xC920];
	[tilespmem:$0x4830] =	vst v5;
	v5 =	vmul.f32 $8.000000000e+00, v33  }
0x105: {  	v39 =	vld [tilespmem:$0xC930];
	[tilespmem:$0x4880] =	vst v4;
	v4 =	vmul.f32 $8.000000000e+00, v34  }
0x106: {  	v40 =	vld [tilespmem:$0xC980];
	[tilespmem:$0x4890] =	vst v5;
	v5 =	vmul.f32 $8.000000000e+00, v35  }
0x107: {  	v41 =	vld [tilespmem:$0xC990];
	[tilespmem:$0x48A0] =	vst v4;
	v4 =	vmul.f32 $8.000000000e+00, v36  }
0x108: {  	v42 =	vld [tilespmem:$0xC9A0];
	[tilespmem:$0x48B0] =	vst v5;
	v5 =	vmul.f32 $8.000000000e+00, v37  }
0x109: {  	v43 =	vld [tilespmem:$0xC9B0];
	[tilespmem:$0x4900] =	vst v4;
	v4 =	vmul.f32 $8.000000000e+00, v38  }
0x10a: {  	v44 =	vld [tilespmem:$0xCA00];
	[tilespmem:$0x4910] =	vst v5;
	v5 =	vmul.f32 $8.000000000e+00, v39  }
0x10b: {  	v45 =	vld [tilespmem:$0xCA10];
	[tilespmem:$0x4920] =	vst v4;
	v4 =	vmul.f32 $8.000000000e+00, v40  }
0x10c: {  	v46 =	vld [tilespmem:$0xCA20];
	[tilespmem:$0x4930] =	vst v5;
	v5 =	vmul.f32 $8.000000000e+00, v41  }
0x10d: {  	v47 =	vld [tilespmem:$0xCA30];
	[tilespmem:$0x4980] =	vst v4;
	v4 =	vmul.f32 $8.000000000e+00, v42  }
0x10e: {  	v48 =	vld [tilespmem:$0xCA80];
	[tilespmem:$0x4990] =	vst v5;
	v5 =	vmul.f32 $8.000000000e+00, v43  }
0x10f: {  	v49 =	vld [tilespmem:$0xCA90];
	[tilespmem:$0x49A0] =	vst v4;
	v4 =	vmul.f32 $8.000000000e+00, v44  }
0x110: {  	v50 =	vld [tilespmem:$0xCAA0];
	[tilespmem:$0x49B0] =	vst v5;
	v5 =	vmul.f32 $8.000000000e+00, v45  }
0x111: {  	v51 =	vld [tilespmem:$0xCAB0];
	[tilespmem:$0x4A00] =	vst v4;
	v4 =	vmul.f32 $8.000000000e+00, v46  }
0x112: {  	v52 =	vld [tilespmem:$0xCB00];
	[tilespmem:$0x4A10] =	vst v5;
	v5 =	vmul.f32 $8.000000000e+00, v47  }
0x113: {  	v53 =	vld [tilespmem:$0xCB10];
	[tilespmem:$0x4A20] =	vst v4;
	v4 =	vmul.f32 $8.000000000e+00, v48  }
0x114: {  	v54 =	vld [tilespmem:$0xCB20];
	[tilespmem:$0x4A30] =	vst v5;
	v5 =	vmul.f32 $8.000000000e+00, v49  }
0x115: {  	v55 =	vld [tilespmem:$0xCB30];
	[tilespmem:$0x4A80] =	vst v4;
	v4 =	vmul.f32 $8.000000000e+00, v50  }
0x116: {  	v56 =	vld [tilespmem:$0xCB80];
	[tilespmem:$0x4A90] =	vst v5;
	v5 =	vmul.f32 $8.000000000e+00, v51  }
0x117: {  	v57 =	vld [tilespmem:$0xCB90];
	[tilespmem:$0x4AA0] =	vst v4;
	v4 =	vmul.f32 $8.000000000e+00, v52  }
0x118: {  	v58 =	vld [tilespmem:$0xCBA0];
	[tilespmem:$0x4AB0] =	vst v5;
	v5 =	vmul.f32 $8.000000000e+00, v53  }
0x119: {  	v59 =	vld [tilespmem:$0xCBB0];
	[tilespmem:$0x4B00] =	vst v4;
	v4 =	vmul.f32 $8.000000000e+00, v54  }
0x11a: {  	v60 =	vld [tilespmem:$0xCC00];
	[tilespmem:$0x4B10] =	vst v5;
	v5 =	vmul.f32 $8.000000000e+00, v55  }
0x11b: {  	v61 =	vld [tilespmem:$0xCC10];
	[tilespmem:$0x4B20] =	vst v4;
	v4 =	vmul.f32 $8.000000000e+00, v56  }
0x11c: {  	v62 =	vld [tilespmem:$0xCC20];
	[tilespmem:$0x4B30] =	vst v5;
	v5 =	vmul.f32 $8.000000000e+00, v57  }
0x11d: {  	v63 =	vld [tilespmem:$0xCC30];
	[tilespmem:$0x4B80] =	vst v4;
	v4 =	vmul.f32 $8.000000000e+00, v58  }
0x11e: {  	v12 =	vld [tilespmem:$0xCC80];
	[tilespmem:$0x4B90] =	vst v5;
	v5 =	vmul.f32 $8.000000000e+00, v59  }
0x11f: {  	v13 =	vld [tilespmem:$0xCC90];
	[tilespmem:$0x4BA0] =	vst v4;
	v4 =	vmul.f32 $8.000000000e+00, v60  }
0x120: {  	v14 =	vld [tilespmem:$0xCCA0];
	[tilespmem:$0x4BB0] =	vst v5;
	v5 =	vmul.f32 $8.000000000e+00, v61  }
0x121: {  	v15 =	vld [tilespmem:$0xCCB0];
	[tilespmem:$0x4C00] =	vst v4;
	v4 =	vmul.f32 $8.000000000e+00, v62  }
0x122: {  	v16 =	vld [tilespmem:$0xCD00];
	[tilespmem:$0x4C10] =	vst v5;
	v5 =	vmul.f32 $8.000000000e+00, v63  }
0x123: {  	v17 =	vld [tilespmem:$0xCD10];
	[tilespmem:$0x4C20] =	vst v4;
	v4 =	vmul.f32 $8.000000000e+00, v12  }
0x124: {  	v18 =	vld [tilespmem:$0xCD20];
	[tilespmem:$0x4C30] =	vst v5;
	v5 =	vmul.f32 $8.000000000e+00, v13  }
0x125: {  	v19 =	vld [tilespmem:$0xCD30];
	[tilespmem:$0x4C80] =	vst v4;
	v4 =	vmul.f32 $8.000000000e+00, v14  }
0x126: {  	v20 =	vld [tilespmem:$0xCD80];
	[tilespmem:$0x4C90] =	vst v5;
	v5 =	vmul.f32 $8.000000000e+00, v15  }
0x127: {  	v21 =	vld [tilespmem:$0xCD90];
	[tilespmem:$0x4CA0] =	vst v4;
	v4 =	vmul.f32 $8.000000000e+00, v16  }
0x128: {  	v22 =	vld [tilespmem:$0xCDA0];
	[tilespmem:$0x4CB0] =	vst v5;
	v5 =	vmul.f32 $8.000000000e+00, v17  }
0x129: {  	v23 =	vld [tilespmem:$0xCDB0];
	[tilespmem:$0x4D00] =	vst v4;
	v4 =	vmul.f32 $8.000000000e+00, v18  }
0x12a: {  	v24 =	vld [tilespmem:$0xCE00];
	[tilespmem:$0x4D10] =	vst v5;
	v5 =	vmul.f32 $8.000000000e+00, v19  }
0x12b: {  	v25 =	vld [tilespmem:$0xCE10];
	[tilespmem:$0x4D20] =	vst v4;
	v4 =	vmul.f32 $8.000000000e+00, v20  }
0x12c: {  	v26 =	vld [tilespmem:$0xCE20];
	[tilespmem:$0x4D30] =	vst v5;
	v5 =	vmul.f32 $8.000000000e+00, v21  }
0x12d: {  	v27 =	vld [tilespmem:$0xCE30];
	[tilespmem:$0x4D80] =	vst v4;
	v4 =	vmul.f32 $8.000000000e+00, v22  }
0x12e: {  	v28 =	vld [tilespmem:$0xCE80];
	[tilespmem:$0x4D90] =	vst v5;
	v5 =	vmul.f32 $8.000000000e+00, v23  }
0x12f: {  	v29 =	vld [tilespmem:$0xCE90];
	[tilespmem:$0x4DA0] =	vst v4;
	v4 =	vmul.f32 $8.000000000e+00, v24  }
0x130: {  	v30 =	vld [tilespmem:$0xCEA0];
	[tilespmem:$0x4DB0] =	vst v5;
	v5 =	vmul.f32 $8.000000000e+00, v25  }
0x131: {  	v31 =	vld [tilespmem:$0xCEB0];
	[tilespmem:$0x4E00] =	vst v4;
	v4 =	vmul.f32 $8.000000000e+00, v26  }
0x132: {  	v32 =	vld [tilespmem:$0xCF00];
	[tilespmem:$0x4E10] =	vst v5;
	v5 =	vmul.f32 $8.000000000e+00, v27  }
0x133: {  	v33 =	vld [tilespmem:$0xCF10];
	[tilespmem:$0x4E20] =	vst v4;
	v4 =	vmul.f32 $8.000000000e+00, v28  }
0x134: {  	v34 =	vld [tilespmem:$0xCF20];
	[tilespmem:$0x4E30] =	vst v5;
	v5 =	vmul.f32 $8.000000000e+00, v29  }
0x135: {  	v35 =	vld [tilespmem:$0xCF30];
	[tilespmem:$0x4E80] =	vst v4;
	v4 =	vmul.f32 $8.000000000e+00, v30  }
0x136: {  	v36 =	vld [tilespmem:$0xCF80];
	[tilespmem:$0x4E90] =	vst v5;
	v5 =	vmul.f32 $8.000000000e+00, v31  }
0x137: {  	v37 =	vld [tilespmem:$0xCF90];
	[tilespmem:$0x4EA0] =	vst v4;
	v4 =	vmul.f32 $8.000000000e+00, v32  }
0x138: {  	v38 =	vld [tilespmem:$0xCFA0];
	[tilespmem:$0x4EB0] =	vst v5;
	v5 =	vmul.f32 $8.000000000e+00, v33  }
0x139: {  	v39 =	vld [tilespmem:$0xCFB0];
	[tilespmem:$0x4F00] =	vst v4;
	v4 =	vmul.f32 $8.000000000e+00, v34  }
0x13a: {  	v40 =	vld [tilespmem:$0xD000];
	[tilespmem:$0x4F10] =	vst v5;
	v5 =	vmul.f32 $8.000000000e+00, v35  }
0x13b: {  	v41 =	vld [tilespmem:$0xD010];
	[tilespmem:$0x4F20] =	vst v4;
	v4 =	vmul.f32 $8.000000000e+00, v36  }
0x13c: {  	v42 =	vld [tilespmem:$0xD020];
	[tilespmem:$0x4F30] =	vst v5;
	v5 =	vmul.f32 $8.000000000e+00, v37  }
0x13d: {  	v43 =	vld [tilespmem:$0xD030];
	[tilespmem:$0x4F80] =	vst v4;
	v4 =	vmul.f32 $8.000000000e+00, v38  }
0x13e: {  	v44 =	vld [tilespmem:$0xD080];
	[tilespmem:$0x4F90] =	vst v5;
	v5 =	vmul.f32 $8.000000000e+00, v39  }
0x13f: {  	v45 =	vld [tilespmem:$0xD090];
	[tilespmem:$0x4FA0] =	vst v4;
	v4 =	vmul.f32 $8.000000000e+00, v40  }
0x140: {  	v46 =	vld [tilespmem:$0xD0A0];
	[tilespmem:$0x4FB0] =	vst v5;
	v5 =	vmul.f32 $8.000000000e+00, v41  }
0x141: {  	v47 =	vld [tilespmem:$0xD0B0];
	[tilespmem:$0x5000] =	vst v4;
	v4 =	vmul.f32 $8.000000000e+00, v42  }
0x142: {  	v48 =	vld [tilespmem:$0xD100];
	[tilespmem:$0x5010] =	vst v5;
	v5 =	vmul.f32 $8.000000000e+00, v43  }
0x143: {  	v49 =	vld [tilespmem:$0xD110];
	[tilespmem:$0x5020] =	vst v4;
	v4 =	vmul.f32 $8.000000000e+00, v44  }
0x144: {  	v50 =	vld [tilespmem:$0xD120];
	[tilespmem:$0x5030] =	vst v5;
	v5 =	vmul.f32 $8.000000000e+00, v45  }
0x145: {  	v51 =	vld [tilespmem:$0xD130];
	[tilespmem:$0x5080] =	vst v4;
	v4 =	vmul.f32 $8.000000000e+00, v46  }
0x146: {  	v52 =	vld [tilespmem:$0xD180];
	[tilespmem:$0x5090] =	vst v5;
	v5 =	vmul.f32 $8.000000000e+00, v47  }
0x147: {  	v53 =	vld [tilespmem:$0xD190];
	[tilespmem:$0x50A0] =	vst v4;
	v4 =	vmul.f32 $8.000000000e+00, v48  }
0x148: {  	v54 =	vld [tilespmem:$0xD1A0];
	[tilespmem:$0x50B0] =	vst v5;
	v5 =	vmul.f32 $8.000000000e+00, v49  }
0x149: {  	v55 =	vld [tilespmem:$0xD1B0];
	[tilespmem:$0x5100] =	vst v4;
	v4 =	vmul.f32 $8.000000000e+00, v50  }
0x14a: {  	v56 =	vld [tilespmem:$0xD200];
	[tilespmem:$0x5110] =	vst v5;
	v5 =	vmul.f32 $8.000000000e+00, v51  }
0x14b: {  	v57 =	vld [tilespmem:$0xD210];
	[tilespmem:$0x5120] =	vst v4;
	v4 =	vmul.f32 $8.000000000e+00, v52  }
0x14c: {  	v58 =	vld [tilespmem:$0xD220];
	[tilespmem:$0x5130] =	vst v5;
	v5 =	vmul.f32 $8.000000000e+00, v53  }
0x14d: {  	v59 =	vld [tilespmem:$0xD230];
	[tilespmem:$0x5180] =	vst v4;
	v4 =	vmul.f32 $8.000000000e+00, v54  }
0x14e: {  	v60 =	vld [tilespmem:$0xD280];
	[tilespmem:$0x5190] =	vst v5;
	v5 =	vmul.f32 $8.000000000e+00, v55  }
0x14f: {  	v61 =	vld [tilespmem:$0xD290];
	[tilespmem:$0x51A0] =	vst v4;
	v4 =	vmul.f32 $8.000000000e+00, v56  }
0x150: {  	v62 =	vld [tilespmem:$0xD2A0];
	[tilespmem:$0x51B0] =	vst v5;
	v5 =	vmul.f32 $8.000000000e+00, v57  }
0x151: {  	v63 =	vld [tilespmem:$0xD2B0];
	[tilespmem:$0x5200] =	vst v4;
	v4 =	vmul.f32 $8.000000000e+00, v58  }
0x152: {  	v12 =	vld [tilespmem:$0xD300];
	[tilespmem:$0x5210] =	vst v5;
	v5 =	vmul.f32 $8.000000000e+00, v59  }
0x153: {  	v13 =	vld [tilespmem:$0xD310];
	[tilespmem:$0x5220] =	vst v4;
	v4 =	vmul.f32 $8.000000000e+00, v60  }
0x154: {  	v14 =	vld [tilespmem:$0xD320];
	[tilespmem:$0x5230] =	vst v5;
	v5 =	vmul.f32 $8.000000000e+00, v61  }
0x155: {  	v15 =	vld [tilespmem:$0xD330];
	[tilespmem:$0x5280] =	vst v4;
	v4 =	vmul.f32 $8.000000000e+00, v62  }
0x156: {  	v16 =	vld [tilespmem:$0xD380];
	[tilespmem:$0x5290] =	vst v5;
	v5 =	vmul.f32 $8.000000000e+00, v63  }
0x157: {  	v17 =	vld [tilespmem:$0xD390];
	[tilespmem:$0x52A0] =	vst v4;
	v4 =	vmul.f32 $8.000000000e+00, v12  }
0x158: {  	v18 =	vld [tilespmem:$0xD3A0];
	[tilespmem:$0x52B0] =	vst v5;
	v5 =	vmul.f32 $8.000000000e+00, v13  }
0x159: {  	v19 =	vld [tilespmem:$0xD3B0];
	[tilespmem:$0x5300] =	vst v4;
	v4 =	vmul.f32 $8.000000000e+00, v14  }
0x15a: {  	v20 =	vld [tilespmem:$0xD400];
	[tilespmem:$0x5310] =	vst v5;
	v5 =	vmul.f32 $8.000000000e+00, v15  }
0x15b: {  	v21 =	vld [tilespmem:$0xD410];
	[tilespmem:$0x5320] =	vst v4;
	v4 =	vmul.f32 $8.000000000e+00, v16  }
0x15c: {  	v22 =	vld [tilespmem:$0xD420];
	[tilespmem:$0x5330] =	vst v5;
	v5 =	vmul.f32 $8.000000000e+00, v17  }
0x15d: {  	v23 =	vld [tilespmem:$0xD430];
	[tilespmem:$0x5380] =	vst v4;
	v4 =	vmul.f32 $8.000000000e+00, v18  }
0x15e: {  	v24 =	vld [tilespmem:$0xD480];
	[tilespmem:$0x5390] =	vst v5;
	v5 =	vmul.f32 $8.000000000e+00, v19  }
0x15f: {  	v25 =	vld [tilespmem:$0xD490];
	[tilespmem:$0x53A0] =	vst v4;
	v4 =	vmul.f32 $8.000000000e+00, v20  }
0x160: {  	v26 =	vld [tilespmem:$0xD4A0];
	[tilespmem:$0x53B0] =	vst v5;
	v5 =	vmul.f32 $8.000000000e+00, v21  }
0x161: {  	v27 =	vld [tilespmem:$0xD4B0];
	[tilespmem:$0x5400] =	vst v4;
	v4 =	vmul.f32 $8.000000000e+00, v22  }
0x162: {  	v28 =	vld [tilespmem:$0xD500];
	[tilespmem:$0x5410] =	vst v5;
	v5 =	vmul.f32 $8.000000000e+00, v23  }
0x163: {  	v29 =	vld [tilespmem:$0xD510];
	[tilespmem:$0x5420] =	vst v4;
	v4 =	vmul.f32 $8.000000000e+00, v24  }
0x164: {  	v30 =	vld [tilespmem:$0xD520];
	[tilespmem:$0x5430] =	vst v5;
	v5 =	vmul.f32 $8.000000000e+00, v25  }
0x165: {  	v31 =	vld [tilespmem:$0xD530];
	[tilespmem:$0x5480] =	vst v4;
	v4 =	vmul.f32 $8.000000000e+00, v26  }
0x166: {  	v32 =	vld [tilespmem:$0xD580];
	[tilespmem:$0x5490] =	vst v5;
	v5 =	vmul.f32 $8.000000000e+00, v27  }
0x167: {  	v33 =	vld [tilespmem:$0xD590];
	[tilespmem:$0x54A0] =	vst v4;
	v4 =	vmul.f32 $8.000000000e+00, v28  }
0x168: {  	v34 =	vld [tilespmem:$0xD5A0];
	[tilespmem:$0x54B0] =	vst v5;
	v5 =	vmul.f32 $8.000000000e+00, v29  }
0x169: {  	v35 =	vld [tilespmem:$0xD5B0];
	[tilespmem:$0x5500] =	vst v4;
	v4 =	vmul.f32 $8.000000000e+00, v30  }
0x16a: {  	v36 =	vld [tilespmem:$0xD600];
	[tilespmem:$0x5510] =	vst v5;
	v5 =	vmul.f32 $8.000000000e+00, v31  }
0x16b: {  	v37 =	vld [tilespmem:$0xD610];
	[tilespmem:$0x5520] =	vst v4;
	v4 =	vmul.f32 $8.000000000e+00, v32  }
0x16c: {  	v38 =	vld [tilespmem:$0xD620];
	[tilespmem:$0x5530] =	vst v5;
	v5 =	vmul.f32 $8.000000000e+00, v33  }
0x16d: {  	v39 =	vld [tilespmem:$0xD630];
	[tilespmem:$0x5580] =	vst v4;
	v4 =	vmul.f32 $8.000000000e+00, v34  }
0x16e: {  	v40 =	vld [tilespmem:$0xD680];
	[tilespmem:$0x5590] =	vst v5;
	v5 =	vmul.f32 $8.000000000e+00, v35  }
0x16f: {  	v41 =	vld [tilespmem:$0xD690];
	[tilespmem:$0x55A0] =	vst v4;
	v4 =	vmul.f32 $8.000000000e+00, v36  }
0x170: {  	v42 =	vld [tilespmem:$0xD6A0];
	[tilespmem:$0x55B0] =	vst v5;
	v5 =	vmul.f32 $8.000000000e+00, v37  }
0x171: {  	v43 =	vld [tilespmem:$0xD6B0];
	[tilespmem:$0x5600] =	vst v4;
	v4 =	vmul.f32 $8.000000000e+00, v38  }
0x172: {  	v44 =	vld [tilespmem:$0xD700];
	[tilespmem:$0x5610] =	vst v5;
	v5 =	vmul.f32 $8.000000000e+00, v39  }
0x173: {  	v45 =	vld [tilespmem:$0xD710];
	[tilespmem:$0x5620] =	vst v4;
	v4 =	vmul.f32 $8.000000000e+00, v40  }
0x174: {  	v46 =	vld [tilespmem:$0xD720];
	[tilespmem:$0x5630] =	vst v5;
	v5 =	vmul.f32 $8.000000000e+00, v41  }
0x175: {  	v47 =	vld [tilespmem:$0xD730];
	[tilespmem:$0x5680] =	vst v4;
	v4 =	vmul.f32 $8.000000000e+00, v42  }
0x176: {  	v48 =	vld [tilespmem:$0xD780];
	[tilespmem:$0x5690] =	vst v5;
	v5 =	vmul.f32 $8.000000000e+00, v43  }
0x177: {  	v49 =	vld [tilespmem:$0xD790];
	[tilespmem:$0x56A0] =	vst v4;
	v4 =	vmul.f32 $8.000000000e+00, v44  }
0x178: {  	v50 =	vld [tilespmem:$0xD7A0];
	[tilespmem:$0x56B0] =	vst v5;
	v5 =	vmul.f32 $8.000000000e+00, v45  }
0x179: {  	v51 =	vld [tilespmem:$0xD7B0];
	[tilespmem:$0x5700] =	vst v4;
	v4 =	vmul.f32 $8.000000000e+00, v46  }
0x17a: {  	v52 =	vld [tilespmem:$0xD800];
	[tilespmem:$0x5710] =	vst v5;
	v5 =	vmul.f32 $8.000000000e+00, v47  }
0x17b: {  	v53 =	vld [tilespmem:$0xD810];
	[tilespmem:$0x5720] =	vst v4;
	v4 =	vmul.f32 $8.000000000e+00, v48  }
0x17c: {  	v54 =	vld [tilespmem:$0xD820];
	[tilespmem:$0x5730] =	vst v5;
	v5 =	vmul.f32 $8.000000000e+00, v49  }
0x17d: {  	v55 =	vld [tilespmem:$0xD830];
	[tilespmem:$0x5780] =	vst v4;
	v4 =	vmul.f32 $8.000000000e+00, v50  }
0x17e: {  	v56 =	vld [tilespmem:$0xD880];
	[tilespmem:$0x5790] =	vst v5;
	v5 =	vmul.f32 $8.000000000e+00, v51  }
0x17f: {  	v57 =	vld [tilespmem:$0xD890];
	[tilespmem:$0x57A0] =	vst v4;
	v4 =	vmul.f32 $8.000000000e+00, v52  }
0x180: {  	v58 =	vld [tilespmem:$0xD8A0];
	[tilespmem:$0x57B0] =	vst v5;
	v5 =	vmul.f32 $8.000000000e+00, v53  }
0x181: {  	v59 =	vld [tilespmem:$0xD8B0];
	[tilespmem:$0x5800] =	vst v4;
	v4 =	vmul.f32 $8.000000000e+00, v54  }
0x182: {  	v60 =	vld [tilespmem:$0xD900];
	[tilespmem:$0x5810] =	vst v5;
	v5 =	vmul.f32 $8.000000000e+00, v55  }
0x183: {  	v61 =	vld [tilespmem:$0xD910];
	[tilespmem:$0x5820] =	vst v4;
	v4 =	vmul.f32 $8.000000000e+00, v56  }
0x184: {  	v62 =	vld [tilespmem:$0xD920];
	[tilespmem:$0x5830] =	vst v5;
	v5 =	vmul.f32 $8.000000000e+00, v57  }
0x185: {  	v63 =	vld [tilespmem:$0xD930];
	[tilespmem:$0x5880] =	vst v4;
	v4 =	vmul.f32 $8.000000000e+00, v58  }
0x186: {  	v12 =	vld [tilespmem:$0xD980];
	[tilespmem:$0x5890] =	vst v5;
	v5 =	vmul.f32 $8.000000000e+00, v59  }
0x187: {  	v13 =	vld [tilespmem:$0xD990];
	[tilespmem:$0x58A0] =	vst v4;
	v4 =	vmul.f32 $8.000000000e+00, v60  }
0x188: {  	v14 =	vld [tilespmem:$0xD9A0];
	[tilespmem:$0x58B0] =	vst v5;
	v5 =	vmul.f32 $8.000000000e+00, v61  }
0x189: {  	v15 =	vld [tilespmem:$0xD9B0];
	[tilespmem:$0x5900] =	vst v4;
	v4 =	vmul.f32 $8.000000000e+00, v62  }
0x18a: {  	v16 =	vld [tilespmem:$0xDA00];
	[tilespmem:$0x5910] =	vst v5;
	v5 =	vmul.f32 $8.000000000e+00, v63  }
0x18b: {  	v17 =	vld [tilespmem:$0xDA10];
	[tilespmem:$0x5920] =	vst v4;
	v4 =	vmul.f32 $8.000000000e+00, v12  }
0x18c: {  	v18 =	vld [tilespmem:$0xDA20];
	[tilespmem:$0x5930] =	vst v5;
	v5 =	vmul.f32 $8.000000000e+00, v13  }
0x18d: {  	v19 =	vld [tilespmem:$0xDA30];
	[tilespmem:$0x5980] =	vst v4;
	v4 =	vmul.f32 $8.000000000e+00, v14  }
0x18e: {  	v20 =	vld [tilespmem:$0xDA80];
	[tilespmem:$0x5990] =	vst v5;
	v5 =	vmul.f32 $8.000000000e+00, v15  }
0x18f: {  	v21 =	vld [tilespmem:$0xDA90];
	[tilespmem:$0x59A0] =	vst v4;
	v4 =	vmul.f32 $8.000000000e+00, v16  }
0x190: {  	v22 =	vld [tilespmem:$0xDAA0];
	[tilespmem:$0x59B0] =	vst v5;
	v5 =	vmul.f32 $8.000000000e+00, v17  }
0x191: {  	v23 =	vld [tilespmem:$0xDAB0];
	[tilespmem:$0x5A00] =	vst v4;
	v4 =	vmul.f32 $8.000000000e+00, v18  }
0x192: {  	v24 =	vld [tilespmem:$0xDB00];
	[tilespmem:$0x5A10] =	vst v5;
	v5 =	vmul.f32 $8.000000000e+00, v19  }
0x193: {  	v25 =	vld [tilespmem:$0xDB10];
	[tilespmem:$0x5A20] =	vst v4;
	v4 =	vmul.f32 $8.000000000e+00, v20  }
0x194: {  	v26 =	vld [tilespmem:$0xDB20];
	[tilespmem:$0x5A30] =	vst v5;
	v5 =	vmul.f32 $8.000000000e+00, v21  }
0x195: {  	v27 =	vld [tilespmem:$0xDB30];
	[tilespmem:$0x5A80] =	vst v4;
	v4 =	vmul.f32 $8.000000000e+00, v22  }
0x196: {  	v28 =	vld [tilespmem:$0xDB80];
	[tilespmem:$0x5A90] =	vst v5;
	v5 =	vmul.f32 $8.000000000e+00, v23  }
0x197: {  	v29 =	vld [tilespmem:$0xDB90];
	[tilespmem:$0x5AA0] =	vst v4;
	v4 =	vmul.f32 $8.000000000e+00, v24  }
0x198: {  	v30 =	vld [tilespmem:$0xDBA0];
	[tilespmem:$0x5AB0] =	vst v5;
	v5 =	vmul.f32 $8.000000000e+00, v25  }
0x199: {  	v31 =	vld [tilespmem:$0xDBB0];
	[tilespmem:$0x5B00] =	vst v4;
	v4 =	vmul.f32 $8.000000000e+00, v26  }
0x19a: {  	v32 =	vld [tilespmem:$0xDC00];
	[tilespmem:$0x5B10] =	vst v5;
	v5 =	vmul.f32 $8.000000000e+00, v27  }
0x19b: {  	v33 =	vld [tilespmem:$0xDC10];
	[tilespmem:$0x5B20] =	vst v4;
	v4 =	vmul.f32 $8.000000000e+00, v28  }
0x19c: {  	v34 =	vld [tilespmem:$0xDC20];
	[tilespmem:$0x5B30] =	vst v5;
	v5 =	vmul.f32 $8.000000000e+00, v29  }
0x19d: {  	v35 =	vld [tilespmem:$0xDC30];
	[tilespmem:$0x5B80] =	vst v4;
	v4 =	vmul.f32 $8.000000000e+00, v30  }
0x19e: {  	v36 =	vld [tilespmem:$0xDC80];
	[tilespmem:$0x5B90] =	vst v5;
	v5 =	vmul.f32 $8.000000000e+00, v31  }
0x19f: {  	v37 =	vld [tilespmem:$0xDC90];
	[tilespmem:$0x5BA0] =	vst v4;
	v4 =	vmul.f32 $8.000000000e+00, v32  }
0x1a0: {  	v38 =	vld [tilespmem:$0xDCA0];
	[tilespmem:$0x5BB0] =	vst v5;
	v5 =	vmul.f32 $8.000000000e+00, v33  }
0x1a1: {  	v39 =	vld [tilespmem:$0xDCB0];
	[tilespmem:$0x5C00] =	vst v4;
	v4 =	vmul.f32 $8.000000000e+00, v34  }
0x1a2: {  	v40 =	vld [tilespmem:$0xDD00];
	[tilespmem:$0x5C10] =	vst v5;
	v5 =	vmul.f32 $8.000000000e+00, v35  }
0x1a3: {  	v41 =	vld [tilespmem:$0xDD10];
	[tilespmem:$0x5C20] =	vst v4;
	v4 =	vmul.f32 $8.000000000e+00, v36  }
0x1a4: {  	v42 =	vld [tilespmem:$0xDD20];
	[tilespmem:$0x5C30] =	vst v5;
	v5 =	vmul.f32 $8.000000000e+00, v37  }
0x1a5: {  	v43 =	vld [tilespmem:$0xDD30];
	[tilespmem:$0x5C80] =	vst v4;
	v4 =	vmul.f32 $8.000000000e+00, v38  }
0x1a6: {  	v44 =	vld [tilespmem:$0xDD80];
	[tilespmem:$0x5C90] =	vst v5;
	v5 =	vmul.f32 $8.000000000e+00, v39  }
0x1a7: {  	v45 =	vld [tilespmem:$0xDD90];
	[tilespmem:$0x5CA0] =	vst v4;
	v4 =	vmul.f32 $8.000000000e+00, v40  }
0x1a8: {  	v46 =	vld [tilespmem:$0xDDA0];
	[tilespmem:$0x5CB0] =	vst v5;
	v5 =	vmul.f32 $8.000000000e+00, v41  }
0x1a9: {  	v47 =	vld [tilespmem:$0xDDB0];
	[tilespmem:$0x5D00] =	vst v4;
	v4 =	vmul.f32 $8.000000000e+00, v42  }
0x1aa: {  	v48 =	vld [tilespmem:$0xDE00];
	[tilespmem:$0x5D10] =	vst v5;
	v5 =	vmul.f32 $8.000000000e+00, v43  }
0x1ab: {  	v49 =	vld [tilespmem:$0xDE10];
	[tilespmem:$0x5D20] =	vst v4;
	v4 =	vmul.f32 $8.000000000e+00, v44  }
0x1ac: {  	v50 =	vld [tilespmem:$0xDE20];
	[tilespmem:$0x5D30] =	vst v5;
	v5 =	vmul.f32 $8.000000000e+00, v45  }
0x1ad: {  	v51 =	vld [tilespmem:$0xDE30];
	[tilespmem:$0x5D80] =	vst v4;
	v4 =	vmul.f32 $8.000000000e+00, v46  }
0x1ae: {  	v52 =	vld [tilespmem:$0xDE80];
	[tilespmem:$0x5D90] =	vst v5;
	v5 =	vmul.f32 $8.000000000e+00, v47  }
0x1af: {  	v53 =	vld [tilespmem:$0xDE90];
	[tilespmem:$0x5DA0] =	vst v4;
	v4 =	vmul.f32 $8.000000000e+00, v48  }
0x1b0: {  	v54 =	vld [tilespmem:$0xDEA0];
	[tilespmem:$0x5DB0] =	vst v5;
	v5 =	vmul.f32 $8.000000000e+00, v49  }
0x1b1: {  	v55 =	vld [tilespmem:$0xDEB0];
	[tilespmem:$0x5E00] =	vst v4;
	v4 =	vmul.f32 $8.000000000e+00, v50  }
0x1b2: {  	v56 =	vld [tilespmem:$0xDF00];
	[tilespmem:$0x5E10] =	vst v5;
	v5 =	vmul.f32 $8.000000000e+00, v51  }
0x1b3: {  	v57 =	vld [tilespmem:$0xDF10];
	[tilespmem:$0x5E20] =	vst v4;
	v4 =	vmul.f32 $8.000000000e+00, v52  }
0x1b4: {  	v58 =	vld [tilespmem:$0xDF20];
	[tilespmem:$0x5E30] =	vst v5;
	v5 =	vmul.f32 $8.000000000e+00, v53  }
0x1b5: {  	v59 =	vld [tilespmem:$0xDF30];
	[tilespmem:$0x5E80] =	vst v4;
	v4 =	vmul.f32 $8.000000000e+00, v54  }
0x1b6: {  	v60 =	vld [tilespmem:$0xDF80];
	[tilespmem:$0x5E90] =	vst v5;
	v5 =	vmul.f32 $8.000000000e+00, v55  }
0x1b7: {  	v61 =	vld [tilespmem:$0xDF90];
	[tilespmem:$0x5EA0] =	vst v4;
	v4 =	vmul.f32 $8.000000000e+00, v56  }
0x1b8: {  	v62 =	vld [tilespmem:$0xDFA0];
	[tilespmem:$0x5EB0] =	vst v5;
	v5 =	vmul.f32 $8.000000000e+00, v57  }
0x1b9: {  	v63 =	vld [tilespmem:$0xDFB0];
	[tilespmem:$0x5F00] =	vst v4;
	v4 =	vmul.f32 $8.000000000e+00, v58  }
0x1ba: {  	[tilespmem:$0x5F10] =	vst v5;
	v5 =	vmul.f32 $8.000000000e+00, v59  }
0x1bb: {  	[tilespmem:$0x5F20] =	vst v4;
	v4 =	vmul.f32 $8.000000000e+00, v60  }
0x1bc: {  	[tilespmem:$0x5F30] =	vst v5;
	v5 =	vmul.f32 $8.000000000e+00, v61  }
0x1bd: {  	[tilespmem:$0x5F80] =	vst v4;
	v4 =	vmul.f32 $8.000000000e+00, v62  }
0x1be: {  	[tilespmem:$0x5F90] =	vst v5;
	v5 =	vmul.f32 $8.000000000e+00, v63  }
0x1bf: {  	[tilespmem:$0x5FA0] =	vst v4  }
.Ltmp10:
0x1c0: {  	[tilespmem:$0x5FB0] =	vst v5;
	(pc) =	sbr.rel .LBB2_12-.Ltmp10, $4  }
0x1c1: {  	[hbm4b:s9+s4] =	stream.linear.scatter [tilespmem:s14], [sflag:$0x5], $0x2000, $0x38;
	[tilespmem:$0xE000] =	vst v63  }
0x1c2: {  	_ =	swait.ge [sflag:s21], $0x2000  }
0x1c3: {  	[sflag:s21] =	ssyncset.done $0x0  }
0x1c4: {  	[sflag:s21] =	ssyncadd.s32 $0xFFFFE000  }
.LBB2_13:
0x1c5: {  	_ =	sfence.sel $0x180000  }
0x1c6: {  	[bflag:$0x0] =	sbarrier.arrive $0xFFFF  }
0x1c7: {  	p0 =	sne.s32 s3, $0x0;
	_ =	strace $0x90000047  }
0x1c8: {  	s0 =	sadd.s32 @!p0 $0x100000, s0;
	[bflag:$0x2] =	sbarrier.arrive $0xFFFF  }
0x1c9: {  	[sflag:s0] =	ssyncadd.tile.s32 @!p0 $0x1;
	_ =	shalt  }
.Lfunc_end2:
_tile_overlayer_lowered:
.L_overlay_start_2:
0x1ca: {  	(tag) =	ssettag $0x2  }
0x1cb: {  	s0 =	rddreg [dreg:$0x0];
	s2 =	stileid.u32  }
0x1cc: {  	s1 =	rddreg [dreg:$0x1];
	p0 =	sne.s32 s2, $0x0  }
0x1cd: {  	s3 =	rddreg [dreg:$0x2];
	[bflag:$0x3] =	sbarrier.arrive $0xFFFF;
	s2 =	simm.s32 @!p0 $0x1C05  }
0x1ce: {  	[timem:s3], [sflag:s2] =	dma.local @!p0 [hbm:s0], s1  }
0x1cf: {  	s0 =	simm.s32 @!p0 $0x5  }
0x1d0: {  	_ =	swait.ge @!p0 [sflag:s0], s1  }
0x1d1: {  	s1 =	ssub.s32 @!p0 $0x0, s1;
	[sflag:s0] =	ssyncset.done @!p0 $0x0  }
0x1d2: {  	[sflag:s0] =	ssyncadd.s32 @!p0 s1  }
0x1d3: {  	[bflag:$0x3] =	sbarrier.arrive $0xFFFF  }
0x1d4: {  	_ =	shalt  }

// kernel: kernel.7.cloned.1.call-start
scs
__scs_entry_jumppad:
0x0: {  	(pc) =	sbr.rel $0x88, $3  }
0x1: {  	(tag) =	ssettag $0x0;
	lr =	simm.s32 $0x1  }
0x2: {  	[smem:$0x3F9E] =	sst lr;
	_ =	strace $0xD0000000  }
0x3: {  	_ = 	snop  }
0x4: {  	_ = 	snop  }
0x5: {  	_ = 	snop  }
0x6: {  	_ = 	snop  }
0x7: {  	_ = 	snop  }
__scs_overlays_trampoline_lowered:
0x8: {  	[smem:$0x3FAD] =	sst s0  }
0x9: {  	[smem:$0x3FAE] =	sst s1  }
0xa: {  	[smem:$0x3FAF] =	sst s2  }
0xb: {  	[smem:$0x3FB0] =	sst s3  }
0xc: {  	[smem:$0x3FB1] =	sst s4  }
0xd: {  	[smem:$0x3FB2] =	sst s5  }
0xe: {  	[smem:$0x3FB3] =	sst s6  }
0xf: {  	[smem:$0x3FB4] =	sst s7  }
0x10: {  	[smem:$0x3FB5] =	sst s8  }
0x11: {  	[smem:$0x3FB6] =	sst s9;
	s0 =	simm.s32 @!p0 $0x0  }
0x12: {  	s1 =	sld [smem:$0x3F9C];
	s0 =	simm.s32 @p0 $0x1  }
0x13: {  	[smem:$0x3FB7] =	sst s0;
	s0 =	simm.s32 @!p1 $0x0  }
0x14: {  	s2 =	sld [smem:$0x3F9B];
	s0 =	simm.s32 @p1 $0x1  }
0x15: {  	[smem:$0x3FB8] =	sst s0;
	s0 =	simm.s32 @!p2 $0x0  }
0x16: {  	s3 =	sld [smem:$0x3FDB];
	s0 =	simm.s32 @p2 $0x1  }
0x17: {  	s4 =	simm.s32 $0x1BF5;
	[smem:$0x3FBA] =	sst s0  }
0x18: {  	s0 =	sld [smem:$0x3F9D];
	_ =	swait.ge [sflag:s4], $0x0  }
0x19: {  	s7 =	sld [smem:$0x3F9E]  }
0x1a: {  	s8 =	sadd.s32 $0xFFFFE003, lr  }
0x1b: {  	s9 =	sadd.s32 $0xFFFFFEF7, lr;
	s5 =	simm.s32 $0xFFFFFFFF;
	p2 =	slt.u32 s8, $0xFFFFF086  }
0x1c: {  	p1 =	slt.u32 s9, $0xF7A;
	s5 =	simm.s32 @!p2 $0x0  }
0x1d: {  	s5 =	simm.s32 @p1 $0x1;
	p0 =	seq.s32 s7, s2  }
0x1e: {  	s7 =	smul.u32 @!p0 $0xF7A, s2;
	p2 =	seq.s32 @!p0 s5, $0x0  }
0x1f: {  	s9 =	smul.u32 $0xF7A, s1;
	s8 =	simm.s32 @!p0 $0x1BF5;
	p2 =	por !p2, p0  }
0x20: {  	[sflag:s8] =	ssyncset.s32 @!p0 $0xFFFFF086;
	s6 =	sadd.s32 @!p0 s3, s7;
	s7 =	simm.s32 @!p0 $0x108  }
0x21: {  	s3 =	sadd.s32 s3, s9;
	s6 =	sadd.s32 @!p0 $0x88, s6;
	s7 =	simm.s32 @p2 $0x1082  }
0x22: {  	[simem:s7], [sflag:s8] =	dma.local @!p0 [hbm:s6], $0xF7A  }
0x23: {  	s9 =	sor.u32 $0xD0000000, s2;
	s6 =	simm.s32 $0x108;
	_ =	swait.ge @!p0 [sflag:s8], $0x0  }
0x24: {  	s3 =	sadd.s32 $0x88, s3;
	s6 =	simm.s32 @!p1 $0x1082;
	[sflag:s4] =	ssyncset.s32 $0xFFFFF086  }
0x25: {  	[simem:s6], [sflag:s4] =	dma.local [hbm:s3], $0xF7A  }
0x26: {  	[smem:$0x3F9E] =	sst s1;
	(tag) =	ssettag s2;
	_ =	strace s9  }
0x27: {  	s1 =	sld [smem:$0x3FAE]  }
0x28: {  	s2 =	sld [smem:$0x3FAF]  }
0x29: {  	s4 =	sld [smem:$0x3FB1]  }
0x2a: {  	p0 =	seq.s32 s5, $0x0;
	s5 =	sld [smem:$0x3FB2]  }
0x2b: {  	s6 =	sld [smem:$0x3FB3]  }
0x2c: {  	s7 =	sld [smem:$0x3FB4]  }
0x2d: {  	s3 =	simm.s32 $0x108;
	s8 =	sld [smem:$0x3FB5]  }
0x2e: {  	s3 =	simm.s32 @!p0 $0x1082;
	s9 =	sld [smem:$0x3FB6]  }
0x2f: {  	lr =	sadd.s32 s0, s3;
	s0 =	sld [smem:$0x3FAD]  }
0x30: {  	s3 =	sld [smem:$0x3FB0]  }
0x31: {  	[smem:$0x3FB9] =	sst s10  }
0x32: {  	s10 =	sld [smem:$0x3FB7];
	_ =	sdelay $0x3  }
0x33: {  	p0 =	seq.s32 s10, $0x1;
	s10 =	sld [smem:$0x3FB9];
	_ =	sdelay $0x3  }
0x34: {  	[smem:$0x3FB9] =	sst s10  }
0x35: {  	s10 =	sld [smem:$0x3FB8];
	_ =	sdelay $0x3  }
0x36: {  	p1 =	seq.s32 s10, $0x1;
	s10 =	sld [smem:$0x3FB9];
	_ =	sdelay $0x3  }
0x37: {  	[smem:$0x3FB9] =	sst s10  }
0x38: {  	s10 =	sld [smem:$0x3FBA]  }
0x39: {  	_ = 	snop;
	(pc) =	sbr.ind lr, $3  }
0x3a: {  	_ = 	snop  }
0x3b: {  	_ = 	snop  }
0x3c: {  	p2 =	seq.s32 s10, $0x1;
	s10 =	sld [smem:$0x3FB9]  }
0x3d: {  	_ =	shalt  }
0x3e: {  	_ =	shalt  }
0x3f: {  	_ =	shalt  }
0x40: {  	_ =	shalt  }
0x41: {  	_ =	shalt  }
0x42: {  	_ =	shalt  }
0x43: {  	_ =	shalt  }
0x44: {  	_ =	shalt  }
0x45: {  	_ =	shalt  }
0x46: {  	_ =	shalt  }
0x47: {  	_ =	shalt  }
0x48: {  	_ =	shalt  }
0x49: {  	_ =	shalt  }
0x4a: {  	_ =	shalt  }
0x4b: {  	_ =	shalt  }
0x4c: {  	_ =	shalt  }
0x4d: {  	_ =	shalt  }
0x4e: {  	_ =	shalt  }
0x4f: {  	_ =	shalt  }
0x50: {  	_ =	shalt  }
0x51: {  	_ =	shalt  }
0x52: {  	_ =	shalt  }
0x53: {  	_ =	shalt  }
0x54: {  	_ =	shalt  }
0x55: {  	_ =	shalt  }
0x56: {  	_ =	shalt  }
0x57: {  	_ =	shalt  }
0x58: {  	_ =	shalt  }
0x59: {  	_ =	shalt  }
0x5a: {  	_ =	shalt  }
0x5b: {  	_ =	shalt  }
0x5c: {  	_ =	shalt  }
0x5d: {  	_ =	shalt  }
0x5e: {  	_ =	shalt  }
0x5f: {  	_ =	shalt  }
0x60: {  	_ =	shalt  }
0x61: {  	_ =	shalt  }
0x62: {  	_ =	shalt  }
0x63: {  	_ =	shalt  }
0x64: {  	_ =	shalt  }
0x65: {  	_ =	shalt  }
0x66: {  	_ =	shalt  }
0x67: {  	_ =	shalt  }
0x68: {  	_ =	shalt  }
0x69: {  	_ =	shalt  }
0x6a: {  	_ =	shalt  }
0x6b: {  	_ =	shalt  }
0x6c: {  	_ =	shalt  }
0x6d: {  	_ =	shalt  }
0x6e: {  	_ =	shalt  }
0x6f: {  	_ =	shalt  }
0x70: {  	_ =	shalt  }
0x71: {  	_ =	shalt  }
0x72: {  	_ =	shalt  }
0x73: {  	_ =	shalt  }
0x74: {  	_ =	shalt  }
0x75: {  	_ =	shalt  }
0x76: {  	_ =	shalt  }
0x77: {  	_ =	shalt  }
0x78: {  	_ =	shalt  }
0x79: {  	_ =	shalt  }
0x7a: {  	_ =	shalt  }
0x7b: {  	_ =	shalt  }
0x7c: {  	_ =	shalt  }
0x7d: {  	_ =	shalt  }
0x7e: {  	_ =	shalt  }
0x7f: {  	_ =	shalt  }
0x80: {  	_ =	shalt  }
0x81: {  	_ =	shalt  }
0x82: {  	_ =	shalt  }
0x83: {  	_ =	shalt  }
0x84: {  	_ =	shalt  }
0x85: {  	_ =	shalt  }
0x86: {  	_ =	shalt  }
0x87: {  	_ =	shalt  }
.Lfunc_end0:
.L_simem_size_0:
called_computation.1_lowered:
.L_overlay_start_0:
0x88: {  	s2 =	sld [smem:$0x3FD9]  }
0x89: {  	s3 =	sld [smem:$0x3FFE];
	_ =	sdelay $0x1  }
0x8a: {  	s1 =	srdreg.scid  }
0x8b: {  	s0 =	sand.u32 $0x1, s1  }
0x8c: {  	s17 =	sshll.u32 s0, $0xA;
	s2 =	sadd.s32 s3, s2  }
0x8d: {  	s2 =	sadd.s32 s2, s17  }
0x8e: {  	[smem:$0x3FC5] =	sst s2  }
0x8f: {  	_ = 	snop  }
0x90: {  	s2 =	sld [smem:$0x3FC9]  }
0x91: {  	s18 =	sld [smem:$0x3FD0];
	(tm) =	ssettm $0x1  }
0x92: {  	s4 =	sld [smem:$0x3FFB];
	_ =	sdelay $0x3  }
0x93: {  	_ =	strace s4  }
0x94: {  	s4 =	sld [smem:$0x3FFC];
	_ =	sdelay $0x3  }
0x95: {  	_ =	strace s4  }
0x96: {  	s4 =	sld [smem:$0x3FFD];
	_ =	sdelay $0x3  }
0x97: {  	_ =	strace s4  }
0x98: {  	_ =	strace $0x8FFFFFFF  }
0x99: {  	s19 =	sld [smem:$0x3FDB];
	_ =	sdelay $0x1  }
0x9a: {  	s5 =	simm.s32 $_scs_section_size  }
0x9b: {  	s6 =	simm.s32 $_size__tile_overlayer_lowered;
	s7 =	simm.s32 $_tile_overlayer_lowered  }
0x9c: {  	s22 =	simm.s32 $0x1BFF;
	s21 =	sshll.u32 s7, $0x1;
	s4 =	sadd.s32 s5, s19  }
0x9d: {  	s8 =	simm.s32 $0x0;
	s20 =	sshll.u32 s6, $0x1;
	s6 =	sadd.s32 s21, s4  }
0x9e: {  	[timem:s8], [sflag:s22] =	dma.local [hbm:s6], s20  }
0x9f: {  	_ =	swait.ge [sflag:s22], s20  }
0xa0: {  	s5 =	ssub.s32 $0x0, s20;
	[sflag:s22] =	ssyncset.done $0x0  }
0xa1: {  	[sflag:s22] =	ssyncadd.s32 s5;
	_ =	sdelay $0x1  }
0xa2: {  	s23 =	simm.s32 $0x1B8B  }
0xa3: {  	_ =	swait.ge [sflag:s23], $0x1  }
0xa4: {  	[sflag:s23] =	ssyncset.done $0x0  }
0xa5: {  	s25 =	simm.s32 $0x1B8E;
	s24 =	sld [smem:$0x3FFE];
	[sflag:s23] =	ssyncadd.s32 $0xFFFFFFFF  }
0xa6: {  	s26 =	simm.s32 $execute0_lowered;
	[smem:$0x3FD2] =	sst s25  }
0xa7: {  	s6 =	sshll.u32 s26, $0x1;
	_ =	strace $0x80000049;
	[dreg:$0x1] =	wrdreg $0xFFFFFFFF  }
0xa8: {  	s28 =	simm.s32 $_size_execute0_lowered;
	s4 =	sadd.s32 s4, s6;
	[dreg:$0x0] =	wrdreg $0x0  }
0xa9: {  	s6 =	sshll.u32 s28, $0x1;
	[dreg:$0x2] =	wrdreg s4  }
0xaa: {  	[dreg:$0x3] =	wrdreg s6  }
0xab: {  	[dreg:$0x4] =	wrdreg $0xC0  }
0xac: {  	_ =	task [dreg:s8], $0x5FFFF  }
0xad: {  	[dreg:$0x1] =	wrdreg $0xFFFFFFFF  }
0xae: {  	[dreg:$0x0] =	wrdreg $0x60  }
0xaf: {  	[dreg:$0x2] =	wrdreg s2  }
0xb0: {  	[dreg:$0x3] =	wrdreg s24  }
0xb1: {  	[dreg:$0x4] =	wrdreg s18  }
0xb2: {  	[dreg:$0x5] =	wrdreg $0x9  }
0xb3: {  	_ =	task.clear_ibuf [dreg:s8], $0x6FFFF;
	_ =	strace $0x90000049  }
0xb4: {  	s29 =	simm.s32 $0x9;
	_ =	strace $0x8000004B  }
0xb5: {  	_ =	swait.ge [sflag:s29], $0x1  }
0xb6: {  	[sflag:s29] =	ssyncadd.s32 $0xFFFFFFFF  }
0xb7: {  	_ =	strace $0x9000004B  }
0xb8: {  	_ =	sfence  }
0xb9: {  	s30 =	sld [smem:$0x0];
	_ =	sdelay $0x2  }
0xba: {  	s31 =	sshll.u32 s1, $0xD;
	s1 =	sshrl.u32 s1, $0x2  }
0xbb: {  	s3 =	sand.u32 $0x4000, s31;
	s1 =	sadd.s32 s1, s30  }
0xbc: {  	s0 =	sor.u32 s3, s0;
	s1 =	sshll.u32 s1, $0x11  }
0xbd: {  	s0 =	sor.u32 s1, s0  }
0xbe: {  	s0 =	sadd.s32 $0x8F2B, s0  }
0xbf: {  	[sflag:s0] =	ssyncadd.remote.s32 $0x1  }
0xc0: {  	_ =	sfence.sel $0xFFFF  }
0xc1: {  	[dreg:$0x0] =	wrdreg $0xFFFFFFFF;
	(pc) =	sbr.abs _section_cstart, $3  }
0xc2: {  	[dreg:$0x1] =	wrdreg $0xFFFFFFFF  }
0xc3: {  	_ =	task.clear_ibuf [dreg:s8], $0x2FFFF;
	_ =	strace $0x9FFFFFFF  }
0xc4: {  	(tm) =	ssettm $0x7FFFFFFF  }
0xc5: {  	_ =	shalt  }
tec
execute0_lowered:
.L_overlay_start_1:
0x0: {  	(tag) =	ssettag $0x1  }
0x1: {  	s7 =	rddreg [dreg:$0x0]  }
0x2: {  	s6 =	rddreg [dreg:$0x1]  }
0x3: {  	s2 =	rddreg [dreg:$0x2]  }
0x4: {  	s0 =	rddreg [dreg:$0x3];
	s4 =	srdreg.scid  }
0x5: {  	s3 =	simm.s32 $0x0;
	s1 =	stileid.u32;
	s11 =	simm.s32 $0x400  }
0x6: {  	s12 =	simm.s32 $0x8000;
	s13 =	simm.s32 $0x80;
	s14 =	simm.s32 $0x6400  }
0x7: {  	s15 =	simm.s32 $0xA400;
	s16 =	simm.s32 $0x1;
	s17 =	simm.s32 $0xE400  }
0x8: {  	s18 =	simm.s32 $0x2;
	s19 =	simm.s32 $0x4;
	s20 =	simm.s32 $0x10400  }
0x9: {  	v0 =	vlaneseq.u32;
	s21 =	simm.s32 $0x3;
	s22 =	simm.s32 $0x0;
	s4 =	sand.u32 $0x1, s4  }
0xa: {  	[smem:$0x7FF] =	sst s3;
	s5 =	sshll.u32 s1, $0xB;
	v0 =	vmul.u32 $0x80, v0;
	s8 =	sshll.u32 s4, $0xA  }
0xb: {  	_ =	strace $0x8000004A;
	s9 =	ssub.s32 $0x2, s4;
	s4 =	sor.u32 s8, s5  }
0xc: {  	s5 =	sadd.s32 $0xA00, s6;
	s31 =	sshrl.u32 s9, $0x1;
	s6 =	sadd.s32 $0xF42E00, s6;
	v1 =	vor.u32 $0x800, v0  }
0xd: {  	v2 =	vor.u32 $0x1000, v0;
	v3 =	vor.u32 $0x1800, v0;
	v4 =	vor.u32 $0x2000, v0;
	s10 =	sshrl.u32 s4, $0x3;
	s8 =	ssub.s32 s9, s31;
	s9 =	simm.s32 $0x12400  }
0xe: {  	v5 =	vor.u32 $0x2800, v0;
	v6 =	vor.u32 $0x3000, v0;
	v7 =	vor.u32 $0x3800, v0;
	s7 =	sadd.s32 s7, s10;
	s8 =	smax.u32 s8, $0x1;
	s10 =	simm.s32 $0x5  }
.LBB2_1:
0xf: {  	[tilespmem:s9], [sflag:$0x5] =	stream.linear.gather [hbm4b:s6+s3], $0x6400, $0x38;
	[tilespmem:$0x18800] =	vst v63  }
0x10: {  	_ =	swait.ge [sflag:s10], $0x6400  }
0x11: {  	[sflag:s10] =	ssyncset.done $0x0  }
0x12: {  	[sflag:s10] =	ssyncadd.s32 $0xFFFF9C00  }
0x13: {  	[tilespmem:s3], [sflag:$0x5] =	stream.strided.gather [hbm4b:s7+s11], $0x6400, s12, s11, $0x38;
	[tilespmem:$0x18800] =	vst v63  }
0x14: {  	_ =	swait.ge [sflag:s10], $0x6400  }
0x15: {  	[sflag:s10] =	ssyncset.done $0x0  }
0x16: {  	s23 =	simm.s32 $0x0;
	[sflag:s10] =	ssyncadd.s32 $0xFFFF9C00  }
0x17: {  	[tilespmem:s14], [sflag:$0x1] =	stream.indirect.gather [hbm4b:s5+s13], $0x80, s3, s13, $0xb8;
	[tilespmem:$0x18800] =	vst v63  }
.LBB2_2:
0x18: {  	s26 =	sshll.u32 s23, $0x1;
	s24 =	sshllo.u32 s23, $0x1;
	s28 =	simm.s32 $0x0  }
0x19: {  	s25 =	sshll.u32 s24, $0x7;
	s26 =	sshll.u32 s26, $0x7;
	v9 =	vmov s28  }
0x1a: {  	s28 =	sand.u32 $0x3FFFFF80, s25;
	v8 =	vmov s26;
	v9 =	vand.u32 $0x7F, v9  }
0x1b: {  	[tilespmem:s15], [sflag:$0x2] =	stream.indirect.gather [hbm4b:s5+s13], $0x80, s28, s13, $0xb8;
	v10 =	vadd.s32 v8, v9;
	[tilespmem:$0x18800] =	vst v63  }
0x1c: {  	v11 =	vbroadcast v9, $0x0;
	_ =	swait.ge [sflag:s16], $0x4000;
	v9 =	vbroadcast v10, $0x0  }
0x1d: {  	p0 =	seq.s32 s23, $0x0;
	[sflag:s16] =	ssyncset.done $0x0  }
0x1e: {  	s26 =	simm.s32 @!p0 $0x3;
	v10 =	vor.u32 v0, v11;
	[sflag:s16] =	ssyncadd.s32 $0xFFFFC000  }
0x1f: {  	_ =	swait.ge @!p0 [sflag:s26], $0x2000  }
0x20: {  	[sflag:s26] =	ssyncset.done @!p0 $0x0  }
0x21: {  	[sflag:s26] =	ssyncadd.s32 @!p0 $0xFFFFE000  }
0x22: {  	v9 =	vld.idx.msk [tilespmem:v9+s9+$0x0], $0xffff  }
0x23: {  	v10 =	vld.idx.msk [tilespmem:v10+s14+$0x0], $0xffff;
	_ =	sdelay $0x2  }
0x24: {  	v12 =	vor.u32 v1, v11;
	_ =	sdelay $0x1  }
0x25: {  	v10 =	vadd.f32 v10, v9  }
0x26: {  	s26 =	simm.s32 $0xE440  }
0x27: {  	[tilespmem:s26+$0xFFFFFFC0] =	vst v10  }
0x28: {  	v10 =	vld.idx.msk [tilespmem:v12+s14+$0x0], $0xffff;
	_ =	sdelay $0x2  }
0x29: {  	v58 =	vor.u32 v2, v11;
	_ =	sdelay $0x1  }
0x2a: {  	v10 =	vadd.f32 v10, v9;
	_ =	sdelay $0x1  }
0x2b: {  	[tilespmem:s26+$0xFFFFFFD0] =	vst v10  }
0x2c: {  	v10 =	vld.idx.msk [tilespmem:v58+s14+$0x0], $0xffff;
	_ =	sdelay $0x2  }
0x2d: {  	v59 =	vor.u32 v3, v11;
	_ =	sdelay $0x1  }
0x2e: {  	v10 =	vadd.f32 v10, v9;
	_ =	sdelay $0x1  }
0x2f: {  	[tilespmem:s26+$0xFFFFFFE0] =	vst v10  }
0x30: {  	v10 =	vld.idx.msk [tilespmem:v59+s14+$0x0], $0xffff;
	_ =	sdelay $0x2  }
0x31: {  	v60 =	vor.u32 v4, v11;
	_ =	sdelay $0x1  }
0x32: {  	v10 =	vadd.f32 v10, v9;
	_ =	sdelay $0x1  }
0x33: {  	[tilespmem:s26+$0xFFFFFFF0] =	vst v10  }
0x34: {  	v10 =	vld.idx.msk [tilespmem:v60+s14+$0x0], $0xffff;
	_ =	sdelay $0x2  }
0x35: {  	v61 =	vor.u32 v5, v11;
	_ =	sdelay $0x1  }
0x36: {  	v10 =	vadd.f32 v10, v9;
	_ =	sdelay $0x1  }
0x37: {  	[tilespmem:s26+$0x0] =	vst v10  }
0x38: {  	v10 =	vld.idx.msk [tilespmem:v61+s14+$0x0], $0xffff;
	_ =	sdelay $0x2  }
0x39: {  	v62 =	vor.u32 v6, v11;
	_ =	sdelay $0x1  }
0x3a: {  	v10 =	vadd.f32 v10, v9;
	_ =	sdelay $0x1  }
0x3b: {  	[tilespmem:s26+$0x10] =	vst v10  }
0x3c: {  	v10 =	vld.idx.msk [tilespmem:v62+s14+$0x0], $0xffff;
	_ =	sdelay $0x2  }
0x3d: {  	v11 =	vor.u32 v7, v11;
	_ =	sdelay $0x1  }
0x3e: {  	v10 =	vadd.f32 v10, v9  }
0x3f: {  	s28 =	simm.s32 $0x1  }
0x40: {  	v63 =	vmov s28;
	[tilespmem:s26+$0x20] =	vst v10  }
0x41: {  	s28 =	simm.s32 $0x2;
	v10 =	vld.idx.msk [tilespmem:v11+s14+$0x0], $0xffff;
	v11 =	vand.u32 $0x7F, v63  }
.LBB2_3:
0x42: {  	p1 =	sne.s32 s28, $0x3F;
	v12 =	vadd.s32 v8, v11  }
0x43: {  	v11 =	vbroadcast v11, $0x0;
	v12 =	vbroadcast v12, $0x0;
	_ =	sdelay $0x1  }
0x44: {  	v13 =	vor.u32 v0, v11  }
0x45: {  	v9 =	vadd.f32 v10, v9;
	_ =	sdelay $0x1  }
0x46: {  	[tilespmem:s26+$0x30] =	vst v9  }
0x47: {  	v9 =	vld.idx.msk [tilespmem:v12+s9+$0x0], $0xffff  }
0x48: {  	v10 =	vld.idx.msk [tilespmem:v13+s14+$0x0], $0xffff;
	_ =	sdelay $0x3  }
0x49: {  	v12 =	vor.u32 v1, v11;
	_ =	sdelay $0x1  }
0x4a: {  	v10 =	vadd.f32 v10, v9  }
0x4b: {  	s26 =	sadd.s32 $0x80, s26  }
0x4c: {  	[tilespmem:s26+$0xFFFFFFC0] =	vst v10  }
0x4d: {  	v10 =	vld.idx.msk [tilespmem:v12+s14+$0x0], $0xffff;
	_ =	sdelay $0x3  }
0x4e: {  	v12 =	vor.u32 v2, v11;
	_ =	sdelay $0x1  }
0x4f: {  	v10 =	vadd.f32 v10, v9;
	_ =	sdelay $0x1  }
0x50: {  	[tilespmem:s26+$0xFFFFFFD0] =	vst v10  }
0x51: {  	v10 =	vld.idx.msk [tilespmem:v12+s14+$0x0], $0xffff;
	_ =	sdelay $0x3  }
0x52: {  	v12 =	vor.u32 v3, v11;
	_ =	sdelay $0x1  }
0x53: {  	v10 =	vadd.f32 v10, v9;
	_ =	sdelay $0x1  }
0x54: {  	[tilespmem:s26+$0xFFFFFFE0] =	vst v10  }
0x55: {  	v10 =	vld.idx.msk [tilespmem:v12+s14+$0x0], $0xffff;
	_ =	sdelay $0x3  }
0x56: {  	v12 =	vor.u32 v4, v11;
	_ =	sdelay $0x1  }
0x57: {  	v10 =	vadd.f32 v10, v9;
	_ =	sdelay $0x1  }
0x58: {  	[tilespmem:s26+$0xFFFFFFF0] =	vst v10  }
0x59: {  	v10 =	vld.idx.msk [tilespmem:v12+s14+$0x0], $0xffff;
	_ =	sdelay $0x3  }
0x5a: {  	v12 =	vor.u32 v5, v11;
	_ =	sdelay $0x1  }
0x5b: {  	v10 =	vadd.f32 v10, v9;
	_ =	sdelay $0x1  }
0x5c: {  	[tilespmem:s26+$0x0] =	vst v10  }
0x5d: {  	v10 =	vld.idx.msk [tilespmem:v12+s14+$0x0], $0xffff;
	_ =	sdelay $0x3  }
0x5e: {  	v12 =	vor.u32 v6, v11;
	_ =	sdelay $0x1  }
0x5f: {  	v10 =	vadd.f32 v10, v9;
	_ =	sdelay $0x1  }
0x60: {  	[tilespmem:s26+$0x10] =	vst v10  }
0x61: {  	v10 =	vld.idx.msk [tilespmem:v12+s14+$0x0], $0xffff;
	_ =	sdelay $0x3  }
0x62: {  	v11 =	vor.u32 v7, v11;
	_ =	sdelay $0x1  }
.Ltmp0:
0x63: {  	v10 =	vadd.f32 v10, v9;
	(pc) =	sbr.rel @p1 .LBB2_3-.Ltmp0, $4  }
0x64: {  	_ = 	snop  }
0x65: {  	[tilespmem:s26+$0x20] =	vst v10  }
0x66: {  	v12 =	vmov s28;
	v10 =	vld.idx.msk [tilespmem:v11+s14+$0x0], $0xffff  }
0x67: {  	s28 =	sadd.s32 $0x1, s28;
	v11 =	vand.u32 $0x7F, v12  }
0x68: {  	v8 =	vadd.s32 v8, v11  }
0x69: {  	v56 =	vbroadcast v11, $0x0;
	v8 =	vbroadcast v8, $0x0;
	_ =	sdelay $0x1  }
0x6a: {  	v12 =	vor.u32 v0, v56  }
0x6b: {  	v9 =	vadd.f32 v10, v9;
	_ =	sdelay $0x1  }
0x6c: {  	[tilespmem:s26+$0x30] =	vst v9  }
0x6d: {  	v8 =	vld.idx.msk [tilespmem:v8+s9+$0x0], $0xffff  }
0x6e: {  	v9 =	vld.idx.msk [tilespmem:v12+s14+$0x0], $0xffff;
	_ =	sdelay $0x2  }
0x6f: {  	v57 =	vor.u32 v1, v56;
	_ =	sdelay $0x1  }
0x70: {  	v9 =	vadd.f32 v9, v8  }
0x71: {  	s30 =	sadd.s32 $0x80, s26  }
0x72: {  	[tilespmem:s30+$0xFFFFFFC0] =	vst v9  }
0x73: {  	v9 =	vld.idx.msk [tilespmem:v57+s14+$0x0], $0xffff;
	_ =	sdelay $0x2  }
0x74: {  	v58 =	vor.u32 v2, v56;
	_ =	sdelay $0x1  }
0x75: {  	v9 =	vadd.f32 v9, v8;
	_ =	sdelay $0x1  }
0x76: {  	[tilespmem:s30+$0xFFFFFFD0] =	vst v9  }
0x77: {  	v9 =	vld.idx.msk [tilespmem:v58+s14+$0x0], $0xffff;
	_ =	sdelay $0x2  }
0x78: {  	v59 =	vor.u32 v3, v56;
	_ =	sdelay $0x1  }
0x79: {  	v9 =	vadd.f32 v9, v8;
	_ =	sdelay $0x1  }
0x7a: {  	[tilespmem:s30+$0xFFFFFFE0] =	vst v9  }
0x7b: {  	v9 =	vld.idx.msk [tilespmem:v59+s14+$0x0], $0xffff;
	_ =	sdelay $0x2  }
0x7c: {  	v60 =	vor.u32 v4, v56;
	_ =	sdelay $0x1  }
0x7d: {  	v9 =	vadd.f32 v9, v8;
	_ =	sdelay $0x1  }
0x7e: {  	[tilespmem:s30+$0xFFFFFFF0] =	vst v9  }
0x7f: {  	v9 =	vld.idx.msk [tilespmem:v60+s14+$0x0], $0xffff;
	_ =	sdelay $0x2  }
0x80: {  	v61 =	vor.u32 v5, v56;
	_ =	sdelay $0x1  }
0x81: {  	v9 =	vadd.f32 v9, v8;
	_ =	sdelay $0x1  }
0x82: {  	[tilespmem:s30+$0x0] =	vst v9  }
0x83: {  	v9 =	vld.idx.msk [tilespmem:v61+s14+$0x0], $0xffff;
	_ =	sdelay $0x2  }
0x84: {  	v62 =	vor.u32 v6, v56;
	_ =	sdelay $0x1  }
0x85: {  	v9 =	vadd.f32 v9, v8;
	_ =	sdelay $0x1  }
0x86: {  	[tilespmem:s30+$0x10] =	vst v9  }
0x87: {  	v9 =	vld.idx.msk [tilespmem:v62+s14+$0x0], $0xffff;
	_ =	sdelay $0x2  }
0x88: {  	v63 =	vor.u32 v7, v56;
	_ =	sdelay $0x1  }
0x89: {  	v9 =	vadd.f32 v9, v8;
	_ =	sdelay $0x1  }
0x8a: {  	[tilespmem:s30+$0x20] =	vst v9  }
0x8b: {  	v9 =	vld.idx.msk [tilespmem:v63+s14+$0x0], $0xffff;
	_ =	sdelay $0x2  }
0x8c: {  	p1 =	sne.s32 s23, $0x63  }
.Ltmp1:
0x8d: {  	s28 =	sshll.u32 s23, $0x13;
	(pc) =	sbr.rel @p1 .LBB2_6-.Ltmp1, $4  }
0x8e: {  	s28 =	sor.u32 s4, s28;
	v8 =	vadd.f32 v9, v8  }
0x8f: {  	s28 =	sshrl.u32 s28, $0x3  }
0x90: {  	s31 =	sadd.s32 s2, s28;
	[tilespmem:s30+$0x30] =	vst v8  }
0x91: {  	[hbm4b:s31+s11] =	stream.strided.scatter [tilespmem:s17], [sflag:$0x3], $0x2000, s12, s11, $0x38;
	[tilespmem:$0x18800] =	vst v63  }
.Ltmp2:
0x92: {  	(pc) =	sbr.rel .LBB2_7-.Ltmp2, $4  }
0x93: {  	_ = 	snop  }
0x94: {  	_ =	swait.ge [sflag:s18], $0x4000  }
0x95: {  	[sflag:s18] =	ssyncset.done $0x0  }
0x96: {  	[sflag:s18] =	ssyncadd.s32 $0xFFFFC000  }
.LBB2_6:
0x97: {  	s26 =	sshll.u32 s23, $0x8  }
0x98: {  	s26 =	sand.u32 $0x3FFFFF00, s26  }
.Ltmp3:
0x99: {  	s26 =	sadd.s32 $0x100, s26;
	(pc) =	sbr.rel @p0 .LBB2_8-.Ltmp3, $4  }
0x9a: {  	[tilespmem:s14], [sflag:$0x1] =	stream.indirect.gather [hbm4b:s5+s13], $0x80, s26, s13, $0xb8;
	[tilespmem:$0x18800] =	vst v63  }
0x9b: {  	_ =	swait.ge [sflag:s18], $0x4000  }
0x9c: {  	[sflag:s18] =	ssyncset.done $0x0  }
0x9d: {  	[sflag:s18] =	ssyncadd.s32 $0xFFFFC000  }
.LBB2_7:
0x9e: {  	_ =	swait.ge [sflag:s19], $0x2000  }
0x9f: {  	[sflag:s19] =	ssyncset.done $0x0  }
0xa0: {  	[sflag:s19] =	ssyncadd.s32 $0xFFFFE000  }
.LBB2_8:
0xa1: {  	s26 =	simm.s32 $0x0  }
0xa2: {  	v9 =	vmov s26  }
0xa3: {  	v8 =	vmov s25;
	v9 =	vand.u32 $0x7F, v9  }
0xa4: {  	v10 =	vadd.s32 v8, v9  }
0xa5: {  	v11 =	vbroadcast v9, $0x0;
	v9 =	vbroadcast v10, $0x0;
	_ =	sdelay $0x1  }
0xa6: {  	v10 =	vor.u32 v0, v11;
	_ =	sdelay $0x3  }
0xa7: {  	v9 =	vld.idx.msk [tilespmem:v9+s9+$0x0], $0xffff  }
0xa8: {  	v10 =	vld.idx.msk [tilespmem:v10+s15+$0x0], $0xffff;
	_ =	sdelay $0x2  }
0xa9: {  	v12 =	vor.u32 v1, v11;
	_ =	sdelay $0x1  }
0xaa: {  	v10 =	vadd.f32 v10, v9  }
0xab: {  	s25 =	simm.s32 $0x10440  }
0xac: {  	[tilespmem:s25+$0xFFFFFFC0] =	vst v10  }
0xad: {  	v10 =	vld.idx.msk [tilespmem:v12+s15+$0x0], $0xffff;
	_ =	sdelay $0x2  }
0xae: {  	v58 =	vor.u32 v2, v11;
	_ =	sdelay $0x1  }
0xaf: {  	v10 =	vadd.f32 v10, v9;
	_ =	sdelay $0x1  }
0xb0: {  	[tilespmem:s25+$0xFFFFFFD0] =	vst v10  }
0xb1: {  	v10 =	vld.idx.msk [tilespmem:v58+s15+$0x0], $0xffff;
	_ =	sdelay $0x2  }
0xb2: {  	v59 =	vor.u32 v3, v11;
	_ =	sdelay $0x1  }
0xb3: {  	v10 =	vadd.f32 v10, v9;
	_ =	sdelay $0x1  }
0xb4: {  	[tilespmem:s25+$0xFFFFFFE0] =	vst v10  }
0xb5: {  	v10 =	vld.idx.msk [tilespmem:v59+s15+$0x0], $0xffff;
	_ =	sdelay $0x2  }
0xb6: {  	v60 =	vor.u32 v4, v11;
	_ =	sdelay $0x1  }
0xb7: {  	v10 =	vadd.f32 v10, v9;
	_ =	sdelay $0x1  }
0xb8: {  	[tilespmem:s25+$0xFFFFFFF0] =	vst v10  }
0xb9: {  	v10 =	vld.idx.msk [tilespmem:v60+s15+$0x0], $0xffff;
	_ =	sdelay $0x2  }
0xba: {  	v61 =	vor.u32 v5, v11;
	_ =	sdelay $0x1  }
0xbb: {  	v10 =	vadd.f32 v10, v9;
	_ =	sdelay $0x1  }
0xbc: {  	[tilespmem:s25+$0x0] =	vst v10  }
0xbd: {  	v10 =	vld.idx.msk [tilespmem:v61+s15+$0x0], $0xffff;
	_ =	sdelay $0x2  }
0xbe: {  	v62 =	vor.u32 v6, v11;
	_ =	sdelay $0x1  }
0xbf: {  	v10 =	vadd.f32 v10, v9;
	_ =	sdelay $0x1  }
0xc0: {  	[tilespmem:s25+$0x10] =	vst v10  }
0xc1: {  	v10 =	vld.idx.msk [tilespmem:v62+s15+$0x0], $0xffff;
	_ =	sdelay $0x2  }
0xc2: {  	v11 =	vor.u32 v7, v11;
	_ =	sdelay $0x1  }
0xc3: {  	v10 =	vadd.f32 v10, v9  }
0xc4: {  	s31 =	simm.s32 $0x1  }
0xc5: {  	v63 =	vmov s31;
	[tilespmem:s25+$0x20] =	vst v10  }
0xc6: {  	s26 =	simm.s32 $0x2;
	v10 =	vld.idx.msk [tilespmem:v11+s15+$0x0], $0xffff;
	v11 =	vand.u32 $0x7F, v63  }
.LBB2_9:
0xc7: {  	p0 =	sne.s32 s26, $0x3F;
	v12 =	vadd.s32 v8, v11  }
0xc8: {  	v11 =	vbroadcast v11, $0x0;
	v12 =	vbroadcast v12, $0x0;
	_ =	sdelay $0x1  }
0xc9: {  	v13 =	vor.u32 v0, v11  }
0xca: {  	v9 =	vadd.f32 v10, v9;
	_ =	sdelay $0x1  }
0xcb: {  	[tilespmem:s25+$0x30] =	vst v9  }
0xcc: {  	v9 =	vld.idx.msk [tilespmem:v12+s9+$0x0], $0xffff  }
0xcd: {  	v10 =	vld.idx.msk [tilespmem:v13+s15+$0x0], $0xffff;
	_ =	sdelay $0x3  }
0xce: {  	v12 =	vor.u32 v1, v11;
	_ =	sdelay $0x1  }
0xcf: {  	v10 =	vadd.f32 v10, v9  }
0xd0: {  	s25 =	sadd.s32 $0x80, s25  }
0xd1: {  	[tilespmem:s25+$0xFFFFFFC0] =	vst v10  }
0xd2: {  	v10 =	vld.idx.msk [tilespmem:v12+s15+$0x0], $0xffff;
	_ =	sdelay $0x3  }
0xd3: {  	v12 =	vor.u32 v2, v11;
	_ =	sdelay $0x1  }
0xd4: {  	v10 =	vadd.f32 v10, v9;
	_ =	sdelay $0x1  }
0xd5: {  	[tilespmem:s25+$0xFFFFFFD0] =	vst v10  }
0xd6: {  	v10 =	vld.idx.msk [tilespmem:v12+s15+$0x0], $0xffff;
	_ =	sdelay $0x3  }
0xd7: {  	v12 =	vor.u32 v3, v11;
	_ =	sdelay $0x1  }
0xd8: {  	v10 =	vadd.f32 v10, v9;
	_ =	sdelay $0x1  }
0xd9: {  	[tilespmem:s25+$0xFFFFFFE0] =	vst v10  }
0xda: {  	v10 =	vld.idx.msk [tilespmem:v12+s15+$0x0], $0xffff;
	_ =	sdelay $0x3  }
0xdb: {  	v12 =	vor.u32 v4, v11;
	_ =	sdelay $0x1  }
0xdc: {  	v10 =	vadd.f32 v10, v9;
	_ =	sdelay $0x1  }
0xdd: {  	[tilespmem:s25+$0xFFFFFFF0] =	vst v10  }
0xde: {  	v10 =	vld.idx.msk [tilespmem:v12+s15+$0x0], $0xffff;
	_ =	sdelay $0x3  }
0xdf: {  	v12 =	vor.u32 v5, v11;
	_ =	sdelay $0x1  }
0xe0: {  	v10 =	vadd.f32 v10, v9;
	_ =	sdelay $0x1  }
0xe1: {  	[tilespmem:s25+$0x0] =	vst v10  }
0xe2: {  	v10 =	vld.idx.msk [tilespmem:v12+s15+$0x0], $0xffff;
	_ =	sdelay $0x3  }
0xe3: {  	v12 =	vor.u32 v6, v11;
	_ =	sdelay $0x1  }
0xe4: {  	v10 =	vadd.f32 v10, v9;
	_ =	sdelay $0x1  }
0xe5: {  	[tilespmem:s25+$0x10] =	vst v10  }
0xe6: {  	v10 =	vld.idx.msk [tilespmem:v12+s15+$0x0], $0xffff;
	_ =	sdelay $0x3  }
0xe7: {  	v11 =	vor.u32 v7, v11;
	_ =	sdelay $0x1  }
.Ltmp4:
0xe8: {  	v10 =	vadd.f32 v10, v9;
	(pc) =	sbr.rel @p0 .LBB2_9-.Ltmp4, $4  }
0xe9: {  	_ = 	snop  }
0xea: {  	[tilespmem:s25+$0x20] =	vst v10  }
0xeb: {  	v12 =	vmov s26;
	v10 =	vld.idx.msk [tilespmem:v11+s15+$0x0], $0xffff  }
0xec: {  	s26 =	sadd.s32 $0x1, s26;
	v11 =	vand.u32 $0x7F, v12  }
0xed: {  	v8 =	vadd.s32 v8, v11  }
0xee: {  	v56 =	vbroadcast v11, $0x0;
	v8 =	vbroadcast v8, $0x0;
	_ =	sdelay $0x1  }
0xef: {  	v12 =	vor.u32 v0, v56  }
0xf0: {  	v9 =	vadd.f32 v10, v9;
	_ =	sdelay $0x1  }
0xf1: {  	[tilespmem:s25+$0x30] =	vst v9  }
0xf2: {  	v8 =	vld.idx.msk [tilespmem:v8+s9+$0x0], $0xffff  }
0xf3: {  	v9 =	vld.idx.msk [tilespmem:v12+s15+$0x0], $0xffff;
	_ =	sdelay $0x2  }
0xf4: {  	v57 =	vor.u32 v1, v56;
	_ =	sdelay $0x1  }
0xf5: {  	v9 =	vadd.f32 v9, v8  }
0xf6: {  	s31 =	sadd.s32 $0x80, s25  }
0xf7: {  	[tilespmem:s31+$0xFFFFFFC0] =	vst v9  }
0xf8: {  	v9 =	vld.idx.msk [tilespmem:v57+s15+$0x0], $0xffff;
	_ =	sdelay $0x2  }
0xf9: {  	v58 =	vor.u32 v2, v56;
	_ =	sdelay $0x1  }
0xfa: {  	v9 =	vadd.f32 v9, v8;
	_ =	sdelay $0x1  }
0xfb: {  	[tilespmem:s31+$0xFFFFFFD0] =	vst v9  }
0xfc: {  	v9 =	vld.idx.msk [tilespmem:v58+s15+$0x0], $0xffff;
	_ =	sdelay $0x2  }
0xfd: {  	v59 =	vor.u32 v3, v56;
	_ =	sdelay $0x1  }
0xfe: {  	v9 =	vadd.f32 v9, v8;
	_ =	sdelay $0x1  }
0xff: {  	[tilespmem:s31+$0xFFFFFFE0] =	vst v9  }
0x100: {  	v9 =	vld.idx.msk [tilespmem:v59+s15+$0x0], $0xffff;
	_ =	sdelay $0x2  }
0x101: {  	v60 =	vor.u32 v4, v56;
	_ =	sdelay $0x1  }
0x102: {  	v9 =	vadd.f32 v9, v8;
	_ =	sdelay $0x1  }
0x103: {  	[tilespmem:s31+$0xFFFFFFF0] =	vst v9  }
0x104: {  	v9 =	vld.idx.msk [tilespmem:v60+s15+$0x0], $0xffff;
	_ =	sdelay $0x2  }
0x105: {  	v61 =	vor.u32 v5, v56;
	_ =	sdelay $0x1  }
0x106: {  	v9 =	vadd.f32 v9, v8;
	_ =	sdelay $0x1  }
0x107: {  	[tilespmem:s31+$0x0] =	vst v9  }
0x108: {  	v9 =	vld.idx.msk [tilespmem:v61+s15+$0x0], $0xffff;
	_ =	sdelay $0x2  }
0x109: {  	v62 =	vor.u32 v6, v56;
	_ =	sdelay $0x1  }
0x10a: {  	v9 =	vadd.f32 v9, v8;
	_ =	sdelay $0x1  }
0x10b: {  	[tilespmem:s31+$0x10] =	vst v9  }
0x10c: {  	v9 =	vld.idx.msk [tilespmem:v62+s15+$0x0], $0xffff;
	_ =	sdelay $0x2  }
0x10d: {  	v63 =	vor.u32 v7, v56;
	_ =	sdelay $0x1  }
0x10e: {  	v9 =	vadd.f32 v9, v8;
	_ =	sdelay $0x1  }
0x10f: {  	[tilespmem:s31+$0x20] =	vst v9  }
0x110: {  	v9 =	vld.idx.msk [tilespmem:v63+s15+$0x0], $0xffff;
	_ =	sdelay $0x1  }
0x111: {  	s23 =	sadd.s32 $0x1, s23  }
0x112: {  	p0 =	sne.s32 s23, $0x64  }
.Ltmp5:
0x113: {  	s24 =	sshll.u32 s24, $0x12;
	(pc) =	sbr.rel @p0 .LBB2_2-.Ltmp5, $4  }
0x114: {  	s24 =	sor.u32 s4, s24;
	v8 =	vadd.f32 v9, v8  }
0x115: {  	s24 =	sshrl.u32 s24, $0x3  }
0x116: {  	s24 =	sadd.s32 s2, s24;
	[tilespmem:s31+$0x30] =	vst v8  }
0x117: {  	[hbm4b:s24+s11] =	stream.strided.scatter [tilespmem:s20], [sflag:$0x4], $0x2000, s12, s11, $0x38;
	[tilespmem:$0x18800] =	vst v63  }
0x118: {  	s22 =	sadd.s32 $0x1, s22  }
0x119: {  	_ =	swait.ge [sflag:s21], $0x2000;
	p0 =	sne.s32 s22, s8  }
.Ltmp6:
0x11a: {  	[sflag:s21] =	ssyncset.done $0x0;
	(pc) =	sbr.rel @p0 .LBB2_1-.Ltmp6, $4  }
0x11b: {  	[sflag:s21] =	ssyncadd.s32 $0xFFFFE000  }
0x11c: {  	_ =	swait.ge [sflag:s19], $0x2000  }
0x11d: {  	[sflag:s19] =	ssyncset.done $0x0  }
0x11e: {  	[sflag:s19] =	ssyncadd.s32 $0xFFFFE000  }
0x11f: {  	_ =	sfence.sel $0x180000  }
0x120: {  	[bflag:$0x0] =	sbarrier.arrive $0xFFFF  }
0x121: {  	p0 =	sne.s32 s1, $0x0;
	_ =	strace $0x9000004A  }
0x122: {  	s0 =	sadd.s32 @!p0 $0x100000, s0;
	[bflag:$0x2] =	sbarrier.arrive $0xFFFF  }
0x123: {  	[sflag:s0] =	ssyncadd.tile.s32 @!p0 $0x1;
	_ =	shalt  }
.Lfunc_end2:
_tile_overlayer_lowered:
.L_overlay_start_2:
0x124: {  	(tag) =	ssettag $0x2  }
0x125: {  	s0 =	rddreg [dreg:$0x0];
	s2 =	stileid.u32  }
0x126: {  	s1 =	rddreg [dreg:$0x1];
	p0 =	sne.s32 s2, $0x0  }
0x127: {  	s3 =	rddreg [dreg:$0x2];
	[bflag:$0x3] =	sbarrier.arrive $0xFFFF;
	s2 =	simm.s32 @!p0 $0x1C05  }
0x128: {  	[timem:s3], [sflag:s2] =	dma.local @!p0 [hbm:s0], s1  }
0x129: {  	s0 =	simm.s32 @!p0 $0x5  }
0x12a: {  	_ =	swait.ge @!p0 [sflag:s0], s1  }
0x12b: {  	s1 =	ssub.s32 @!p0 $0x0, s1;
	[sflag:s0] =	ssyncset.done @!p0 $0x0  }
0x12c: {  	[sflag:s0] =	ssyncadd.s32 @!p0 s1  }
0x12d: {  	[bflag:$0x3] =	sbarrier.arrive $0xFFFF  }
0x12e: {  	_ =	shalt  }

</sc_bundles>
